<compile_context>
chip_gen: v7x
topology: tpu7x:2x2x1
jax: 0.10.2.dev20260603
libtpu: 0.0.44.dev20260713+nightly
codegen_flags: <defaults>
</compile_context>

<pallas_src>
import jax
import jax.numpy as jnp
from jax.experimental import pallas as pl

N_E = 10000


def _graph_fixed(p, vertex, edges, n_e):
    nnz = vertex.shape[0]
    counts = jnp.zeros((n_e,), jnp.int32).at[edges].add(1)
    start = jnp.cumsum(counts) - counts
    eid = jnp.arange(n_e, dtype=jnp.int32)
    g = jnp.concatenate([edges.astype(jnp.int32), eid, eid])
    pos = jnp.concatenate([
        jnp.arange(nnz, dtype=jnp.int32) - start[edges],
        counts,
        counts + (counts == 1),
    ])
    node = jnp.concatenate([
        vertex.astype(jnp.int32),
        jnp.full((n_e,), 1314, jnp.int32),
        jnp.full((n_e,), 3473, jnp.int32),
    ])
    valid = jnp.concatenate([
        jnp.ones((nnz,), bool),
        counts == 1,
        (counts == 1) | (counts == 2),
    ])
    big = jnp.int32(nnz + 2 * n_e)
    val = p[node]
    mmax = jax.ops.segment_max(jnp.where(valid, val, -jnp.inf), g,
                               num_segments=n_e)
    pos_max = jax.ops.segment_min(
        jnp.where(valid & (val == mmax[g]), pos, big), g, num_segments=n_e)
    mmin = jax.ops.segment_min(jnp.where(valid, val, jnp.inf), g,
                               num_segments=n_e)
    pos_min = jax.ops.segment_min(
        jnp.where(valid & (val == mmin[g]), pos, big), g, num_segments=n_e)
    at_max = valid & (pos == pos_max[g])
    at_min = valid & (pos == pos_min[g])
    va = jax.ops.segment_sum(jnp.where(at_max, node, 0), g, num_segments=n_e)
    vb = jax.ops.segment_sum(jnp.where(at_min, node, 0), g, num_segments=n_e)
    s_eff = jnp.maximum(counts, 3)
    ww = jnp.where(counts > 0,
                   1.0 / (2.0 * s_eff.astype(jnp.float32) - 3.0),
                   0.0).astype(jnp.float32)
    med = valid & (pos != pos_max[g]) & (pos != pos_min[g])
    src = jnp.concatenate([va, va[g], vb[g]])
    dst = jnp.concatenate([vb, node, node])
    w = jnp.concatenate([
        jnp.where((counts > 0) & (va != vb), ww, 0.0),
        jnp.where(med & (va[g] != node), ww[g], 0.0),
        jnp.where(med & (vb[g] != node), ww[g], 0.0),
    ]).astype(jnp.float32)
    return src, dst, w


def _finish_body(z_ref, y_ref, dinv_ref, o_ref):
    o_ref[...] = jnp.maximum((z_ref[...] + y_ref[...]) * dinv_ref[...], 0.0)


def _finish(Z, Y, dinv):
    n, d = Z.shape
    blk = 2000
    return pl.pallas_call(
        _finish_body,
        grid=(n // blk,),
        in_specs=[
            pl.BlockSpec((blk, d), lambda i: (i, 0)),
            pl.BlockSpec((blk, d), lambda i: (i, 0)),
            pl.BlockSpec((blk, 1), lambda i: (i, 0)),
        ],
        out_specs=pl.BlockSpec((blk, d), lambda i: (i, 0)),
        out_shape=jax.ShapeDtypeStruct((n, d), jnp.float32),
    )(Z, Y, dinv)


def kernel(X, vertex, edges, W, b):
    n = X.shape[0]
    Xt = X @ W.T + b
    rv = jax.random.uniform(jax.random.key(1), (Xt.shape[1],),
                            dtype=jnp.float32)
    p = Xt @ rv
    src, dst, w = _graph_fixed(p, vertex, edges, N_E)
    deg = jnp.ones((n,), jnp.float32)
    deg = deg.at[src].add(w)
    deg = deg.at[dst].add(w)
    dinv = 1.0 / jnp.sqrt(deg)
    Y = Xt * dinv[:, None]
    Z = jnp.zeros_like(Y)
    Z = Z.at[dst].add(Y[src] * w[:, None])
    Z = Z.at[src].add(Y[dst] * w[:, None])
    return _finish(Z, Y, dinv[:, None])

# --- scband reference (transcript-rebuilt; emitter-appended) ---
"""Pipeline reference for scband-hyper-gcnconv-81020263071821 (READ-ONLY COPY).

The authoritative reference and input builder live on the scoring server;
editing this copy changes nothing except your own understanding.
"""

import jax, jax.numpy as jnp
import numpy as np

N_NODES = 50000
N_HYPEREDGES = 10000
NNZ = 200000
D_IN = 128
D_OUT = 128


def setup_inputs(seed: int = 0) -> dict:
    key = jax.random.key(seed)
    k1, k2, k3, k4 = jax.random.split(key, 4)
    X = jax.random.normal(k1, (N_NODES, D_IN), dtype=jnp.float32)
    vertex = jax.random.randint(k2, (NNZ,), 0, N_NODES)
    edges = jnp.sort(jax.random.randint(k3, (NNZ,), 0, N_HYPEREDGES))
    # learned params of dhg.nn.HyperGCNConv.theta (Linear(in, out, bias=True))
    W = jax.random.normal(k4, (D_OUT, D_IN), dtype=jnp.float32) / np.sqrt(D_IN)
    b = jnp.zeros((D_OUT,), dtype=jnp.float32)
    return {"X": X, "vertex": vertex, "edges": edges, "W": W, "b": b}


def _build_e_list(vertex_np, edges_np):
    # faithful to the wrapper: group incidence vertices by hyperedge id,
    # pad size-1 edges with (1314, 3473) and size-2 edges with (3473,)
    n_e = int(edges_np.max()) + 1
    bounds = np.searchsorted(edges_np, np.arange(n_e + 1))  # edges is sorted
    e_list = []
    for idx in range(n_e):
        ee = [int(v) for v in vertex_np[bounds[idx]:bounds[idx + 1]]]
        if len(ee) == 1:
            ee = ee + [1314, 3473]
        elif len(ee) == 2:
            ee = ee + [3473]
        e_list.append(ee)
    return e_list


def _hypergcn_graph(e_list, Xt_np, rv_np):
    # dhg Graph.from_hypergraph_hypergcn with use_mediator=True:
    # per hyperedge e pick (v_a, v_b) = argmax/argmin of X[e] @ rv,
    # add edge (v_a, v_b) and mediator edges (v_a, k), (v_b, k) with
    # weight 1/(2|e|-3); duplicate edges merged by sum; self-loops dropped.
    src, dst, w = [], [], []
    for ee in e_list:
        s = len(ee)
        if s < 2:
            continue
        ww = 1.0 / (2 * s - 3) if s > 2 else 1.0
        if s == 2:
            va_i, vb_i = 0, 1
        else:
            ev = Xt_np[np.asarray(ee), :] @ rv_np
            va_i = int(np.argmax(ev))
            vb_i = int(np.argmin(ev))
        va, vb = ee[va_i], ee[vb_i]
        pairs = [(va, vb)]
        for mi in range(s):
            if mi != va_i and mi != vb_i:
                pairs.append((va, ee[mi]))
                pairs.append((vb, ee[mi]))
        for (u, v) in pairs:
            if u != v:
                src.append(u)
                dst.append(v)
                w.append(ww)
    return (np.asarray(src, np.int32), np.asarray(dst, np.int32),
            np.asarray(w, np.float32))


def _hypergcn_graph_fixed(p, vertex, edges, n_e):
    # Fixed-shape equivalent of _build_e_list + _hypergcn_graph.
    # Incidence i belongs to hyperedge edges[i] (edges is sorted, but only
    # counts/positions are needed). Each hyperedge gets at most two padding
    # slots: node 1314 (iff count==1) and node 3473 (iff count in {1, 2}),
    # appended after the real members, so effective size is max(count, 3).
    nnz = vertex.shape[0]
    counts = jnp.zeros((n_e,), jnp.int32).at[edges].add(1)
    start = jnp.cumsum(counts) - counts
    eid = jnp.arange(n_e, dtype=jnp.int32)
    g = jnp.concatenate([edges.astype(jnp.int32), eid, eid])
    pos = jnp.concatenate([
        jnp.arange(nnz, dtype=jnp.int32) - start[edges],
        counts,
        counts + (counts == 1),
    ])
    node = jnp.concatenate([
        vertex.astype(jnp.int32),
        jnp.full((n_e,), 1314, jnp.int32),
        jnp.full((n_e,), 3473, jnp.int32),
    ])
    valid = jnp.concatenate([
        jnp.ones((nnz,), bool),
        counts == 1,
        (counts == 1) | (counts == 2),
    ])
    big = jnp.int32(nnz + 2 * n_e)
    val = p[node]
    mmax = jax.ops.segment_max(jnp.where(valid, val, -jnp.inf), g,
                               num_segments=n_e)
    pos_max = jax.ops.segment_min(
        jnp.where(valid & (val == mmax[g]), pos, big), g, num_segments=n_e)
    mmin = jax.ops.segment_min(jnp.where(valid, val, jnp.inf), g,
                               num_segments=n_e)
    pos_min = jax.ops.segment_min(
        jnp.where(valid & (val == mmin[g]), pos, big), g, num_segments=n_e)
    at_max = valid & (pos == pos_max[g])
    at_min = valid & (pos == pos_min[g])
    va = jax.ops.segment_sum(jnp.where(at_max, node, 0), g, num_segments=n_e)
    vb = jax.ops.segment_sum(jnp.where(at_min, node, 0), g, num_segments=n_e)
    s_eff = jnp.maximum(counts, 3)
    ww = jnp.where(counts > 0,
                   1.0 / (2.0 * s_eff.astype(jnp.float32) - 3.0),
                   0.0).astype(jnp.float32)
    med = valid & (pos != pos_max[g]) & (pos != pos_min[g])
    src = jnp.concatenate([va, va[g], vb[g]])
    dst = jnp.concatenate([vb, node, node])
    w = jnp.concatenate([
        jnp.where((counts > 0) & (va != vb), ww, 0.0),
        jnp.where(med & (va[g] != node), ww[g], 0.0),
        jnp.where(med & (vb[g] != node), ww[g], 0.0),
    ]).astype(jnp.float32)
    return src, dst, w


def _gcn_smoothing(Xt, src, dst, w, n):
    # L_GCN = D^-1/2 (A + I) D^-1/2, A symmetric weighted adjacency
    deg = jnp.ones((n,), jnp.float32)
    deg = deg.at[src].add(w)
    deg = deg.at[dst].add(w)
    dinv = 1.0 / jnp.sqrt(deg)
    Y = Xt * dinv[:, None]
    Z = jnp.zeros_like(Y)
    Z = Z.at[dst].add(Y[src] * w[:, None])
    Z = Z.at[src].add(Y[dst] * w[:, None])
    Z = Z + Y  # self loops
    return Z * dinv[:, None]


def reference(X, vertex, edges, W, b):
    # theta (Linear)
    Xt = X @ W.T + b
    # dhg draws a random projection rv at graph-construction time; fixed key here
    rv = jax.random.uniform(jax.random.key(1), (Xt.shape[1],), dtype=jnp.float32)
    p = Xt @ rv
    src, dst, w = _hypergcn_graph_fixed(p, vertex, edges, N_HYPEREDGES)
    out = _gcn_smoothing(Xt, src, dst, w, X.shape[0])
    # is_last=False -> act + dropout(p=0.0)
    out = jax.nn.relu(out)
    return out

if __name__ == "__main__":
    import jax
    _d = setup_inputs()
    print(jax.jit(kernel)(*tuple(_d.values())))

</pallas_src>

<mosaic_0001>
module attributes {stable_mosaic.version = 14 : i64} {
  func.func @_finish_body(%arg0: i32, %arg1: memref<2000x128xf32, #tpu.memory_space<vmem>>, %arg2: memref<2000x128xf32, #tpu.memory_space<vmem>>, %arg3: memref<2000x1xf32, #tpu.memory_space<vmem>>, %arg4: memref<2000x128xf32, #tpu.memory_space<vmem>>) attributes {dimension_semantics = [#tpu.dimension_semantics<arbitrary>], iteration_bounds = array<i64: 25>, scalar_prefetch = 0 : i64, scratch_operands = 0 : i64, tpu.core_type = #tpu.core_type<tc>, window_params = [{transform_indices = @transform_0, window_bounds = array<i64: 2000, 128>}, {transform_indices = @transform_1, window_bounds = array<i64: 2000, 128>}, {transform_indices = @transform_2, window_bounds = array<i64: 2000, 1>}, {transform_indices = @transform_3, window_bounds = array<i64: 2000, 128>}]} {
    %get3A = arith.constant 0 : index
    %get3A_0 = arith.constant 0 : index
    %get3A_1 = vector.load %arg1[%get3A, %get3A_0] : memref<2000x128xf32, #tpu.memory_space<vmem>>, vector<2000x128xf32>
    %get3A_2 = arith.constant 0 : index
    %get3A_3 = arith.constant 0 : index
    %get3A_4 = vector.load %arg2[%get3A_2, %get3A_3] : memref<2000x128xf32, #tpu.memory_space<vmem>>, vector<2000x128xf32>
    %add3A = arith.addf %get3A_1, %get3A_4 : vector<2000x128xf32>
    %get3A_5 = arith.constant 0 : index
    %get3A_6 = arith.constant 0 : index
    %get3A_7 = vector.load %arg3[%get3A_5, %get3A_6] : memref<2000x1xf32, #tpu.memory_space<vmem>>, vector<2000x1xf32>
    %mul3A = vector.broadcast %get3A_7 : vector<2000x1xf32> to vector<2000x128xf32>
    %mul3A_8 = arith.mulf %add3A, %mul3A : vector<2000x128xf32>
    %max3A = arith.constant 0.000000e+00 : f32
    %max3A_9 = vector.broadcast %max3A : f32 to vector<2000x128xf32>
    %max3A_10 = arith.maximumf %mul3A_8, %max3A_9 : vector<2000x128xf32>
    %swap3A = arith.constant 0 : index
    %swap3A_11 = arith.constant 0 : index
    %swap3A_12 = vector.load %arg4[%swap3A, %swap3A_11] : memref<2000x128xf32, #tpu.memory_space<vmem>>, vector<2000x128xf32>
    tpu.vector_store %arg4[%swap3A, %swap3A_11], %max3A_10 {strides = array<i32>} : memref<2000x128xf32, #tpu.memory_space<vmem>>, vector<2000x128xf32>,
    return
  }
  func.func @transform_0(%arg0: i32) -> (i32, i32) {
    %c0_i32 = arith.constant 0 : i32
    %c0_i32_0 = arith.constant 0 : i32
    return %arg0, %c0_i32 : i32, i32
  }
  func.func @transform_1(%arg0: i32) -> (i32, i32) {
    %c0_i32 = arith.constant 0 : i32
    %c0_i32_0 = arith.constant 0 : i32
    return %arg0, %c0_i32 : i32, i32
  }
  func.func @transform_2(%arg0: i32) -> (i32, i32) {
    %c0_i32 = arith.constant 0 : i32
    %c0_i32_0 = arith.constant 0 : i32
    return %arg0, %c0_i32 : i32, i32
  }
  func.func @transform_3(%arg0: i32) -> (i32, i32) {
    %c0_i32 = arith.constant 0 : i32
    %c0_i32_0 = arith.constant 0 : i32
    return %arg0, %c0_i32 : i32, i32
  }
}

</mosaic_0001>

<sc_bundles>
// kernel: scatter_offload_async_start.10
scs
__scs_entry_jumppad:
0x0: {  	(pc) =	sbr.rel $0x88, $3  }
0x1: {  	(tag) =	ssettag $0x0;
	lr =	simm.s32 $0x1  }
0x2: {  	[smem:$0x3F9C] =	sst lr;
	_ =	strace $0xD0000000  }
0x3: {  	_ = 	snop  }
0x4: {  	_ = 	snop  }
0x5: {  	_ = 	snop  }
0x6: {  	_ = 	snop  }
0x7: {  	_ = 	snop  }
__scs_overlays_trampoline_lowered:
0x8: {  	[smem:$0x3FAB] =	sst s0  }
0x9: {  	[smem:$0x3FAC] =	sst s1  }
0xa: {  	[smem:$0x3FAD] =	sst s2  }
0xb: {  	[smem:$0x3FAE] =	sst s3  }
0xc: {  	[smem:$0x3FAF] =	sst s4  }
0xd: {  	[smem:$0x3FB0] =	sst s5  }
0xe: {  	[smem:$0x3FB1] =	sst s6  }
0xf: {  	[smem:$0x3FB2] =	sst s7  }
0x10: {  	[smem:$0x3FB3] =	sst s8  }
0x11: {  	[smem:$0x3FB4] =	sst s9;
	s0 =	simm.s32 @!p0 $0x0  }
0x12: {  	s1 =	sld [smem:$0x3F9A];
	s0 =	simm.s32 @p0 $0x1  }
0x13: {  	[smem:$0x3FB5] =	sst s0;
	s0 =	simm.s32 @!p1 $0x0  }
0x14: {  	s2 =	sld [smem:$0x3F99];
	s0 =	simm.s32 @p1 $0x1  }
0x15: {  	[smem:$0x3FB6] =	sst s0;
	s0 =	simm.s32 @!p2 $0x0  }
0x16: {  	s3 =	sld [smem:$0x3FDB];
	s0 =	simm.s32 @p2 $0x1  }
0x17: {  	s4 =	simm.s32 $0x1BF5;
	[smem:$0x3FB8] =	sst s0  }
0x18: {  	s0 =	sld [smem:$0x3F9B];
	_ =	swait.ge [sflag:s4], $0x0  }
0x19: {  	s7 =	sld [smem:$0x3F9C]  }
0x1a: {  	s8 =	sadd.s32 $0xFFFFE003, lr  }
0x1b: {  	s9 =	sadd.s32 $0xFFFFFEF7, lr;
	s5 =	simm.s32 $0xFFFFFFFF;
	p2 =	slt.u32 s8, $0xFFFFF086  }
0x1c: {  	p1 =	slt.u32 s9, $0xF7A;
	s5 =	simm.s32 @!p2 $0x0  }
0x1d: {  	s5 =	simm.s32 @p1 $0x1;
	p0 =	seq.s32 s7, s2  }
0x1e: {  	s7 =	smul.u32 @!p0 $0xF7A, s2;
	p2 =	seq.s32 @!p0 s5, $0x0  }
0x1f: {  	s9 =	smul.u32 $0xF7A, s1;
	s8 =	simm.s32 @!p0 $0x1BF5;
	p2 =	por !p2, p0  }
0x20: {  	[sflag:s8] =	ssyncset.s32 @!p0 $0xFFFFF086;
	s6 =	sadd.s32 @!p0 s3, s7;
	s7 =	simm.s32 @!p0 $0x108  }
0x21: {  	s3 =	sadd.s32 s3, s9;
	s6 =	sadd.s32 @!p0 $0x88, s6;
	s7 =	simm.s32 @p2 $0x1082  }
0x22: {  	[simem:s7], [sflag:s8] =	dma.local @!p0 [hbm:s6], $0xF7A  }
0x23: {  	s9 =	sor.u32 $0xD0000000, s2;
	s6 =	simm.s32 $0x108;
	_ =	swait.ge @!p0 [sflag:s8], $0x0  }
0x24: {  	s3 =	sadd.s32 $0x88, s3;
	s6 =	simm.s32 @!p1 $0x1082;
	[sflag:s4] =	ssyncset.s32 $0xFFFFF086  }
0x25: {  	[simem:s6], [sflag:s4] =	dma.local [hbm:s3], $0xF7A  }
0x26: {  	[smem:$0x3F9C] =	sst s1;
	(tag) =	ssettag s2;
	_ =	strace s9  }
0x27: {  	s1 =	sld [smem:$0x3FAC]  }
0x28: {  	s2 =	sld [smem:$0x3FAD]  }
0x29: {  	s4 =	sld [smem:$0x3FAF]  }
0x2a: {  	p0 =	seq.s32 s5, $0x0;
	s5 =	sld [smem:$0x3FB0]  }
0x2b: {  	s6 =	sld [smem:$0x3FB1]  }
0x2c: {  	s7 =	sld [smem:$0x3FB2]  }
0x2d: {  	s3 =	simm.s32 $0x108;
	s8 =	sld [smem:$0x3FB3]  }
0x2e: {  	s3 =	simm.s32 @!p0 $0x1082;
	s9 =	sld [smem:$0x3FB4]  }
0x2f: {  	lr =	sadd.s32 s0, s3;
	s0 =	sld [smem:$0x3FAB]  }
0x30: {  	s3 =	sld [smem:$0x3FAE]  }
0x31: {  	[smem:$0x3FB7] =	sst s10  }
0x32: {  	s10 =	sld [smem:$0x3FB5];
	_ =	sdelay $0x3  }
0x33: {  	p0 =	seq.s32 s10, $0x1;
	s10 =	sld [smem:$0x3FB7];
	_ =	sdelay $0x3  }
0x34: {  	[smem:$0x3FB7] =	sst s10  }
0x35: {  	s10 =	sld [smem:$0x3FB6];
	_ =	sdelay $0x3  }
0x36: {  	p1 =	seq.s32 s10, $0x1;
	s10 =	sld [smem:$0x3FB7];
	_ =	sdelay $0x3  }
0x37: {  	[smem:$0x3FB7] =	sst s10  }
0x38: {  	s10 =	sld [smem:$0x3FB8]  }
0x39: {  	_ = 	snop;
	(pc) =	sbr.ind lr, $3  }
0x3a: {  	_ = 	snop  }
0x3b: {  	_ = 	snop  }
0x3c: {  	p2 =	seq.s32 s10, $0x1;
	s10 =	sld [smem:$0x3FB7]  }
0x3d: {  	_ =	shalt  }
0x3e: {  	_ =	shalt  }
0x3f: {  	_ =	shalt  }
0x40: {  	_ =	shalt  }
0x41: {  	_ =	shalt  }
0x42: {  	_ =	shalt  }
0x43: {  	_ =	shalt  }
0x44: {  	_ =	shalt  }
0x45: {  	_ =	shalt  }
0x46: {  	_ =	shalt  }
0x47: {  	_ =	shalt  }
0x48: {  	_ =	shalt  }
0x49: {  	_ =	shalt  }
0x4a: {  	_ =	shalt  }
0x4b: {  	_ =	shalt  }
0x4c: {  	_ =	shalt  }
0x4d: {  	_ =	shalt  }
0x4e: {  	_ =	shalt  }
0x4f: {  	_ =	shalt  }
0x50: {  	_ =	shalt  }
0x51: {  	_ =	shalt  }
0x52: {  	_ =	shalt  }
0x53: {  	_ =	shalt  }
0x54: {  	_ =	shalt  }
0x55: {  	_ =	shalt  }
0x56: {  	_ =	shalt  }
0x57: {  	_ =	shalt  }
0x58: {  	_ =	shalt  }
0x59: {  	_ =	shalt  }
0x5a: {  	_ =	shalt  }
0x5b: {  	_ =	shalt  }
0x5c: {  	_ =	shalt  }
0x5d: {  	_ =	shalt  }
0x5e: {  	_ =	shalt  }
0x5f: {  	_ =	shalt  }
0x60: {  	_ =	shalt  }
0x61: {  	_ =	shalt  }
0x62: {  	_ =	shalt  }
0x63: {  	_ =	shalt  }
0x64: {  	_ =	shalt  }
0x65: {  	_ =	shalt  }
0x66: {  	_ =	shalt  }
0x67: {  	_ =	shalt  }
0x68: {  	_ =	shalt  }
0x69: {  	_ =	shalt  }
0x6a: {  	_ =	shalt  }
0x6b: {  	_ =	shalt  }
0x6c: {  	_ =	shalt  }
0x6d: {  	_ =	shalt  }
0x6e: {  	_ =	shalt  }
0x6f: {  	_ =	shalt  }
0x70: {  	_ =	shalt  }
0x71: {  	_ =	shalt  }
0x72: {  	_ =	shalt  }
0x73: {  	_ =	shalt  }
0x74: {  	_ =	shalt  }
0x75: {  	_ =	shalt  }
0x76: {  	_ =	shalt  }
0x77: {  	_ =	shalt  }
0x78: {  	_ =	shalt  }
0x79: {  	_ =	shalt  }
0x7a: {  	_ =	shalt  }
0x7b: {  	_ =	shalt  }
0x7c: {  	_ =	shalt  }
0x7d: {  	_ =	shalt  }
0x7e: {  	_ =	shalt  }
0x7f: {  	_ =	shalt  }
0x80: {  	_ =	shalt  }
0x81: {  	_ =	shalt  }
0x82: {  	_ =	shalt  }
0x83: {  	_ =	shalt  }
0x84: {  	_ =	shalt  }
0x85: {  	_ =	shalt  }
0x86: {  	_ =	shalt  }
0x87: {  	_ =	shalt  }
.Lfunc_end0:
.L_simem_size_0:
called_computation.10_lowered:
.L_overlay_start_0:
0x88: {  	s0 =	sld [smem:$0x3FD9]  }
0x89: {  	s1 =	sld [smem:$0x3FFE];
	_ =	sdelay $0x3  }
0x8a: {  	s0 =	sadd.s32 s1, s0  }
0x8b: {  	[smem:$0x3FC3] =	sst s0  }
0x8c: {  	_ = 	snop  }
0x8d: {  	s0 =	sld [smem:$0x3FD0];
	(tm) =	ssettm $0x1  }
0x8e: {  	s16 =	sld [smem:$0x3FFB];
	_ =	sdelay $0x3  }
0x8f: {  	_ =	strace s16  }
0x90: {  	s1 =	sld [smem:$0x3FFC];
	_ =	sdelay $0x3  }
0x91: {  	_ =	strace s1  }
0x92: {  	s1 =	sld [smem:$0x3FFD];
	_ =	sdelay $0x3  }
0x93: {  	_ =	strace s1  }
0x94: {  	_ =	strace $0x8FFFFFFF  }
0x95: {  	s17 =	sld [smem:$0x3FDB];
	_ =	sdelay $0x1  }
0x96: {  	s2 =	simm.s32 $_scs_section_size  }
0x97: {  	s3 =	simm.s32 $_size__tile_overlayer_lowered;
	s4 =	simm.s32 $_tile_overlayer_lowered  }
0x98: {  	s20 =	simm.s32 $0x1BFF;
	s19 =	sshll.u32 s4, $0x1;
	s1 =	sadd.s32 s2, s17  }
0x99: {  	s5 =	simm.s32 $0x0;
	s18 =	sshll.u32 s3, $0x1;
	s3 =	sadd.s32 s19, s1  }
0x9a: {  	[timem:s5], [sflag:s20] =	dma.local [hbm:s3], s18  }
0x9b: {  	_ =	swait.ge [sflag:s20], s18  }
0x9c: {  	s2 =	ssub.s32 $0x0, s18;
	[sflag:s20] =	ssyncset.done $0x0  }
0x9d: {  	[sflag:s20] =	ssyncadd.s32 s2;
	_ =	sdelay $0x1  }
0x9e: {  	s21 =	simm.s32 $0x1B8B  }
0x9f: {  	_ =	swait.ge [sflag:s21], $0x1  }
0xa0: {  	[sflag:s21] =	ssyncset.done $0x0  }
0xa1: {  	s23 =	simm.s32 $0x1B8E;
	s22 =	sld [smem:$0x3FFE];
	[sflag:s21] =	ssyncadd.s32 $0xFFFFFFFF  }
0xa2: {  	s24 =	simm.s32 $execute0_lowered;
	[smem:$0x3FD2] =	sst s23  }
0xa3: {  	s3 =	sshll.u32 s24, $0x1;
	_ =	strace $0x80000073;
	[dreg:$0x1] =	wrdreg $0xFFFFFFFF  }
0xa4: {  	s25 =	simm.s32 $_size_execute0_lowered;
	s1 =	sadd.s32 s1, s3;
	[dreg:$0x0] =	wrdreg $0x0  }
0xa5: {  	s3 =	sshll.u32 s25, $0x1;
	[dreg:$0x2] =	wrdreg s1  }
0xa6: {  	[dreg:$0x3] =	wrdreg s3  }
0xa7: {  	[dreg:$0x4] =	wrdreg $0xC0  }
0xa8: {  	_ =	task [dreg:s5], $0x5FFFF  }
0xa9: {  	[dreg:$0x1] =	wrdreg $0xFFFFFFFF  }
0xaa: {  	[dreg:$0x0] =	wrdreg $0x60  }
0xab: {  	[dreg:$0x2] =	wrdreg s22  }
0xac: {  	[dreg:$0x3] =	wrdreg s0  }
0xad: {  	[dreg:$0x4] =	wrdreg $0x9  }
0xae: {  	_ =	task.clear_ibuf [dreg:s5], $0x5FFFF;
	_ =	strace $0x90000073  }
0xaf: {  	s26 =	simm.s32 $0x9;
	_ =	strace $0x80000075  }
0xb0: {  	_ =	swait.ge [sflag:s26], $0x1  }
0xb1: {  	[sflag:s26] =	ssyncadd.s32 $0xFFFFFFFF  }
0xb2: {  	_ =	strace $0x90000075  }
0xb3: {  	_ =	sfence  }
0xb4: {  	s28 =	sld [smem:$0x0];
	_ =	sdelay $0x1  }
0xb5: {  	s29 =	srdreg.scid  }
0xb6: {  	s30 =	sshll.u32 s29, $0xD;
	s31 =	sshrl.u32 s29, $0x2  }
0xb7: {  	s2 =	sand.u32 $0x4000, s30;
	s1 =	sand.u32 $0x1, s29;
	s0 =	sadd.s32 s31, s28  }
0xb8: {  	s1 =	sor.u32 s2, s1;
	s0 =	sshll.u32 s0, $0x11  }
0xb9: {  	s0 =	sor.u32 s0, s1  }
0xba: {  	s0 =	sadd.s32 $0x8F2B, s0  }
0xbb: {  	[sflag:s0] =	ssyncadd.remote.s32 $0x1  }
0xbc: {  	_ =	sfence.sel $0xFFFF  }
0xbd: {  	[dreg:$0x0] =	wrdreg $0xFFFFFFFF;
	(pc) =	sbr.abs _section_cstart, $3  }
0xbe: {  	[dreg:$0x1] =	wrdreg $0xFFFFFFFF  }
0xbf: {  	_ =	task.clear_ibuf [dreg:s5], $0x2FFFF;
	_ =	strace $0x9FFFFFFF  }
0xc0: {  	(tm) =	ssettm $0x7FFFFFFF  }
0xc1: {  	_ =	shalt  }
tec
execute0_lowered:
.L_overlay_start_1:
0x0: {  	(tag) =	ssettag $0x1  }
0x1: {  	s0 =	rddreg [dreg:$0x0]  }
0x2: {  	s29 =	rddreg [dreg:$0x1];
	_ =	strace $0x80000074;
	s1 =	simm.s32 $0x1  }
0x3: {  	s8 =	simm.s32 $0x108;
	v0 =	vimm.s32 $0x0;
	[sflag:s1] =	ssyncpa.u1 $0x0  }
0x4: {  	[tilespmem:s8+$0x70] =	vst v0  }
0x5: {  	[tilespmem:s8+$0x60] =	vst v0  }
0x6: {  	[tilespmem:s8+$0x50] =	vst v0  }
0x7: {  	[tilespmem:s8+$0x40] =	vst v0  }
0x8: {  	[tilespmem:s8+$0x30] =	vst v0  }
0x9: {  	s1 =	sadd.s32 $0xF0B800, s0;
	[tilespmem:s8+$0x20] =	vst v0  }
0xa: {  	s2 =	simm.s32 $0x40;
	s4 =	sadd.s32 $0x14FC00, s0;
	s5 =	sadd.s32 $0x10A00, s0;
	[tilespmem:s8+$0x10] =	vst v0  }
.LBB2_1:
0xb: {  	s2 =	sadd.s32 $0x40, s2;
	[tilespmem:s8+$0x0] =	vst v0;
	s8 =	sadd.s32 $0x80, s8  }
0xc: {  	p0 =	slt.u32 s2, $0x3C40;
	[tilespmem:s8+$0x70] =	vst v0  }
0xd: {  	[tilespmem:s8+$0x60] =	vst v0  }
.Ltmp0:
0xe: {  	[tilespmem:s8+$0x50] =	vst v0;
	(pc) =	sbr.rel @p0 .LBB2_1-.Ltmp0, $4  }
0xf: {  	[tilespmem:s8+$0x40] =	vst v0  }
0x10: {  	[tilespmem:s8+$0x30] =	vst v0  }
0x11: {  	[tilespmem:s8+$0x20] =	vst v0  }
0x12: {  	[tilespmem:s8+$0x10] =	vst v0  }
0x13: {  	s3 =	stileid.u32  }
0x14: {  	s0 =	smul.u32 $0x75, s3  }
0x15: {  	s2 =	smin.u32 s3, $0x3  }
0x16: {  	s0 =	sadd.s32 s2, s0  }
0x17: {  	p0 =	slt.u32 s3, $0x3;
	s6 =	smul.u32 $0xF0, s0;
	s0 =	simm.s32 $0x6EA0  }
0x18: {  	s0 =	simm.s32 @!p0 $0x6DB0  }
0x19: {  	s0 =	sadd.s32 s0, s6  }
0x1a: {  	s7 =	smin.u32 s0, $0x6DDD0  }
0x1b: {  	s0 =	ssub.s32 s7, s6  }
0x1c: {  	p0 =	sgt.s32 s0, $0x0  }
0x1d: {  	s0 =	simm.s32 @!p0 $0x0  }
0x1e: {  	s31 =	smulhi.u32 $0x88888889, s0  }
0x1f: {  	s30 =	simm.s32 $0x2;
	s9 =	simm.s32 $0x7;
	s10 =	simm.s32 $0x8  }
0x20: {  	s19 =	simm.s32 $0x0;
	s15 =	simm.s32 $0xA;
	s2 =	sshrl.u32 s31, $0x7  }
0x21: {  	s17 =	simm.s32 $0x0;
	s18 =	simm.s32 $0x0;
	s11 =	smul.u32 $0xF0, s2  }
.Ltmp1:
0x22: {  	[tilespmem:s8+$0x0] =	vst v0;
	v0 =	vimm.s32 $0xFFFFFFFF;
	[sflag:s30] =	ssyncpa.u1 $0x0;
	s13 =	sshll.u32 s3, $0x8;
	(pc) =	sbr.rel .LBB2_3-.Ltmp1, $4  }
0x23: {  	[tilespmem:$0xF208] =	vst v0;
	[sflag:s9] =	ssyncpa.u1 $0x0;
	p0 =	sne.s32 s0, s11;
	s0 =	simm.s32 $0x1  }
0x24: {  	[sflag:s10] =	ssyncpa.u1 $0x0;
	s10 =	simm.s32 $0x9;
	s0 =	simm.s32 @!p0 $0x0  }
0x25: {  	[sflag:s10] =	ssyncpa.u1 $0x0;
	s16 =	smov.u32 s6;
	s12 =	sadd.s32 s0, s2  }
0x26: {  	v0 =	vlaneseq.u32;
	s11 =	simm.s32 $0x1;
	p0 =	por $0x0, $0x0;
	s14 =	sadd.s32 $0x1, s12  }
.LBB2_18:
0x27: {  	s0 =	sshrl.u32 s28, $0x2  }
.LBB2_20:
0x28: {  	_ =	swait.ge [sflag:s15], s0  }
0x29: {  	s31 =	ssub.s32 $0x0, s0;
	v1 =	vmov s21;
	vm0 =	veq.s32 v0, $0x0;
	[sflag:s15] =	ssyncset.done $0x0  }
0x2a: {  	vm15 =	veq.s32 v0, $0x2;
	v1 =	vsel vm0, s26, v1;
	[sflag:s15] =	ssyncadd.s32 s31  }
0x2b: {  	v1 =	vsel vm15, s19, v1;
	[sflag:s15] =	ssyncpa.u1 $0x1  }
0x2c: {  	[tilespmem:$0xF208] =	vst v1  }
.LBB2_21:
0x2d: {  	s0 =	sadd.s32 $0xF0, s16  }
0x2e: {  	s2 =	smov.u32 s6;
	p1 =	slt.s32 s0, s7  }
0x2f: {  	s2 =	smov.u32 @p1 s0;
	p1 =	sne.s32 s18, s14  }
.Ltmp2:
0x30: {  	_ = 	snop;
	(pc) =	sbr.rel @!p1 .LBB2_22-.Ltmp2, $3  }
0x31: {  	_ =	sdelay $0x1  }
0x32: {  	s19 =	smov.u32 s17;
	s31 =	sadd.s32 $0x1, s18;
	s17 =	smov.u32 s16  }
0x33: {  	p0 =	por !p0, !p0;
	s18 =	smov.u32 s31;
	s16 =	smov.u32 s2  }
.LBB2_3:
0x34: {  	p1 =	sge.u32 s18, s12  }
0x35: {  	s0 =	smulhi.u32 @!p1 $0xAAAAAAAB, s18  }
0x36: {  	s2 =	smov.u32 s16;
	p2 =	sgt.s32 @!p1 s16, $0x6DCE0  }
0x37: {  	s20 =	sshra.s32 @!p1 s16, $0x1F;
	p2 =	por !p2, p1;
	s0 =	sshrl.u32 @!p1 s0, $0x1  }
0x38: {  	s20 =	sand.u32 @!p1 s20, s16;
	s2 =	simm.s32 @p2 $0x6DCE0;
	s0 =	smul.u32 @!p1 $0x3, s0  }
0x39: {  	s2 =	ssub.s32 @!p1 s2, s20  }
0x3a: {  	s2 =	sadd.s32 @!p1 $0xFFF92320, s2;
	s0 =	ssub.s32 @!p1 s18, s0  }
0x3b: {  	s20 =	sshll.u32 @!p1 s2, $0x2;
	p2 =	sgt.s32 @!p1 s2, $0xEF;
	s0 =	smul.u32 @!p1 $0x3C0, s0  }
0x3c: {  	s21 =	sand.u32 @!p1 $0x7, s16;
	s2 =	ssub.s32 @!p1 $0x3C0, s20;
	p2 =	por !p2, p1  }
0x3d: {  	s20 =	sshrl.u32 @!p1 s16, $0x3;
	s2 =	sshrl.u32 @!p1 s2, $0x2;
	s0 =	sshrl.u32 @!p1 s0, $0x2  }
0x3e: {  	s20 =	sadd.s32 @!p1 s5, s20;
	s2 =	simm.s32 @!p2 $0x0;
	s0 =	sadd.s32 @!p1 $0x10238, s0  }
0x3f: {  	[tilespmem:s0], [sflag:$0x8] =	stream.linear.gather @!p1 [hbm4b:s20+s21], s2, $0x38;
	[tilespmem:$0x1F6E8] =	vst v63  }
0x40: {  	s0 =	sadd.s32 $0xFFFFFFFF, s18  }
0x41: {  	p1 =	sge.u32 s0, s12  }
0x42: {  	p2 =	sgt.s32 @!p1 s17, $0x6DCE0  }
0x43: {  	s2 =	smov.u32 s17;
	s20 =	sshra.s32 @!p1 s17, $0x1F;
	p2 =	por !p2, p1  }
0x44: {  	s20 =	sand.u32 @!p1 s20, s17;
	s2 =	simm.s32 @p2 $0x6DCE0  }
0x45: {  	s2 =	ssub.s32 @!p1 s2, s20  }
0x46: {  	s2 =	sadd.s32 @!p1 $0xFFF92320, s2  }
0x47: {  	s21 =	smulhi.u32 @!p1 $0xAAAAAAAB, s0;
	s22 =	sand.u32 @!p1 $0x1, s0;
	s20 =	sshll.u32 @!p1 s2, $0x2  }
0x48: {  	s24 =	smul.u32 @!p1 $0x3C0, s22;
	p2 =	sgt.s32 @!p1 s2, $0xEF;
	s2 =	ssub.s32 @!p1 $0x3C0, s20  }
0x49: {  	p2 =	por !p2, p1;
	s20 =	sshrl.u32 @!p1 s21, $0x1;
	s2 =	sshrl.u32 @!p1 s2, $0x2  }
0x4a: {  	s21 =	simm.s32 @!p1 $0x8;
	s20 =	smul.u32 @!p1 $0x3, s20;
	s2 =	simm.s32 @!p2 $0x0  }
0x4b: {  	s22 =	smul.u32 @!p1 $0x1E000, s22;
	_ =	swait.ge @!p1 [sflag:s21], s2;
	s23 =	ssub.s32 @!p1 $0x0, s2  }
0x4c: {  	s0 =	ssub.s32 @!p1 s0, s20;
	s20 =	sshrl.u32 @!p1 s17, $0x3;
	[sflag:s21] =	ssyncset.done @!p1 $0x0  }
0x4d: {  	s20 =	sadd.s32 @!p1 s29, s20;
	[sflag:s21] =	ssyncadd.s32 @!p1 s23;
	s21 =	sshrl.u32 @!p1 s24, $0x2  }
0x4e: {  	s0 =	smul.u32 @!p1 $0x3C0, s0;
	s23 =	sand.u32 @!p1 $0x7, s17;
	s21 =	sor.u32 @!p1 $0x10508, s21  }
0x4f: {  	[tilespmem:s21], [sflag:$0x9] =	stream.linear.gather @!p1 [hbm4b:s20+s23], s2, $0x38;
	[tilespmem:$0x1F6E8] =	vst v63  }
0x50: {  	s0 =	sshrl.u32 @!p1 s0, $0x2;
	s2 =	sshrl.u32 @!p1 s22, $0x2  }
0x51: {  	s0 =	sadd.s32 @!p1 $0x10238, s0;
	s20 =	simm.s32 @!p1 $0xF0;
	s2 =	sor.u32 @!p1 $0x106E8, s2  }
0x52: {  	[tilespmem:s2], [sflag:$0x7] =	stream.indirect.gather @!p1 [hbm4b:s4+s20], $0x80, s0, s20, $0xb8;
	[tilespmem:$0x1F6E8] =	vst v63  }
0x53: {  	p1 =	slt.u32 s18, $0x2  }
.Ltmp3:
0x54: {  	_ = 	snop;
	(pc) =	sbr.rel @p1 .LBB2_21-.Ltmp3, $1  }
0x55: {  	_ =	sdelay $0x3  }
0x56: {  	p1 =	sgt.s32 s19, $0x6DCE0;
	s0 =	smov.u32 s19;
	s2 =	sshra.s32 s19, $0x1F  }
0x57: {  	s0 =	simm.s32 @!p1 $0x6DCE0;
	s2 =	sand.u32 s2, s19  }
0x58: {  	s0 =	ssub.s32 s0, s2  }
0x59: {  	s0 =	sadd.s32 $0xFFF92320, s0  }
0x5a: {  	s30 =	sshll.u32 s0, $0x2  }
0x5b: {  	_ =	swait.ge [sflag:s9], $0x7800;
	s2 =	ssub.s32 $0x3C0, s30  }
0x5c: {  	[sflag:s9] =	ssyncset.done $0x0;
	p1 =	sgt.s32 s0, $0xEF;
	s0 =	sshrl.u32 s2, $0x2  }
0x5d: {  	[sflag:s9] =	ssyncadd.s32 $0xFFFF8800;
	s0 =	simm.s32 @p1 $0x0  }
0x5e: {  	_ =	swait.ge [sflag:s10], s0  }
0x5f: {  	s0 =	ssub.s32 $0x0, s0;
	[sflag:s10] =	ssyncset.done $0x0  }
0x60: {  	[sflag:s10] =	ssyncadd.s32 s0  }
0x61: {  	v1 =	vld [tilespmem:$0xF208];
	_ =	sdelay $0x4  }
0x62: {  	(v2sf) =	vpush v1, $0x0  }
0x63: {  	(v2sf) =	vpush v1, $0x1  }
0x64: {  	(v2sf) =	vpush v1, $0x2;
	_ =	sdelay $0x3  }
0x65: {  	s0 =	sadd.s32 $0xF0, s19  }
0x66: {  	s2 =	ssub.s32 $0x6DDD0, s19;
	p1 =	slt.s32 s7, s0  }
0x67: {  	s0 =	smov.u32 @p1 s7;
	p1 =	sgt.s32 s2, $0x0  }
0x68: {  	s23 =	ssub.s32 s0, s19;
	s2 =	simm.s32 @!p1 $0x0  }
0x69: {  	p1 =	slt.s32 s2, s23  }
0x6a: {  	s23 =	smov.u32 @p1 s2  }
0x6b: {  	s22 =	simm.s32 $0x1;
	p1 =	slt.s32 s23, $0x1  }
.Ltmp4:
0x6c: {  	s22 =	simm.s32 @!p0 $0x0;
	(pc) =	sbr.rel @p1 .LBB2_8-.Ltmp4, $4  }
0x6d: {  	s31 =	smul.u32 $0x3C0, s22  }
0x6e: {  	s24 =	spop (v2sf)  }
0x6f: {  	s0 =	sshrl.u32 s31, $0x2;
	s26 =	spop (v2sf)  }
0x70: {  	s20 =	sor.u32 $0x10508, s0;
	s19 =	spop (v2sf)  }
0x71: {  	s0 =	smin.u32 s23, $0x10  }
0x72: {  	v1 =	vmov s0  }
0x73: {  	p2 =	sgt.s32 s23, $0x10;
	vm1 =	vgt.u32 v1, v0  }
.Ltmp5:
0x74: {  	_ = 	snop;
	(pc) =	sbr.rel @!p2 .LBB2_7-.Ltmp5, $2  }
0x75: {  	_ =	sdelay $0x2  }
0x76: {  	s25 =	simm.s32 $0x10;
	s28 =	sadd.s32 $0xFFFFFFF0, s23;
	s21 =	smov.u32 s20;
	vm0 =	vmmov vm1  }
.LBB2_6:
0x77: {  	s0 =	smin.u32 s28, $0x10;
	s25 =	sadd.s32 $0x10, s25;
	v1 =	vld.msk [tilespmem:s21+$0x0 ss:$0x1], vm1  }
0x78: {  	v2 =	vmov s0;
	p2 =	slt.s32 s25, s23  }
0x79: {  	vm1 =	vgt.u32 v2, v0  }
.Ltmp6:
0x7a: {  	(pc) =	sbr.rel @p2 .LBB2_6-.Ltmp6, $3  }
0x7b: {  	_ =	sdelay $0x1  }
0x7c: {  	v1 =	vshll.u32 v1, $0x4  }
0x7d: {  	s28 =	sadd.s32 $0xFFFFFFF0, s28;
	[tilespmem:s21+$0x0] =	vst.msk vm0, v1;
	s21 =	sadd.s32 $0x10, s21;
	vm0 =	vmmov vm1  }
.LBB2_7:
0x7e: {  	_ =	sdelay $0x4  }
0x7f: {  	v1 =	vld.msk [tilespmem:s21+$0x0 ss:$0x1], vm1;
	_ =	sdelay $0x4  }
0x80: {  	v1 =	vshll.u32 v1, $0x4  }
0x81: {  	[tilespmem:s21+$0x0] =	vst.msk vm0, v1  }
.LBB2_8:
0x82: {  	s0 =	sand.u32 $0x1, s18  }
0x83: {  	s0 =	smul.u32 $0xF0, s0  }
0x84: {  	p2 =	sne.s32 s26, $0xFFFFFFFF  }
0x85: {  	v1 =	vld.msk @!p2 [tilespmem:s0+$0x10508], $0x1;
	_ =	sdelay $0x4  }
0x86: {  	(v2sf) =	vpush @!p2 v1, $0x0;
	_ =	sdelay $0xc  }
.Ltmp7:
0x87: {  	_ = 	snop;
	(pc) =	sbr.rel @p1 .LBB2_19-.Ltmp7, $4  }
0x88: {  	_ = 	snop  }
0x89: {  	s25 =	spop @!p2 (v2sf)  }
0x8a: {  	s19 =	simm.s32 @!p2 $0x0;
	s21 =	smov.u32 s25  }
0x8b: {  	[sflag:s15] =	ssyncpa.u1 $0x0;
	s25 =	smov.u32 @p2 s24;
	s21 =	smov.u32 @p2 s26  }
0x8c: {  	v1 =	vld.msk [tilespmem:s20+$0x0], $0x1;
	_ =	sdelay $0x4  }
0x8d: {  	(v2sf) =	vpush v1, $0x0;
	_ =	sdelay $0xe  }
0x8e: {  	s8 =	smov.u32 s29;
	s0 =	smul.u32 $0x1E000, s22;
	s29 =	spop (v2sf)  }
0x8f: {  	s23 =	ssub.s32 $0x0, s23;
	p1 =	seq.s32 s25, s29  }
0x90: {  	s26 =	sadd.s32 $0x1, s23;
	s0 =	sshrl.u32 s0, $0x2;
	p2 =	sgt.s32 @!p1 s25, $0x0  }
0x91: {  	s22 =	sor.u32 $0x10728, s0;
	s0 =	smov.u32 s25;
	p2 =	por !p2, p1  }
0x92: {  	s0 =	simm.s32 @p2 $0x0;
	p2 =	seq.s32 s26, $0x0  }
.Ltmp8:
0x93: {  	_ = 	snop;
	(pc) =	sbr.rel @p2 .LBB2_11-.Ltmp8, $4  }
0x94: {  	_ = 	snop  }
0x95: {  	s24 =	simm.s32 $0x0;
	s28 =	sadd.s32 $0x1, s20;
	s0 =	smin.u32 @!p1 s0, $0xC34F0  }
0x96: {  	s30 =	simm.s32 @!p1 $0x1;
	s31 =	simm.s32 @!p1 $0x7988;
	s2 =	sand.u32 @!p1 $0xFFFF8, s0  }
0x97: {  	s30 =	smov.u32 @p1 s24;
	s0 =	sand.u32 @!p1 $0x7, s0;
	s2 =	sadd.s32 @!p1 s1, s2  }
.LBB2_10:
0x98: {  	s3 =	smov.u32 s30  }
0x99: {  	[tilespmem:s31], [sflag:$0x2] =	stream.linear.gather @!p1 [hbm4b:s2+s0], $0x80, $0x38;
	[tilespmem:$0x1F6E8] =	vst v63  }
0x9a: {  	s26 =	sadd.s32 $0x1, s26;
	s0 =	smov.u32 s29;
	v1 =	vld.msk [tilespmem:s28+$0x0], $0x1  }
0x9b: {  	p2 =	seq.s32 s26, $0x0;
	_ =	sdelay $0x3  }
0x9c: {  	(v2sf) =	vpush v1, $0x0;
	_ =	sdelay $0xe  }
0x9d: {  	s29 =	spop (v2sf)  }
0x9e: {  	p1 =	seq.s32 s0, s29  }
0x9f: {  	p3 =	sgt.s32 @!p1 s0, $0x0;
	s2 =	sshll.u32 @!p1 s30, $0x9;
	s30 =	sadd.s32 @!p1 $0x1, s30  }
.Ltmp9:
0xa0: {  	p3 =	por !p3, p1;
	s2 =	sshra.s32 @!p1 s2, $0x2;
	(pc) =	sbr.rel @!p2 .LBB2_10-.Ltmp9, $4  }
0xa1: {  	s30 =	smov.u32 @p1 s3;
	s0 =	simm.s32 @p3 $0x0;
	s31 =	sadd.s32 @!p1 $0x7988, s2  }
0xa2: {  	s0 =	smin.u32 @!p1 s0, $0xC34F0  }
0xa3: {  	s2 =	sand.u32 @!p1 $0xFFFF8, s0;
	s0 =	sand.u32 @!p1 $0x7, s0  }
0xa4: {  	s28 =	sadd.s32 $0x1, s28;
	s2 =	sadd.s32 @!p1 s1, s2  }
.LBB2_11:
0xa5: {  	[tilespmem:s31], [sflag:$0x2] =	stream.linear.gather @!p1 [hbm4b:s2+s0], $0x80, $0x38;
	[tilespmem:$0x1F6E8] =	vst v63  }
.Ltmp10:
0xa6: {  	s30 =	sshll.u32 s30, $0x7;
	(pc) =	sbr.rel .LBB2_12-.Ltmp10, $4  }
0xa7: {  	s31 =	simm.s32 $0x2;
	s0 =	sand.u32 $0x3FFFFF80, s30  }
0xa8: {  	_ =	swait.ge [sflag:s31], s0  }
0xa9: {  	s0 =	ssub.s32 $0x0, s0;
	[sflag:s31] =	ssyncset.done $0x0  }
0xaa: {  	s28 =	simm.s32 $0x0;
	s29 =	smov.u32 s8;
	[sflag:s31] =	ssyncadd.s32 s0  }
.LBB2_13:
0xab: {  	v1 =	vld [tilespmem:s22+$0xFFFFFFC0];
	_ =	sdelay $0x3  }
0xac: {  	s0 =	sshra.s32 s0, $0x2  }
0xad: {  	[tilespmem:s0+$0x108] =	vst.add.f32.msk $0xffff, v1  }
0xae: {  	v1 =	vld [tilespmem:s22+$0xFFFFFFD0];
	_ =	sdelay $0x4  }
0xaf: {  	[tilespmem:s0+$0x118] =	vst.add.f32.msk $0xffff, v1  }
0xb0: {  	v1 =	vld [tilespmem:s22+$0xFFFFFFE0];
	_ =	sdelay $0x4  }
0xb1: {  	[tilespmem:s0+$0x128] =	vst.add.f32.msk $0xffff, v1  }
0xb2: {  	v1 =	vld [tilespmem:s22+$0xFFFFFFF0];
	_ =	sdelay $0x4  }
0xb3: {  	[tilespmem:s0+$0x138] =	vst.add.f32.msk $0xffff, v1  }
0xb4: {  	v1 =	vld [tilespmem:s22+$0x0];
	_ =	sdelay $0x4  }
0xb5: {  	[tilespmem:s0+$0x148] =	vst.add.f32.msk $0xffff, v1  }
0xb6: {  	v1 =	vld [tilespmem:s22+$0x10];
	_ =	sdelay $0x4  }
0xb7: {  	[tilespmem:s0+$0x158] =	vst.add.f32.msk $0xffff, v1  }
0xb8: {  	v1 =	vld [tilespmem:s22+$0x20];
	_ =	sdelay $0x4  }
0xb9: {  	[tilespmem:s0+$0x168] =	vst.add.f32.msk $0xffff, v1  }
0xba: {  	v1 =	vld [tilespmem:s22+$0x30];
	_ =	sdelay $0x4  }
0xbb: {  	[tilespmem:s0+$0x178] =	vst.add.f32.msk $0xffff, v1  }
.LBB2_17:
0xbc: {  	s23 =	sadd.s32 $0x1, s23  }
0xbd: {  	p1 =	seq.s32 s23, $0x0  }
.Ltmp11:
0xbe: {  	_ = 	snop;
	(pc) =	sbr.rel @p1 .LBB2_18-.Ltmp11, $2  }
0xbf: {  	_ =	sdelay $0x2  }
0xc0: {  	s20 =	sadd.s32 $0x1, s20;
	s22 =	sadd.s32 $0x80, s22;
	s25 =	smov.u32 s26  }
.LBB2_12:
0xc1: {  	v1 =	vld.msk [tilespmem:s20+$0x0], $0x1;
	_ =	sdelay $0x4  }
0xc2: {  	(v2sf) =	vpush v1, $0x0;
	_ =	sdelay $0xe  }
0xc3: {  	s26 =	spop (v2sf)  }
0xc4: {  	p1 =	sne.s32 s25, s26  }
.Ltmp12:
0xc5: {  	_ = 	snop;
	(pc) =	sbr.rel @!p1 .LBB2_13-.Ltmp12, $2  }
0xc6: {  	_ =	sdelay $0x2  }
0xc7: {  	s0 =	sshll.u32 s19, $0x9  }
0xc8: {  	p1 =	seq.s32 s25, s21  }
.Ltmp13:
0xc9: {  	_ = 	snop;
	(pc) =	sbr.rel @!p1 .LBB2_15-.Ltmp13, $1  }
0xca: {  	_ =	sdelay $0x3  }
0xcb: {  	s0 =	sshra.s32 s0, $0x2  }
.Ltmp14:
0xcc: {  	s0 =	sadd.s32 $0x108, s0;
	(pc) =	sbr.rel .LBB2_16-.Ltmp14, $4  }
0xcd: {  	[spmem:s13] =	stream.linear.scatter [tilespmem:s0], [sflag:$0x1], $0x80, $0x38;
	[tilespmem:$0x1F6E8] =	vst v63  }
0xce: {  	_ =	swait.ge [sflag:s11], $0x80  }
0xcf: {  	[sflag:s11] =	ssyncset.done $0x0  }
0xd0: {  	[sflag:s11] =	ssyncadd.s32 $0xFFFFFF80  }
.LBB2_15:
0xd1: {  	s2 =	sshll.u32 s24, $0x9  }
0xd2: {  	s2 =	sshra.s32 s2, $0x2  }
0xd3: {  	v1 =	vld [tilespmem:s2+$0x7988];
	_ =	sdelay $0x3  }
0xd4: {  	s0 =	sshra.s32 s0, $0x2  }
0xd5: {  	[tilespmem:s0+$0x108] =	vst.add.f32.msk $0xffff, v1  }
0xd6: {  	v1 =	vld [tilespmem:s2+$0x7998];
	_ =	sdelay $0x4  }
0xd7: {  	[tilespmem:s0+$0x118] =	vst.add.f32.msk $0xffff, v1  }
0xd8: {  	v1 =	vld [tilespmem:s2+$0x79A8];
	_ =	sdelay $0x4  }
0xd9: {  	[tilespmem:s0+$0x128] =	vst.add.f32.msk $0xffff, v1  }
0xda: {  	v1 =	vld [tilespmem:s2+$0x79B8];
	_ =	sdelay $0x4  }
0xdb: {  	[tilespmem:s0+$0x138] =	vst.add.f32.msk $0xffff, v1  }
0xdc: {  	v1 =	vld [tilespmem:s2+$0x79C8];
	_ =	sdelay $0x4  }
0xdd: {  	[tilespmem:s0+$0x148] =	vst.add.f32.msk $0xffff, v1  }
0xde: {  	v1 =	vld [tilespmem:s2+$0x79D8];
	_ =	sdelay $0x4  }
0xdf: {  	[tilespmem:s0+$0x158] =	vst.add.f32.msk $0xffff, v1  }
0xe0: {  	v1 =	vld [tilespmem:s2+$0x79E8];
	_ =	sdelay $0x4  }
0xe1: {  	[tilespmem:s0+$0x168] =	vst.add.f32.msk $0xffff, v1  }
0xe2: {  	v1 =	vld [tilespmem:s2+$0x79F8];
	_ =	sdelay $0x2  }
0xe3: {  	p1 =	sgt.u32 s25, $0xC34F0  }
0xe4: {  	s2 =	sand.u32 @!p1 $0xFFFF8, s25  }
0xe5: {  	s3 =	sadd.s32 $0x108, s0;
	[tilespmem:s0+$0x178] =	vst.add.f32.msk $0xffff, v1;
	s0 =	sadd.s32 @!p1 s1, s2;
	s2 =	sand.u32 @!p1 $0x7, s25  }
0xe6: {  	[hbm4b:s0+s2] =	stream.linear.scatter @!p1 [tilespmem:s3], [sflag:$0xA], $0x80, $0x38;
	[tilespmem:$0x1F6E8] =	vst v63  }
0xe7: {  	s0 =	simm.s32 $0x0  }
0xe8: {  	s0 =	simm.s32 @!p1 $0x200  }
0xe9: {  	s28 =	sadd.s32 s0, s28  }
.LBB2_16:
0xea: {  	s0 =	sadd.s32 $0x1, s19  }
0xeb: {  	s2 =	smulhi.u32 $0x88888889, s0;
	_ =	sdelay $0x1  }
0xec: {  	v1 =	vld [tilespmem:s22+$0xFFFFFFC0];
	s2 =	sshrl.u32 s2, $0x7  }
0xed: {  	s2 =	smul.u32 $0xF0, s2;
	_ =	sdelay $0x1  }
0xee: {  	s19 =	ssub.s32 s0, s2  }
0xef: {  	s0 =	sshll.u32 s19, $0x7  }
0xf0: {  	[tilespmem:s0+$0x108] =	vst v1  }
0xf1: {  	v1 =	vld [tilespmem:s22+$0xFFFFFFD0];
	_ =	sdelay $0x4  }
0xf2: {  	[tilespmem:s0+$0x118] =	vst v1  }
0xf3: {  	v1 =	vld [tilespmem:s22+$0xFFFFFFE0];
	_ =	sdelay $0x4  }
0xf4: {  	[tilespmem:s0+$0x128] =	vst v1  }
0xf5: {  	v1 =	vld [tilespmem:s22+$0xFFFFFFF0];
	_ =	sdelay $0x4  }
0xf6: {  	[tilespmem:s0+$0x138] =	vst v1  }
0xf7: {  	v1 =	vld [tilespmem:s22+$0x0];
	_ =	sdelay $0x4  }
0xf8: {  	[tilespmem:s0+$0x148] =	vst v1  }
0xf9: {  	v1 =	vld [tilespmem:s22+$0x10];
	_ =	sdelay $0x4  }
0xfa: {  	[tilespmem:s0+$0x158] =	vst v1  }
0xfb: {  	v1 =	vld [tilespmem:s22+$0x20];
	_ =	sdelay $0x4  }
0xfc: {  	[tilespmem:s0+$0x168] =	vst v1  }
0xfd: {  	v1 =	vld [tilespmem:s22+$0x30]  }
.Ltmp15:
0xfe: {  	_ = 	snop;
	(pc) =	sbr.rel .LBB2_17-.Ltmp15, $2  }
0xff: {  	_ =	sdelay $0x2  }
0x100: {  	s24 =	sadd.s32 $0x1, s24;
	[tilespmem:s0+$0x178] =	vst v1  }
.LBB2_19:
.Ltmp16:
0x101: {  	(pc) =	sbr.rel .LBB2_20-.Ltmp16, $4  }
0x102: {  	_ = 	snop  }
0x103: {  	s0 =	simm.s32 $0x2  }
0x104: {  	_ =	swait.ge [sflag:s0], $0x0  }
0x105: {  	s26 =	smov.u32 s25;
	[sflag:s0] =	ssyncset.done $0x0;
	s0 =	simm.s32 $0x0  }
.LBB2_22:
0x106: {  	_ =	sfence.sel $0x180000  }
0x107: {  	s0 =	simm.s32 $0x7;
	[bflag:$0x0] =	sbarrier.arrive $0xFFFF  }
0x108: {  	s25 =	simm.s32 $0x8;
	[sflag:s0] =	ssyncpa.u1 $0x1  }
0x109: {  	s26 =	simm.s32 $0x9;
	[sflag:s25] =	ssyncpa.u1 $0x1  }
0x10a: {  	s28 =	simm.s32 $0x2;
	[sflag:s26] =	ssyncpa.u1 $0x1  }
0x10b: {  	[sflag:s28] =	ssyncpa.u1 $0x1  }
0x10c: {  	v0 =	vld [tilespmem:$0xF208];
	_ =	sdelay $0x4  }
0x10d: {  	(v2sf) =	vpush v0, $0x0  }
0x10e: {  	(v2sf) =	vpush v0, $0x1;
	_ =	sdelay $0x1  }
0x10f: {  	(v2sf) =	vpush v0, $0x2;
	_ =	sdelay $0xb  }
0x110: {  	s0 =	spop (v2sf)  }
0x111: {  	s2 =	spop (v2sf)  }
0x112: {  	s3 =	smov.u32 s0;
	p0 =	sne.s32 s0, s2  }
0x113: {  	s4 =	spop (v2sf);
	s3 =	simm.s32 @!p0 $0xFFFFFFFF  }
0x114: {  	v2 =	vimm.s32 $0x1;
	v3 =	vlaneseq.u32;
	p0 =	seq.s32 s4, $0xFFFFFFFF;
	v1 =	vmov s3  }
0x115: {  	s7 =	stileid.u32;
	v0 =	vperm.xlane v0, v2;
	p1 =	sne.s32 @!p0 s0, s2;
	v1 =	vperm.xlane v1, v3  }
0x116: {  	vm0 =	vcmask $0x3F04;
	s6 =	simm.s32 $0xF208;
	s0 =	simm.s32 @!p0 $0x1;
	p1 =	por !p1, p0  }
0x117: {  	s3 =	sshll.u32 s7, $0x1;
	s2 =	sshll.u32 @!p0 s4, $0x9;
	s0 =	simm.s32 @p1 $0x0;
	v0 =	vsel vm0, v1, v0  }
0x118: {  	s5 =	sor.u32 $0x1000, s3;
	s2 =	sshra.s32 @!p0 s2, $0x2;
	s0 =	sor.u32 @!p0 s0, s3;
	[tilespmem:$0xF208] =	vst v0  }
0x119: {  	[spmem:s5] =	stream.linear.scatter [tilespmem:s6], [sflag:$0x1], $0x2, $0x38;
	[tilespmem:$0x1F6E8] =	vst v63  }
0x11a: {  	s2 =	sadd.s32 @!p0 $0x108, s2;
	s0 =	sshll.u32 @!p0 s0, $0x7  }
0x11b: {  	[spmem:s0] =	stream.linear.scatter @!p0 [tilespmem:s2], [sflag:$0x1], $0x80, $0x38;
	[tilespmem:$0x1F6E8] =	vst v63  }
0x11c: {  	s0 =	simm.s32 @!p0 $0x82  }
0x11d: {  	s3 =	simm.s32 $0x1;
	s0 =	simm.s32 @p0 $0x2  }
0x11e: {  	_ =	swait.ge [sflag:s3], s0  }
0x11f: {  	s0 =	ssub.s32 $0x0, s0;
	[sflag:s3] =	ssyncset.done $0x0  }
0x120: {  	[sflag:s3] =	ssyncadd.s32 s0  }
0x121: {  	_ =	sfence.stream.spmem  }
0x122: {  	s29 =	simm.s32 $0x3;
	[bflag:$0x0] =	sbarrier.arrive $0xFFFF  }
0x123: {  	s30 =	simm.s32 $0x4;
	[sflag:s29] =	ssyncpa.u1 $0x1  }
0x124: {  	s31 =	simm.s32 $0x3C;
	[sflag:s30] =	ssyncpa.u1 $0x1  }
0x125: {  	p0 =	sne.s32 s7, $0x0;
	[sflag:s31] =	ssyncpa.u1 $0x1  }
0x126: {  	_ =	sfence @p0  }
0x127: {  	[sflag:s3] =	ssyncpa.u1 @p0 $0x1  }
0x128: {  	_ =	strace @p0 $0x90000074  }
0x129: {  	[bflag:$0x2] =	sbarrier.arrive @p0 $0xFFFF  }
0x12a: {  	_ =	shalt @p0  }
.LBB2_23:
0x12b: {  	_ =	sfence.stream.spmem;
	s0 =	simm.s32 $0x5  }
0x12c: {  	s2 =	simm.s32 $0x1000;
	s3 =	simm.s32 $0xF218;
	[sflag:s0] =	ssyncpa.u1 $0x0  }
0x12d: {  	[tilespmem:s3], [sflag:$0x5] =	stream.linear.gather [spmem:s2], $0x20, $0x38;
	[tilespmem:$0x1F6E8] =	vst v63  }
0x12e: {  	s30 =	simm.s32 $0xF238;
	s2 =	simm.s32 $0x0  }
0x12f: {  	[tilespmem:s30], [sflag:$0x5] =	stream.linear.gather [spmem:s2], $0x1000, $0x38;
	[tilespmem:$0x1F6E8] =	vst v63  }
.Ltmp17:
0x130: {  	_ = 	snop;
	(pc) =	sbr.rel .LBB2_24-.Ltmp17, $4  }
0x131: {  	_ =	swait.ge [sflag:s0], $0x1020  }
0x132: {  	[sflag:s0] =	ssyncset.done $0x0  }
0x133: {  	s31 =	simm.s32 $0x6;
	[sflag:s0] =	ssyncadd.s32 $0xFFFFEFE0  }
0x134: {  	s3 =	simm.s32 $0x0;
	[sflag:s31] =	ssyncpa.u1 $0x0  }
.LBB2_30:
0x135: {  	p0 =	slt.u32 s4, $0xC34F1  }
0x136: {  	s0 =	sand.u32 @p0 $0xFFFF8, s4  }
0x137: {  	s4 =	sand.u32 @p0 $0x7, s4;
	s5 =	simm.s32 @p0 $0xF188;
	s0 =	sadd.s32 @p0 s1, s0  }
0x138: {  	[tilespmem:s5], [sflag:$0x6] =	stream.linear.gather @p0 [hbm4b:s0+s4], $0x80, $0x38;
	[tilespmem:$0x1F6E8] =	vst v63  }
0x139: {  	s0 =	simm.s32 @p0 $0x6  }
0x13a: {  	_ =	swait.ge @p0 [sflag:s0], $0x80  }
0x13b: {  	[sflag:s0] =	ssyncset.done @p0 $0x0  }
0x13c: {  	[sflag:s0] =	ssyncadd.s32 @p0 $0xFFFFFF80  }
0x13d: {  	v1 =	vld @p0 [tilespmem:$0xF188];
	_ =	sdelay $0x2  }
0x13e: {  	s0 =	sshll.u32 @p0 s3, $0x9  }
0x13f: {  	s4 =	sshrl.u32 @p0 s0, $0x2  }
0x140: {  	[tilespmem:s4+$0xF238] =	vst.add.f32.msk @p0 $0xffff, v1  }
0x141: {  	v1 =	vld @p0 [tilespmem:$0xF198];
	_ =	sdelay $0x4  }
0x142: {  	[tilespmem:s4+$0xF248] =	vst.add.f32.msk @p0 $0xffff, v1  }
0x143: {  	v1 =	vld @p0 [tilespmem:$0xF1A8];
	_ =	sdelay $0x4  }
0x144: {  	[tilespmem:s4+$0xF258] =	vst.add.f32.msk @p0 $0xffff, v1  }
0x145: {  	v1 =	vld @p0 [tilespmem:$0xF1B8];
	_ =	sdelay $0x4  }
0x146: {  	[tilespmem:s4+$0xF268] =	vst.add.f32.msk @p0 $0xffff, v1  }
0x147: {  	v1 =	vld @p0 [tilespmem:$0xF1C8];
	_ =	sdelay $0x4  }
0x148: {  	[tilespmem:s4+$0xF278] =	vst.add.f32.msk @p0 $0xffff, v1  }
0x149: {  	v1 =	vld @p0 [tilespmem:$0xF1D8];
	_ =	sdelay $0x4  }
0x14a: {  	[tilespmem:s4+$0xF288] =	vst.add.f32.msk @p0 $0xffff, v1  }
0x14b: {  	v1 =	vld @p0 [tilespmem:$0xF1E8];
	_ =	sdelay $0x4  }
0x14c: {  	[tilespmem:s4+$0xF298] =	vst.add.f32.msk @p0 $0xffff, v1  }
0x14d: {  	v1 =	vld @p0 [tilespmem:$0xF1F8];
	_ =	sdelay $0x3  }
0x14e: {  	s5 =	sshll.u32 @!p0 s3, $0x9  }
0x14f: {  	s5 =	smov.u32 @p0 s0;
	[tilespmem:s4+$0xF2A8] =	vst.add.f32.msk @p0 $0xffff, v1  }
0x150: {  	s0 =	sshrl.u32 s5, $0x2;
	[tilespmem:s2+$0xF218] =	vst.msk $0x1, v0  }
0x151: {  	v0 =	vld [tilespmem:s0+$0xF238];
	_ =	sdelay $0x2  }
0x152: {  	s31 =	sshll.u32 s2, $0x9  }
0x153: {  	s4 =	sshra.s32 s31, $0x2  }
0x154: {  	[tilespmem:s4+$0xF238] =	vst v0  }
0x155: {  	v0 =	vld [tilespmem:s0+$0xF248];
	_ =	sdelay $0x4  }
0x156: {  	[tilespmem:s4+$0xF248] =	vst v0  }
0x157: {  	v0 =	vld [tilespmem:s0+$0xF258];
	_ =	sdelay $0x4  }
0x158: {  	[tilespmem:s4+$0xF258] =	vst v0  }
0x159: {  	v0 =	vld [tilespmem:s0+$0xF268];
	_ =	sdelay $0x4  }
0x15a: {  	[tilespmem:s4+$0xF268] =	vst v0  }
0x15b: {  	v0 =	vld [tilespmem:s0+$0xF278];
	_ =	sdelay $0x4  }
0x15c: {  	[tilespmem:s4+$0xF278] =	vst v0  }
0x15d: {  	v0 =	vld [tilespmem:s0+$0xF288];
	_ =	sdelay $0x4  }
0x15e: {  	[tilespmem:s4+$0xF288] =	vst v0  }
0x15f: {  	v0 =	vld [tilespmem:s0+$0xF298];
	_ =	sdelay $0x4  }
0x160: {  	[tilespmem:s4+$0xF298] =	vst v0  }
0x161: {  	v0 =	vld [tilespmem:s0+$0xF2A8];
	_ =	sdelay $0x4  }
0x162: {  	s2 =	sadd.s32 $0x1, s2;
	[tilespmem:s4+$0xF2A8] =	vst v0  }
.LBB2_31:
0x163: {  	s3 =	sadd.s32 $0x1, s3  }
0x164: {  	p0 =	sne.s32 s3, $0x20  }
.Ltmp18:
0x165: {  	_ = 	snop;
	(pc) =	sbr.rel @!p0 .LBB2_32-.Ltmp18, $1  }
0x166: {  	_ =	sdelay $0x3  }
.LBB2_24:
0x167: {  	v0 =	vld.msk [tilespmem:s3+$0xF218], $0x1;
	_ =	sdelay $0x4  }
0x168: {  	(v2sf) =	vpush v0, $0x0;
	_ =	sdelay $0xe  }
0x169: {  	s4 =	spop (v2sf)  }
0x16a: {  	p0 =	seq.s32 s4, $0xFFFFFFFF  }
.Ltmp19:
0x16b: {  	_ = 	snop;
	(pc) =	sbr.rel @p0 .LBB2_31-.Ltmp19, $1  }
0x16c: {  	_ =	sdelay $0x3  }
0x16d: {  	p0 =	slt.s32 s2, $0x1  }
.Ltmp20:
0x16e: {  	_ = 	snop;
	(pc) =	sbr.rel @p0 .LBB2_30-.Ltmp20, $1  }
0x16f: {  	_ =	sdelay $0x3  }
0x170: {  	s5 =	simm.s32 $0xF218;
	p0 =	por $0x0, $0x0  }
0x171: {  	v1 =	vld.msk @!p0 [tilespmem:s5+$0x0], $0x1;
	_ =	sdelay $0x4  }
0x172: {  	(v2sf) =	vpush @!p0 v1, $0x0;
	_ =	sdelay $0xd  }
0x173: {  	p2 =	sne.s32 s2, $0x1  }
.Ltmp21:
0x174: {  	s0 =	spop @!p0 (v2sf);
	(pc) =	sbr.rel @!p2 .LBB2_28-.Ltmp21, $4  }
0x175: {  	p1 =	seq.s32 @!p0 s4, s0  }
0x176: {  	s6 =	simm.s32 $0x0;
	p1 =	por !p1, p0  }
0x177: {  	s0 =	simm.s32 $0xFFFFFFFF;
	s6 =	simm.s32 @p1 $0xFFFFFFFF  }
0x178: {  	s7 =	simm.s32 $0x1;
	s6 =	smov.u32 @p0 s0  }
.LBB2_27:
0x179: {  	s0 =	smov.u32 s6;
	p0 =	sne.s32 s6, $0xFFFFFFFF  }
0x17a: {  	s5 =	sadd.s32 $0x1, s5;
	s6 =	smov.u32 s7;
	s7 =	sadd.s32 $0x1, s7  }
0x17b: {  	p1 =	sne.s32 s2, s7;
	v1 =	vld.msk @!p0 [tilespmem:s5+$0x0], $0x1;
	_ =	sdelay $0x4  }
0x17c: {  	(v2sf) =	vpush @!p0 v1, $0x0;
	_ =	sdelay $0xe  }
.Ltmp22:
0x17d: {  	s8 =	spop @!p0 (v2sf);
	(pc) =	sbr.rel @p1 .LBB2_27-.Ltmp22, $4  }
0x17e: {  	p2 =	seq.s32 @!p0 s4, s8  }
0x17f: {  	p2 =	por !p2, p0  }
0x180: {  	s6 =	simm.s32 @p2 $0xFFFFFFFF  }
0x181: {  	s6 =	smov.u32 @p0 s0  }
.LBB2_28:
0x182: {  	p0 =	seq.s32 s6, $0xFFFFFFFF  }
.Ltmp23:
0x183: {  	_ = 	snop;
	(pc) =	sbr.rel @p0 .LBB2_30-.Ltmp23, $1  }
0x184: {  	_ =	sdelay $0x3  }
0x185: {  	s0 =	sshll.u32 s3, $0x7  }
0x186: {  	s0 =	sand.u32 $0x3FFFFF80, s0  }
0x187: {  	v0 =	vld [tilespmem:s0+$0xF238];
	_ =	sdelay $0x2  }
0x188: {  	s4 =	sshll.u32 s6, $0x9  }
0x189: {  	s4 =	sshra.s32 s4, $0x2  }
0x18a: {  	[tilespmem:s4+$0xF238] =	vst.add.f32.msk $0xffff, v0  }
0x18b: {  	v0 =	vld [tilespmem:s0+$0xF248];
	_ =	sdelay $0x4  }
0x18c: {  	[tilespmem:s4+$0xF248] =	vst.add.f32.msk $0xffff, v0  }
0x18d: {  	v0 =	vld [tilespmem:s0+$0xF258];
	_ =	sdelay $0x4  }
0x18e: {  	[tilespmem:s4+$0xF258] =	vst.add.f32.msk $0xffff, v0  }
0x18f: {  	v0 =	vld [tilespmem:s0+$0xF268];
	_ =	sdelay $0x4  }
0x190: {  	[tilespmem:s4+$0xF268] =	vst.add.f32.msk $0xffff, v0  }
0x191: {  	v0 =	vld [tilespmem:s0+$0xF278];
	_ =	sdelay $0x4  }
0x192: {  	[tilespmem:s4+$0xF278] =	vst.add.f32.msk $0xffff, v0  }
0x193: {  	v0 =	vld [tilespmem:s0+$0xF288];
	_ =	sdelay $0x4  }
0x194: {  	[tilespmem:s4+$0xF288] =	vst.add.f32.msk $0xffff, v0  }
0x195: {  	v0 =	vld [tilespmem:s0+$0xF298];
	_ =	sdelay $0x4  }
0x196: {  	[tilespmem:s4+$0xF298] =	vst.add.f32.msk $0xffff, v0  }
0x197: {  	v0 =	vld [tilespmem:s0+$0xF2A8]  }
.Ltmp24:
0x198: {  	_ = 	snop;
	(pc) =	sbr.rel .LBB2_31-.Ltmp24, $2  }
0x199: {  	_ =	sdelay $0x2  }
0x19a: {  	[tilespmem:s4+$0xF2A8] =	vst.add.f32.msk $0xffff, v0  }
.LBB2_32:
0x19b: {  	p0 =	slt.s32 s2, $0x1  }
.Ltmp25:
0x19c: {  	_ = 	snop;
	(pc) =	sbr.rel @p0 .LBB2_36-.Ltmp25, $3  }
0x19d: {  	_ =	sdelay $0x1  }
0x19e: {  	s0 =	simm.s32 $0x6  }
0x19f: {  	s3 =	simm.s32 $0x0;
	[sflag:s0] =	ssyncpa.u1 $0x1  }
0x1a0: {  	s0 =	simm.s32 $0xF218  }
0x1a1: {  	v0 =	vld.msk [tilespmem:s0+$0x0], $0x1;
	_ =	sdelay $0x4  }
0x1a2: {  	(v2sf) =	vpush v0, $0x0;
	_ =	sdelay $0xd  }
0x1a3: {  	s2 =	sadd.s32 $0xFFFFFFFF, s2  }
0x1a4: {  	p1 =	sne.s32 s2, $0x0;
	s0 =	spop (v2sf)  }
.Ltmp26:
0x1a5: {  	p0 =	sgt.u32 s0, $0xC34F0;
	(pc) =	sbr.rel @!p1 .LBB2_35-.Ltmp26, $4  }
0x1a6: {  	s4 =	simm.s32 $0xF238;
	s5 =	sand.u32 @!p0 $0xFFFF8, s0  }
0x1a7: {  	s6 =	simm.s32 $0x0;
	s0 =	sand.u32 @!p0 $0x7, s0;
	s5 =	sadd.s32 @!p0 s1, s5  }
0x1a8: {  	[hbm4b:s5+s0] =	stream.linear.scatter @!p0 [tilespmem:s4], [sflag:$0x5], $0x80, $0x38;
	[tilespmem:$0x1F6E8] =	vst v63  }
0x1a9: {  	s6 =	simm.s32 @!p0 $0x200;
	s5 =	simm.s32 $0xF219  }
.LBB2_34:
0x1aa: {  	v0 =	vld.msk [tilespmem:s5+$0x0], $0x1;
	s2 =	sadd.s32 $0xFFFFFFFF, s2;
	s3 =	sadd.s32 s3, s6  }
0x1ab: {  	p0 =	sne.s32 s2, $0x0;
	_ =	sdelay $0x3  }
0x1ac: {  	(v2sf) =	vpush v0, $0x0;
	_ =	sdelay $0xe  }
.Ltmp27:
0x1ad: {  	s0 =	spop (v2sf);
	(pc) =	sbr.rel @p0 .LBB2_34-.Ltmp27, $4  }
0x1ae: {  	s6 =	simm.s32 $0x0;
	p1 =	sgt.u32 s0, $0xC34F0  }
0x1af: {  	s4 =	sadd.s32 $0x80, s4;
	s6 =	simm.s32 @!p1 $0x200;
	s7 =	sand.u32 @!p1 $0xFFFF8, s0  }
0x1b0: {  	s5 =	sadd.s32 $0x1, s5;
	s0 =	sand.u32 @!p1 $0x7, s0;
	s7 =	sadd.s32 @!p1 s1, s7  }
0x1b1: {  	[hbm4b:s7+s0] =	stream.linear.scatter @!p1 [tilespmem:s4], [sflag:$0x5], $0x80, $0x38;
	[tilespmem:$0x1F6E8] =	vst v63  }
.LBB2_35:
0x1b2: {  	s0 =	sadd.s32 s3, s6  }
0x1b3: {  	s3 =	sshrl.u32 s0, $0x2  }
.LBB2_36:
0x1b4: {  	s0 =	simm.s32 $0x5  }
0x1b5: {  	_ =	swait.ge [sflag:s0], s3  }
0x1b6: {  	s1 =	ssub.s32 $0x0, s3;
	[sflag:s0] =	ssyncset.done $0x0  }
0x1b7: {  	[sflag:s0] =	ssyncadd.s32 s1  }
0x1b8: {  	[sflag:s0] =	ssyncpa.u1 $0x1  }
0x1b9: {  	s30 =	simm.s32 $0x1;
	_ =	sfence  }
0x1ba: {  	[sflag:s30] =	ssyncpa.u1 $0x1  }
0x1bb: {  	_ =	strace $0x90000074  }
0x1bc: {  	[bflag:$0x2] =	sbarrier.arrive $0xFFFF  }
0x1bd: {  	s31 =	rddreg [dreg:$0x2]  }
0x1be: {  	s0 =	sadd.s32 $0x100000, s31  }
0x1bf: {  	[sflag:s0] =	ssyncadd.tile.s32 $0x1;
	_ =	shalt  }
.Lfunc_end2:
_tile_overlayer_lowered:
.L_overlay_start_2:
0x1c0: {  	(tag) =	ssettag $0x2  }
0x1c1: {  	s0 =	rddreg [dreg:$0x0];
	s2 =	stileid.u32  }
0x1c2: {  	s1 =	rddreg [dreg:$0x1];
	p0 =	sne.s32 s2, $0x0  }
0x1c3: {  	s3 =	rddreg [dreg:$0x2];
	[bflag:$0x3] =	sbarrier.arrive $0xFFFF;
	s2 =	simm.s32 @!p0 $0x1C01  }
0x1c4: {  	[timem:s3], [sflag:s2] =	dma.local @!p0 [hbm:s0], s1  }
0x1c5: {  	s0 =	simm.s32 @!p0 $0x1  }
0x1c6: {  	_ =	swait.ge @!p0 [sflag:s0], s1  }
0x1c7: {  	s1 =	ssub.s32 @!p0 $0x0, s1;
	[sflag:s0] =	ssyncset.done @!p0 $0x0  }
0x1c8: {  	[sflag:s0] =	ssyncadd.s32 @!p0 s1  }
0x1c9: {  	[bflag:$0x3] =	sbarrier.arrive $0xFFFF  }
0x1ca: {  	_ =	shalt  }

// kernel: scatter_offload_async_start.1
scs
__scs_entry_jumppad:
0x0: {  	(pc) =	sbr.rel $0x88, $3  }
0x1: {  	(tag) =	ssettag $0x0;
	lr =	simm.s32 $0x1  }
0x2: {  	[smem:$0x3F9C] =	sst lr;
	_ =	strace $0xD0000000  }
0x3: {  	_ = 	snop  }
0x4: {  	_ = 	snop  }
0x5: {  	_ = 	snop  }
0x6: {  	_ = 	snop  }
0x7: {  	_ = 	snop  }
__scs_overlays_trampoline_lowered:
0x8: {  	[smem:$0x3FAB] =	sst s0  }
0x9: {  	[smem:$0x3FAC] =	sst s1  }
0xa: {  	[smem:$0x3FAD] =	sst s2  }
0xb: {  	[smem:$0x3FAE] =	sst s3  }
0xc: {  	[smem:$0x3FAF] =	sst s4  }
0xd: {  	[smem:$0x3FB0] =	sst s5  }
0xe: {  	[smem:$0x3FB1] =	sst s6  }
0xf: {  	[smem:$0x3FB2] =	sst s7  }
0x10: {  	[smem:$0x3FB3] =	sst s8  }
0x11: {  	[smem:$0x3FB4] =	sst s9;
	s0 =	simm.s32 @!p0 $0x0  }
0x12: {  	s1 =	sld [smem:$0x3F9A];
	s0 =	simm.s32 @p0 $0x1  }
0x13: {  	[smem:$0x3FB5] =	sst s0;
	s0 =	simm.s32 @!p1 $0x0  }
0x14: {  	s2 =	sld [smem:$0x3F99];
	s0 =	simm.s32 @p1 $0x1  }
0x15: {  	[smem:$0x3FB6] =	sst s0;
	s0 =	simm.s32 @!p2 $0x0  }
0x16: {  	s3 =	sld [smem:$0x3FDB];
	s0 =	simm.s32 @p2 $0x1  }
0x17: {  	s4 =	simm.s32 $0x1BF5;
	[smem:$0x3FB8] =	sst s0  }
0x18: {  	s0 =	sld [smem:$0x3F9B];
	_ =	swait.ge [sflag:s4], $0x0  }
0x19: {  	s7 =	sld [smem:$0x3F9C]  }
0x1a: {  	s8 =	sadd.s32 $0xFFFFE003, lr  }
0x1b: {  	s9 =	sadd.s32 $0xFFFFFEF7, lr;
	s5 =	simm.s32 $0xFFFFFFFF;
	p2 =	slt.u32 s8, $0xFFFFF086  }
0x1c: {  	p1 =	slt.u32 s9, $0xF7A;
	s5 =	simm.s32 @!p2 $0x0  }
0x1d: {  	s5 =	simm.s32 @p1 $0x1;
	p0 =	seq.s32 s7, s2  }
0x1e: {  	s7 =	smul.u32 @!p0 $0xF7A, s2;
	p2 =	seq.s32 @!p0 s5, $0x0  }
0x1f: {  	s9 =	smul.u32 $0xF7A, s1;
	s8 =	simm.s32 @!p0 $0x1BF5;
	p2 =	por !p2, p0  }
0x20: {  	[sflag:s8] =	ssyncset.s32 @!p0 $0xFFFFF086;
	s6 =	sadd.s32 @!p0 s3, s7;
	s7 =	simm.s32 @!p0 $0x108  }
0x21: {  	s3 =	sadd.s32 s3, s9;
	s6 =	sadd.s32 @!p0 $0x88, s6;
	s7 =	simm.s32 @p2 $0x1082  }
0x22: {  	[simem:s7], [sflag:s8] =	dma.local @!p0 [hbm:s6], $0xF7A  }
0x23: {  	s9 =	sor.u32 $0xD0000000, s2;
	s6 =	simm.s32 $0x108;
	_ =	swait.ge @!p0 [sflag:s8], $0x0  }
0x24: {  	s3 =	sadd.s32 $0x88, s3;
	s6 =	simm.s32 @!p1 $0x1082;
	[sflag:s4] =	ssyncset.s32 $0xFFFFF086  }
0x25: {  	[simem:s6], [sflag:s4] =	dma.local [hbm:s3], $0xF7A  }
0x26: {  	[smem:$0x3F9C] =	sst s1;
	(tag) =	ssettag s2;
	_ =	strace s9  }
0x27: {  	s1 =	sld [smem:$0x3FAC]  }
0x28: {  	s2 =	sld [smem:$0x3FAD]  }
0x29: {  	s4 =	sld [smem:$0x3FAF]  }
0x2a: {  	p0 =	seq.s32 s5, $0x0;
	s5 =	sld [smem:$0x3FB0]  }
0x2b: {  	s6 =	sld [smem:$0x3FB1]  }
0x2c: {  	s7 =	sld [smem:$0x3FB2]  }
0x2d: {  	s3 =	simm.s32 $0x108;
	s8 =	sld [smem:$0x3FB3]  }
0x2e: {  	s3 =	simm.s32 @!p0 $0x1082;
	s9 =	sld [smem:$0x3FB4]  }
0x2f: {  	lr =	sadd.s32 s0, s3;
	s0 =	sld [smem:$0x3FAB]  }
0x30: {  	s3 =	sld [smem:$0x3FAE]  }
0x31: {  	[smem:$0x3FB7] =	sst s10  }
0x32: {  	s10 =	sld [smem:$0x3FB5];
	_ =	sdelay $0x3  }
0x33: {  	p0 =	seq.s32 s10, $0x1;
	s10 =	sld [smem:$0x3FB7];
	_ =	sdelay $0x3  }
0x34: {  	[smem:$0x3FB7] =	sst s10  }
0x35: {  	s10 =	sld [smem:$0x3FB6];
	_ =	sdelay $0x3  }
0x36: {  	p1 =	seq.s32 s10, $0x1;
	s10 =	sld [smem:$0x3FB7];
	_ =	sdelay $0x3  }
0x37: {  	[smem:$0x3FB7] =	sst s10  }
0x38: {  	s10 =	sld [smem:$0x3FB8]  }
0x39: {  	_ = 	snop;
	(pc) =	sbr.ind lr, $3  }
0x3a: {  	_ = 	snop  }
0x3b: {  	_ = 	snop  }
0x3c: {  	p2 =	seq.s32 s10, $0x1;
	s10 =	sld [smem:$0x3FB7]  }
0x3d: {  	_ =	shalt  }
0x3e: {  	_ =	shalt  }
0x3f: {  	_ =	shalt  }
0x40: {  	_ =	shalt  }
0x41: {  	_ =	shalt  }
0x42: {  	_ =	shalt  }
0x43: {  	_ =	shalt  }
0x44: {  	_ =	shalt  }
0x45: {  	_ =	shalt  }
0x46: {  	_ =	shalt  }
0x47: {  	_ =	shalt  }
0x48: {  	_ =	shalt  }
0x49: {  	_ =	shalt  }
0x4a: {  	_ =	shalt  }
0x4b: {  	_ =	shalt  }
0x4c: {  	_ =	shalt  }
0x4d: {  	_ =	shalt  }
0x4e: {  	_ =	shalt  }
0x4f: {  	_ =	shalt  }
0x50: {  	_ =	shalt  }
0x51: {  	_ =	shalt  }
0x52: {  	_ =	shalt  }
0x53: {  	_ =	shalt  }
0x54: {  	_ =	shalt  }
0x55: {  	_ =	shalt  }
0x56: {  	_ =	shalt  }
0x57: {  	_ =	shalt  }
0x58: {  	_ =	shalt  }
0x59: {  	_ =	shalt  }
0x5a: {  	_ =	shalt  }
0x5b: {  	_ =	shalt  }
0x5c: {  	_ =	shalt  }
0x5d: {  	_ =	shalt  }
0x5e: {  	_ =	shalt  }
0x5f: {  	_ =	shalt  }
0x60: {  	_ =	shalt  }
0x61: {  	_ =	shalt  }
0x62: {  	_ =	shalt  }
0x63: {  	_ =	shalt  }
0x64: {  	_ =	shalt  }
0x65: {  	_ =	shalt  }
0x66: {  	_ =	shalt  }
0x67: {  	_ =	shalt  }
0x68: {  	_ =	shalt  }
0x69: {  	_ =	shalt  }
0x6a: {  	_ =	shalt  }
0x6b: {  	_ =	shalt  }
0x6c: {  	_ =	shalt  }
0x6d: {  	_ =	shalt  }
0x6e: {  	_ =	shalt  }
0x6f: {  	_ =	shalt  }
0x70: {  	_ =	shalt  }
0x71: {  	_ =	shalt  }
0x72: {  	_ =	shalt  }
0x73: {  	_ =	shalt  }
0x74: {  	_ =	shalt  }
0x75: {  	_ =	shalt  }
0x76: {  	_ =	shalt  }
0x77: {  	_ =	shalt  }
0x78: {  	_ =	shalt  }
0x79: {  	_ =	shalt  }
0x7a: {  	_ =	shalt  }
0x7b: {  	_ =	shalt  }
0x7c: {  	_ =	shalt  }
0x7d: {  	_ =	shalt  }
0x7e: {  	_ =	shalt  }
0x7f: {  	_ =	shalt  }
0x80: {  	_ =	shalt  }
0x81: {  	_ =	shalt  }
0x82: {  	_ =	shalt  }
0x83: {  	_ =	shalt  }
0x84: {  	_ =	shalt  }
0x85: {  	_ =	shalt  }
0x86: {  	_ =	shalt  }
0x87: {  	_ =	shalt  }
.Lfunc_end0:
.L_simem_size_0:
called_computation.1_lowered:
.L_overlay_start_0:
0x88: {  	s0 =	sld [smem:$0x3FD9]  }
0x89: {  	s1 =	sld [smem:$0x3FFE];
	_ =	sdelay $0x3  }
0x8a: {  	s0 =	sadd.s32 s1, s0  }
0x8b: {  	[smem:$0x3FC3] =	sst s0  }
0x8c: {  	_ = 	snop  }
0x8d: {  	(tm) =	ssettm $0x1  }
0x8e: {  	s15 =	sld [smem:$0x3FFB];
	_ =	sdelay $0x3  }
0x8f: {  	_ =	strace s15  }
0x90: {  	s0 =	sld [smem:$0x3FFC];
	_ =	sdelay $0x3  }
0x91: {  	_ =	strace s0  }
0x92: {  	s0 =	sld [smem:$0x3FFD];
	_ =	sdelay $0x3  }
0x93: {  	_ =	strace s0  }
0x94: {  	_ =	strace $0x8FFFFFFF  }
0x95: {  	s16 =	sld [smem:$0x3FDB];
	_ =	sdelay $0x1  }
0x96: {  	s17 =	simm.s32 $_scs_section_size  }
0x97: {  	s2 =	simm.s32 $_size__tile_overlayer_lowered;
	s3 =	simm.s32 $_tile_overlayer_lowered  }
0x98: {  	s20 =	simm.s32 $0x1BFF;
	s19 =	sshll.u32 s3, $0x1;
	s0 =	sadd.s32 s17, s16  }
0x99: {  	s4 =	simm.s32 $0x0;
	s18 =	sshll.u32 s2, $0x1;
	s2 =	sadd.s32 s19, s0  }
0x9a: {  	[timem:s4], [sflag:s20] =	dma.local [hbm:s2], s18  }
0x9b: {  	_ =	swait.ge [sflag:s20], s18  }
0x9c: {  	s1 =	ssub.s32 $0x0, s18;
	[sflag:s20] =	ssyncset.done $0x0  }
0x9d: {  	[sflag:s20] =	ssyncadd.s32 s1;
	_ =	sdelay $0x1  }
0x9e: {  	s21 =	simm.s32 $0x1B8B  }
0x9f: {  	_ =	swait.ge [sflag:s21], $0x1  }
0xa0: {  	[sflag:s21] =	ssyncset.done $0x0  }
0xa1: {  	s23 =	simm.s32 $0x1B8E;
	s22 =	sld [smem:$0x3FFE];
	[sflag:s21] =	ssyncadd.s32 $0xFFFFFFFF  }
0xa2: {  	s24 =	simm.s32 $execute0_lowered;
	[smem:$0x3FD2] =	sst s23  }
0xa3: {  	s2 =	sshll.u32 s24, $0x1;
	_ =	strace $0x8000004C;
	[dreg:$0x1] =	wrdreg $0xFFFFFFFF  }
0xa4: {  	s25 =	simm.s32 $_size_execute0_lowered;
	s0 =	sadd.s32 s0, s2;
	[dreg:$0x0] =	wrdreg $0x0  }
0xa5: {  	s2 =	sshll.u32 s25, $0x1;
	[dreg:$0x2] =	wrdreg s0  }
0xa6: {  	[dreg:$0x3] =	wrdreg s2  }
0xa7: {  	[dreg:$0x4] =	wrdreg $0xC0  }
0xa8: {  	_ =	task [dreg:s4], $0x5FFFF  }
0xa9: {  	[dreg:$0x1] =	wrdreg $0xFFFFFFFF  }
0xaa: {  	[dreg:$0x0] =	wrdreg $0x60  }
0xab: {  	[dreg:$0x2] =	wrdreg s22  }
0xac: {  	[dreg:$0x3] =	wrdreg $0x9  }
0xad: {  	_ =	task.clear_ibuf [dreg:s4], $0x4FFFF;
	_ =	strace $0x9000004C  }
0xae: {  	s26 =	simm.s32 $0x9;
	_ =	strace $0x8000004E  }
0xaf: {  	_ =	swait.ge [sflag:s26], $0x1  }
0xb0: {  	[sflag:s26] =	ssyncadd.s32 $0xFFFFFFFF  }
0xb1: {  	_ =	strace $0x9000004E  }
0xb2: {  	_ =	sfence  }
0xb3: {  	s28 =	sld [smem:$0x0];
	_ =	sdelay $0x1  }
0xb4: {  	s29 =	srdreg.scid  }
0xb5: {  	s30 =	sshll.u32 s29, $0xD;
	s31 =	sshrl.u32 s29, $0x2  }
0xb6: {  	s1 =	sand.u32 $0x1, s29;
	s2 =	sand.u32 $0x4000, s30;
	s0 =	sadd.s32 s31, s28  }
0xb7: {  	s1 =	sor.u32 s2, s1;
	s0 =	sshll.u32 s0, $0x11  }
0xb8: {  	s0 =	sor.u32 s0, s1  }
0xb9: {  	s0 =	sadd.s32 $0x8F2B, s0  }
0xba: {  	[sflag:s0] =	ssyncadd.remote.s32 $0x1  }
0xbb: {  	_ =	sfence.sel $0xFFFF  }
0xbc: {  	[dreg:$0x0] =	wrdreg $0xFFFFFFFF;
	(pc) =	sbr.abs _section_cstart, $3  }
0xbd: {  	[dreg:$0x1] =	wrdreg $0xFFFFFFFF  }
0xbe: {  	_ =	task.clear_ibuf [dreg:s4], $0x2FFFF;
	_ =	strace $0x9FFFFFFF  }
0xbf: {  	(tm) =	ssettm $0x7FFFFFFF  }
tec
execute0_lowered:
.L_overlay_start_1:
0x0: {  	(tag) =	ssettag $0x1  }
0x1: {  	s0 =	rddreg [dreg:$0x0]  }
0x2: {  	s11 =	stileid.u32;
	_ =	strace $0x8000004D;
	s2 =	simm.s32 $0x1  }
0x3: {  	v1 =	vimm.s32 $0xFFFFFFFF;
	s1 =	smul.u32 $0x3, s11;
	[sflag:s2] =	ssyncpa.u1 $0x0  }
0x4: {  	s3 =	smin.u32 s11, $0x2;
	[tilespmem:$0x10] =	vst v1  }
0x5: {  	v0 =	vimm.f32 $+Inf;
	[tilespmem:$0x20] =	vst v1;
	s1 =	sadd.s32 s3, s1  }
0x6: {  	p0 =	slt.u32 s11, $0x2;
	[tilespmem:$0x30] =	vst v0;
	s3 =	smul.u32 $0x1130, s1;
	s1 =	simm.s32 $0x44C0  }
0x7: {  	[tilespmem:$0x40] =	vst v0;
	s1 =	simm.s32 @!p0 $0x3390  }
0x8: {  	[tilespmem:$0x50] =	vst v0;
	s1 =	sadd.s32 s1, s3  }
0x9: {  	s7 =	simm.s32 $0x2;
	[tilespmem:$0x60] =	vst v1;
	s4 =	smin.u32 s1, $0x35B60  }
0xa: {  	s8 =	simm.s32 $0x8;
	s29 =	simm.s32 $0x9;
	[tilespmem:$0x70] =	vst v1;
	s6 =	ssub.s32 s4, s3  }
0xb: {  	s16 =	simm.s32 $0x0;
	s17 =	simm.s32 $0xF0;
	[tilespmem:$0x80] =	vst v1;
	p0 =	sgt.s32 s6, $0x0  }
0xc: {  	s18 =	simm.s32 $0xFFFFFFFF;
	s19 =	simm.s32 $0xFFFFDEA0;
	v1 =	vimm.s32 $0x0;
	[tilespmem:$0xB0] =	vst v0;
	s6 =	simm.s32 @!p0 $0x0  }
0xd: {  	s20 =	simm.s32 $0xFFFFFFFE;
	s21 =	simm.s32 $0xF;
	[tilespmem:$0x90] =	vst v1;
	s5 =	smulhi.u32 $0x77280773, s6  }
0xe: {  	s25 =	simm.s32 $0x0;
	[tilespmem:$0xA0] =	vst v1;
	[sflag:s7] =	ssyncpa.u1 $0x0;
	s7 =	simm.s32 $0x7  }
0xf: {  	s24 =	simm.s32 $0x0;
	[sflag:s7] =	ssyncpa.u1 $0x0;
	s9 =	sshrl.u32 s5, $0xB  }
0x10: {  	s14 =	sshllo.u32 s11, $0x1;
	[sflag:s8] =	ssyncpa.u1 $0x0;
	s10 =	smul.u32 $0x1130, s9  }
0x11: {  	[sflag:s29] =	ssyncpa.u1 $0x0;
	s23 =	smov.u32 s3;
	s1 =	sadd.s32 $0x1C00, s0  }
.Ltmp0:
0x12: {  	s5 =	sadd.s32 $0x2E400, s0;
	p0 =	sne.s32 s6, s10;
	(pc) =	sbr.rel .LBB2_1-.Ltmp0, $4  }
0x13: {  	s0 =	sadd.s32 $0x35000, s0;
	s10 =	sshll.u32 s11, $0x1;
	s2 =	simm.s32 @!p0 $0x0  }
0x14: {  	[dreg:$0x2] =	wrdreg s0;
	s31 =	sor.u32 $0x81, s10;
	s9 =	sadd.s32 s2, s9  }
0x15: {  	vm0 =	vmmov $0xffff;
	v2 =	vlaneseq.u32;
	vm1 =	vmxor vm1, vm1;
	s15 =	sor.u32 $0x80, s10;
	[dreg:$0x4] =	wrdreg s31;
	s30 =	sadd.s32 $0x1, s9  }
0x16: {  	vm2 =	vmmov $0x1;
	v3 =	vimm.f32 $0.0e+00;
	vm3 =	vcmask $0x3F3C;
	p0 =	por $0x0, $0x0;
	s12 =	sadd.s32 $0x2, s9;
	[dreg:$0x3] =	wrdreg s30  }
.LBB2_9:
0x17: {  	p1 =	slt.u32 s24, $0x3  }
0x18: {  	s0 =	simm.s32 @!p1 $0x2  }
0x19: {  	_ =	swait.ge @!p1 [sflag:s0], $0x1130  }
0x1a: {  	[sflag:s0] =	ssyncset.done @!p1 $0x0  }
0x1b: {  	[sflag:s0] =	ssyncadd.s32 @!p1 $0xFFFFEED0;
	s0 =	simm.s32 @!p1 $0x9  }
0x1c: {  	_ =	swait.ge @!p1 [sflag:s0], $0x10  }
0x1d: {  	[sflag:s0] =	ssyncset.done @!p1 $0x0  }
0x1e: {  	[sflag:s0] =	ssyncadd.s32 @!p1 $0xFFFFFFF0;
	p1 =	sne.s32 s24, s12  }
.Ltmp1:
0x1f: {  	s2 =	sadd.s32 $0x1130, s23;
	(pc) =	sbr.rel @!p1 .LBB2_10-.Ltmp1, $4  }
0x20: {  	s6 =	smov.u32 s3;
	s31 =	sadd.s32 $0x1, s24;
	s17 =	sadd.s32 $0x1130, s17  }
0x21: {  	s18 =	sadd.s32 $0x1, s18;
	s25 =	smov.u32 s23;
	p2 =	slt.s32 s2, s4  }
0x22: {  	p0 =	por !p0, !p0;
	s19 =	sadd.s32 $0x1130, s19;
	s6 =	smov.u32 @p2 s2  }
0x23: {  	s20 =	sadd.s32 $0x1, s20;
	s23 =	smov.u32 s6;
	s24 =	smov.u32 s31  }
.LBB2_1:
0x24: {  	p1 =	sge.u32 s24, s9  }
0x25: {  	s0 =	smulhi.u32 @!p1 $0xAAAAAAAB, s24;
	_ =	sdelay $0x1  }
0x26: {  	s0 =	sshrl.u32 @!p1 s0, $0x1  }
0x27: {  	s0 =	smul.u32 @!p1 $0x3, s0;
	_ =	sdelay $0x1  }
0x28: {  	s0 =	ssub.s32 @!p1 s24, s0  }
0x29: {  	s0 =	smul.u32 @!p1 $0x44C0, s0;
	_ =	sdelay $0x1  }
0x2a: {  	s2 =	sshrl.u32 @!p1 s23, $0x3;
	s0 =	sshrl.u32 @!p1 s0, $0x2  }
0x2b: {  	s6 =	sand.u32 @!p1 $0x7, s23;
	s2 =	sadd.s32 @!p1 s5, s2;
	s0 =	sadd.s32 @!p1 $0x100, s0  }
0x2c: {  	[tilespmem:s0], [sflag:$0x7] =	stream.linear.gather @!p1 [hbm4b:s2+s6], $0x1130, $0x38;
	[tilespmem:$0x9BD0] =	vst v63  }
0x2d: {  	s0 =	sadd.s32 $0xFFFFFFFF, s24  }
0x2e: {  	p1 =	sge.u32 s0, s9  }
.Ltmp2:
0x2f: {  	_ = 	snop;
	(pc) =	sbr.rel @p1 .LBB2_5-.Ltmp2, $1  }
0x30: {  	_ =	sdelay $0x3  }
0x31: {  	s2 =	smulhi.u32 $0xAAAAAAAB, s0;
	_ =	sdelay $0x1  }
0x32: {  	s2 =	sshrl.u32 s2, $0x1  }
0x33: {  	s2 =	smul.u32 $0x3, s2;
	_ =	sdelay $0x1  }
0x34: {  	s2 =	ssub.s32 s0, s2  }
0x35: {  	s2 =	smul.u32 $0x44C0, s2  }
0x36: {  	_ =	swait.ge [sflag:s7], $0x1130  }
0x37: {  	[sflag:s7] =	ssyncset.done $0x0;
	s2 =	sshrl.u32 s2, $0x2  }
0x38: {  	[sflag:s7] =	ssyncadd.s32 $0xFFFFEED0;
	(ifvalue) =	ssetifvalue $0xFFFFFFFF;
	v4 =	vld.msk [tilespmem:s2+$0x100 ss:$0x1], $0xffff;
	_ =	sdelay $0x2  }
0x39: {  	s29 =	smulhi.u32 $0xAAAAAAAB, s18;
	p1 =	sne.s32 s24, $0x1  }
0x3a: {  	v5 =	vimm.s32 @!p1 $0x0  }
0x3b: {  	s2 =	sshrl.u32 s29, $0x1;
	v5 =	vperm.xlane @!p1 v4, v5  }
0x3c: {  	s6 =	sshll.u32 s24, $0x4;
	s2 =	smul.u32 $0xFFFF31C0, s2;
	vm4 =	vlt.u32 v4, $0x2800  }
0x3d: {  	s6 =	sand.u32 $0x10, s6;
	v4 =	vnsel vm4, $0xFFFFFFFE, v4;
	vm4 =	vlt.u32 @!p1 v5, $0x2800  }
0x3e: {  	s2 =	sshra.s32 s2, $0x2;
	[tilespmem:s6+$0x60] =	vst v4;
	v4 =	vnsel @!p1 vm4, $0xFFFFFFFE, v5  }
0x3f: {  	s30 =	sadd.s32 s2, s17;
	[tilespmem:$0x80] =	vst @!p1 v4  }
0x40: {  	v4 =	vld.msk [tilespmem:s30+$0x0 ss:$0x1], $0xffff;
	_ =	sdelay $0x4  }
0x41: {  	(xrf1) =	vunique.msk.u32 $0xffff, v4;
	_ =	sdelay $0xd  }
0x42: {  	v5 =	vimm.s32 $0xFFFFFFFF;
	v6, _, _ =	vpop (xrf1)  }
0x43: {  	vm5 =	vne.s32 v4, v5;
	vm4 =	veq.s32 v6, v2  }
0x44: {  	vm6 =	vlt.u32 v4, $0x2800;
	vm4 =	vmand vm5, vm4  }
0x45: {  	vm4 =	vmand vm6, vm4  }
0x46: {  	v5 =	vnsel vm4, $0xFFFFFFFF, v4  }
0x47: {  	s31 =	sand.u32 $0x1, s0  }
0x48: {  	s26 =	simm.s32 $0x1130;
	p1 =	seq.s32 s31, $0x1  }
0x49: {  	s26 =	simm.s32 @!p1 $0x0  }
0x4a: {  	s28 =	sadd.s32 $0x45B0, s26;
	(ifvalue) =	ssetifvalue $0xFFFFFFFF  }
0x4b: {  	v4 =	vperm.xlane v4, v1;
	[tilespmem:s28], [sflag:$0x8] =	stream.indirect_vreg.gather [hbm4b:s1+s16], $0x1, v5, vm0, $0x4038;
	v5 =	vnsel vm6, $0xFFFFFFFE, v5;
	[tilespmem:$0x9BD0] =	vst v63  }
0x4c: {  	s0 =	simm.s32 $0x0;
	s2 =	sadd.s32 $0xFFFFFFF0, s30;
	[tilespmem:s30+$0x0] =	vst v5  }
.LBB2_3:
0x4d: {  	v5 =	vld.msk [tilespmem:s2+$0x0 ss:$0x1], $0xffff;
	s0 =	sadd.s32 $0x10, s0;
	v6 =	vmov v4;
	s6 =	smov.u32 s2  }
0x4e: {  	p1 =	slt.u32 s0, $0x1120;
	_ =	sdelay $0x4  }
0x4f: {  	v4 =	vperm.xlane v5, v1;
	(xrf1) =	vunique.msk.u32 $0xffff, v5;
	_ =	sdelay $0xd  }
0x50: {  	v7, _, _ =	vpop (xrf1)  }
0x51: {  	vm5 =	vne.s32 v5, v6;
	vm4 =	veq.s32 v7, v2  }
0x52: {  	vm6 =	vlt.u32 v5, $0x2800;
	vm4 =	vmand vm5, vm4  }
0x53: {  	vm4 =	vmand vm6, vm4  }
0x54: {  	v5 =	vnsel vm4, $0xFFFFFFFF, v5  }
.Ltmp3:
0x55: {  	v6 =	vnsel vm6, $0xFFFFFFFE, v5;
	(pc) =	sbr.rel @p1 .LBB2_3-.Ltmp3, $3  }
0x56: {  	_ =	sdelay $0x1  }
0x57: {  	s2 =	sadd.s32 $0xFFFFFFF0, s2;
	s28 =	sadd.s32 $0xFFFFFFF0, s28;
	(ifvalue) =	ssetifvalue $0xFFFFFFFF  }
0x58: {  	[tilespmem:s28], [sflag:$0x8] =	stream.indirect_vreg.gather [hbm4b:s1+s16], $0x1, v5, vm0, $0x4038;
	[tilespmem:s6+$0x0] =	vst v6  }
0x59: {  	s0 =	sshrl.u32 s25, $0x3;
	s2 =	rddreg [dreg:$0x2]  }
0x5a: {  	s31 =	sadd.s32 $0x56F0, s26;
	s0 =	sadd.s32 s2, s0  }
0x5b: {  	[tilespmem:s31], [sflag:$0x8] =	stream.linear.gather [hbm:s0], $0x1130, $0x38;
	[tilespmem:$0x9BD0] =	vst v63  }
.LBB2_5:
0x5c: {  	p1 =	slt.u32 s24, $0x2  }
0x5d: {  	p2 =	sge.u32 @!p1 s24, s12  }
0x5e: {  	p1 =	por p1, p2  }
.Ltmp4:
0x5f: {  	_ = 	snop;
	(pc) =	sbr.rel @p1 .LBB2_9-.Ltmp4, $1  }
0x60: {  	_ =	sdelay $0x3  }
0x61: {  	s0 =	sadd.s32 $0xFFFFFFFE, s24  }
0x62: {  	s2 =	smulhi.u32 $0xAAAAAAAB, s0;
	_ =	sdelay $0x1  }
0x63: {  	s2 =	sshrl.u32 s2, $0x1  }
0x64: {  	s2 =	smul.u32 $0x3, s2;
	_ =	sdelay $0x1  }
0x65: {  	_ =	swait.ge [sflag:s8], $0x2260;
	s0 =	ssub.s32 s0, s2  }
0x66: {  	s6 =	rddreg [dreg:$0x3];
	s0 =	smul.u32 $0x1130, s0  }
0x67: {  	[sflag:s8] =	ssyncset.done $0x0;
	p1 =	sne.s32 s24, s6  }
0x68: {  	[sflag:s8] =	ssyncadd.s32 $0xFFFFDDA0;
	s6 =	rddreg [dreg:$0x4];
	s2 =	sadd.s32 @!p1 $0x122F, s0  }
0x69: {  	[spmem:s6] =	stream.linear.scatter @!p1 [tilespmem:s2], [sflag:$0x1], $0x1, $0x38;
	[tilespmem:$0x9BD0] =	vst v63  }
0x6a: {  	s2 =	simm.s32 @!p1 $0x1  }
0x6b: {  	_ =	swait.ge @!p1 [sflag:s2], $0x1  }
0x6c: {  	s11 =	sshll.u32 s24, $0x4;
	[sflag:s2] =	ssyncset.done @!p1 $0x0  }
0x6d: {  	s25 =	sand.u32 $0x10, s11;
	[sflag:s2] =	ssyncadd.s32 @!p1 $0xFFFFFFFF  }
0x6e: {  	s2 =	sxor.u32 $0x10, s25;
	v5 =	vld [tilespmem:s25+$0x10]  }
0x6f: {  	v6 =	vld [tilespmem:s2+$0x60]  }
0x70: {  	v4 =	vld [tilespmem:$0x80];
	_ =	sdelay $0x2  }
0x71: {  	(v2sf) =	vpush v5, $0x0  }
0x72: {  	(v2sf) =	vpush v6, $0x0  }
0x73: {  	(v2sf) =	vpush v4, $0x0;
	_ =	sdelay $0xc  }
0x74: {  	s13 =	spop (v2sf)  }
0x75: {  	s22 =	spop (v2sf)  }
0x76: {  	s26 =	spop (v2sf)  }
0x77: {  	p2 =	seq.s32 s13, s22;
	p3 =	seq.s32 s26, s13  }
0x78: {  	p3 =	por p2, p3  }
0x79: {  	s22 =	sand.u32 $0x1, s24;
	v5 =	vpsel p3, $0xFFFFFFFF, v5  }
0x7a: {  	s28 =	smul.u32 $0x1130, s22;
	[tilespmem:s25+$0x10] =	vst.msk $0x1, v5  }
0x7b: {  	v5 =	vld [tilespmem:$0x30]  }
0x7c: {  	v6 =	vld [tilespmem:s28+$0x56F0]  }
0x7d: {  	v7 =	vld [tilespmem:s25+$0x40];
	_ =	sdelay $0x2  }
0x7e: {  	vm4 =	vmmov vm1  }
0x7f: {  	vm5 =	vmmov vm2;
	vm4 =	vmmov @p2 vm2;
	v6 =	vmin.f32 v5, v6  }
0x80: {  	s6 =	sshll.u32 s22, $0x4;
	vm5 =	vmmov @p3 vm1;
	v5 =	vmin.f32 v5, v7;
	[tilespmem:s28+$0x56F0] =	vst.msk vm4, v6  }
0x81: {  	[tilespmem:s6+$0x9BB0] =	vst.msk vm5, v5  }
0x82: {  	v5 =	vld [tilespmem:s28+$0x45B0];
	_ =	sdelay $0x4  }
0x83: {  	v5 =	vshift.insert v5, v3, s21  }
0x84: {  	s11 =	sor.u32 $0x40, s2  }
0x85: {  	v6 =	vimm.f32 $+Inf;
	[tilespmem:s11+$0x0] =	vst.msk $0x1, v5  }
0x86: {  	[tilespmem:s28+$0x45BF] =	vst.msk $0x1, v6  }
0x87: {  	v5 =	vld [tilespmem:s0+$0x1220]  }
0x88: {  	s13 =	smulhi.u32 $0xAAAAAAAB, s20;
	_ =	sdelay $0x1  }
0x89: {  	s22 =	simm.s32 $0x1;
	s0 =	sshrl.u32 s13, $0x1  }
0x8a: {  	s22 =	simm.s32 @!p0 $0x0;
	s0 =	smul.u32 $0xFFFF31C0, s0  }
0x8b: {  	s22 =	smul.u32 $0x44C0, s22;
	v5 =	vshift.insert v5, v1, s21  }
0x8c: {  	s0 =	sshra.s32 s0, $0x2  }
0x8d: {  	s22 =	sshrl.u32 s22, $0x2;
	s11 =	sadd.s32 s0, s19;
	[tilespmem:s2+$0x10] =	vst.msk $0x1, v5  }
0x8e: {  	s2 =	sadd.s32 $0x56F0, s22;
	v7 =	vld [tilespmem:s11+$0x0]  }
0x8f: {  	v8 =	vld [tilespmem:s2+$0x0];
	_ =	sdelay $0x4  }
0x90: {  	vm4 =	vne.s32 v7, $0xFFFFFFFF;
	v6 =	vmin.f32 v8, v6  }
0x91: {  	(xrf0) =	vmin.seg.scan.f32 vm4, v6  }
0x92: {  	s13 =	sadd.s32 $0x3490, s22;
	v8 =	vld [tilespmem:$0xA0]  }
0x93: {  	v9 =	vld [tilespmem:s13+$0x0];
	_ =	sdelay $0x1  }
0x94: {  	v6 =	vperm.xlane v5, v1;
	_ =	sdelay $0x1  }
0x95: {  	vm6 =	veq.s32 v7, v4;
	vm7 =	veq.s32 v7, v6;
	vm5 =	veq.s32 v8, $0x1;
	v8, _, _ =	vpop (xrf0)  }
0x96: {  	vm8 =	vgt.u32 v7, $0xFFFFFFFD;
	vm7 =	vmor vm7, vm6;
	v9 =	vmin.f32 v8, v9  }
0x97: {  	s30 =	sadd.s32 $0x7950, s22;
	v10 =	vld [tilespmem:$0x90];
	vm7 =	vmor vm7, vm8;
	v9 =	vsel vm6, v8, v9  }
0x98: {  	[tilespmem:s30+$0x0] =	vst v9;
	v9 =	vsel vm7, $0xFFFFFFFF, v7;
	_ =	sdelay $0x1  }
0x99: {  	s31 =	simm.s32 $0x0;
	vm9 =	vmand vm4, vm3  }
0x9a: {  	s29 =	sadd.s32 $0x9BB0, s6;
	s6 =	sadd.s32 $0x10, s13;
	s22 =	sadd.s32 $0x10, s30;
	v11 =	vsel vm9, $0x7F800000, v8  }
0x9b: {  	s0 =	sadd.s32 $0x10, s2;
	s2 =	sadd.s32 $0x10, s11;
	vm4 =	vmor vm5, vm6;
	v7 =	vsel vm6, v8, v10;
	v8 =	vshift.insert v11, v0, s21;
	(ifvalue) =	ssetifvalue $0xFFFFFFFF  }
.LBB2_7:
0x9c: {  	[hbm4b:s1+s16] =	stream.indirect_vreg.scatter [tilespmem:s30], [sflag:$0x2], $0x1, v9, vm0, $0x4038;
	[tilespmem:$0x9BD0] =	vst v63  }
0x9d: {  	s31 =	sadd.s32 $0x10, s31;
	s30 =	smov.u32 s22;
	v9 =	vld [tilespmem:s2+$0x0]  }
0x9e: {  	p2 =	slt.u32 s31, $0x1120;
	v10 =	vld [tilespmem:s0+$0x0];
	_ =	sdelay $0x4  }
0x9f: {  	vm5 =	vne.s32 v9, $0xFFFFFFFF;
	v8 =	vmin.f32 v10, v8  }
0xa0: {  	(xrf0) =	vmin.seg.scan.f32 vm5, v8;
	_ =	sdelay $0x1  }
0xa1: {  	v8 =	vld [tilespmem:s6+$0x0]  }
0xa2: {  	vm6 =	veq.s32 v9, v4;
	vm7 =	veq.s32 v9, v6  }
0xa3: {  	vm8 =	vgt.u32 v9, $0xFFFFFFFD;
	vm4 =	vmor vm4, vm6;
	vm7 =	vmor vm7, vm6  }
0xa4: {  	vm7 =	vmor vm7, vm8  }
.Ltmp5:
0xa5: {  	vm5 =	vmand vm5, vm3;
	v9 =	vsel vm7, $0xFFFFFFFF, v9;
	v10, _, _ =	vpop (xrf0);
	(pc) =	sbr.rel @p2 .LBB2_7-.Ltmp5, $4  }
0xa6: {  	v7 =	vsel vm6, v10, v7;
	v8 =	vmin.f32 v10, v8;
	v11 =	vsel vm5, $0x7F800000, v10  }
0xa7: {  	v10 =	vsel vm6, v10, v8;
	v8 =	vshift.insert v11, v0, s21  }
0xa8: {  	s2 =	sadd.s32 $0x10, s2;
	s0 =	sadd.s32 $0x10, s0;
	[tilespmem:s22+$0x0] =	vst v10  }
0xa9: {  	s6 =	sadd.s32 $0x10, s6;
	s22 =	sadd.s32 $0x10, s22;
	(ifvalue) =	ssetifvalue $0xFFFFFFFF  }
0xaa: {  	_ =	sdelay $0x3  }
0xab: {  	[hbm4b:s1+s16] =	stream.indirect_vreg.scatter [tilespmem:s30], [sflag:$0x2], $0x1, v9, vm0, $0x4038;
	[tilespmem:$0x9BD0] =	vst v63  }
0xac: {  	v4 =	vld [tilespmem:s28+$0x8A70];
	_ =	sdelay $0x4  }
0xad: {  	v4 =	vshift.insert v4, v3, s21  }
0xae: {  	s0 =	simm.s32 $0x30  }
0xaf: {  	[tilespmem:s0+$0x0] =	vst.msk $0x1, v4  }
0xb0: {  	v4 =	vsel vm4, $0x1, v1;
	[tilespmem:$0x90] =	vst v7  }
0xb1: {  	s0 =	sadd.s32 @!p1 $0x8A7F, s28;
	[tilespmem:$0xA0] =	vst v4  }
0xb2: {  	[spmem:s14] =	stream.linear.scatter @!p1 [tilespmem:s0], [sflag:$0x1], $0x1, $0x38;
	[tilespmem:$0x9BD0] =	vst v63  }
0xb3: {  	s0 =	simm.s32 @!p1 $0x1  }
0xb4: {  	v4 =	vmctz.xlane @!p1 vm4;
	_ =	swait.ge @!p1 [sflag:s0], $0x1  }
0xb5: {  	(v2sf) =	vpush @!p1 v5, $0x0  }
0xb6: {  	(v2sf) =	vpush @!p1 v4, $0x0;
	_ =	sdelay $0xd  }
0xb7: {  	s2 =	spop @!p1 (v2sf)  }
0xb8: {  	s6 =	spop @!p1 (v2sf)  }
0xb9: {  	p2 =	sne.s32 @!p1 s26, s2;
	p3 =	slt.s32 @!p1 s6, $0xF  }
0xba: {  	[sflag:s0] =	ssyncset.done @!p1 $0x0;
	p2 =	por p2, p1;
	p3 =	por !p3, p1  }
0xbb: {  	[sflag:s0] =	ssyncadd.s32 @!p1 $0xFFFFFFFF;
	v4 =	vimm.s32 @!p2 $0xFFFFFFFF;
	s6 =	simm.s32 @p3 $0xF  }
0xbc: {  	[tilespmem:$0x80] =	vst @!p2 v4;
	s2 =	sadd.s32 @!p1 $0x90, s6  }
0xbd: {  	[spmem:s10] =	stream.linear.scatter @!p1 [tilespmem:s2], [sflag:$0x1], $0x1, $0x38;
	[tilespmem:$0x9BD0] =	vst v63  }
0xbe: {  	_ =	swait.ge @!p1 [sflag:s0], $0x1  }
0xbf: {  	[sflag:s0] =	ssyncset.done @!p1 $0x0  }
0xc0: {  	s2 =	simm.s32 @!p1 $0x80;
	[sflag:s0] =	ssyncadd.s32 @!p1 $0xFFFFFFFF  }
0xc1: {  	[spmem:s15] =	stream.linear.scatter @!p1 [tilespmem:s2], [sflag:$0x1], $0x1, $0x38;
	[tilespmem:$0x9BD0] =	vst v63  }
0xc2: {  	_ =	swait.ge @!p1 [sflag:s0], $0x1  }
0xc3: {  	[sflag:s0] =	ssyncset.done @!p1 $0x0  }
0xc4: {  	[sflag:s0] =	ssyncadd.s32 @!p1 $0xFFFFFFFF;
	(ifvalue) =	ssetifvalue $0xFFFFFFFF;
	v4 =	vld [tilespmem:s25+$0x10];
	_ =	sdelay $0x3  }
.Ltmp6:
0xc5: {  	_ = 	snop;
	(pc) =	sbr.rel .LBB2_9-.Ltmp6, $3  }
0xc6: {  	_ =	sdelay $0x1  }
0xc7: {  	(ifvalue) =	ssetifvalue $0xFFFFFFFF  }
0xc8: {  	[hbm4b:s1+s16] =	stream.indirect_vreg.scatter [tilespmem:s29], [sflag:$0x9], $0x1, v4, vm0, $0x4038;
	[tilespmem:$0x9BD0] =	vst v63  }
.LBB2_10:
0xc9: {  	_ =	sfence.sel $0x180000  }
0xca: {  	s0 =	simm.s32 $0x7;
	[bflag:$0x0] =	sbarrier.arrive $0xFFFF  }
0xcb: {  	s26 =	simm.s32 $0x8;
	[sflag:s0] =	ssyncpa.u1 $0x1  }
0xcc: {  	s28 =	simm.s32 $0x9;
	[sflag:s26] =	ssyncpa.u1 $0x1  }
0xcd: {  	[sflag:s28] =	ssyncpa.u1 $0x1  }
0xce: {  	_ =	sfence.stream.spmem  }
0xcf: {  	s29 =	simm.s32 $0x3;
	[bflag:$0x0] =	sbarrier.arrive $0xFFFF  }
0xd0: {  	s30 =	simm.s32 $0x4;
	[sflag:s29] =	ssyncpa.u1 $0x1  }
0xd1: {  	s31 =	simm.s32 $0x3C;
	s2 =	stileid.u32;
	[sflag:s30] =	ssyncpa.u1 $0x1  }
0xd2: {  	p0 =	sne.s32 s2, $0x0;
	[sflag:s31] =	ssyncpa.u1 $0x1  }
0xd3: {  	s0 =	simm.s32 @p0 $0x1;
	_ =	sfence @p0  }
0xd4: {  	[sflag:s0] =	ssyncpa.u1 @p0 $0x1;
	s0 =	simm.s32 @p0 $0x2  }
0xd5: {  	[sflag:s0] =	ssyncpa.u1 @p0 $0x1  }
0xd6: {  	_ =	strace @p0 $0x9000004D  }
0xd7: {  	[bflag:$0x2] =	sbarrier.arrive @p0 $0xFFFF  }
0xd8: {  	_ =	shalt @p0  }
.LBB2_11:
0xd9: {  	_ =	sfence.stream.spmem;
	s0 =	simm.s32 $0x5  }
0xda: {  	s2 =	simm.s32 $0x80;
	s3 =	simm.s32 $0xC0;
	[sflag:s0] =	ssyncpa.u1 $0x0  }
0xdb: {  	[tilespmem:s3], [sflag:$0x5] =	stream.linear.gather [spmem:s2], $0x20, $0x38;
	[tilespmem:$0x9BD0] =	vst v63  }
0xdc: {  	s30 =	simm.s32 $0xE0;
	s2 =	simm.s32 $0x0  }
0xdd: {  	[tilespmem:s30], [sflag:$0x5] =	stream.linear.gather [spmem:s2], $0x20, $0x38;
	[tilespmem:$0x9BD0] =	vst v63  }
.Ltmp7:
0xde: {  	_ = 	snop;
	(pc) =	sbr.rel .LBB2_12-.Ltmp7, $4  }
0xdf: {  	_ =	swait.ge [sflag:s0], $0x40  }
0xe0: {  	[sflag:s0] =	ssyncset.done $0x0  }
0xe1: {  	s31 =	simm.s32 $0x6;
	[sflag:s0] =	ssyncadd.s32 $0xFFFFFFC0  }
0xe2: {  	s3 =	simm.s32 $0x0;
	[sflag:s31] =	ssyncpa.u1 $0x0  }
.LBB2_17:
0xe3: {  	p0 =	sgt.u32 s4, $0x27FF  }
0xe4: {  	s0 =	sshrl.u32 @!p0 s4, $0x3  }
0xe5: {  	s4 =	sand.u32 @!p0 $0x7, s4;
	s5 =	simm.s32 @!p0 $0xB0;
	s0 =	sadd.s32 @!p0 s1, s0  }
0xe6: {  	[tilespmem:s5], [sflag:$0x6] =	stream.linear.gather @!p0 [hbm4b:s0+s4], $0x1, $0x38;
	[tilespmem:$0x9BD0] =	vst v63  }
0xe7: {  	s0 =	simm.s32 @!p0 $0x6  }
0xe8: {  	_ =	swait.ge @!p0 [sflag:s0], $0x1  }
0xe9: {  	[sflag:s0] =	ssyncset.done @!p0 $0x0  }
0xea: {  	[sflag:s0] =	ssyncadd.s32 @!p0 $0xFFFFFFFF  }
0xeb: {  	v1 =	vld.msk @!p0 [tilespmem:$0xB0], $0x1  }
0xec: {  	v2 =	vld.msk @!p0 [tilespmem:s3+$0xE0], $0x1;
	_ =	sdelay $0x4  }
0xed: {  	v1 =	vmin.f32 @!p0 v2, v1  }
0xee: {  	[tilespmem:s3+$0xE0] =	vst.msk @!p0 $0x1, v1  }
0xef: {  	[tilespmem:s2+$0xC0] =	vst.msk $0x1, v0  }
0xf0: {  	v0 =	vld.msk [tilespmem:s3+$0xE0], $0x1;
	_ =	sdelay $0x4  }
0xf1: {  	[tilespmem:s2+$0xE0] =	vst.msk $0x1, v0;
	s2 =	sadd.s32 $0x1, s2  }
.LBB2_19:
0xf2: {  	s3 =	sadd.s32 $0x1, s3  }
0xf3: {  	p0 =	sne.s32 s3, $0x20  }
.Ltmp8:
0xf4: {  	_ = 	snop;
	(pc) =	sbr.rel @!p0 .LBB2_20-.Ltmp8, $1  }
0xf5: {  	_ =	sdelay $0x3  }
.LBB2_12:
0xf6: {  	v0 =	vld.msk [tilespmem:s3+$0xC0], $0x1;
	_ =	sdelay $0x4  }
0xf7: {  	(v2sf) =	vpush v0, $0x0;
	_ =	sdelay $0xe  }
0xf8: {  	s4 =	spop (v2sf)  }
0xf9: {  	p0 =	seq.s32 s4, $0xFFFFFFFF  }
.Ltmp9:
0xfa: {  	_ = 	snop;
	(pc) =	sbr.rel @p0 .LBB2_19-.Ltmp9, $1  }
0xfb: {  	_ =	sdelay $0x3  }
0xfc: {  	p0 =	slt.s32 s2, $0x1  }
.Ltmp10:
0xfd: {  	_ = 	snop;
	(pc) =	sbr.rel @p0 .LBB2_17-.Ltmp10, $1  }
0xfe: {  	_ =	sdelay $0x3  }
0xff: {  	s0 =	simm.s32 $0xC0;
	p0 =	por $0x0, $0x0  }
0x100: {  	v1 =	vld.msk @!p0 [tilespmem:s0+$0x0], $0x1;
	_ =	sdelay $0x4  }
0x101: {  	(v2sf) =	vpush @!p0 v1, $0x0;
	_ =	sdelay $0xd  }
0x102: {  	p2 =	sne.s32 s2, $0x1  }
.Ltmp11:
0x103: {  	s5 =	spop @!p0 (v2sf);
	(pc) =	sbr.rel @!p2 .LBB2_16-.Ltmp11, $4  }
0x104: {  	p1 =	seq.s32 @!p0 s4, s5  }
0x105: {  	s5 =	simm.s32 $0x0;
	p1 =	por !p1, p0  }
0x106: {  	s7 =	simm.s32 $0xFFFFFFFF;
	s5 =	simm.s32 @p1 $0xFFFFFFFF  }
0x107: {  	s6 =	simm.s32 $0x1;
	s5 =	smov.u32 @p0 s7  }
.LBB2_15:
0x108: {  	s7 =	smov.u32 s5;
	p0 =	sne.s32 s5, $0xFFFFFFFF  }
0x109: {  	s0 =	sadd.s32 $0x1, s0;
	s5 =	smov.u32 s6;
	s6 =	sadd.s32 $0x1, s6  }
0x10a: {  	p1 =	sne.s32 s2, s6;
	v1 =	vld.msk @!p0 [tilespmem:s0+$0x0], $0x1;
	_ =	sdelay $0x4  }
0x10b: {  	(v2sf) =	vpush @!p0 v1, $0x0;
	_ =	sdelay $0xe  }
.Ltmp12:
0x10c: {  	s8 =	spop @!p0 (v2sf);
	(pc) =	sbr.rel @p1 .LBB2_15-.Ltmp12, $4  }
0x10d: {  	p2 =	seq.s32 @!p0 s4, s8  }
0x10e: {  	p2 =	por !p2, p0  }
0x10f: {  	s5 =	simm.s32 @p2 $0xFFFFFFFF  }
0x110: {  	s5 =	smov.u32 @p0 s7  }
.LBB2_16:
0x111: {  	p0 =	sne.s32 s5, $0xFFFFFFFF  }
.Ltmp13:
0x112: {  	_ = 	snop;
	(pc) =	sbr.rel @!p0 .LBB2_17-.Ltmp13, $1  }
0x113: {  	_ =	sdelay $0x3  }
0x114: {  	v0 =	vld.msk [tilespmem:s3+$0xE0], $0x1  }
0x115: {  	v1 =	vld.msk [tilespmem:s5+$0xE0], $0x1;
	_ =	sdelay $0x1  }
.Ltmp14:
0x116: {  	_ = 	snop;
	(pc) =	sbr.rel .LBB2_19-.Ltmp14, $3  }
0x117: {  	_ =	sdelay $0x1  }
0x118: {  	v0 =	vmin.f32 v1, v0  }
0x119: {  	[tilespmem:s5+$0xE0] =	vst.msk $0x1, v0  }
.LBB2_20:
0x11a: {  	p0 =	slt.s32 s2, $0x1  }
.Ltmp15:
0x11b: {  	_ = 	snop;
	(pc) =	sbr.rel @p0 .LBB2_24-.Ltmp15, $3  }
0x11c: {  	_ =	sdelay $0x1  }
0x11d: {  	s0 =	simm.s32 $0x6  }
0x11e: {  	s3 =	simm.s32 $0x0;
	[sflag:s0] =	ssyncpa.u1 $0x1  }
0x11f: {  	s0 =	simm.s32 $0xC0  }
0x120: {  	v0 =	vld.msk [tilespmem:s0+$0x0], $0x1;
	_ =	sdelay $0x4  }
0x121: {  	(v2sf) =	vpush v0, $0x0;
	_ =	sdelay $0xe  }
0x122: {  	s2 =	sadd.s32 $0xFFFFFFFF, s2;
	s4 =	spop (v2sf)  }
0x123: {  	p1 =	sne.s32 s2, $0x0;
	p0 =	sgt.u32 s4, $0x27FF  }
.Ltmp16:
0x124: {  	s5 =	sshrl.u32 @!p0 s4, $0x3;
	(pc) =	sbr.rel @!p1 .LBB2_23-.Ltmp16, $4  }
0x125: {  	s0 =	simm.s32 $0xE0;
	s4 =	sand.u32 @!p0 $0x7, s4;
	s5 =	sadd.s32 @!p0 s1, s5  }
0x126: {  	[hbm4b:s5+s4] =	stream.linear.scatter @!p0 [tilespmem:s0], [sflag:$0x5], $0x1, $0x38;
	[tilespmem:$0x9BD0] =	vst v63  }
0x127: {  	s5 =	simm.s32 $0x0  }
0x128: {  	s4 =	simm.s32 $0xC1;
	s5 =	simm.s32 @!p0 $0x4  }
.LBB2_22:
0x129: {  	v0 =	vld.msk [tilespmem:s4+$0x0], $0x1;
	s2 =	sadd.s32 $0xFFFFFFFF, s2;
	s3 =	sadd.s32 s3, s5  }
0x12a: {  	p0 =	sne.s32 s2, $0x0;
	_ =	sdelay $0x3  }
0x12b: {  	(v2sf) =	vpush v0, $0x0;
	_ =	sdelay $0xe  }
.Ltmp17:
0x12c: {  	s6 =	spop (v2sf);
	(pc) =	sbr.rel @p0 .LBB2_22-.Ltmp17, $4  }
0x12d: {  	s5 =	simm.s32 $0x0;
	p1 =	sgt.u32 s6, $0x27FF  }
0x12e: {  	s0 =	sadd.s32 $0x1, s0;
	s5 =	simm.s32 @!p1 $0x4;
	s7 =	sshrl.u32 @!p1 s6, $0x3  }
0x12f: {  	s4 =	sadd.s32 $0x1, s4;
	s6 =	sand.u32 @!p1 $0x7, s6;
	s7 =	sadd.s32 @!p1 s1, s7  }
0x130: {  	[hbm4b:s7+s6] =	stream.linear.scatter @!p1 [tilespmem:s0], [sflag:$0x5], $0x1, $0x38;
	[tilespmem:$0x9BD0] =	vst v63  }
.LBB2_23:
0x131: {  	s0 =	sadd.s32 s3, s5  }
0x132: {  	s3 =	sshrl.u32 s0, $0x2  }
.LBB2_24:
0x133: {  	s0 =	simm.s32 $0x5  }
0x134: {  	_ =	swait.ge [sflag:s0], s3  }
0x135: {  	s1 =	ssub.s32 $0x0, s3;
	[sflag:s0] =	ssyncset.done $0x0  }
0x136: {  	[sflag:s0] =	ssyncadd.s32 s1  }
0x137: {  	[sflag:s0] =	ssyncpa.u1 $0x1  }
0x138: {  	s29 =	simm.s32 $0x1;
	_ =	sfence  }
0x139: {  	s30 =	simm.s32 $0x2;
	[sflag:s29] =	ssyncpa.u1 $0x1  }
0x13a: {  	[sflag:s30] =	ssyncpa.u1 $0x1  }
0x13b: {  	_ =	strace $0x9000004D  }
0x13c: {  	[bflag:$0x2] =	sbarrier.arrive $0xFFFF  }
0x13d: {  	s31 =	rddreg [dreg:$0x1]  }
0x13e: {  	s0 =	sadd.s32 $0x100000, s31  }
0x13f: {  	[sflag:s0] =	ssyncadd.tile.s32 $0x1;
	_ =	shalt  }
.Lfunc_end2:
_tile_overlayer_lowered:
.L_overlay_start_2:
0x140: {  	(tag) =	ssettag $0x2  }
0x141: {  	s0 =	rddreg [dreg:$0x0];
	s2 =	stileid.u32  }
0x142: {  	s1 =	rddreg [dreg:$0x1];
	p0 =	sne.s32 s2, $0x0  }
0x143: {  	s3 =	rddreg [dreg:$0x2];
	[bflag:$0x3] =	sbarrier.arrive $0xFFFF;
	s2 =	simm.s32 @!p0 $0x1C01  }
0x144: {  	[timem:s3], [sflag:s2] =	dma.local @!p0 [hbm:s0], s1  }
0x145: {  	s0 =	simm.s32 @!p0 $0x1  }
0x146: {  	_ =	swait.ge @!p0 [sflag:s0], s1  }
0x147: {  	s1 =	ssub.s32 @!p0 $0x0, s1;
	[sflag:s0] =	ssyncset.done @!p0 $0x0  }
0x148: {  	[sflag:s0] =	ssyncadd.s32 @!p0 s1  }
0x149: {  	[bflag:$0x3] =	sbarrier.arrive $0xFFFF  }
0x14a: {  	_ =	shalt  }

// kernel: scatter_offload_async_start.2
scs
__scs_entry_jumppad:
0x0: {  	(pc) =	sbr.rel $0x88, $3  }
0x1: {  	(tag) =	ssettag $0x0;
	lr =	simm.s32 $0x1  }
0x2: {  	[smem:$0x3F9C] =	sst lr;
	_ =	strace $0xD0000000  }
0x3: {  	_ = 	snop  }
0x4: {  	_ = 	snop  }
0x5: {  	_ = 	snop  }
0x6: {  	_ = 	snop  }
0x7: {  	_ = 	snop  }
__scs_overlays_trampoline_lowered:
0x8: {  	[smem:$0x3FAB] =	sst s0  }
0x9: {  	[smem:$0x3FAC] =	sst s1  }
0xa: {  	[smem:$0x3FAD] =	sst s2  }
0xb: {  	[smem:$0x3FAE] =	sst s3  }
0xc: {  	[smem:$0x3FAF] =	sst s4  }
0xd: {  	[smem:$0x3FB0] =	sst s5  }
0xe: {  	[smem:$0x3FB1] =	sst s6  }
0xf: {  	[smem:$0x3FB2] =	sst s7  }
0x10: {  	[smem:$0x3FB3] =	sst s8  }
0x11: {  	[smem:$0x3FB4] =	sst s9;
	s0 =	simm.s32 @!p0 $0x0  }
0x12: {  	s1 =	sld [smem:$0x3F9A];
	s0 =	simm.s32 @p0 $0x1  }
0x13: {  	[smem:$0x3FB5] =	sst s0;
	s0 =	simm.s32 @!p1 $0x0  }
0x14: {  	s2 =	sld [smem:$0x3F99];
	s0 =	simm.s32 @p1 $0x1  }
0x15: {  	[smem:$0x3FB6] =	sst s0;
	s0 =	simm.s32 @!p2 $0x0  }
0x16: {  	s3 =	sld [smem:$0x3FDB];
	s0 =	simm.s32 @p2 $0x1  }
0x17: {  	s4 =	simm.s32 $0x1BF5;
	[smem:$0x3FB8] =	sst s0  }
0x18: {  	s0 =	sld [smem:$0x3F9B];
	_ =	swait.ge [sflag:s4], $0x0  }
0x19: {  	s7 =	sld [smem:$0x3F9C]  }
0x1a: {  	s8 =	sadd.s32 $0xFFFFE003, lr  }
0x1b: {  	s9 =	sadd.s32 $0xFFFFFEF7, lr;
	s5 =	simm.s32 $0xFFFFFFFF;
	p2 =	slt.u32 s8, $0xFFFFF086  }
0x1c: {  	p1 =	slt.u32 s9, $0xF7A;
	s5 =	simm.s32 @!p2 $0x0  }
0x1d: {  	s5 =	simm.s32 @p1 $0x1;
	p0 =	seq.s32 s7, s2  }
0x1e: {  	s7 =	smul.u32 @!p0 $0xF7A, s2;
	p2 =	seq.s32 @!p0 s5, $0x0  }
0x1f: {  	s9 =	smul.u32 $0xF7A, s1;
	s8 =	simm.s32 @!p0 $0x1BF5;
	p2 =	por !p2, p0  }
0x20: {  	[sflag:s8] =	ssyncset.s32 @!p0 $0xFFFFF086;
	s6 =	sadd.s32 @!p0 s3, s7;
	s7 =	simm.s32 @!p0 $0x108  }
0x21: {  	s3 =	sadd.s32 s3, s9;
	s6 =	sadd.s32 @!p0 $0x88, s6;
	s7 =	simm.s32 @p2 $0x1082  }
0x22: {  	[simem:s7], [sflag:s8] =	dma.local @!p0 [hbm:s6], $0xF7A  }
0x23: {  	s9 =	sor.u32 $0xD0000000, s2;
	s6 =	simm.s32 $0x108;
	_ =	swait.ge @!p0 [sflag:s8], $0x0  }
0x24: {  	s3 =	sadd.s32 $0x88, s3;
	s6 =	simm.s32 @!p1 $0x1082;
	[sflag:s4] =	ssyncset.s32 $0xFFFFF086  }
0x25: {  	[simem:s6], [sflag:s4] =	dma.local [hbm:s3], $0xF7A  }
0x26: {  	[smem:$0x3F9C] =	sst s1;
	(tag) =	ssettag s2;
	_ =	strace s9  }
0x27: {  	s1 =	sld [smem:$0x3FAC]  }
0x28: {  	s2 =	sld [smem:$0x3FAD]  }
0x29: {  	s4 =	sld [smem:$0x3FAF]  }
0x2a: {  	p0 =	seq.s32 s5, $0x0;
	s5 =	sld [smem:$0x3FB0]  }
0x2b: {  	s6 =	sld [smem:$0x3FB1]  }
0x2c: {  	s7 =	sld [smem:$0x3FB2]  }
0x2d: {  	s3 =	simm.s32 $0x108;
	s8 =	sld [smem:$0x3FB3]  }
0x2e: {  	s3 =	simm.s32 @!p0 $0x1082;
	s9 =	sld [smem:$0x3FB4]  }
0x2f: {  	lr =	sadd.s32 s0, s3;
	s0 =	sld [smem:$0x3FAB]  }
0x30: {  	s3 =	sld [smem:$0x3FAE]  }
0x31: {  	[smem:$0x3FB7] =	sst s10  }
0x32: {  	s10 =	sld [smem:$0x3FB5];
	_ =	sdelay $0x3  }
0x33: {  	p0 =	seq.s32 s10, $0x1;
	s10 =	sld [smem:$0x3FB7];
	_ =	sdelay $0x3  }
0x34: {  	[smem:$0x3FB7] =	sst s10  }
0x35: {  	s10 =	sld [smem:$0x3FB6];
	_ =	sdelay $0x3  }
0x36: {  	p1 =	seq.s32 s10, $0x1;
	s10 =	sld [smem:$0x3FB7];
	_ =	sdelay $0x3  }
0x37: {  	[smem:$0x3FB7] =	sst s10  }
0x38: {  	s10 =	sld [smem:$0x3FB8]  }
0x39: {  	_ = 	snop;
	(pc) =	sbr.ind lr, $3  }
0x3a: {  	_ = 	snop  }
0x3b: {  	_ = 	snop  }
0x3c: {  	p2 =	seq.s32 s10, $0x1;
	s10 =	sld [smem:$0x3FB7]  }
0x3d: {  	_ =	shalt  }
0x3e: {  	_ =	shalt  }
0x3f: {  	_ =	shalt  }
0x40: {  	_ =	shalt  }
0x41: {  	_ =	shalt  }
0x42: {  	_ =	shalt  }
0x43: {  	_ =	shalt  }
0x44: {  	_ =	shalt  }
0x45: {  	_ =	shalt  }
0x46: {  	_ =	shalt  }
0x47: {  	_ =	shalt  }
0x48: {  	_ =	shalt  }
0x49: {  	_ =	shalt  }
0x4a: {  	_ =	shalt  }
0x4b: {  	_ =	shalt  }
0x4c: {  	_ =	shalt  }
0x4d: {  	_ =	shalt  }
0x4e: {  	_ =	shalt  }
0x4f: {  	_ =	shalt  }
0x50: {  	_ =	shalt  }
0x51: {  	_ =	shalt  }
0x52: {  	_ =	shalt  }
0x53: {  	_ =	shalt  }
0x54: {  	_ =	shalt  }
0x55: {  	_ =	shalt  }
0x56: {  	_ =	shalt  }
0x57: {  	_ =	shalt  }
0x58: {  	_ =	shalt  }
0x59: {  	_ =	shalt  }
0x5a: {  	_ =	shalt  }
0x5b: {  	_ =	shalt  }
0x5c: {  	_ =	shalt  }
0x5d: {  	_ =	shalt  }
0x5e: {  	_ =	shalt  }
0x5f: {  	_ =	shalt  }
0x60: {  	_ =	shalt  }
0x61: {  	_ =	shalt  }
0x62: {  	_ =	shalt  }
0x63: {  	_ =	shalt  }
0x64: {  	_ =	shalt  }
0x65: {  	_ =	shalt  }
0x66: {  	_ =	shalt  }
0x67: {  	_ =	shalt  }
0x68: {  	_ =	shalt  }
0x69: {  	_ =	shalt  }
0x6a: {  	_ =	shalt  }
0x6b: {  	_ =	shalt  }
0x6c: {  	_ =	shalt  }
0x6d: {  	_ =	shalt  }
0x6e: {  	_ =	shalt  }
0x6f: {  	_ =	shalt  }
0x70: {  	_ =	shalt  }
0x71: {  	_ =	shalt  }
0x72: {  	_ =	shalt  }
0x73: {  	_ =	shalt  }
0x74: {  	_ =	shalt  }
0x75: {  	_ =	shalt  }
0x76: {  	_ =	shalt  }
0x77: {  	_ =	shalt  }
0x78: {  	_ =	shalt  }
0x79: {  	_ =	shalt  }
0x7a: {  	_ =	shalt  }
0x7b: {  	_ =	shalt  }
0x7c: {  	_ =	shalt  }
0x7d: {  	_ =	shalt  }
0x7e: {  	_ =	shalt  }
0x7f: {  	_ =	shalt  }
0x80: {  	_ =	shalt  }
0x81: {  	_ =	shalt  }
0x82: {  	_ =	shalt  }
0x83: {  	_ =	shalt  }
0x84: {  	_ =	shalt  }
0x85: {  	_ =	shalt  }
0x86: {  	_ =	shalt  }
0x87: {  	_ =	shalt  }
.Lfunc_end0:
.L_simem_size_0:
called_computation.2_lowered:
.L_overlay_start_0:
0x88: {  	s0 =	sld [smem:$0x3FD9]  }
0x89: {  	s1 =	sld [smem:$0x3FFE];
	_ =	sdelay $0x3  }
0x8a: {  	s0 =	sadd.s32 s1, s0  }
0x8b: {  	[smem:$0x3FC3] =	sst s0  }
0x8c: {  	_ = 	snop  }
0x8d: {  	(tm) =	ssettm $0x1  }
0x8e: {  	s14 =	sld [smem:$0x3FFB];
	_ =	sdelay $0x3  }
0x8f: {  	_ =	strace s14  }
0x90: {  	s0 =	sld [smem:$0x3FFC];
	_ =	sdelay $0x3  }
0x91: {  	_ =	strace s0  }
0x92: {  	s0 =	sld [smem:$0x3FFD];
	_ =	sdelay $0x3  }
0x93: {  	_ =	strace s0  }
0x94: {  	_ =	strace $0x8FFFFFFF  }
0x95: {  	s15 =	sld [smem:$0x3FDB];
	_ =	sdelay $0x1  }
0x96: {  	s16 =	simm.s32 $_scs_section_size  }
0x97: {  	s2 =	simm.s32 $_size__tile_overlayer_lowered;
	s3 =	simm.s32 $_tile_overlayer_lowered  }
0x98: {  	s4 =	simm.s32 $0x1BFF;
	s17 =	sshll.u32 s3, $0x1;
	s1 =	sadd.s32 s16, s15  }
0x99: {  	s18 =	simm.s32 $0x0;
	s2 =	sshll.u32 s2, $0x1;
	s3 =	sadd.s32 s17, s1  }
0x9a: {  	[timem:s18], [sflag:s4] =	dma.local [hbm:s3], s2  }
0x9b: {  	_ =	swait.ge [sflag:s4], s2  }
0x9c: {  	s2 =	ssub.s32 $0x0, s2;
	[sflag:s4] =	ssyncset.done $0x0  }
0x9d: {  	[sflag:s4] =	ssyncadd.s32 s2;
	_ =	sdelay $0x1  }
0x9e: {  	s19 =	simm.s32 $0x1B8B  }
0x9f: {  	_ =	swait.ge [sflag:s19], $0x1  }
0xa0: {  	[sflag:s19] =	ssyncset.done $0x0  }
0xa1: {  	s21 =	simm.s32 $0x1B8E;
	s20 =	sld [smem:$0x3FFE];
	[sflag:s19] =	ssyncadd.s32 $0xFFFFFFFF  }
0xa2: {  	s22 =	simm.s32 $execute0_lowered;
	[smem:$0x3FD2] =	sst s21  }
0xa3: {  	s3 =	sshll.u32 s22, $0x1;
	_ =	strace $0x80000052;
	[dreg:$0x1] =	wrdreg $0xFFFFFFFF  }
0xa4: {  	s23 =	simm.s32 $_size_execute0_lowered;
	s3 =	sadd.s32 s1, s3;
	[dreg:$0x0] =	wrdreg $0x0  }
0xa5: {  	s4 =	sshll.u32 s23, $0x1;
	[dreg:$0x2] =	wrdreg s3  }
0xa6: {  	[dreg:$0x3] =	wrdreg s4  }
0xa7: {  	[dreg:$0x4] =	wrdreg $0xC0  }
0xa8: {  	s24 =	simm.s32 $execute1_lowered;
	_ =	task [dreg:s18], $0x5FFFF  }
0xa9: {  	s3 =	sshll.u32 s24, $0x1;
	[dreg:$0x1] =	wrdreg $0xFFFFFFFF  }
0xaa: {  	s1 =	sadd.s32 s1, s3;
	[dreg:$0x0] =	wrdreg $0x60  }
0xab: {  	[dreg:$0x2] =	wrdreg s1  }
0xac: {  	[dreg:$0x3] =	wrdreg s20  }
0xad: {  	[dreg:$0x4] =	wrdreg $0x9  }
0xae: {  	_ =	task.clear_ibuf [dreg:s18], $0x5FFFF;
	_ =	strace $0x90000052  }
0xaf: {  	s25 =	simm.s32 $0x9;
	_ =	strace $0x80000054  }
0xb0: {  	_ =	swait.ge [sflag:s25], $0x1  }
0xb1: {  	[sflag:s25] =	ssyncadd.s32 $0xFFFFFFFF  }
0xb2: {  	_ =	strace $0x90000054  }
0xb3: {  	_ =	strace $0x80000055;
	[dreg:$0x1] =	wrdreg $0xFFFFFFFF  }
0xb4: {  	[dreg:$0x0] =	wrdreg $0x2030  }
0xb5: {  	[dreg:$0x2] =	wrdreg s20  }
0xb6: {  	[dreg:$0x3] =	wrdreg $0xA  }
0xb7: {  	_ =	task.clear_ibuf [dreg:s18], $0x4FFFF;
	_ =	strace $0x90000055  }
0xb8: {  	s26 =	simm.s32 $0xA;
	_ =	strace $0x80000057  }
0xb9: {  	_ =	swait.ge [sflag:s26], $0x1  }
0xba: {  	[sflag:s26] =	ssyncadd.s32 $0xFFFFFFFF  }
0xbb: {  	_ =	strace $0x90000057  }
0xbc: {  	_ =	sfence  }
0xbd: {  	s28 =	sld [smem:$0x0];
	_ =	sdelay $0x1  }
0xbe: {  	s29 =	srdreg.scid  }
0xbf: {  	s30 =	sshll.u32 s29, $0xD;
	s31 =	sshrl.u32 s29, $0x2  }
0xc0: {  	s2 =	sand.u32 $0x1, s29;
	s3 =	sand.u32 $0x4000, s30;
	s1 =	sadd.s32 s31, s28  }
0xc1: {  	s2 =	sor.u32 s3, s2;
	s1 =	sshll.u32 s1, $0x11  }
0xc2: {  	s1 =	sor.u32 s1, s2  }
0xc3: {  	s1 =	sadd.s32 $0x8F2B, s1  }
0xc4: {  	[sflag:s1] =	ssyncadd.remote.s32 $0x1  }
0xc5: {  	_ =	sfence.sel $0xFFFF  }
0xc6: {  	[dreg:$0x0] =	wrdreg $0xFFFFFFFF;
	(pc) =	sbr.abs _section_cstart, $3  }
0xc7: {  	[dreg:$0x1] =	wrdreg $0xFFFFFFFF  }
0xc8: {  	_ =	task.clear_ibuf [dreg:s18], $0x2FFFF;
	_ =	strace $0x9FFFFFFF  }
0xc9: {  	(tm) =	ssettm $0x7FFFFFFF  }
tec
execute0_lowered:
.L_overlay_start_1:
0x0: {  	(tag) =	ssettag $0x1  }
0x1: {  	s2 =	rddreg [dreg:$0x0]  }
0x2: {  	s4 =	rddreg [dreg:$0x1]  }
0x3: {  	s0 =	rddreg [dreg:$0x2];
	s3 =	stileid.u32  }
0x4: {  	[bflag:$0x3] =	sbarrier.arrive $0xFFFF;
	s1 =	simm.s32 $_size_execute1_lowered;
	p0 =	sne.s32 s3, $0x0  }
0x5: {  	s1 =	sshll.u32 s1, $0x1;
	s5 =	simm.s32 @!p0 $0x1C3F;
	s6 =	simm.s32 @!p0 $0x4060  }
0x6: {  	[timem:s6], [sflag:s5] =	dma.local @!p0 [hbm:s2], s1  }
0x7: {  	s2 =	smul.u32 $0x280, s3  }
.Ltmp0:
0x8: {  	s31 =	simm.s32 $0x2;
	s7 =	simm.s32 $0x280;
	(pc) =	sbr.rel .LBB2_1-.Ltmp0, $4  }
0x9: {  	s8 =	simm.s32 $0x780;
	s10 =	simm.s32 $0x0;
	s9 =	simm.s32 $0x0  }
0xa: {  	s3 =	simm.s32 $0x1;
	_ =	strace $0x80000053;
	s30 =	sshrl.u32 s2, $0x3  }
0xb: {  	s6 =	simm.s32 $0x0;
	[sflag:s3] =	ssyncpa.u1 $0x0;
	s5 =	sadd.s32 s30, s4  }
0xc: {  	s4 =	sadd.s32 $0x2200, s4;
	[sflag:s31] =	ssyncpa.u1 $0x0;
	s5 =	sadd.s32 $0x1C00, s5  }
.LBB2_8:
0xd: {  	p1 =	seq.s32 s9, $0x2  }
.Ltmp1:
0xe: {  	_ = 	snop;
	(pc) =	sbr.rel @p1 .LBB2_10-.Ltmp1, $1  }
0xf: {  	_ =	sdelay $0x3  }
.LBB2_9:
0x10: {  	s9 =	sadd.s32 $0x1, s9;
	s10 =	smov.u32 s2  }
.LBB2_1:
0x11: {  	p1 =	sne.s32 s9, $0x0  }
.Ltmp2:
0x12: {  	_ = 	snop;
	(pc) =	sbr.rel @!p1 .LBB2_2-.Ltmp2, $1  }
0x13: {  	_ =	sdelay $0x3  }
0x14: {  	s11 =	sand.u32 $0x1, s9  }
0x15: {  	p1 =	seq.s32 s11, $0x0  }
.Ltmp3:
0x16: {  	_ = 	snop;
	(pc) =	sbr.rel @p1 .LBB2_8-.Ltmp3, $1  }
0x17: {  	_ =	sdelay $0x3  }
0x18: {  	_ =	swait.ge [sflag:s3], $0x280  }
0x19: {  	[sflag:s3] =	ssyncset.done $0x0  }
0x1a: {  	s11 =	simm.s32 $0x0;
	p1 =	por $0x1, $0x1;
	[sflag:s3] =	ssyncadd.s32 $0xFFFFFD80  }
.LBB2_5:
0x1b: {  	v0 =	vld [tilespmem:s11+$0x280]  }
0x1c: {  	v1 =	vld [tilespmem:s11+$0x290]  }
0x1d: {  	v2 =	vld [tilespmem:s11+$0x2A0]  }
0x1e: {  	v3 =	vld [tilespmem:s11+$0x2B0]  }
0x1f: {  	v4 =	vld [tilespmem:s11+$0x2C0]  }
0x20: {  	v53 =	vld [tilespmem:s11+$0x2D0];
	[tilespmem:s11+$0x780] =	vst v0  }
0x21: {  	v54 =	vld [tilespmem:s11+$0x2E0];
	[tilespmem:s11+$0x790] =	vst v1  }
0x22: {  	v55 =	vld [tilespmem:s11+$0x2F0];
	[tilespmem:s11+$0x7A0] =	vst v2  }
0x23: {  	v56 =	vld [tilespmem:s11+$0x300];
	[tilespmem:s11+$0x7B0] =	vst v3  }
0x24: {  	v57 =	vld [tilespmem:s11+$0x310];
	[tilespmem:s11+$0x7C0] =	vst v4  }
0x25: {  	v58 =	vld [tilespmem:s11+$0x320];
	[tilespmem:s11+$0x7D0] =	vst v53  }
0x26: {  	v59 =	vld [tilespmem:s11+$0x330];
	[tilespmem:s11+$0x7E0] =	vst v54  }
0x27: {  	v60 =	vld [tilespmem:s11+$0x340];
	[tilespmem:s11+$0x7F0] =	vst v55  }
0x28: {  	v61 =	vld [tilespmem:s11+$0x350];
	[tilespmem:s11+$0x800] =	vst v56  }
0x29: {  	v62 =	vld [tilespmem:s11+$0x360];
	[tilespmem:s11+$0x810] =	vst v57  }
0x2a: {  	v63 =	vld [tilespmem:s11+$0x370];
	p2 =	por p1, p1;
	[tilespmem:s11+$0x820] =	vst v58  }
.Ltmp4:
0x2b: {  	[tilespmem:s11+$0x830] =	vst v59;
	(pc) =	sbr.rel @p2 .LBB2_5-.Ltmp4, $4  }
0x2c: {  	[tilespmem:s11+$0x840] =	vst v60  }
0x2d: {  	[tilespmem:s11+$0x850] =	vst v61  }
0x2e: {  	s12 =	simm.s32 $0x1F0;
	s13 =	simm.s32 $0x980;
	[tilespmem:s11+$0x860] =	vst v62  }
0x2f: {  	s14 =	simm.s32 $0x480;
	p1 =	por $0x0, $0x0;
	[tilespmem:s11+$0x870] =	vst v63;
	s11 =	simm.s32 $0x100  }
.LBB2_6:
0x30: {  	s12 =	sadd.s32 $0x10, s12  }
0x31: {  	v0 =	vld [tilespmem:s14+$0x0];
	p1 =	slt.u32 s12, $0x270  }
.Ltmp5:
0x32: {  	_ = 	snop;
	(pc) =	sbr.rel @p1 .LBB2_6-.Ltmp5, $2  }
0x33: {  	_ =	sdelay $0x2  }
0x34: {  	s14 =	sadd.s32 $0x10, s14;
	[tilespmem:s13+$0x0] =	vst v0;
	s13 =	sadd.s32 $0x10, s13  }
.Ltmp6:
0x35: {  	(pc) =	sbr.rel .LBB2_8-.Ltmp6, $4  }
0x36: {  	_ = 	snop  }
0x37: {  	s10 =	sshrl.u32 s10, $0x3  }
0x38: {  	s10 =	sadd.s32 s4, s10  }
0x39: {  	[hbm4b:s10+s6] =	stream.linear.scatter [tilespmem:s8], [sflag:$0x2], $0x280, $0x38;
	[tilespmem:$0xA00] =	vst v63  }
.LBB2_2:
.Ltmp7:
0x3a: {  	(pc) =	sbr.rel .LBB2_9-.Ltmp7, $2  }
0x3b: {  	_ =	sdelay $0x2  }
0x3c: {  	[tilespmem:s7], [sflag:$0x1] =	stream.linear.gather [hbm4b:s5+s6], $0x280, $0x38;
	[tilespmem:$0xA00] =	vst v63  }
.LBB2_10:
0x3d: {  	s2 =	simm.s32 $0x2  }
0x3e: {  	_ =	swait.ge [sflag:s2], $0x280  }
0x3f: {  	[sflag:s2] =	ssyncset.done $0x0  }
0x40: {  	[sflag:s2] =	ssyncadd.s32 $0xFFFFFD80  }
0x41: {  	_ =	sfence.sel $0x180000  }
0x42: {  	s3 =	simm.s32 $0x1;
	[bflag:$0x0] =	sbarrier.arrive $0xFFFF  }
0x43: {  	[sflag:s3] =	ssyncpa.u1 $0x1  }
0x44: {  	[sflag:s2] =	ssyncpa.u1 $0x1  }
0x45: {  	_ =	strace $0x90000053  }
0x46: {  	s0 =	sadd.s32 @!p0 $0x100000, s0;
	[bflag:$0x2] =	sbarrier.arrive $0xFFFF  }
0x47: {  	[sflag:s0] =	ssyncadd.tile.s32 @!p0 $0x1;
	s0 =	simm.s32 @!p0 $0x3F  }
0x48: {  	_ =	swait.ge @!p0 [sflag:s0], s1  }
0x49: {  	s1 =	ssub.s32 @!p0 $0x0, s1;
	[sflag:s0] =	ssyncset.done @!p0 $0x0  }
0x4a: {  	[sflag:s0] =	ssyncadd.s32 @!p0 s1  }
0x4b: {  	[bflag:$0x3] =	sbarrier.arrive $0xFFFF  }
0x4c: {  	_ =	shalt  }
.Lfunc_end2:
execute1_lowered:
.L_overlay_start_2:
0x4d: {  	(tag) =	ssettag $0x2  }
0x4e: {  	s0 =	rddreg [dreg:$0x0]  }
0x4f: {  	s11 =	stileid.u32;
	_ =	strace $0x80000056;
	s2 =	simm.s32 $0x1  }
0x50: {  	v1 =	vimm.s32 $0xFFFFFFFF;
	s1 =	smul.u32 $0x3, s11;
	[sflag:s2] =	ssyncpa.u1 $0x0  }
0x51: {  	s3 =	smin.u32 s11, $0x2;
	[tilespmem:$0x10] =	vst v1  }
0x52: {  	v0 =	vimm.s32 $0x7FFFFFFF;
	[tilespmem:$0x20] =	vst v1;
	s1 =	sadd.s32 s3, s1  }
0x53: {  	p0 =	slt.u32 s11, $0x2;
	[tilespmem:$0x30] =	vst v0;
	s3 =	smul.u32 $0x1130, s1;
	s1 =	simm.s32 $0x44C0  }
0x54: {  	[tilespmem:$0x40] =	vst v0;
	s1 =	simm.s32 @!p0 $0x3390  }
0x55: {  	[tilespmem:$0x50] =	vst v0;
	s1 =	sadd.s32 s1, s3  }
0x56: {  	s7 =	simm.s32 $0x2;
	[tilespmem:$0x60] =	vst v1;
	s4 =	smin.u32 s1, $0x35B60  }
0x57: {  	s8 =	simm.s32 $0x8;
	s29 =	simm.s32 $0x9;
	[tilespmem:$0x70] =	vst v1;
	s6 =	ssub.s32 s4, s3  }
0x58: {  	s16 =	simm.s32 $0x0;
	s17 =	simm.s32 $0xF0;
	[tilespmem:$0x80] =	vst v1;
	p0 =	sgt.s32 s6, $0x0  }
0x59: {  	s18 =	simm.s32 $0xFFFFFFFF;
	s19 =	simm.s32 $0xFFFFDEA0;
	v1 =	vimm.s32 $0x0;
	[tilespmem:$0xB0] =	vst v0;
	s6 =	simm.s32 @!p0 $0x0  }
0x5a: {  	s20 =	simm.s32 $0xFFFFFFFE;
	s21 =	simm.s32 $0xF;
	[tilespmem:$0x90] =	vst v1;
	s5 =	smulhi.u32 $0x77280773, s6  }
0x5b: {  	s25 =	simm.s32 $0x0;
	[tilespmem:$0xA0] =	vst v1;
	[sflag:s7] =	ssyncpa.u1 $0x0;
	s7 =	simm.s32 $0x7  }
0x5c: {  	s24 =	simm.s32 $0x0;
	[sflag:s7] =	ssyncpa.u1 $0x0;
	s9 =	sshrl.u32 s5, $0xB  }
0x5d: {  	s14 =	sshllo.u32 s11, $0x1;
	[sflag:s8] =	ssyncpa.u1 $0x0;
	s10 =	smul.u32 $0x1130, s9  }
0x5e: {  	[sflag:s29] =	ssyncpa.u1 $0x0;
	s23 =	smov.u32 s3;
	s1 =	sadd.s32 $0x2200, s0  }
.Ltmp8:
0x5f: {  	s5 =	sadd.s32 $0x2E400, s0;
	p0 =	sne.s32 s6, s10;
	(pc) =	sbr.rel .LBB3_1-.Ltmp8, $4  }
0x60: {  	s0 =	sadd.s32 $0x35000, s0;
	s10 =	sshll.u32 s11, $0x1;
	s2 =	simm.s32 @!p0 $0x0  }
0x61: {  	[dreg:$0x2] =	wrdreg s0;
	s31 =	sor.u32 $0x81, s10;
	s9 =	sadd.s32 s2, s9  }
0x62: {  	vm0 =	vmmov $0xffff;
	v2 =	vlaneseq.u32;
	s15 =	sor.u32 $0x80, s10;
	[dreg:$0x4] =	wrdreg s31;
	s30 =	sadd.s32 $0x1, s9  }
0x63: {  	vm1 =	vmxor vm1, vm1;
	vm2 =	vmmov $0x1;
	vm3 =	vcmask $0x3F3C;
	p0 =	por $0x0, $0x0;
	s12 =	sadd.s32 $0x2, s9;
	[dreg:$0x3] =	wrdreg s30  }
.LBB3_9:
0x64: {  	p1 =	slt.u32 s24, $0x3  }
0x65: {  	s0 =	simm.s32 @!p1 $0x2  }
0x66: {  	_ =	swait.ge @!p1 [sflag:s0], $0x1130  }
0x67: {  	[sflag:s0] =	ssyncset.done @!p1 $0x0  }
0x68: {  	[sflag:s0] =	ssyncadd.s32 @!p1 $0xFFFFEED0;
	s0 =	simm.s32 @!p1 $0x9  }
0x69: {  	_ =	swait.ge @!p1 [sflag:s0], $0x10  }
0x6a: {  	[sflag:s0] =	ssyncset.done @!p1 $0x0  }
0x6b: {  	[sflag:s0] =	ssyncadd.s32 @!p1 $0xFFFFFFF0;
	p1 =	sne.s32 s24, s12  }
.Ltmp9:
0x6c: {  	s2 =	sadd.s32 $0x1130, s23;
	(pc) =	sbr.rel @!p1 .LBB3_10-.Ltmp9, $4  }
0x6d: {  	s6 =	smov.u32 s3;
	s31 =	sadd.s32 $0x1, s24;
	s17 =	sadd.s32 $0x1130, s17  }
0x6e: {  	s18 =	sadd.s32 $0x1, s18;
	s25 =	smov.u32 s23;
	p2 =	slt.s32 s2, s4  }
0x6f: {  	p0 =	por !p0, !p0;
	s19 =	sadd.s32 $0x1130, s19;
	s6 =	smov.u32 @p2 s2  }
0x70: {  	s20 =	sadd.s32 $0x1, s20;
	s23 =	smov.u32 s6;
	s24 =	smov.u32 s31  }
.LBB3_1:
0x71: {  	p1 =	sge.u32 s24, s9  }
0x72: {  	s0 =	smulhi.u32 @!p1 $0xAAAAAAAB, s24;
	_ =	sdelay $0x1  }
0x73: {  	s0 =	sshrl.u32 @!p1 s0, $0x1  }
0x74: {  	s0 =	smul.u32 @!p1 $0x3, s0;
	_ =	sdelay $0x1  }
0x75: {  	s0 =	ssub.s32 @!p1 s24, s0  }
0x76: {  	s0 =	smul.u32 @!p1 $0x44C0, s0;
	_ =	sdelay $0x1  }
0x77: {  	s2 =	sshrl.u32 @!p1 s23, $0x3;
	s0 =	sshrl.u32 @!p1 s0, $0x2  }
0x78: {  	s6 =	sand.u32 @!p1 $0x7, s23;
	s2 =	sadd.s32 @!p1 s5, s2;
	s0 =	sadd.s32 @!p1 $0x100, s0  }
0x79: {  	[tilespmem:s0], [sflag:$0x7] =	stream.linear.gather @!p1 [hbm4b:s2+s6], $0x1130, $0x38;
	[tilespmem:$0x9BD0] =	vst v63  }
0x7a: {  	s0 =	sadd.s32 $0xFFFFFFFF, s24  }
0x7b: {  	p1 =	sge.u32 s0, s9  }
.Ltmp10:
0x7c: {  	_ = 	snop;
	(pc) =	sbr.rel @p1 .LBB3_5-.Ltmp10, $1  }
0x7d: {  	_ =	sdelay $0x3  }
0x7e: {  	s2 =	smulhi.u32 $0xAAAAAAAB, s0;
	_ =	sdelay $0x1  }
0x7f: {  	s2 =	sshrl.u32 s2, $0x1  }
0x80: {  	s2 =	smul.u32 $0x3, s2;
	_ =	sdelay $0x1  }
0x81: {  	s2 =	ssub.s32 s0, s2  }
0x82: {  	s2 =	smul.u32 $0x44C0, s2  }
0x83: {  	_ =	swait.ge [sflag:s7], $0x1130  }
0x84: {  	[sflag:s7] =	ssyncset.done $0x0;
	s2 =	sshrl.u32 s2, $0x2  }
0x85: {  	[sflag:s7] =	ssyncadd.s32 $0xFFFFEED0;
	(ifvalue) =	ssetifvalue $0xFFFFFFFF;
	v3 =	vld.msk [tilespmem:s2+$0x100 ss:$0x1], $0xffff;
	_ =	sdelay $0x2  }
0x86: {  	s30 =	smulhi.u32 $0xAAAAAAAB, s18;
	p1 =	sne.s32 s24, $0x1  }
0x87: {  	v4 =	vimm.s32 @!p1 $0x0  }
0x88: {  	s2 =	sshrl.u32 s30, $0x1;
	v4 =	vperm.xlane @!p1 v3, v4  }
0x89: {  	s6 =	sshll.u32 s24, $0x4;
	s2 =	smul.u32 $0xFFFF31C0, s2;
	vm4 =	vlt.u32 v3, $0x2800  }
0x8a: {  	s6 =	sand.u32 $0x10, s6;
	v3 =	vnsel vm4, $0xFFFFFFFE, v3;
	vm4 =	vlt.u32 @!p1 v4, $0x2800  }
0x8b: {  	s2 =	sshra.s32 s2, $0x2;
	[tilespmem:s6+$0x60] =	vst v3;
	v3 =	vnsel @!p1 vm4, $0xFFFFFFFE, v4  }
0x8c: {  	s26 =	sadd.s32 s2, s17;
	[tilespmem:$0x80] =	vst @!p1 v3  }
0x8d: {  	v3 =	vld.msk [tilespmem:s26+$0x0 ss:$0x1], $0xffff;
	_ =	sdelay $0x4  }
0x8e: {  	(xrf1) =	vunique.msk.u32 $0xffff, v3;
	_ =	sdelay $0xd  }
0x8f: {  	v4 =	vimm.s32 $0xFFFFFFFF;
	v5, _, _ =	vpop (xrf1)  }
0x90: {  	vm5 =	vne.s32 v3, v4;
	vm4 =	veq.s32 v5, v2  }
0x91: {  	vm6 =	vlt.u32 v3, $0x2800;
	vm4 =	vmand vm5, vm4  }
0x92: {  	vm4 =	vmand vm6, vm4  }
0x93: {  	v4 =	vnsel vm4, $0xFFFFFFFF, v3  }
0x94: {  	s31 =	sand.u32 $0x1, s0  }
0x95: {  	s0 =	simm.s32 $0x1130;
	p1 =	seq.s32 s31, $0x1  }
0x96: {  	s0 =	simm.s32 @!p1 $0x0  }
0x97: {  	s2 =	sadd.s32 $0x45B0, s0;
	(ifvalue) =	ssetifvalue $0xFFFFFFFF  }
0x98: {  	v3 =	vperm.xlane v3, v1;
	[tilespmem:s2], [sflag:$0x8] =	stream.indirect_vreg.gather [hbm4b:s1+s16], $0x1, v4, vm0, $0x4038;
	v4 =	vnsel vm6, $0xFFFFFFFE, v4;
	[tilespmem:$0x9BD0] =	vst v63  }
0x99: {  	s22 =	sadd.s32 $0xFFFFFFF0, s26;
	s6 =	simm.s32 $0x0;
	[tilespmem:s26+$0x0] =	vst v4  }
.LBB3_3:
0x9a: {  	v4 =	vld.msk [tilespmem:s22+$0x0 ss:$0x1], $0xffff;
	s6 =	sadd.s32 $0x10, s6;
	v5 =	vmov v3;
	s26 =	smov.u32 s22  }
0x9b: {  	p1 =	slt.u32 s6, $0x1120;
	_ =	sdelay $0x4  }
0x9c: {  	v3 =	vperm.xlane v4, v1;
	(xrf1) =	vunique.msk.u32 $0xffff, v4;
	_ =	sdelay $0xd  }
0x9d: {  	v6, _, _ =	vpop (xrf1)  }
0x9e: {  	vm5 =	vne.s32 v4, v5;
	vm4 =	veq.s32 v6, v2  }
0x9f: {  	vm6 =	vlt.u32 v4, $0x2800;
	vm4 =	vmand vm5, vm4  }
0xa0: {  	vm4 =	vmand vm6, vm4  }
0xa1: {  	v4 =	vnsel vm4, $0xFFFFFFFF, v4  }
.Ltmp11:
0xa2: {  	v5 =	vnsel vm6, $0xFFFFFFFE, v4;
	(pc) =	sbr.rel @p1 .LBB3_3-.Ltmp11, $3  }
0xa3: {  	_ =	sdelay $0x1  }
0xa4: {  	s22 =	sadd.s32 $0xFFFFFFF0, s22;
	s2 =	sadd.s32 $0xFFFFFFF0, s2;
	(ifvalue) =	ssetifvalue $0xFFFFFFFF  }
0xa5: {  	[tilespmem:s2], [sflag:$0x8] =	stream.indirect_vreg.gather [hbm4b:s1+s16], $0x1, v4, vm0, $0x4038;
	[tilespmem:s26+$0x0] =	vst v5  }
0xa6: {  	s2 =	sshrl.u32 s25, $0x3;
	s6 =	rddreg [dreg:$0x2]  }
0xa7: {  	s0 =	sadd.s32 $0x56F0, s0;
	s2 =	sadd.s32 s6, s2  }
0xa8: {  	[tilespmem:s0], [sflag:$0x8] =	stream.linear.gather [hbm:s2], $0x1130, $0x38;
	[tilespmem:$0x9BD0] =	vst v63  }
.LBB3_5:
0xa9: {  	p1 =	slt.u32 s24, $0x2  }
0xaa: {  	p2 =	sge.u32 @!p1 s24, s12  }
0xab: {  	p1 =	por p1, p2  }
.Ltmp12:
0xac: {  	_ = 	snop;
	(pc) =	sbr.rel @p1 .LBB3_9-.Ltmp12, $1  }
0xad: {  	_ =	sdelay $0x3  }
0xae: {  	s0 =	sadd.s32 $0xFFFFFFFE, s24  }
0xaf: {  	s2 =	smulhi.u32 $0xAAAAAAAB, s0;
	_ =	sdelay $0x1  }
0xb0: {  	s2 =	sshrl.u32 s2, $0x1  }
0xb1: {  	s2 =	smul.u32 $0x3, s2;
	_ =	sdelay $0x1  }
0xb2: {  	_ =	swait.ge [sflag:s8], $0x2260;
	s0 =	ssub.s32 s0, s2  }
0xb3: {  	s6 =	rddreg [dreg:$0x3];
	s0 =	smul.u32 $0x1130, s0  }
0xb4: {  	[sflag:s8] =	ssyncset.done $0x0;
	p1 =	sne.s32 s24, s6  }
0xb5: {  	[sflag:s8] =	ssyncadd.s32 $0xFFFFDDA0;
	s6 =	rddreg [dreg:$0x4];
	s2 =	sadd.s32 @!p1 $0x122F, s0  }
0xb6: {  	[spmem:s6] =	stream.linear.scatter @!p1 [tilespmem:s2], [sflag:$0x1], $0x1, $0x38;
	[tilespmem:$0x9BD0] =	vst v63  }
0xb7: {  	s2 =	simm.s32 @!p1 $0x1  }
0xb8: {  	_ =	swait.ge @!p1 [sflag:s2], $0x1  }
0xb9: {  	s11 =	sshll.u32 s24, $0x4;
	[sflag:s2] =	ssyncset.done @!p1 $0x0  }
0xba: {  	s25 =	sand.u32 $0x10, s11;
	[sflag:s2] =	ssyncadd.s32 @!p1 $0xFFFFFFFF  }
0xbb: {  	s2 =	sxor.u32 $0x10, s25;
	v4 =	vld [tilespmem:s25+$0x10]  }
0xbc: {  	v5 =	vld [tilespmem:s2+$0x60]  }
0xbd: {  	v3 =	vld [tilespmem:$0x80];
	_ =	sdelay $0x2  }
0xbe: {  	(v2sf) =	vpush v4, $0x0  }
0xbf: {  	(v2sf) =	vpush v5, $0x0  }
0xc0: {  	(v2sf) =	vpush v3, $0x0;
	_ =	sdelay $0xc  }
0xc1: {  	s13 =	spop (v2sf)  }
0xc2: {  	s22 =	spop (v2sf)  }
0xc3: {  	s26 =	spop (v2sf)  }
0xc4: {  	p2 =	seq.s32 s13, s22;
	p3 =	seq.s32 s26, s13  }
0xc5: {  	p3 =	por p2, p3  }
0xc6: {  	s22 =	sand.u32 $0x1, s24;
	v4 =	vpsel p3, $0xFFFFFFFF, v4  }
0xc7: {  	s28 =	smul.u32 $0x1130, s22;
	[tilespmem:s25+$0x10] =	vst.msk $0x1, v4  }
0xc8: {  	v4 =	vld [tilespmem:$0x30]  }
0xc9: {  	v5 =	vld [tilespmem:s28+$0x56F0]  }
0xca: {  	v6 =	vld [tilespmem:s25+$0x40];
	_ =	sdelay $0x3  }
0xcb: {  	vm4 =	vmmov vm1;
	vm6 =	vmmov vm2;
	vm5 =	vlt.s32 v4, v5  }
0xcc: {  	vm4 =	vmmov @p2 vm2;
	v5 =	vsel vm5, v4, v5;
	vm5 =	vlt.s32 v4, v6  }
0xcd: {  	s6 =	sshll.u32 s22, $0x4;
	vm6 =	vmmov @p3 vm1;
	v4 =	vsel vm5, v4, v6;
	[tilespmem:s28+$0x56F0] =	vst.msk vm4, v5  }
0xce: {  	[tilespmem:s6+$0x9BB0] =	vst.msk vm6, v4  }
0xcf: {  	v4 =	vld [tilespmem:s28+$0x45B0];
	_ =	sdelay $0x4  }
0xd0: {  	v4 =	vshift.insert v4, v1, s21  }
0xd1: {  	s11 =	sor.u32 $0x40, s2  }
0xd2: {  	v5 =	vimm.s32 $0x7FFFFFFF;
	[tilespmem:s11+$0x0] =	vst.msk $0x1, v4  }
0xd3: {  	[tilespmem:s28+$0x45BF] =	vst.msk $0x1, v5  }
0xd4: {  	v4 =	vld [tilespmem:s0+$0x1220];
	_ =	sdelay $0x1  }
0xd5: {  	s0 =	simm.s32 $0x1  }
0xd6: {  	s13 =	smulhi.u32 $0xAAAAAAAB, s20;
	s0 =	simm.s32 @!p0 $0x0  }
0xd7: {  	s0 =	smul.u32 $0x44C0, s0  }
0xd8: {  	s22 =	sshrl.u32 s13, $0x1;
	v4 =	vshift.insert v4, v1, s21  }
0xd9: {  	s22 =	smul.u32 $0xFFFF31C0, s22;
	s0 =	sshrl.u32 s0, $0x2  }
0xda: {  	s11 =	sadd.s32 $0x56F0, s0;
	[tilespmem:s2+$0x10] =	vst.msk $0x1, v4  }
0xdb: {  	s22 =	sshra.s32 s22, $0x2;
	v6 =	vld [tilespmem:s11+$0x0]  }
0xdc: {  	s2 =	sadd.s32 s22, s19  }
0xdd: {  	v7 =	vld [tilespmem:s2+$0x0];
	_ =	sdelay $0x2  }
0xde: {  	vm4 =	vlt.s32 v6, v5  }
0xdf: {  	v5 =	vsel vm4, v6, v5  }
0xe0: {  	vm4 =	vne.s32 v7, $0xFFFFFFFF;
	v5 =	vxor.u32 $0x80000000, v5  }
0xe1: {  	(xrf0) =	vmin.seg.scan.u32 vm4, v5  }
0xe2: {  	s13 =	sadd.s32 $0x3490, s0  }
0xe3: {  	v8 =	vld [tilespmem:s13+$0x0]  }
0xe4: {  	v6 =	vld [tilespmem:$0xA0];
	_ =	sdelay $0x2  }
0xe5: {  	v5 =	vperm.xlane v4, v1;
	v9, _, _ =	vpop (xrf0)  }
0xe6: {  	vm6 =	veq.s32 v7, v3;
	v9 =	vxor.u32 $0x80000000, v9  }
0xe7: {  	vm8 =	veq.s32 v7, v5;
	vm5 =	veq.s32 v6, $0x1;
	vm7 =	vlt.s32 v9, v8  }
0xe8: {  	vm8 =	vmor vm8, vm6;
	v6 =	vsel vm7, v9, v8;
	vm7 =	vgt.u32 v7, $0xFFFFFFFD  }
0xe9: {  	v10 =	vld [tilespmem:$0x90];
	vm9 =	vmand vm4, vm3;
	vm4 =	vmor vm5, vm6;
	vm5 =	vmor vm8, vm7  }
0xea: {  	v8 =	vsel vm5, $0xFFFFFFFF, v7;
	_ =	sdelay $0x1  }
0xeb: {  	s31 =	simm.s32 $0x0;
	s29 =	sadd.s32 $0x9BB0, s6  }
0xec: {  	s30 =	sadd.s32 $0x7950, s0;
	s0 =	sadd.s32 $0x10, s11;
	s6 =	sadd.s32 $0x10, s13;
	v11 =	vsel vm9, $0x7FFFFFFF, v9;
	v6 =	vsel vm6, v9, v6  }
0xed: {  	s22 =	sadd.s32 $0x10, s30;
	s2 =	sadd.s32 $0x10, s2;
	[tilespmem:s30+$0x0] =	vst v6;
	v6 =	vsel vm6, v9, v10;
	v7 =	vshift.insert v11, v0, s21;
	(ifvalue) =	ssetifvalue $0xFFFFFFFF  }
.LBB3_7:
0xee: {  	[hbm4b:s1+s16] =	stream.indirect_vreg.scatter [tilespmem:s30], [sflag:$0x2], $0x1, v8, vm0, $0x4038;
	[tilespmem:$0x9BD0] =	vst v63  }
0xef: {  	s31 =	sadd.s32 $0x10, s31;
	s30 =	smov.u32 s22;
	v8 =	vld [tilespmem:s0+$0x0]  }
0xf0: {  	p2 =	slt.u32 s31, $0x1120  }
0xf1: {  	v9 =	vld [tilespmem:s2+$0x0];
	_ =	sdelay $0x2  }
0xf2: {  	vm5 =	vlt.s32 v8, v7  }
0xf3: {  	v7 =	vsel vm5, v8, v7  }
0xf4: {  	vm5 =	vne.s32 v9, $0xFFFFFFFF;
	v7 =	vxor.u32 $0x80000000, v7  }
0xf5: {  	(xrf0) =	vmin.seg.scan.u32 vm5, v7;
	_ =	sdelay $0x2  }
0xf6: {  	v7 =	vld [tilespmem:s6+$0x0];
	_ =	sdelay $0x1  }
0xf7: {  	vm6 =	veq.s32 v9, v3;
	vm7 =	veq.s32 v9, v5  }
0xf8: {  	vm8 =	vgt.u32 v9, $0xFFFFFFFD;
	vm4 =	vmor vm4, vm6;
	vm7 =	vmor vm7, vm6;
	v8, _, _ =	vpop (xrf0)  }
0xf9: {  	vm5 =	vmand vm5, vm3;
	vm7 =	vmor vm7, vm8;
	v10 =	vxor.u32 $0x80000000, v8  }
.Ltmp13:
0xfa: {  	v8 =	vsel vm7, $0xFFFFFFFF, v9;
	vm7 =	vlt.s32 v10, v7;
	v9 =	vsel vm5, $0x7FFFFFFF, v10;
	(pc) =	sbr.rel @p2 .LBB3_7-.Ltmp13, $4  }
0xfb: {  	v6 =	vsel vm6, v10, v6;
	v11 =	vsel vm7, v10, v7;
	v7 =	vshift.insert v9, v0, s21  }
0xfc: {  	v9 =	vsel vm6, v10, v11  }
0xfd: {  	s0 =	sadd.s32 $0x10, s0;
	s2 =	sadd.s32 $0x10, s2;
	[tilespmem:s22+$0x0] =	vst v9  }
0xfe: {  	s6 =	sadd.s32 $0x10, s6;
	s22 =	sadd.s32 $0x10, s22;
	(ifvalue) =	ssetifvalue $0xFFFFFFFF  }
0xff: {  	_ =	sdelay $0x3  }
0x100: {  	[hbm4b:s1+s16] =	stream.indirect_vreg.scatter [tilespmem:s30], [sflag:$0x2], $0x1, v8, vm0, $0x4038;
	[tilespmem:$0x9BD0] =	vst v63  }
0x101: {  	v3 =	vld [tilespmem:s28+$0x8A70];
	_ =	sdelay $0x4  }
0x102: {  	v3 =	vshift.insert v3, v1, s21  }
0x103: {  	s0 =	simm.s32 $0x30  }
0x104: {  	[tilespmem:s0+$0x0] =	vst.msk $0x1, v3  }
0x105: {  	v3 =	vsel vm4, $0x1, v1;
	[tilespmem:$0x90] =	vst v6  }
0x106: {  	s0 =	sadd.s32 @!p1 $0x8A7F, s28;
	[tilespmem:$0xA0] =	vst v3  }
0x107: {  	[spmem:s14] =	stream.linear.scatter @!p1 [tilespmem:s0], [sflag:$0x1], $0x1, $0x38;
	[tilespmem:$0x9BD0] =	vst v63  }
0x108: {  	s0 =	simm.s32 @!p1 $0x1  }
0x109: {  	v3 =	vmctz.xlane @!p1 vm4;
	_ =	swait.ge @!p1 [sflag:s0], $0x1  }
0x10a: {  	(v2sf) =	vpush @!p1 v4, $0x0  }
0x10b: {  	(v2sf) =	vpush @!p1 v3, $0x0;
	_ =	sdelay $0xd  }
0x10c: {  	s2 =	spop @!p1 (v2sf)  }
0x10d: {  	s6 =	spop @!p1 (v2sf)  }
0x10e: {  	p2 =	sne.s32 @!p1 s26, s2;
	p3 =	slt.s32 @!p1 s6, $0xF  }
0x10f: {  	[sflag:s0] =	ssyncset.done @!p1 $0x0;
	p2 =	por p2, p1;
	p3 =	por !p3, p1  }
0x110: {  	[sflag:s0] =	ssyncadd.s32 @!p1 $0xFFFFFFFF;
	v3 =	vimm.s32 @!p2 $0xFFFFFFFF;
	s6 =	simm.s32 @p3 $0xF  }
0x111: {  	[tilespmem:$0x80] =	vst @!p2 v3;
	s2 =	sadd.s32 @!p1 $0x90, s6  }
0x112: {  	[spmem:s10] =	stream.linear.scatter @!p1 [tilespmem:s2], [sflag:$0x1], $0x1, $0x38;
	[tilespmem:$0x9BD0] =	vst v63  }
0x113: {  	_ =	swait.ge @!p1 [sflag:s0], $0x1  }
0x114: {  	[sflag:s0] =	ssyncset.done @!p1 $0x0  }
0x115: {  	s2 =	simm.s32 @!p1 $0x80;
	[sflag:s0] =	ssyncadd.s32 @!p1 $0xFFFFFFFF  }
0x116: {  	[spmem:s15] =	stream.linear.scatter @!p1 [tilespmem:s2], [sflag:$0x1], $0x1, $0x38;
	[tilespmem:$0x9BD0] =	vst v63  }
0x117: {  	_ =	swait.ge @!p1 [sflag:s0], $0x1  }
0x118: {  	[sflag:s0] =	ssyncset.done @!p1 $0x0  }
0x119: {  	[sflag:s0] =	ssyncadd.s32 @!p1 $0xFFFFFFFF;
	(ifvalue) =	ssetifvalue $0xFFFFFFFF;
	v3 =	vld [tilespmem:s25+$0x10];
	_ =	sdelay $0x3  }
.Ltmp14:
0x11a: {  	_ = 	snop;
	(pc) =	sbr.rel .LBB3_9-.Ltmp14, $3  }
0x11b: {  	_ =	sdelay $0x1  }
0x11c: {  	(ifvalue) =	ssetifvalue $0xFFFFFFFF  }
0x11d: {  	[hbm4b:s1+s16] =	stream.indirect_vreg.scatter [tilespmem:s29], [sflag:$0x9], $0x1, v3, vm0, $0x4038;
	[tilespmem:$0x9BD0] =	vst v63  }
.LBB3_10:
0x11e: {  	_ =	sfence.sel $0x180000  }
0x11f: {  	s0 =	simm.s32 $0x7;
	[bflag:$0x0] =	sbarrier.arrive $0xFFFF  }
0x120: {  	s26 =	simm.s32 $0x8;
	[sflag:s0] =	ssyncpa.u1 $0x1  }
0x121: {  	s28 =	simm.s32 $0x9;
	[sflag:s26] =	ssyncpa.u1 $0x1  }
0x122: {  	[sflag:s28] =	ssyncpa.u1 $0x1  }
0x123: {  	_ =	sfence.stream.spmem  }
0x124: {  	s29 =	simm.s32 $0x3;
	[bflag:$0x0] =	sbarrier.arrive $0xFFFF  }
0x125: {  	s30 =	simm.s32 $0x4;
	[sflag:s29] =	ssyncpa.u1 $0x1  }
0x126: {  	s31 =	simm.s32 $0x3C;
	s2 =	stileid.u32;
	[sflag:s30] =	ssyncpa.u1 $0x1  }
0x127: {  	p0 =	sne.s32 s2, $0x0;
	[sflag:s31] =	ssyncpa.u1 $0x1  }
0x128: {  	s0 =	simm.s32 @p0 $0x1;
	_ =	sfence @p0  }
0x129: {  	[sflag:s0] =	ssyncpa.u1 @p0 $0x1;
	s0 =	simm.s32 @p0 $0x2  }
0x12a: {  	[sflag:s0] =	ssyncpa.u1 @p0 $0x1  }
0x12b: {  	_ =	strace @p0 $0x90000056  }
0x12c: {  	[bflag:$0x2] =	sbarrier.arrive @p0 $0xFFFF  }
0x12d: {  	_ =	shalt @p0  }
.LBB3_11:
0x12e: {  	_ =	sfence.stream.spmem;
	s0 =	simm.s32 $0x5  }
0x12f: {  	s2 =	simm.s32 $0x80;
	s3 =	simm.s32 $0xC0;
	[sflag:s0] =	ssyncpa.u1 $0x0  }
0x130: {  	[tilespmem:s3], [sflag:$0x5] =	stream.linear.gather [spmem:s2], $0x20, $0x38;
	[tilespmem:$0x9BD0] =	vst v63  }
0x131: {  	s30 =	simm.s32 $0xE0;
	s2 =	simm.s32 $0x0  }
0x132: {  	[tilespmem:s30], [sflag:$0x5] =	stream.linear.gather [spmem:s2], $0x20, $0x38;
	[tilespmem:$0x9BD0] =	vst v63  }
.Ltmp15:
0x133: {  	_ = 	snop;
	(pc) =	sbr.rel .LBB3_12-.Ltmp15, $4  }
0x134: {  	_ =	swait.ge [sflag:s0], $0x40  }
0x135: {  	[sflag:s0] =	ssyncset.done $0x0  }
0x136: {  	s31 =	simm.s32 $0x6;
	[sflag:s0] =	ssyncadd.s32 $0xFFFFFFC0  }
0x137: {  	s3 =	simm.s32 $0x0;
	[sflag:s31] =	ssyncpa.u1 $0x0  }
.LBB3_17:
0x138: {  	p0 =	sgt.u32 s4, $0x27FF  }
0x139: {  	s0 =	sshrl.u32 @!p0 s4, $0x3  }
0x13a: {  	s4 =	sand.u32 @!p0 $0x7, s4;
	s5 =	simm.s32 @!p0 $0xB0;
	s0 =	sadd.s32 @!p0 s1, s0  }
0x13b: {  	[tilespmem:s5], [sflag:$0x6] =	stream.linear.gather @!p0 [hbm4b:s0+s4], $0x1, $0x38;
	[tilespmem:$0x9BD0] =	vst v63  }
0x13c: {  	s0 =	simm.s32 @!p0 $0x6  }
0x13d: {  	_ =	swait.ge @!p0 [sflag:s0], $0x1  }
0x13e: {  	[sflag:s0] =	ssyncset.done @!p0 $0x0  }
0x13f: {  	[sflag:s0] =	ssyncadd.s32 @!p0 $0xFFFFFFFF  }
0x140: {  	v1 =	vld.msk @!p0 [tilespmem:$0xB0], $0x1  }
0x141: {  	v2 =	vld.msk @!p0 [tilespmem:s3+$0xE0], $0x1;
	_ =	sdelay $0x4  }
0x142: {  	vm0 =	vlt.s32 @!p0 v2, v1  }
0x143: {  	v1 =	vsel @!p0 vm0, v2, v1  }
0x144: {  	[tilespmem:s3+$0xE0] =	vst.msk @!p0 $0x1, v1  }
0x145: {  	[tilespmem:s2+$0xC0] =	vst.msk $0x1, v0  }
0x146: {  	v0 =	vld.msk [tilespmem:s3+$0xE0], $0x1;
	_ =	sdelay $0x4  }
0x147: {  	[tilespmem:s2+$0xE0] =	vst.msk $0x1, v0;
	s2 =	sadd.s32 $0x1, s2  }
.LBB3_19:
0x148: {  	s3 =	sadd.s32 $0x1, s3  }
0x149: {  	p0 =	sne.s32 s3, $0x20  }
.Ltmp16:
0x14a: {  	_ = 	snop;
	(pc) =	sbr.rel @!p0 .LBB3_20-.Ltmp16, $1  }
0x14b: {  	_ =	sdelay $0x3  }
.LBB3_12:
0x14c: {  	v0 =	vld.msk [tilespmem:s3+$0xC0], $0x1;
	_ =	sdelay $0x4  }
0x14d: {  	(v2sf) =	vpush v0, $0x0;
	_ =	sdelay $0xe  }
0x14e: {  	s4 =	spop (v2sf)  }
0x14f: {  	p0 =	seq.s32 s4, $0xFFFFFFFF  }
.Ltmp17:
0x150: {  	_ = 	snop;
	(pc) =	sbr.rel @p0 .LBB3_19-.Ltmp17, $1  }
0x151: {  	_ =	sdelay $0x3  }
0x152: {  	p0 =	slt.s32 s2, $0x1  }
.Ltmp18:
0x153: {  	_ = 	snop;
	(pc) =	sbr.rel @p0 .LBB3_17-.Ltmp18, $1  }
0x154: {  	_ =	sdelay $0x3  }
0x155: {  	s0 =	simm.s32 $0xC0;
	p0 =	por $0x0, $0x0  }
0x156: {  	v1 =	vld.msk @!p0 [tilespmem:s0+$0x0], $0x1;
	_ =	sdelay $0x4  }
0x157: {  	(v2sf) =	vpush @!p0 v1, $0x0;
	_ =	sdelay $0xd  }
0x158: {  	p2 =	sne.s32 s2, $0x1  }
.Ltmp19:
0x159: {  	s5 =	spop @!p0 (v2sf);
	(pc) =	sbr.rel @!p2 .LBB3_16-.Ltmp19, $4  }
0x15a: {  	p1 =	seq.s32 @!p0 s4, s5  }
0x15b: {  	s5 =	simm.s32 $0x0;
	p1 =	por !p1, p0  }
0x15c: {  	s7 =	simm.s32 $0xFFFFFFFF;
	s5 =	simm.s32 @p1 $0xFFFFFFFF  }
0x15d: {  	s6 =	simm.s32 $0x1;
	s5 =	smov.u32 @p0 s7  }
.LBB3_15:
0x15e: {  	s7 =	smov.u32 s5;
	p0 =	sne.s32 s5, $0xFFFFFFFF  }
0x15f: {  	s0 =	sadd.s32 $0x1, s0;
	s5 =	smov.u32 s6;
	s6 =	sadd.s32 $0x1, s6  }
0x160: {  	p1 =	sne.s32 s2, s6;
	v1 =	vld.msk @!p0 [tilespmem:s0+$0x0], $0x1;
	_ =	sdelay $0x4  }
0x161: {  	(v2sf) =	vpush @!p0 v1, $0x0;
	_ =	sdelay $0xe  }
.Ltmp20:
0x162: {  	s8 =	spop @!p0 (v2sf);
	(pc) =	sbr.rel @p1 .LBB3_15-.Ltmp20, $4  }
0x163: {  	p2 =	seq.s32 @!p0 s4, s8  }
0x164: {  	p2 =	por !p2, p0  }
0x165: {  	s5 =	simm.s32 @p2 $0xFFFFFFFF  }
0x166: {  	s5 =	smov.u32 @p0 s7  }
.LBB3_16:
0x167: {  	p0 =	sne.s32 s5, $0xFFFFFFFF  }
.Ltmp21:
0x168: {  	_ = 	snop;
	(pc) =	sbr.rel @!p0 .LBB3_17-.Ltmp21, $1  }
0x169: {  	_ =	sdelay $0x3  }
0x16a: {  	v0 =	vld.msk [tilespmem:s3+$0xE0], $0x1  }
0x16b: {  	v1 =	vld.msk [tilespmem:s5+$0xE0], $0x1;
	_ =	sdelay $0x2  }
.Ltmp22:
0x16c: {  	_ = 	snop;
	(pc) =	sbr.rel .LBB3_19-.Ltmp22, $4  }
0x16d: {  	_ = 	snop  }
0x16e: {  	vm0 =	vlt.s32 v1, v0  }
0x16f: {  	v0 =	vsel vm0, v1, v0  }
0x170: {  	[tilespmem:s5+$0xE0] =	vst.msk $0x1, v0  }
.LBB3_20:
0x171: {  	p0 =	slt.s32 s2, $0x1  }
.Ltmp23:
0x172: {  	_ = 	snop;
	(pc) =	sbr.rel @p0 .LBB3_24-.Ltmp23, $3  }
0x173: {  	_ =	sdelay $0x1  }
0x174: {  	s0 =	simm.s32 $0x6  }
0x175: {  	s3 =	simm.s32 $0x0;
	[sflag:s0] =	ssyncpa.u1 $0x1  }
0x176: {  	s0 =	simm.s32 $0xC0  }
0x177: {  	v0 =	vld.msk [tilespmem:s0+$0x0], $0x1;
	_ =	sdelay $0x4  }
0x178: {  	(v2sf) =	vpush v0, $0x0;
	_ =	sdelay $0xe  }
0x179: {  	s2 =	sadd.s32 $0xFFFFFFFF, s2;
	s4 =	spop (v2sf)  }
0x17a: {  	p1 =	sne.s32 s2, $0x0;
	p0 =	sgt.u32 s4, $0x27FF  }
.Ltmp24:
0x17b: {  	s5 =	sshrl.u32 @!p0 s4, $0x3;
	(pc) =	sbr.rel @!p1 .LBB3_23-.Ltmp24, $4  }
0x17c: {  	s0 =	simm.s32 $0xE0;
	s4 =	sand.u32 @!p0 $0x7, s4;
	s5 =	sadd.s32 @!p0 s1, s5  }
0x17d: {  	[hbm4b:s5+s4] =	stream.linear.scatter @!p0 [tilespmem:s0], [sflag:$0x5], $0x1, $0x38;
	[tilespmem:$0x9BD0] =	vst v63  }
0x17e: {  	s5 =	simm.s32 $0x0  }
0x17f: {  	s4 =	simm.s32 $0xC1;
	s5 =	simm.s32 @!p0 $0x4  }
.LBB3_22:
0x180: {  	v0 =	vld.msk [tilespmem:s4+$0x0], $0x1;
	s2 =	sadd.s32 $0xFFFFFFFF, s2;
	s3 =	sadd.s32 s3, s5  }
0x181: {  	p0 =	sne.s32 s2, $0x0;
	_ =	sdelay $0x3  }
0x182: {  	(v2sf) =	vpush v0, $0x0;
	_ =	sdelay $0xe  }
.Ltmp25:
0x183: {  	s6 =	spop (v2sf);
	(pc) =	sbr.rel @p0 .LBB3_22-.Ltmp25, $4  }
0x184: {  	s5 =	simm.s32 $0x0;
	p1 =	sgt.u32 s6, $0x27FF  }
0x185: {  	s0 =	sadd.s32 $0x1, s0;
	s5 =	simm.s32 @!p1 $0x4;
	s7 =	sshrl.u32 @!p1 s6, $0x3  }
0x186: {  	s4 =	sadd.s32 $0x1, s4;
	s6 =	sand.u32 @!p1 $0x7, s6;
	s7 =	sadd.s32 @!p1 s1, s7  }
0x187: {  	[hbm4b:s7+s6] =	stream.linear.scatter @!p1 [tilespmem:s0], [sflag:$0x5], $0x1, $0x38;
	[tilespmem:$0x9BD0] =	vst v63  }
.LBB3_23:
0x188: {  	s0 =	sadd.s32 s3, s5  }
0x189: {  	s3 =	sshrl.u32 s0, $0x2  }
.LBB3_24:
0x18a: {  	s0 =	simm.s32 $0x5  }
0x18b: {  	_ =	swait.ge [sflag:s0], s3  }
0x18c: {  	s1 =	ssub.s32 $0x0, s3;
	[sflag:s0] =	ssyncset.done $0x0  }
0x18d: {  	[sflag:s0] =	ssyncadd.s32 s1  }
0x18e: {  	[sflag:s0] =	ssyncpa.u1 $0x1  }
0x18f: {  	s29 =	simm.s32 $0x1;
	_ =	sfence  }
0x190: {  	s30 =	simm.s32 $0x2;
	[sflag:s29] =	ssyncpa.u1 $0x1  }
0x191: {  	[sflag:s30] =	ssyncpa.u1 $0x1  }
0x192: {  	_ =	strace $0x90000056  }
0x193: {  	[bflag:$0x2] =	sbarrier.arrive $0xFFFF  }
0x194: {  	s31 =	rddreg [dreg:$0x1]  }
0x195: {  	s0 =	sadd.s32 $0x100000, s31  }
0x196: {  	[sflag:s0] =	ssyncadd.tile.s32 $0x1;
	_ =	shalt  }
.Lfunc_end3:
_tile_overlayer_lowered:
.L_overlay_start_3:
0x197: {  	(tag) =	ssettag $0x3  }
0x198: {  	s0 =	rddreg [dreg:$0x0];
	s2 =	stileid.u32  }
0x199: {  	s1 =	rddreg [dreg:$0x1];
	p0 =	sne.s32 s2, $0x0  }
0x19a: {  	s3 =	rddreg [dreg:$0x2];
	[bflag:$0x3] =	sbarrier.arrive $0xFFFF;
	s2 =	simm.s32 @!p0 $0x1C01  }
0x19b: {  	[timem:s3], [sflag:s2] =	dma.local @!p0 [hbm:s0], s1  }
0x19c: {  	s0 =	simm.s32 @!p0 $0x1  }
0x19d: {  	_ =	swait.ge @!p0 [sflag:s0], s1  }
0x19e: {  	s1 =	ssub.s32 @!p0 $0x0, s1;
	[sflag:s0] =	ssyncset.done @!p0 $0x0  }
0x19f: {  	[sflag:s0] =	ssyncadd.s32 @!p0 s1  }
0x1a0: {  	[bflag:$0x3] =	sbarrier.arrive $0xFFFF  }
0x1a1: {  	_ =	shalt  }

// kernel: scatter_offload_async_start.3
scs
__scs_entry_jumppad:
0x0: {  	(pc) =	sbr.rel $0x88, $3  }
0x1: {  	(tag) =	ssettag $0x0;
	lr =	simm.s32 $0x1  }
0x2: {  	[smem:$0x3F9C] =	sst lr;
	_ =	strace $0xD0000000  }
0x3: {  	_ = 	snop  }
0x4: {  	_ = 	snop  }
0x5: {  	_ = 	snop  }
0x6: {  	_ = 	snop  }
0x7: {  	_ = 	snop  }
__scs_overlays_trampoline_lowered:
0x8: {  	[smem:$0x3FAB] =	sst s0  }
0x9: {  	[smem:$0x3FAC] =	sst s1  }
0xa: {  	[smem:$0x3FAD] =	sst s2  }
0xb: {  	[smem:$0x3FAE] =	sst s3  }
0xc: {  	[smem:$0x3FAF] =	sst s4  }
0xd: {  	[smem:$0x3FB0] =	sst s5  }
0xe: {  	[smem:$0x3FB1] =	sst s6  }
0xf: {  	[smem:$0x3FB2] =	sst s7  }
0x10: {  	[smem:$0x3FB3] =	sst s8  }
0x11: {  	[smem:$0x3FB4] =	sst s9;
	s0 =	simm.s32 @!p0 $0x0  }
0x12: {  	s1 =	sld [smem:$0x3F9A];
	s0 =	simm.s32 @p0 $0x1  }
0x13: {  	[smem:$0x3FB5] =	sst s0;
	s0 =	simm.s32 @!p1 $0x0  }
0x14: {  	s2 =	sld [smem:$0x3F99];
	s0 =	simm.s32 @p1 $0x1  }
0x15: {  	[smem:$0x3FB6] =	sst s0;
	s0 =	simm.s32 @!p2 $0x0  }
0x16: {  	s3 =	sld [smem:$0x3FDB];
	s0 =	simm.s32 @p2 $0x1  }
0x17: {  	s4 =	simm.s32 $0x1BF5;
	[smem:$0x3FB8] =	sst s0  }
0x18: {  	s0 =	sld [smem:$0x3F9B];
	_ =	swait.ge [sflag:s4], $0x0  }
0x19: {  	s7 =	sld [smem:$0x3F9C]  }
0x1a: {  	s8 =	sadd.s32 $0xFFFFE003, lr  }
0x1b: {  	s9 =	sadd.s32 $0xFFFFFEF7, lr;
	s5 =	simm.s32 $0xFFFFFFFF;
	p2 =	slt.u32 s8, $0xFFFFF086  }
0x1c: {  	p1 =	slt.u32 s9, $0xF7A;
	s5 =	simm.s32 @!p2 $0x0  }
0x1d: {  	s5 =	simm.s32 @p1 $0x1;
	p0 =	seq.s32 s7, s2  }
0x1e: {  	s7 =	smul.u32 @!p0 $0xF7A, s2;
	p2 =	seq.s32 @!p0 s5, $0x0  }
0x1f: {  	s9 =	smul.u32 $0xF7A, s1;
	s8 =	simm.s32 @!p0 $0x1BF5;
	p2 =	por !p2, p0  }
0x20: {  	[sflag:s8] =	ssyncset.s32 @!p0 $0xFFFFF086;
	s6 =	sadd.s32 @!p0 s3, s7;
	s7 =	simm.s32 @!p0 $0x108  }
0x21: {  	s3 =	sadd.s32 s3, s9;
	s6 =	sadd.s32 @!p0 $0x88, s6;
	s7 =	simm.s32 @p2 $0x1082  }
0x22: {  	[simem:s7], [sflag:s8] =	dma.local @!p0 [hbm:s6], $0xF7A  }
0x23: {  	s9 =	sor.u32 $0xD0000000, s2;
	s6 =	simm.s32 $0x108;
	_ =	swait.ge @!p0 [sflag:s8], $0x0  }
0x24: {  	s3 =	sadd.s32 $0x88, s3;
	s6 =	simm.s32 @!p1 $0x1082;
	[sflag:s4] =	ssyncset.s32 $0xFFFFF086  }
0x25: {  	[simem:s6], [sflag:s4] =	dma.local [hbm:s3], $0xF7A  }
0x26: {  	[smem:$0x3F9C] =	sst s1;
	(tag) =	ssettag s2;
	_ =	strace s9  }
0x27: {  	s1 =	sld [smem:$0x3FAC]  }
0x28: {  	s2 =	sld [smem:$0x3FAD]  }
0x29: {  	s4 =	sld [smem:$0x3FAF]  }
0x2a: {  	p0 =	seq.s32 s5, $0x0;
	s5 =	sld [smem:$0x3FB0]  }
0x2b: {  	s6 =	sld [smem:$0x3FB1]  }
0x2c: {  	s7 =	sld [smem:$0x3FB2]  }
0x2d: {  	s3 =	simm.s32 $0x108;
	s8 =	sld [smem:$0x3FB3]  }
0x2e: {  	s3 =	simm.s32 @!p0 $0x1082;
	s9 =	sld [smem:$0x3FB4]  }
0x2f: {  	lr =	sadd.s32 s0, s3;
	s0 =	sld [smem:$0x3FAB]  }
0x30: {  	s3 =	sld [smem:$0x3FAE]  }
0x31: {  	[smem:$0x3FB7] =	sst s10  }
0x32: {  	s10 =	sld [smem:$0x3FB5];
	_ =	sdelay $0x3  }
0x33: {  	p0 =	seq.s32 s10, $0x1;
	s10 =	sld [smem:$0x3FB7];
	_ =	sdelay $0x3  }
0x34: {  	[smem:$0x3FB7] =	sst s10  }
0x35: {  	s10 =	sld [smem:$0x3FB6];
	_ =	sdelay $0x3  }
0x36: {  	p1 =	seq.s32 s10, $0x1;
	s10 =	sld [smem:$0x3FB7];
	_ =	sdelay $0x3  }
0x37: {  	[smem:$0x3FB7] =	sst s10  }
0x38: {  	s10 =	sld [smem:$0x3FB8]  }
0x39: {  	_ = 	snop;
	(pc) =	sbr.ind lr, $3  }
0x3a: {  	_ = 	snop  }
0x3b: {  	_ = 	snop  }
0x3c: {  	p2 =	seq.s32 s10, $0x1;
	s10 =	sld [smem:$0x3FB7]  }
0x3d: {  	_ =	shalt  }
0x3e: {  	_ =	shalt  }
0x3f: {  	_ =	shalt  }
0x40: {  	_ =	shalt  }
0x41: {  	_ =	shalt  }
0x42: {  	_ =	shalt  }
0x43: {  	_ =	shalt  }
0x44: {  	_ =	shalt  }
0x45: {  	_ =	shalt  }
0x46: {  	_ =	shalt  }
0x47: {  	_ =	shalt  }
0x48: {  	_ =	shalt  }
0x49: {  	_ =	shalt  }
0x4a: {  	_ =	shalt  }
0x4b: {  	_ =	shalt  }
0x4c: {  	_ =	shalt  }
0x4d: {  	_ =	shalt  }
0x4e: {  	_ =	shalt  }
0x4f: {  	_ =	shalt  }
0x50: {  	_ =	shalt  }
0x51: {  	_ =	shalt  }
0x52: {  	_ =	shalt  }
0x53: {  	_ =	shalt  }
0x54: {  	_ =	shalt  }
0x55: {  	_ =	shalt  }
0x56: {  	_ =	shalt  }
0x57: {  	_ =	shalt  }
0x58: {  	_ =	shalt  }
0x59: {  	_ =	shalt  }
0x5a: {  	_ =	shalt  }
0x5b: {  	_ =	shalt  }
0x5c: {  	_ =	shalt  }
0x5d: {  	_ =	shalt  }
0x5e: {  	_ =	shalt  }
0x5f: {  	_ =	shalt  }
0x60: {  	_ =	shalt  }
0x61: {  	_ =	shalt  }
0x62: {  	_ =	shalt  }
0x63: {  	_ =	shalt  }
0x64: {  	_ =	shalt  }
0x65: {  	_ =	shalt  }
0x66: {  	_ =	shalt  }
0x67: {  	_ =	shalt  }
0x68: {  	_ =	shalt  }
0x69: {  	_ =	shalt  }
0x6a: {  	_ =	shalt  }
0x6b: {  	_ =	shalt  }
0x6c: {  	_ =	shalt  }
0x6d: {  	_ =	shalt  }
0x6e: {  	_ =	shalt  }
0x6f: {  	_ =	shalt  }
0x70: {  	_ =	shalt  }
0x71: {  	_ =	shalt  }
0x72: {  	_ =	shalt  }
0x73: {  	_ =	shalt  }
0x74: {  	_ =	shalt  }
0x75: {  	_ =	shalt  }
0x76: {  	_ =	shalt  }
0x77: {  	_ =	shalt  }
0x78: {  	_ =	shalt  }
0x79: {  	_ =	shalt  }
0x7a: {  	_ =	shalt  }
0x7b: {  	_ =	shalt  }
0x7c: {  	_ =	shalt  }
0x7d: {  	_ =	shalt  }
0x7e: {  	_ =	shalt  }
0x7f: {  	_ =	shalt  }
0x80: {  	_ =	shalt  }
0x81: {  	_ =	shalt  }
0x82: {  	_ =	shalt  }
0x83: {  	_ =	shalt  }
0x84: {  	_ =	shalt  }
0x85: {  	_ =	shalt  }
0x86: {  	_ =	shalt  }
0x87: {  	_ =	shalt  }
.Lfunc_end0:
.L_simem_size_0:
called_computation.3_lowered:
.L_overlay_start_0:
0x88: {  	s0 =	sld [smem:$0x3FD9]  }
0x89: {  	s1 =	sld [smem:$0x3FFE];
	_ =	sdelay $0x3  }
0x8a: {  	s0 =	sadd.s32 s1, s0  }
0x8b: {  	[smem:$0x3FC3] =	sst s0  }
0x8c: {  	_ = 	snop  }
0x8d: {  	(tm) =	ssettm $0x1  }
0x8e: {  	s14 =	sld [smem:$0x3FFB];
	_ =	sdelay $0x3  }
0x8f: {  	_ =	strace s14  }
0x90: {  	s0 =	sld [smem:$0x3FFC];
	_ =	sdelay $0x3  }
0x91: {  	_ =	strace s0  }
0x92: {  	s0 =	sld [smem:$0x3FFD];
	_ =	sdelay $0x3  }
0x93: {  	_ =	strace s0  }
0x94: {  	_ =	strace $0x8FFFFFFF  }
0x95: {  	s15 =	sld [smem:$0x3FDB];
	_ =	sdelay $0x1  }
0x96: {  	s16 =	simm.s32 $_scs_section_size  }
0x97: {  	s2 =	simm.s32 $_size__tile_overlayer_lowered;
	s3 =	simm.s32 $_tile_overlayer_lowered  }
0x98: {  	s4 =	simm.s32 $0x1BFF;
	s17 =	sshll.u32 s3, $0x1;
	s1 =	sadd.s32 s16, s15  }
0x99: {  	s18 =	simm.s32 $0x0;
	s2 =	sshll.u32 s2, $0x1;
	s3 =	sadd.s32 s17, s1  }
0x9a: {  	[timem:s18], [sflag:s4] =	dma.local [hbm:s3], s2  }
0x9b: {  	_ =	swait.ge [sflag:s4], s2  }
0x9c: {  	s2 =	ssub.s32 $0x0, s2;
	[sflag:s4] =	ssyncset.done $0x0  }
0x9d: {  	[sflag:s4] =	ssyncadd.s32 s2;
	_ =	sdelay $0x1  }
0x9e: {  	s19 =	simm.s32 $0x1B8B  }
0x9f: {  	_ =	swait.ge [sflag:s19], $0x1  }
0xa0: {  	[sflag:s19] =	ssyncset.done $0x0  }
0xa1: {  	s21 =	simm.s32 $0x1B8E;
	s20 =	sld [smem:$0x3FFE];
	[sflag:s19] =	ssyncadd.s32 $0xFFFFFFFF  }
0xa2: {  	s22 =	simm.s32 $execute0_lowered;
	[smem:$0x3FD2] =	sst s21  }
0xa3: {  	s3 =	sshll.u32 s22, $0x1;
	_ =	strace $0x80000064;
	[dreg:$0x1] =	wrdreg $0xFFFFFFFF  }
0xa4: {  	s23 =	simm.s32 $_size_execute0_lowered;
	s3 =	sadd.s32 s1, s3;
	[dreg:$0x0] =	wrdreg $0x0  }
0xa5: {  	s4 =	sshll.u32 s23, $0x1;
	[dreg:$0x2] =	wrdreg s3  }
0xa6: {  	[dreg:$0x3] =	wrdreg s4  }
0xa7: {  	[dreg:$0x4] =	wrdreg $0xC0  }
0xa8: {  	s24 =	simm.s32 $execute1_lowered;
	_ =	task [dreg:s18], $0x5FFFF  }
0xa9: {  	s3 =	sshll.u32 s24, $0x1;
	[dreg:$0x1] =	wrdreg $0xFFFFFFFF  }
0xaa: {  	s1 =	sadd.s32 s1, s3;
	[dreg:$0x0] =	wrdreg $0x60  }
0xab: {  	[dreg:$0x2] =	wrdreg s1  }
0xac: {  	[dreg:$0x3] =	wrdreg s20  }
0xad: {  	[dreg:$0x4] =	wrdreg $0x9  }
0xae: {  	_ =	task.clear_ibuf [dreg:s18], $0x5FFFF;
	_ =	strace $0x90000064  }
0xaf: {  	s25 =	simm.s32 $0x9;
	_ =	strace $0x80000066  }
0xb0: {  	_ =	swait.ge [sflag:s25], $0x1  }
0xb1: {  	[sflag:s25] =	ssyncadd.s32 $0xFFFFFFFF  }
0xb2: {  	_ =	strace $0x90000066  }
0xb3: {  	_ =	strace $0x80000067;
	[dreg:$0x1] =	wrdreg $0xFFFFFFFF  }
0xb4: {  	[dreg:$0x0] =	wrdreg $0x2030  }
0xb5: {  	[dreg:$0x2] =	wrdreg s20  }
0xb6: {  	[dreg:$0x3] =	wrdreg $0xA  }
0xb7: {  	_ =	task.clear_ibuf [dreg:s18], $0x4FFFF;
	_ =	strace $0x90000067  }
0xb8: {  	s26 =	simm.s32 $0xA;
	_ =	strace $0x80000069  }
0xb9: {  	_ =	swait.ge [sflag:s26], $0x1  }
0xba: {  	[sflag:s26] =	ssyncadd.s32 $0xFFFFFFFF  }
0xbb: {  	_ =	strace $0x90000069  }
0xbc: {  	_ =	sfence  }
0xbd: {  	s28 =	sld [smem:$0x0];
	_ =	sdelay $0x1  }
0xbe: {  	s29 =	srdreg.scid  }
0xbf: {  	s30 =	sshll.u32 s29, $0xD;
	s31 =	sshrl.u32 s29, $0x2  }
0xc0: {  	s2 =	sand.u32 $0x1, s29;
	s3 =	sand.u32 $0x4000, s30;
	s1 =	sadd.s32 s31, s28  }
0xc1: {  	s2 =	sor.u32 s3, s2;
	s1 =	sshll.u32 s1, $0x11  }
0xc2: {  	s1 =	sor.u32 s1, s2  }
0xc3: {  	s1 =	sadd.s32 $0x8F2B, s1  }
0xc4: {  	[sflag:s1] =	ssyncadd.remote.s32 $0x1  }
0xc5: {  	_ =	sfence.sel $0xFFFF  }
0xc6: {  	[dreg:$0x0] =	wrdreg $0xFFFFFFFF;
	(pc) =	sbr.abs _section_cstart, $3  }
0xc7: {  	[dreg:$0x1] =	wrdreg $0xFFFFFFFF  }
0xc8: {  	_ =	task.clear_ibuf [dreg:s18], $0x2FFFF;
	_ =	strace $0x9FFFFFFF  }
0xc9: {  	(tm) =	ssettm $0x7FFFFFFF  }
tec
execute0_lowered:
.L_overlay_start_1:
0x0: {  	(tag) =	ssettag $0x1  }
0x1: {  	s2 =	rddreg [dreg:$0x0]  }
0x2: {  	s4 =	rddreg [dreg:$0x1]  }
0x3: {  	s0 =	rddreg [dreg:$0x2];
	s3 =	stileid.u32  }
0x4: {  	[bflag:$0x3] =	sbarrier.arrive $0xFFFF;
	s1 =	simm.s32 $_size_execute1_lowered;
	p0 =	sne.s32 s3, $0x0  }
0x5: {  	s1 =	sshll.u32 s1, $0x1;
	s5 =	simm.s32 @!p0 $0x1C3F;
	s6 =	simm.s32 @!p0 $0x4060  }
0x6: {  	[timem:s6], [sflag:s5] =	dma.local @!p0 [hbm:s2], s1  }
0x7: {  	s2 =	smul.u32 $0x280, s3  }
.Ltmp0:
0x8: {  	s31 =	simm.s32 $0x2;
	s7 =	simm.s32 $0x280;
	(pc) =	sbr.rel .LBB2_1-.Ltmp0, $4  }
0x9: {  	s8 =	simm.s32 $0x780;
	s10 =	simm.s32 $0x0;
	s9 =	simm.s32 $0x0  }
0xa: {  	s3 =	simm.s32 $0x1;
	_ =	strace $0x80000065;
	s30 =	sshrl.u32 s2, $0x3  }
0xb: {  	s6 =	simm.s32 $0x0;
	[sflag:s3] =	ssyncpa.u1 $0x0;
	s5 =	sadd.s32 s30, s4  }
0xc: {  	s4 =	sadd.s32 $0x2200, s4;
	[sflag:s31] =	ssyncpa.u1 $0x0;
	s5 =	sadd.s32 $0x20A00, s5  }
.LBB2_8:
0xd: {  	p1 =	seq.s32 s9, $0x2  }
.Ltmp1:
0xe: {  	_ = 	snop;
	(pc) =	sbr.rel @p1 .LBB2_10-.Ltmp1, $1  }
0xf: {  	_ =	sdelay $0x3  }
.LBB2_9:
0x10: {  	s9 =	sadd.s32 $0x1, s9;
	s10 =	smov.u32 s2  }
.LBB2_1:
0x11: {  	p1 =	sne.s32 s9, $0x0  }
.Ltmp2:
0x12: {  	_ = 	snop;
	(pc) =	sbr.rel @!p1 .LBB2_2-.Ltmp2, $1  }
0x13: {  	_ =	sdelay $0x3  }
0x14: {  	s11 =	sand.u32 $0x1, s9  }
0x15: {  	p1 =	seq.s32 s11, $0x0  }
.Ltmp3:
0x16: {  	_ = 	snop;
	(pc) =	sbr.rel @p1 .LBB2_8-.Ltmp3, $1  }
0x17: {  	_ =	sdelay $0x3  }
0x18: {  	_ =	swait.ge [sflag:s3], $0x280  }
0x19: {  	[sflag:s3] =	ssyncset.done $0x0  }
0x1a: {  	s11 =	simm.s32 $0x0;
	p1 =	por $0x1, $0x1;
	[sflag:s3] =	ssyncadd.s32 $0xFFFFFD80  }
.LBB2_5:
0x1b: {  	v0 =	vld [tilespmem:s11+$0x280]  }
0x1c: {  	v1 =	vld [tilespmem:s11+$0x290]  }
0x1d: {  	v2 =	vld [tilespmem:s11+$0x2A0]  }
0x1e: {  	v3 =	vld [tilespmem:s11+$0x2B0]  }
0x1f: {  	v4 =	vld [tilespmem:s11+$0x2C0]  }
0x20: {  	v53 =	vld [tilespmem:s11+$0x2D0];
	[tilespmem:s11+$0x780] =	vst v0  }
0x21: {  	v54 =	vld [tilespmem:s11+$0x2E0];
	[tilespmem:s11+$0x790] =	vst v1  }
0x22: {  	v55 =	vld [tilespmem:s11+$0x2F0];
	[tilespmem:s11+$0x7A0] =	vst v2  }
0x23: {  	v56 =	vld [tilespmem:s11+$0x300];
	[tilespmem:s11+$0x7B0] =	vst v3  }
0x24: {  	v57 =	vld [tilespmem:s11+$0x310];
	[tilespmem:s11+$0x7C0] =	vst v4  }
0x25: {  	v58 =	vld [tilespmem:s11+$0x320];
	[tilespmem:s11+$0x7D0] =	vst v53  }
0x26: {  	v59 =	vld [tilespmem:s11+$0x330];
	[tilespmem:s11+$0x7E0] =	vst v54  }
0x27: {  	v60 =	vld [tilespmem:s11+$0x340];
	[tilespmem:s11+$0x7F0] =	vst v55  }
0x28: {  	v61 =	vld [tilespmem:s11+$0x350];
	[tilespmem:s11+$0x800] =	vst v56  }
0x29: {  	v62 =	vld [tilespmem:s11+$0x360];
	[tilespmem:s11+$0x810] =	vst v57  }
0x2a: {  	v63 =	vld [tilespmem:s11+$0x370];
	p2 =	por p1, p1;
	[tilespmem:s11+$0x820] =	vst v58  }
.Ltmp4:
0x2b: {  	[tilespmem:s11+$0x830] =	vst v59;
	(pc) =	sbr.rel @p2 .LBB2_5-.Ltmp4, $4  }
0x2c: {  	[tilespmem:s11+$0x840] =	vst v60  }
0x2d: {  	[tilespmem:s11+$0x850] =	vst v61  }
0x2e: {  	s12 =	simm.s32 $0x1F0;
	s13 =	simm.s32 $0x980;
	[tilespmem:s11+$0x860] =	vst v62  }
0x2f: {  	s14 =	simm.s32 $0x480;
	p1 =	por $0x0, $0x0;
	[tilespmem:s11+$0x870] =	vst v63;
	s11 =	simm.s32 $0x100  }
.LBB2_6:
0x30: {  	s12 =	sadd.s32 $0x10, s12  }
0x31: {  	v0 =	vld [tilespmem:s14+$0x0];
	p1 =	slt.u32 s12, $0x270  }
.Ltmp5:
0x32: {  	_ = 	snop;
	(pc) =	sbr.rel @p1 .LBB2_6-.Ltmp5, $2  }
0x33: {  	_ =	sdelay $0x2  }
0x34: {  	s14 =	sadd.s32 $0x10, s14;
	[tilespmem:s13+$0x0] =	vst v0;
	s13 =	sadd.s32 $0x10, s13  }
.Ltmp6:
0x35: {  	(pc) =	sbr.rel .LBB2_8-.Ltmp6, $4  }
0x36: {  	_ = 	snop  }
0x37: {  	s10 =	sshrl.u32 s10, $0x3  }
0x38: {  	s10 =	sadd.s32 s4, s10  }
0x39: {  	[hbm4b:s10+s6] =	stream.linear.scatter [tilespmem:s8], [sflag:$0x2], $0x280, $0x38;
	[tilespmem:$0xA00] =	vst v63  }
.LBB2_2:
.Ltmp7:
0x3a: {  	(pc) =	sbr.rel .LBB2_9-.Ltmp7, $2  }
0x3b: {  	_ =	sdelay $0x2  }
0x3c: {  	[tilespmem:s7], [sflag:$0x1] =	stream.linear.gather [hbm4b:s5+s6], $0x280, $0x38;
	[tilespmem:$0xA00] =	vst v63  }
.LBB2_10:
0x3d: {  	s2 =	simm.s32 $0x2  }
0x3e: {  	_ =	swait.ge [sflag:s2], $0x280  }
0x3f: {  	[sflag:s2] =	ssyncset.done $0x0  }
0x40: {  	[sflag:s2] =	ssyncadd.s32 $0xFFFFFD80  }
0x41: {  	_ =	sfence.sel $0x180000  }
0x42: {  	s3 =	simm.s32 $0x1;
	[bflag:$0x0] =	sbarrier.arrive $0xFFFF  }
0x43: {  	[sflag:s3] =	ssyncpa.u1 $0x1  }
0x44: {  	[sflag:s2] =	ssyncpa.u1 $0x1  }
0x45: {  	_ =	strace $0x90000065  }
0x46: {  	s0 =	sadd.s32 @!p0 $0x100000, s0;
	[bflag:$0x2] =	sbarrier.arrive $0xFFFF  }
0x47: {  	[sflag:s0] =	ssyncadd.tile.s32 @!p0 $0x1;
	s0 =	simm.s32 @!p0 $0x3F  }
0x48: {  	_ =	swait.ge @!p0 [sflag:s0], s1  }
0x49: {  	s1 =	ssub.s32 @!p0 $0x0, s1;
	[sflag:s0] =	ssyncset.done @!p0 $0x0  }
0x4a: {  	[sflag:s0] =	ssyncadd.s32 @!p0 s1  }
0x4b: {  	[bflag:$0x3] =	sbarrier.arrive $0xFFFF  }
0x4c: {  	_ =	shalt  }
.Lfunc_end2:
execute1_lowered:
.L_overlay_start_2:
0x4d: {  	(tag) =	ssettag $0x2  }
0x4e: {  	s7 =	rddreg [dreg:$0x0]  }
0x4f: {  	s0 =	rddreg [dreg:$0x1];
	_ =	strace $0x80000068  }
0x50: {  	s3 =	stileid.u32;
	s4 =	simm.s32 $0x3E;
	s1 =	sadd.s32 $0x2200, s7  }
0x51: {  	p0 =	sne.s32 s3, $0x0;
	[sflag:s4] =	ssyncpa.u1 $0x0;
	s29 =	smul.u32 $0x3, s3  }
0x52: {  	s30 =	smin.u32 s3, $0x2;
	s2 =	simm.s32 @!p0 $0x1C3E;
	s5 =	simm.s32 @!p0 $0x0  }
0x53: {  	[spmem:s5], [sflag:s2] =	dma.local @!p0 [hbm:s1], $0x500  }
0x54: {  	s2 =	sadd.s32 s30, s29  }
0x55: {  	p1 =	slt.u32 s3, $0x2;
	s3 =	simm.s32 $0x44C0;
	s2 =	smul.u32 $0x1130, s2  }
0x56: {  	s3 =	simm.s32 @!p1 $0x3390  }
0x57: {  	s3 =	sadd.s32 s3, s2  }
0x58: {  	s3 =	smin.u32 s3, $0x35B60  }
0x59: {  	s8 =	ssub.s32 s3, s2  }
0x5a: {  	p1 =	sgt.s32 s8, $0x0  }
0x5b: {  	s8 =	simm.s32 @!p1 $0x0  }
0x5c: {  	s5 =	simm.s32 @!p0 $0x3E;
	s31 =	smulhi.u32 $0x77280773, s8  }
0x5d: {  	_ =	swait.ge @!p0 [sflag:s5], $0x500  }
0x5e: {  	s6 =	simm.s32 $0x2;
	[sflag:s5] =	ssyncset.done @!p0 $0x0;
	s9 =	sshrl.u32 s31, $0xB  }
0x5f: {  	s11 =	simm.s32 $0x0;
	[sflag:s5] =	ssyncadd.s32 @!p0 $0xFFFFFB00;
	s10 =	smul.u32 $0x1130, s9  }
.Ltmp8:
0x60: {  	s5 =	sadd.s32 $0x27800, s7;
	[bflag:$0x0] =	sbarrier.arrive $0xFFFF;
	(pc) =	sbr.rel .LBB3_1-.Ltmp8, $4  }
0x61: {  	s7 =	sadd.s32 $0x3BC00, s7;
	[sflag:s4] =	ssyncpa.u1 $0x1;
	s4 =	simm.s32 $0x1  }
0x62: {  	[sflag:s4] =	ssyncpa.u1 $0x0;
	p1 =	sne.s32 s8, s10;
	s8 =	simm.s32 $0x1  }
0x63: {  	(ifvalue) =	ssetifvalue $0x2800;
	[sflag:s6] =	ssyncpa.u1 $0x0;
	s8 =	simm.s32 @!p1 $0x0  }
0x64: {  	vm0 =	vmmov $0xffff;
	s10 =	smov.u32 s2;
	s8 =	sadd.s32 s8, s9;
	s9 =	simm.s32 $0x0  }
.LBB3_5:
0x65: {  	p2 =	sne.s32 s11, s8  }
.Ltmp9:
0x66: {  	_ = 	snop;
	(pc) =	sbr.rel @!p2 .LBB3_6-.Ltmp9, $4  }
0x67: {  	_ = 	snop  }
0x68: {  	s12 =	sadd.s32 $0x1130, s10  }
0x69: {  	s10 =	smov.u32 s2;
	s13 =	sadd.s32 $0x1, s11;
	p1 =	slt.s32 s12, s3  }
0x6a: {  	s11 =	smov.u32 s13;
	s10 =	smov.u32 @p1 s12  }
.LBB3_1:
0x6b: {  	p1 =	sge.u32 s11, s8  }
0x6c: {  	s12 =	sxor.u32 @!p1 $0xFFFFFFFF, s11  }
0x6d: {  	s12 =	sand.u32 @!p1 $0x1, s12  }
0x6e: {  	s12 =	smul.u32 @!p1 $0x1130, s12  }
0x6f: {  	s13 =	sshrl.u32 @!p1 s10, $0x3  }
0x70: {  	s16 =	sand.u32 @!p1 $0x7, s10;
	s14 =	sadd.s32 @!p1 s5, s13;
	s15 =	sadd.s32 @!p1 $0x280, s12  }
0x71: {  	[tilespmem:s15], [sflag:$0x2] =	stream.linear.gather @!p1 [hbm4b:s14+s16], $0x1130, $0x38;
	[tilespmem:$0x4740] =	vst v63  }
0x72: {  	s13 =	sadd.s32 @!p1 s7, s13;
	s12 =	sadd.s32 @!p1 $0x24E0, s12  }
0x73: {  	[tilespmem:s12], [sflag:$0x2] =	stream.linear.gather @!p1 [hbm4b:s13+s16], $0x1130, $0x38;
	[tilespmem:$0x4740] =	vst v63  }
0x74: {  	p1 =	seq.s32 s11, $0x0  }
.Ltmp10:
0x75: {  	_ = 	snop;
	(pc) =	sbr.rel @p1 .LBB3_5-.Ltmp10, $1  }
0x76: {  	_ =	sdelay $0x3  }
0x77: {  	s12 =	sand.u32 $0x1, s11  }
0x78: {  	_ =	swait.ge [sflag:s6], $0x2260;
	p1 =	seq.s32 s12, $0x1;
	s12 =	simm.s32 $0x1130  }
0x79: {  	[sflag:s6] =	ssyncset.done $0x0;
	s12 =	simm.s32 @!p1 $0x0  }
0x7a: {  	[sflag:s6] =	ssyncadd.s32 $0xFFFFDDA0;
	s14 =	sor.u32 $0x280, s12  }
0x7b: {  	v0 =	vld.msk [tilespmem:s14+$0x0 ss:$0x1], $0xffff;
	_ =	sdelay $0x4  }
0x7c: {  	v0 =	vmin.u32 v0, $0x2800;
	_ =	sdelay $0x3  }
0x7d: {  	s13 =	simm.s32 $0x0;
	s12 =	sadd.s32 $0x24E0, s12;
	s14 =	sadd.s32 $0x10, s14  }
0x7e: {  	[spmem:s9] =	stream.indirect_vreg.scatter.add.s32 [tilespmem:s12], [sflag:$0x1], $0x1, v0, vm0, $0x4038;
	[tilespmem:$0x4740] =	vst v63  }
.LBB3_3:
0x7f: {  	v0 =	vld.msk [tilespmem:s14+$0x0 ss:$0x1], $0xffff;
	s13 =	sadd.s32 $0x10, s13  }
0x80: {  	p1 =	slt.u32 s13, $0x1120;
	_ =	sdelay $0x4  }
0x81: {  	v0 =	vmin.u32 v0, $0x2800  }
.Ltmp11:
0x82: {  	(pc) =	sbr.rel @p1 .LBB3_3-.Ltmp11, $3  }
0x83: {  	_ =	sdelay $0x1  }
0x84: {  	s14 =	sadd.s32 $0x10, s14;
	s12 =	sadd.s32 $0x10, s12  }
0x85: {  	[spmem:s9] =	stream.indirect_vreg.scatter.add.s32 [tilespmem:s12], [sflag:$0x1], $0x1, v0, vm0, $0x4038;
	[tilespmem:$0x4740] =	vst v63  }
.Ltmp12:
0x86: {  	(pc) =	sbr.rel .LBB3_5-.Ltmp12, $4  }
0x87: {  	_ = 	snop  }
0x88: {  	_ =	swait.ge [sflag:s4], $0x1130  }
0x89: {  	[sflag:s4] =	ssyncset.done $0x0  }
0x8a: {  	[sflag:s4] =	ssyncadd.s32 $0xFFFFEED0  }
.LBB3_6:
0x8b: {  	_ =	sfence.sel $0x180000  }
0x8c: {  	s2 =	simm.s32 $0x2;
	[bflag:$0x0] =	sbarrier.arrive $0xFFFF  }
0x8d: {  	s30 =	simm.s32 $0x1;
	[sflag:s2] =	ssyncpa.u1 $0x1  }
0x8e: {  	[sflag:s30] =	ssyncpa.u1 $0x1  }
0x8f: {  	_ =	sfence.stream.spmem  }
0x90: {  	s31 =	simm.s32 $0x3D;
	[bflag:$0x0] =	sbarrier.arrive $0xFFFF  }
0x91: {  	s2 =	simm.s32 @p0 $0x3D;
	[sflag:s31] =	ssyncpa.u1 $0x0  }
0x92: {  	[sflag:s2] =	ssyncpa.u1 @p0 $0x1  }
0x93: {  	[bflag:$0x0] =	sbarrier.arrive @p0 $0xFFFF  }
0x94: {  	_ =	strace @p0 $0x90000068  }
0x95: {  	s3 =	simm.s32 @!p0 $0x1C3D;
	s2 =	simm.s32 @!p0 $0x0;
	[bflag:$0x2] =	sbarrier.arrive @p0 $0xFFFF  }
0x96: {  	[hbm:s1], [sflag:s3] =	dma.local @!p0 [spmem:s2], $0x500  }
0x97: {  	s1 =	simm.s32 @!p0 $0x3D  }
0x98: {  	_ =	swait.ge @!p0 [sflag:s1], $0x500  }
0x99: {  	[sflag:s1] =	ssyncset.done @!p0 $0x0  }
0x9a: {  	[sflag:s1] =	ssyncadd.s32 @!p0 $0xFFFFFB00  }
0x9b: {  	[sflag:s1] =	ssyncpa.u1 @!p0 $0x1  }
0x9c: {  	[bflag:$0x0] =	sbarrier.arrive @!p0 $0xFFFF  }
0x9d: {  	_ =	strace @!p0 $0x90000068  }
0x9e: {  	s0 =	sadd.s32 @!p0 $0x100000, s0;
	[bflag:$0x2] =	sbarrier.arrive @!p0 $0xFFFF  }
0x9f: {  	[sflag:s0] =	ssyncadd.tile.s32 @!p0 $0x1;
	_ =	shalt  }
.Lfunc_end3:
_tile_overlayer_lowered:
.L_overlay_start_3:
0xa0: {  	(tag) =	ssettag $0x3  }
0xa1: {  	s0 =	rddreg [dreg:$0x0];
	s2 =	stileid.u32  }
0xa2: {  	s1 =	rddreg [dreg:$0x1];
	p0 =	sne.s32 s2, $0x0  }
0xa3: {  	s3 =	rddreg [dreg:$0x2];
	[bflag:$0x3] =	sbarrier.arrive $0xFFFF;
	s2 =	simm.s32 @!p0 $0x1C01  }
0xa4: {  	[timem:s3], [sflag:s2] =	dma.local @!p0 [hbm:s0], s1  }
0xa5: {  	s0 =	simm.s32 @!p0 $0x1  }
0xa6: {  	_ =	swait.ge @!p0 [sflag:s0], s1  }
0xa7: {  	s1 =	ssub.s32 @!p0 $0x0, s1;
	[sflag:s0] =	ssyncset.done @!p0 $0x0  }
0xa8: {  	[sflag:s0] =	ssyncadd.s32 @!p0 s1  }
0xa9: {  	[bflag:$0x3] =	sbarrier.arrive $0xFFFF  }
0xaa: {  	_ =	shalt  }

// kernel: scatter_offload_async_start.4
scs
__scs_entry_jumppad:
0x0: {  	(pc) =	sbr.rel $0x88, $3  }
0x1: {  	(tag) =	ssettag $0x0;
	lr =	simm.s32 $0x1  }
0x2: {  	[smem:$0x3F9C] =	sst lr;
	_ =	strace $0xD0000000  }
0x3: {  	_ = 	snop  }
0x4: {  	_ = 	snop  }
0x5: {  	_ = 	snop  }
0x6: {  	_ = 	snop  }
0x7: {  	_ = 	snop  }
__scs_overlays_trampoline_lowered:
0x8: {  	[smem:$0x3FAB] =	sst s0  }
0x9: {  	[smem:$0x3FAC] =	sst s1  }
0xa: {  	[smem:$0x3FAD] =	sst s2  }
0xb: {  	[smem:$0x3FAE] =	sst s3  }
0xc: {  	[smem:$0x3FAF] =	sst s4  }
0xd: {  	[smem:$0x3FB0] =	sst s5  }
0xe: {  	[smem:$0x3FB1] =	sst s6  }
0xf: {  	[smem:$0x3FB2] =	sst s7  }
0x10: {  	[smem:$0x3FB3] =	sst s8  }
0x11: {  	[smem:$0x3FB4] =	sst s9;
	s0 =	simm.s32 @!p0 $0x0  }
0x12: {  	s1 =	sld [smem:$0x3F9A];
	s0 =	simm.s32 @p0 $0x1  }
0x13: {  	[smem:$0x3FB5] =	sst s0;
	s0 =	simm.s32 @!p1 $0x0  }
0x14: {  	s2 =	sld [smem:$0x3F99];
	s0 =	simm.s32 @p1 $0x1  }
0x15: {  	[smem:$0x3FB6] =	sst s0;
	s0 =	simm.s32 @!p2 $0x0  }
0x16: {  	s3 =	sld [smem:$0x3FDB];
	s0 =	simm.s32 @p2 $0x1  }
0x17: {  	s4 =	simm.s32 $0x1BF5;
	[smem:$0x3FB8] =	sst s0  }
0x18: {  	s0 =	sld [smem:$0x3F9B];
	_ =	swait.ge [sflag:s4], $0x0  }
0x19: {  	s7 =	sld [smem:$0x3F9C]  }
0x1a: {  	s8 =	sadd.s32 $0xFFFFE003, lr  }
0x1b: {  	s9 =	sadd.s32 $0xFFFFFEF7, lr;
	s5 =	simm.s32 $0xFFFFFFFF;
	p2 =	slt.u32 s8, $0xFFFFF086  }
0x1c: {  	p1 =	slt.u32 s9, $0xF7A;
	s5 =	simm.s32 @!p2 $0x0  }
0x1d: {  	s5 =	simm.s32 @p1 $0x1;
	p0 =	seq.s32 s7, s2  }
0x1e: {  	s7 =	smul.u32 @!p0 $0xF7A, s2;
	p2 =	seq.s32 @!p0 s5, $0x0  }
0x1f: {  	s9 =	smul.u32 $0xF7A, s1;
	s8 =	simm.s32 @!p0 $0x1BF5;
	p2 =	por !p2, p0  }
0x20: {  	[sflag:s8] =	ssyncset.s32 @!p0 $0xFFFFF086;
	s6 =	sadd.s32 @!p0 s3, s7;
	s7 =	simm.s32 @!p0 $0x108  }
0x21: {  	s3 =	sadd.s32 s3, s9;
	s6 =	sadd.s32 @!p0 $0x88, s6;
	s7 =	simm.s32 @p2 $0x1082  }
0x22: {  	[simem:s7], [sflag:s8] =	dma.local @!p0 [hbm:s6], $0xF7A  }
0x23: {  	s9 =	sor.u32 $0xD0000000, s2;
	s6 =	simm.s32 $0x108;
	_ =	swait.ge @!p0 [sflag:s8], $0x0  }
0x24: {  	s3 =	sadd.s32 $0x88, s3;
	s6 =	simm.s32 @!p1 $0x1082;
	[sflag:s4] =	ssyncset.s32 $0xFFFFF086  }
0x25: {  	[simem:s6], [sflag:s4] =	dma.local [hbm:s3], $0xF7A  }
0x26: {  	[smem:$0x3F9C] =	sst s1;
	(tag) =	ssettag s2;
	_ =	strace s9  }
0x27: {  	s1 =	sld [smem:$0x3FAC]  }
0x28: {  	s2 =	sld [smem:$0x3FAD]  }
0x29: {  	s4 =	sld [smem:$0x3FAF]  }
0x2a: {  	p0 =	seq.s32 s5, $0x0;
	s5 =	sld [smem:$0x3FB0]  }
0x2b: {  	s6 =	sld [smem:$0x3FB1]  }
0x2c: {  	s7 =	sld [smem:$0x3FB2]  }
0x2d: {  	s3 =	simm.s32 $0x108;
	s8 =	sld [smem:$0x3FB3]  }
0x2e: {  	s3 =	simm.s32 @!p0 $0x1082;
	s9 =	sld [smem:$0x3FB4]  }
0x2f: {  	lr =	sadd.s32 s0, s3;
	s0 =	sld [smem:$0x3FAB]  }
0x30: {  	s3 =	sld [smem:$0x3FAE]  }
0x31: {  	[smem:$0x3FB7] =	sst s10  }
0x32: {  	s10 =	sld [smem:$0x3FB5];
	_ =	sdelay $0x3  }
0x33: {  	p0 =	seq.s32 s10, $0x1;
	s10 =	sld [smem:$0x3FB7];
	_ =	sdelay $0x3  }
0x34: {  	[smem:$0x3FB7] =	sst s10  }
0x35: {  	s10 =	sld [smem:$0x3FB6];
	_ =	sdelay $0x3  }
0x36: {  	p1 =	seq.s32 s10, $0x1;
	s10 =	sld [smem:$0x3FB7];
	_ =	sdelay $0x3  }
0x37: {  	[smem:$0x3FB7] =	sst s10  }
0x38: {  	s10 =	sld [smem:$0x3FB8]  }
0x39: {  	_ = 	snop;
	(pc) =	sbr.ind lr, $3  }
0x3a: {  	_ = 	snop  }
0x3b: {  	_ = 	snop  }
0x3c: {  	p2 =	seq.s32 s10, $0x1;
	s10 =	sld [smem:$0x3FB7]  }
0x3d: {  	_ =	shalt  }
0x3e: {  	_ =	shalt  }
0x3f: {  	_ =	shalt  }
0x40: {  	_ =	shalt  }
0x41: {  	_ =	shalt  }
0x42: {  	_ =	shalt  }
0x43: {  	_ =	shalt  }
0x44: {  	_ =	shalt  }
0x45: {  	_ =	shalt  }
0x46: {  	_ =	shalt  }
0x47: {  	_ =	shalt  }
0x48: {  	_ =	shalt  }
0x49: {  	_ =	shalt  }
0x4a: {  	_ =	shalt  }
0x4b: {  	_ =	shalt  }
0x4c: {  	_ =	shalt  }
0x4d: {  	_ =	shalt  }
0x4e: {  	_ =	shalt  }
0x4f: {  	_ =	shalt  }
0x50: {  	_ =	shalt  }
0x51: {  	_ =	shalt  }
0x52: {  	_ =	shalt  }
0x53: {  	_ =	shalt  }
0x54: {  	_ =	shalt  }
0x55: {  	_ =	shalt  }
0x56: {  	_ =	shalt  }
0x57: {  	_ =	shalt  }
0x58: {  	_ =	shalt  }
0x59: {  	_ =	shalt  }
0x5a: {  	_ =	shalt  }
0x5b: {  	_ =	shalt  }
0x5c: {  	_ =	shalt  }
0x5d: {  	_ =	shalt  }
0x5e: {  	_ =	shalt  }
0x5f: {  	_ =	shalt  }
0x60: {  	_ =	shalt  }
0x61: {  	_ =	shalt  }
0x62: {  	_ =	shalt  }
0x63: {  	_ =	shalt  }
0x64: {  	_ =	shalt  }
0x65: {  	_ =	shalt  }
0x66: {  	_ =	shalt  }
0x67: {  	_ =	shalt  }
0x68: {  	_ =	shalt  }
0x69: {  	_ =	shalt  }
0x6a: {  	_ =	shalt  }
0x6b: {  	_ =	shalt  }
0x6c: {  	_ =	shalt  }
0x6d: {  	_ =	shalt  }
0x6e: {  	_ =	shalt  }
0x6f: {  	_ =	shalt  }
0x70: {  	_ =	shalt  }
0x71: {  	_ =	shalt  }
0x72: {  	_ =	shalt  }
0x73: {  	_ =	shalt  }
0x74: {  	_ =	shalt  }
0x75: {  	_ =	shalt  }
0x76: {  	_ =	shalt  }
0x77: {  	_ =	shalt  }
0x78: {  	_ =	shalt  }
0x79: {  	_ =	shalt  }
0x7a: {  	_ =	shalt  }
0x7b: {  	_ =	shalt  }
0x7c: {  	_ =	shalt  }
0x7d: {  	_ =	shalt  }
0x7e: {  	_ =	shalt  }
0x7f: {  	_ =	shalt  }
0x80: {  	_ =	shalt  }
0x81: {  	_ =	shalt  }
0x82: {  	_ =	shalt  }
0x83: {  	_ =	shalt  }
0x84: {  	_ =	shalt  }
0x85: {  	_ =	shalt  }
0x86: {  	_ =	shalt  }
0x87: {  	_ =	shalt  }
.Lfunc_end0:
.L_simem_size_0:
called_computation.4_lowered:
.L_overlay_start_0:
0x88: {  	s0 =	sld [smem:$0x3FD9]  }
0x89: {  	s1 =	sld [smem:$0x3FFE];
	_ =	sdelay $0x3  }
0x8a: {  	s0 =	sadd.s32 s1, s0  }
0x8b: {  	[smem:$0x3FC3] =	sst s0  }
0x8c: {  	_ = 	snop  }
0x8d: {  	(tm) =	ssettm $0x1  }
0x8e: {  	s15 =	sld [smem:$0x3FFB];
	_ =	sdelay $0x3  }
0x8f: {  	_ =	strace s15  }
0x90: {  	s0 =	sld [smem:$0x3FFC];
	_ =	sdelay $0x3  }
0x91: {  	_ =	strace s0  }
0x92: {  	s0 =	sld [smem:$0x3FFD];
	_ =	sdelay $0x3  }
0x93: {  	_ =	strace s0  }
0x94: {  	_ =	strace $0x8FFFFFFF  }
0x95: {  	s16 =	sld [smem:$0x3FDB];
	_ =	sdelay $0x1  }
0x96: {  	s17 =	simm.s32 $_scs_section_size  }
0x97: {  	s2 =	simm.s32 $_size__tile_overlayer_lowered;
	s3 =	simm.s32 $_tile_overlayer_lowered  }
0x98: {  	s20 =	simm.s32 $0x1BFF;
	s19 =	sshll.u32 s3, $0x1;
	s0 =	sadd.s32 s17, s16  }
0x99: {  	s4 =	simm.s32 $0x0;
	s18 =	sshll.u32 s2, $0x1;
	s2 =	sadd.s32 s19, s0  }
0x9a: {  	[timem:s4], [sflag:s20] =	dma.local [hbm:s2], s18  }
0x9b: {  	_ =	swait.ge [sflag:s20], s18  }
0x9c: {  	s1 =	ssub.s32 $0x0, s18;
	[sflag:s20] =	ssyncset.done $0x0  }
0x9d: {  	[sflag:s20] =	ssyncadd.s32 s1;
	_ =	sdelay $0x1  }
0x9e: {  	s21 =	simm.s32 $0x1B8B  }
0x9f: {  	_ =	swait.ge [sflag:s21], $0x1  }
0xa0: {  	[sflag:s21] =	ssyncset.done $0x0  }
0xa1: {  	s23 =	simm.s32 $0x1B8E;
	s22 =	sld [smem:$0x3FFE];
	[sflag:s21] =	ssyncadd.s32 $0xFFFFFFFF  }
0xa2: {  	s24 =	simm.s32 $execute0_lowered;
	[smem:$0x3FD2] =	sst s23  }
0xa3: {  	s2 =	sshll.u32 s24, $0x1;
	_ =	strace $0x8000004F;
	[dreg:$0x1] =	wrdreg $0xFFFFFFFF  }
0xa4: {  	s25 =	simm.s32 $_size_execute0_lowered;
	s0 =	sadd.s32 s0, s2;
	[dreg:$0x0] =	wrdreg $0x0  }
0xa5: {  	s2 =	sshll.u32 s25, $0x1;
	[dreg:$0x2] =	wrdreg s0  }
0xa6: {  	[dreg:$0x3] =	wrdreg s2  }
0xa7: {  	[dreg:$0x4] =	wrdreg $0xC0  }
0xa8: {  	_ =	task [dreg:s4], $0x5FFFF  }
0xa9: {  	[dreg:$0x1] =	wrdreg $0xFFFFFFFF  }
0xaa: {  	[dreg:$0x0] =	wrdreg $0x60  }
0xab: {  	[dreg:$0x2] =	wrdreg s22  }
0xac: {  	[dreg:$0x3] =	wrdreg $0xA  }
0xad: {  	_ =	task.clear_ibuf [dreg:s4], $0x4FFFF;
	_ =	strace $0x9000004F  }
0xae: {  	s26 =	simm.s32 $0xA;
	_ =	strace $0x80000051  }
0xaf: {  	_ =	swait.ge [sflag:s26], $0x1  }
0xb0: {  	[sflag:s26] =	ssyncadd.s32 $0xFFFFFFFF  }
0xb1: {  	_ =	strace $0x90000051  }
0xb2: {  	_ =	sfence  }
0xb3: {  	s28 =	sld [smem:$0x0];
	_ =	sdelay $0x1  }
0xb4: {  	s29 =	srdreg.scid  }
0xb5: {  	s30 =	sshll.u32 s29, $0xD;
	s31 =	sshrl.u32 s29, $0x2  }
0xb6: {  	s1 =	sand.u32 $0x1, s29;
	s2 =	sand.u32 $0x4000, s30;
	s0 =	sadd.s32 s31, s28  }
0xb7: {  	s1 =	sor.u32 s2, s1;
	s0 =	sshll.u32 s0, $0x11  }
0xb8: {  	s0 =	sor.u32 s0, s1  }
0xb9: {  	s0 =	sadd.s32 $0x8F2B, s0  }
0xba: {  	[sflag:s0] =	ssyncadd.remote.s32 $0x1  }
0xbb: {  	_ =	sfence.sel $0xFFFF  }
0xbc: {  	[dreg:$0x0] =	wrdreg $0xFFFFFFFF;
	(pc) =	sbr.abs _section_cstart, $3  }
0xbd: {  	[dreg:$0x1] =	wrdreg $0xFFFFFFFF  }
0xbe: {  	_ =	task.clear_ibuf [dreg:s4], $0x2FFFF;
	_ =	strace $0x9FFFFFFF  }
0xbf: {  	(tm) =	ssettm $0x7FFFFFFF  }
tec
execute0_lowered:
.L_overlay_start_1:
0x0: {  	(tag) =	ssettag $0x1  }
0x1: {  	s0 =	rddreg [dreg:$0x0]  }
0x2: {  	s11 =	stileid.u32;
	_ =	strace $0x80000050;
	s2 =	simm.s32 $0x1  }
0x3: {  	v1 =	vimm.s32 $0xFFFFFFFF;
	s1 =	smul.u32 $0x3, s11;
	[sflag:s2] =	ssyncpa.u1 $0x0  }
0x4: {  	s3 =	smin.u32 s11, $0x2;
	[tilespmem:$0x10] =	vst v1  }
0x5: {  	v0 =	vimm.f32 $-Inf;
	[tilespmem:$0x20] =	vst v1;
	s1 =	sadd.s32 s3, s1  }
0x6: {  	p0 =	slt.u32 s11, $0x2;
	[tilespmem:$0x30] =	vst v0;
	s3 =	smul.u32 $0x1130, s1;
	s1 =	simm.s32 $0x44C0  }
0x7: {  	[tilespmem:$0x40] =	vst v0;
	s1 =	simm.s32 @!p0 $0x3390  }
0x8: {  	[tilespmem:$0x50] =	vst v0;
	s1 =	sadd.s32 s1, s3  }
0x9: {  	s7 =	simm.s32 $0x2;
	[tilespmem:$0x60] =	vst v1;
	s4 =	smin.u32 s1, $0x35B60  }
0xa: {  	s8 =	simm.s32 $0x8;
	s29 =	simm.s32 $0x9;
	[tilespmem:$0x70] =	vst v1;
	s6 =	ssub.s32 s4, s3  }
0xb: {  	s16 =	simm.s32 $0x0;
	s17 =	simm.s32 $0xF0;
	[tilespmem:$0x80] =	vst v1;
	p0 =	sgt.s32 s6, $0x0  }
0xc: {  	s18 =	simm.s32 $0xFFFFFFFF;
	s19 =	simm.s32 $0xFFFFDEA0;
	v1 =	vimm.s32 $0x0;
	[tilespmem:$0xB0] =	vst v0;
	s6 =	simm.s32 @!p0 $0x0  }
0xd: {  	s20 =	simm.s32 $0xFFFFFFFE;
	s21 =	simm.s32 $0xF;
	[tilespmem:$0x90] =	vst v1;
	s5 =	smulhi.u32 $0x77280773, s6  }
0xe: {  	s25 =	simm.s32 $0x0;
	[tilespmem:$0xA0] =	vst v1;
	[sflag:s7] =	ssyncpa.u1 $0x0;
	s7 =	simm.s32 $0x7  }
0xf: {  	s24 =	simm.s32 $0x0;
	[sflag:s7] =	ssyncpa.u1 $0x0;
	s9 =	sshrl.u32 s5, $0xB  }
0x10: {  	s14 =	sshllo.u32 s11, $0x1;
	[sflag:s8] =	ssyncpa.u1 $0x0;
	s10 =	smul.u32 $0x1130, s9  }
0x11: {  	[sflag:s29] =	ssyncpa.u1 $0x0;
	s23 =	smov.u32 s3;
	s1 =	sadd.s32 $0x2200, s0  }
.Ltmp0:
0x12: {  	s5 =	sadd.s32 $0x3BC00, s0;
	p0 =	sne.s32 s6, s10;
	(pc) =	sbr.rel .LBB2_1-.Ltmp0, $4  }
0x13: {  	s0 =	sadd.s32 $0x42800, s0;
	s10 =	sshll.u32 s11, $0x1;
	s2 =	simm.s32 @!p0 $0x0  }
0x14: {  	[dreg:$0x2] =	wrdreg s0;
	s31 =	sor.u32 $0x81, s10;
	s9 =	sadd.s32 s2, s9  }
0x15: {  	vm0 =	vmmov $0xffff;
	v2 =	vlaneseq.u32;
	vm1 =	vmxor vm1, vm1;
	s15 =	sor.u32 $0x80, s10;
	[dreg:$0x4] =	wrdreg s31;
	s30 =	sadd.s32 $0x1, s9  }
0x16: {  	vm2 =	vmmov $0x1;
	v3 =	vimm.f32 $0.0e+00;
	vm3 =	vcmask $0x3F3C;
	p0 =	por $0x0, $0x0;
	s12 =	sadd.s32 $0x2, s9;
	[dreg:$0x3] =	wrdreg s30  }
.LBB2_9:
0x17: {  	p1 =	slt.u32 s24, $0x3  }
0x18: {  	s0 =	simm.s32 @!p1 $0x2  }
0x19: {  	_ =	swait.ge @!p1 [sflag:s0], $0x1130  }
0x1a: {  	[sflag:s0] =	ssyncset.done @!p1 $0x0  }
0x1b: {  	[sflag:s0] =	ssyncadd.s32 @!p1 $0xFFFFEED0;
	s0 =	simm.s32 @!p1 $0x9  }
0x1c: {  	_ =	swait.ge @!p1 [sflag:s0], $0x10  }
0x1d: {  	[sflag:s0] =	ssyncset.done @!p1 $0x0  }
0x1e: {  	[sflag:s0] =	ssyncadd.s32 @!p1 $0xFFFFFFF0;
	p1 =	sne.s32 s24, s12  }
.Ltmp1:
0x1f: {  	s2 =	sadd.s32 $0x1130, s23;
	(pc) =	sbr.rel @!p1 .LBB2_10-.Ltmp1, $4  }
0x20: {  	s6 =	smov.u32 s3;
	s31 =	sadd.s32 $0x1, s24;
	s17 =	sadd.s32 $0x1130, s17  }
0x21: {  	s18 =	sadd.s32 $0x1, s18;
	s25 =	smov.u32 s23;
	p2 =	slt.s32 s2, s4  }
0x22: {  	p0 =	por !p0, !p0;
	s19 =	sadd.s32 $0x1130, s19;
	s6 =	smov.u32 @p2 s2  }
0x23: {  	s20 =	sadd.s32 $0x1, s20;
	s23 =	smov.u32 s6;
	s24 =	smov.u32 s31  }
.LBB2_1:
0x24: {  	p1 =	sge.u32 s24, s9  }
0x25: {  	s0 =	smulhi.u32 @!p1 $0xAAAAAAAB, s24;
	_ =	sdelay $0x1  }
0x26: {  	s0 =	sshrl.u32 @!p1 s0, $0x1  }
0x27: {  	s0 =	smul.u32 @!p1 $0x3, s0;
	_ =	sdelay $0x1  }
0x28: {  	s0 =	ssub.s32 @!p1 s24, s0  }
0x29: {  	s0 =	smul.u32 @!p1 $0x44C0, s0;
	_ =	sdelay $0x1  }
0x2a: {  	s2 =	sshrl.u32 @!p1 s23, $0x3;
	s0 =	sshrl.u32 @!p1 s0, $0x2  }
0x2b: {  	s6 =	sand.u32 @!p1 $0x7, s23;
	s2 =	sadd.s32 @!p1 s5, s2;
	s0 =	sadd.s32 @!p1 $0x100, s0  }
0x2c: {  	[tilespmem:s0], [sflag:$0x7] =	stream.linear.gather @!p1 [hbm4b:s2+s6], $0x1130, $0x38;
	[tilespmem:$0x9BD0] =	vst v63  }
0x2d: {  	s0 =	sadd.s32 $0xFFFFFFFF, s24  }
0x2e: {  	p1 =	sge.u32 s0, s9  }
.Ltmp2:
0x2f: {  	_ = 	snop;
	(pc) =	sbr.rel @p1 .LBB2_5-.Ltmp2, $1  }
0x30: {  	_ =	sdelay $0x3  }
0x31: {  	s2 =	smulhi.u32 $0xAAAAAAAB, s0;
	_ =	sdelay $0x1  }
0x32: {  	s2 =	sshrl.u32 s2, $0x1  }
0x33: {  	s2 =	smul.u32 $0x3, s2;
	_ =	sdelay $0x1  }
0x34: {  	s2 =	ssub.s32 s0, s2  }
0x35: {  	s2 =	smul.u32 $0x44C0, s2  }
0x36: {  	_ =	swait.ge [sflag:s7], $0x1130  }
0x37: {  	[sflag:s7] =	ssyncset.done $0x0;
	s2 =	sshrl.u32 s2, $0x2  }
0x38: {  	[sflag:s7] =	ssyncadd.s32 $0xFFFFEED0;
	(ifvalue) =	ssetifvalue $0xFFFFFFFF;
	v4 =	vld.msk [tilespmem:s2+$0x100 ss:$0x1], $0xffff;
	_ =	sdelay $0x2  }
0x39: {  	s29 =	smulhi.u32 $0xAAAAAAAB, s18;
	p1 =	sne.s32 s24, $0x1  }
0x3a: {  	v5 =	vimm.s32 @!p1 $0x0  }
0x3b: {  	s2 =	sshrl.u32 s29, $0x1;
	v5 =	vperm.xlane @!p1 v4, v5  }
0x3c: {  	s6 =	sshll.u32 s24, $0x4;
	s2 =	smul.u32 $0xFFFF31C0, s2;
	vm4 =	vlt.u32 v4, $0x2800  }
0x3d: {  	s6 =	sand.u32 $0x10, s6;
	v4 =	vnsel vm4, $0xFFFFFFFE, v4;
	vm4 =	vlt.u32 @!p1 v5, $0x2800  }
0x3e: {  	s2 =	sshra.s32 s2, $0x2;
	[tilespmem:s6+$0x60] =	vst v4;
	v4 =	vnsel @!p1 vm4, $0xFFFFFFFE, v5  }
0x3f: {  	s30 =	sadd.s32 s2, s17;
	[tilespmem:$0x80] =	vst @!p1 v4  }
0x40: {  	v4 =	vld.msk [tilespmem:s30+$0x0 ss:$0x1], $0xffff;
	_ =	sdelay $0x4  }
0x41: {  	(xrf1) =	vunique.msk.u32 $0xffff, v4;
	_ =	sdelay $0xd  }
0x42: {  	v5 =	vimm.s32 $0xFFFFFFFF;
	v6, _, _ =	vpop (xrf1)  }
0x43: {  	vm5 =	vne.s32 v4, v5;
	vm4 =	veq.s32 v6, v2  }
0x44: {  	vm6 =	vlt.u32 v4, $0x2800;
	vm4 =	vmand vm5, vm4  }
0x45: {  	vm4 =	vmand vm6, vm4  }
0x46: {  	v5 =	vnsel vm4, $0xFFFFFFFF, v4  }
0x47: {  	s31 =	sand.u32 $0x1, s0  }
0x48: {  	s26 =	simm.s32 $0x1130;
	p1 =	seq.s32 s31, $0x1  }
0x49: {  	s26 =	simm.s32 @!p1 $0x0  }
0x4a: {  	s28 =	sadd.s32 $0x45B0, s26;
	(ifvalue) =	ssetifvalue $0xFFFFFFFF  }
0x4b: {  	v4 =	vperm.xlane v4, v1;
	[tilespmem:s28], [sflag:$0x8] =	stream.indirect_vreg.gather [hbm4b:s1+s16], $0x1, v5, vm0, $0x4038;
	v5 =	vnsel vm6, $0xFFFFFFFE, v5;
	[tilespmem:$0x9BD0] =	vst v63  }
0x4c: {  	s0 =	simm.s32 $0x0;
	s2 =	sadd.s32 $0xFFFFFFF0, s30;
	[tilespmem:s30+$0x0] =	vst v5  }
.LBB2_3:
0x4d: {  	v5 =	vld.msk [tilespmem:s2+$0x0 ss:$0x1], $0xffff;
	s0 =	sadd.s32 $0x10, s0;
	v6 =	vmov v4;
	s6 =	smov.u32 s2  }
0x4e: {  	p1 =	slt.u32 s0, $0x1120;
	_ =	sdelay $0x4  }
0x4f: {  	v4 =	vperm.xlane v5, v1;
	(xrf1) =	vunique.msk.u32 $0xffff, v5;
	_ =	sdelay $0xd  }
0x50: {  	v7, _, _ =	vpop (xrf1)  }
0x51: {  	vm5 =	vne.s32 v5, v6;
	vm4 =	veq.s32 v7, v2  }
0x52: {  	vm6 =	vlt.u32 v5, $0x2800;
	vm4 =	vmand vm5, vm4  }
0x53: {  	vm4 =	vmand vm6, vm4  }
0x54: {  	v5 =	vnsel vm4, $0xFFFFFFFF, v5  }
.Ltmp3:
0x55: {  	v6 =	vnsel vm6, $0xFFFFFFFE, v5;
	(pc) =	sbr.rel @p1 .LBB2_3-.Ltmp3, $3  }
0x56: {  	_ =	sdelay $0x1  }
0x57: {  	s2 =	sadd.s32 $0xFFFFFFF0, s2;
	s28 =	sadd.s32 $0xFFFFFFF0, s28;
	(ifvalue) =	ssetifvalue $0xFFFFFFFF  }
0x58: {  	[tilespmem:s28], [sflag:$0x8] =	stream.indirect_vreg.gather [hbm4b:s1+s16], $0x1, v5, vm0, $0x4038;
	[tilespmem:s6+$0x0] =	vst v6  }
0x59: {  	s0 =	sshrl.u32 s25, $0x3;
	s2 =	rddreg [dreg:$0x2]  }
0x5a: {  	s31 =	sadd.s32 $0x56F0, s26;
	s0 =	sadd.s32 s2, s0  }
0x5b: {  	[tilespmem:s31], [sflag:$0x8] =	stream.linear.gather [hbm:s0], $0x1130, $0x38;
	[tilespmem:$0x9BD0] =	vst v63  }
.LBB2_5:
0x5c: {  	p1 =	slt.u32 s24, $0x2  }
0x5d: {  	p2 =	sge.u32 @!p1 s24, s12  }
0x5e: {  	p1 =	por p1, p2  }
.Ltmp4:
0x5f: {  	_ = 	snop;
	(pc) =	sbr.rel @p1 .LBB2_9-.Ltmp4, $1  }
0x60: {  	_ =	sdelay $0x3  }
0x61: {  	s0 =	sadd.s32 $0xFFFFFFFE, s24  }
0x62: {  	s2 =	smulhi.u32 $0xAAAAAAAB, s0;
	_ =	sdelay $0x1  }
0x63: {  	s2 =	sshrl.u32 s2, $0x1  }
0x64: {  	s2 =	smul.u32 $0x3, s2;
	_ =	sdelay $0x1  }
0x65: {  	_ =	swait.ge [sflag:s8], $0x2260;
	s0 =	ssub.s32 s0, s2  }
0x66: {  	s6 =	rddreg [dreg:$0x3];
	s0 =	smul.u32 $0x1130, s0  }
0x67: {  	[sflag:s8] =	ssyncset.done $0x0;
	p1 =	sne.s32 s24, s6  }
0x68: {  	[sflag:s8] =	ssyncadd.s32 $0xFFFFDDA0;
	s6 =	rddreg [dreg:$0x4];
	s2 =	sadd.s32 @!p1 $0x122F, s0  }
0x69: {  	[spmem:s6] =	stream.linear.scatter @!p1 [tilespmem:s2], [sflag:$0x1], $0x1, $0x38;
	[tilespmem:$0x9BD0] =	vst v63  }
0x6a: {  	s2 =	simm.s32 @!p1 $0x1  }
0x6b: {  	_ =	swait.ge @!p1 [sflag:s2], $0x1  }
0x6c: {  	s11 =	sshll.u32 s24, $0x4;
	[sflag:s2] =	ssyncset.done @!p1 $0x0  }
0x6d: {  	s25 =	sand.u32 $0x10, s11;
	[sflag:s2] =	ssyncadd.s32 @!p1 $0xFFFFFFFF  }
0x6e: {  	s2 =	sxor.u32 $0x10, s25;
	v5 =	vld [tilespmem:s25+$0x10]  }
0x6f: {  	v6 =	vld [tilespmem:s2+$0x60]  }
0x70: {  	v4 =	vld [tilespmem:$0x80];
	_ =	sdelay $0x2  }
0x71: {  	(v2sf) =	vpush v5, $0x0  }
0x72: {  	(v2sf) =	vpush v6, $0x0  }
0x73: {  	(v2sf) =	vpush v4, $0x0;
	_ =	sdelay $0xc  }
0x74: {  	s13 =	spop (v2sf)  }
0x75: {  	s22 =	spop (v2sf)  }
0x76: {  	s26 =	spop (v2sf)  }
0x77: {  	p2 =	seq.s32 s13, s22;
	p3 =	seq.s32 s26, s13  }
0x78: {  	p3 =	por p2, p3  }
0x79: {  	s22 =	sand.u32 $0x1, s24;
	v5 =	vpsel p3, $0xFFFFFFFF, v5  }
0x7a: {  	s28 =	smul.u32 $0x1130, s22;
	[tilespmem:s25+$0x10] =	vst.msk $0x1, v5  }
0x7b: {  	v5 =	vld [tilespmem:$0x30]  }
0x7c: {  	v6 =	vld [tilespmem:s28+$0x56F0]  }
0x7d: {  	v7 =	vld [tilespmem:s25+$0x40];
	_ =	sdelay $0x2  }
0x7e: {  	vm4 =	vmmov vm1  }
0x7f: {  	vm5 =	vmmov vm2;
	vm4 =	vmmov @p2 vm2;
	v6 =	vmax.f32 v5, v6  }
0x80: {  	s6 =	sshll.u32 s22, $0x4;
	vm5 =	vmmov @p3 vm1;
	v5 =	vmax.f32 v5, v7;
	[tilespmem:s28+$0x56F0] =	vst.msk vm4, v6  }
0x81: {  	[tilespmem:s6+$0x9BB0] =	vst.msk vm5, v5  }
0x82: {  	v5 =	vld [tilespmem:s28+$0x45B0];
	_ =	sdelay $0x4  }
0x83: {  	v5 =	vshift.insert v5, v3, s21  }
0x84: {  	s11 =	sor.u32 $0x40, s2  }
0x85: {  	v6 =	vimm.f32 $-Inf;
	[tilespmem:s11+$0x0] =	vst.msk $0x1, v5  }
0x86: {  	[tilespmem:s28+$0x45BF] =	vst.msk $0x1, v6  }
0x87: {  	v5 =	vld [tilespmem:s0+$0x1220]  }
0x88: {  	s13 =	smulhi.u32 $0xAAAAAAAB, s20;
	_ =	sdelay $0x1  }
0x89: {  	s22 =	simm.s32 $0x1;
	s0 =	sshrl.u32 s13, $0x1  }
0x8a: {  	s22 =	simm.s32 @!p0 $0x0;
	s0 =	smul.u32 $0xFFFF31C0, s0  }
0x8b: {  	s22 =	smul.u32 $0x44C0, s22;
	v5 =	vshift.insert v5, v1, s21  }
0x8c: {  	s0 =	sshra.s32 s0, $0x2  }
0x8d: {  	s22 =	sshrl.u32 s22, $0x2;
	s11 =	sadd.s32 s0, s19;
	[tilespmem:s2+$0x10] =	vst.msk $0x1, v5  }
0x8e: {  	s2 =	sadd.s32 $0x56F0, s22;
	v7 =	vld [tilespmem:s11+$0x0]  }
0x8f: {  	v8 =	vld [tilespmem:s2+$0x0];
	_ =	sdelay $0x4  }
0x90: {  	vm4 =	vne.s32 v7, $0xFFFFFFFF;
	v6 =	vmax.f32 v8, v6  }
0x91: {  	(xrf0) =	vmax.seg.scan.f32 vm4, v6  }
0x92: {  	s13 =	sadd.s32 $0x3490, s22;
	v8 =	vld [tilespmem:$0xA0]  }
0x93: {  	v9 =	vld [tilespmem:s13+$0x0];
	_ =	sdelay $0x1  }
0x94: {  	v6 =	vperm.xlane v5, v1;
	_ =	sdelay $0x1  }
0x95: {  	vm6 =	veq.s32 v7, v4;
	vm7 =	veq.s32 v7, v6;
	vm5 =	veq.s32 v8, $0x1;
	v8, _, _ =	vpop (xrf0)  }
0x96: {  	vm8 =	vgt.u32 v7, $0xFFFFFFFD;
	vm7 =	vmor vm7, vm6;
	v9 =	vmax.f32 v8, v9  }
0x97: {  	s30 =	sadd.s32 $0x7950, s22;
	v10 =	vld [tilespmem:$0x90];
	vm7 =	vmor vm7, vm8;
	v9 =	vsel vm6, v8, v9  }
0x98: {  	[tilespmem:s30+$0x0] =	vst v9;
	v9 =	vsel vm7, $0xFFFFFFFF, v7;
	_ =	sdelay $0x1  }
0x99: {  	s31 =	simm.s32 $0x0;
	vm9 =	vmand vm4, vm3  }
0x9a: {  	s29 =	sadd.s32 $0x9BB0, s6;
	s6 =	sadd.s32 $0x10, s13;
	s22 =	sadd.s32 $0x10, s30;
	v11 =	vsel vm9, $0xFF800000, v8  }
0x9b: {  	s0 =	sadd.s32 $0x10, s2;
	s2 =	sadd.s32 $0x10, s11;
	vm4 =	vmor vm5, vm6;
	v7 =	vsel vm6, v8, v10;
	v8 =	vshift.insert v11, v0, s21;
	(ifvalue) =	ssetifvalue $0xFFFFFFFF  }
.LBB2_7:
0x9c: {  	[hbm4b:s1+s16] =	stream.indirect_vreg.scatter [tilespmem:s30], [sflag:$0x2], $0x1, v9, vm0, $0x4038;
	[tilespmem:$0x9BD0] =	vst v63  }
0x9d: {  	s31 =	sadd.s32 $0x10, s31;
	s30 =	smov.u32 s22;
	v9 =	vld [tilespmem:s2+$0x0]  }
0x9e: {  	p2 =	slt.u32 s31, $0x1120;
	v10 =	vld [tilespmem:s0+$0x0];
	_ =	sdelay $0x4  }
0x9f: {  	vm5 =	vne.s32 v9, $0xFFFFFFFF;
	v8 =	vmax.f32 v10, v8  }
0xa0: {  	(xrf0) =	vmax.seg.scan.f32 vm5, v8;
	_ =	sdelay $0x1  }
0xa1: {  	v8 =	vld [tilespmem:s6+$0x0]  }
0xa2: {  	vm6 =	veq.s32 v9, v4;
	vm7 =	veq.s32 v9, v6  }
0xa3: {  	vm8 =	vgt.u32 v9, $0xFFFFFFFD;
	vm4 =	vmor vm4, vm6;
	vm7 =	vmor vm7, vm6  }
0xa4: {  	vm7 =	vmor vm7, vm8  }
.Ltmp5:
0xa5: {  	vm5 =	vmand vm5, vm3;
	v9 =	vsel vm7, $0xFFFFFFFF, v9;
	v10, _, _ =	vpop (xrf0);
	(pc) =	sbr.rel @p2 .LBB2_7-.Ltmp5, $4  }
0xa6: {  	v7 =	vsel vm6, v10, v7;
	v8 =	vmax.f32 v10, v8;
	v11 =	vsel vm5, $0xFF800000, v10  }
0xa7: {  	v10 =	vsel vm6, v10, v8;
	v8 =	vshift.insert v11, v0, s21  }
0xa8: {  	s2 =	sadd.s32 $0x10, s2;
	s0 =	sadd.s32 $0x10, s0;
	[tilespmem:s22+$0x0] =	vst v10  }
0xa9: {  	s6 =	sadd.s32 $0x10, s6;
	s22 =	sadd.s32 $0x10, s22;
	(ifvalue) =	ssetifvalue $0xFFFFFFFF  }
0xaa: {  	_ =	sdelay $0x3  }
0xab: {  	[hbm4b:s1+s16] =	stream.indirect_vreg.scatter [tilespmem:s30], [sflag:$0x2], $0x1, v9, vm0, $0x4038;
	[tilespmem:$0x9BD0] =	vst v63  }
0xac: {  	v4 =	vld [tilespmem:s28+$0x8A70];
	_ =	sdelay $0x4  }
0xad: {  	v4 =	vshift.insert v4, v3, s21  }
0xae: {  	s0 =	simm.s32 $0x30  }
0xaf: {  	[tilespmem:s0+$0x0] =	vst.msk $0x1, v4  }
0xb0: {  	v4 =	vsel vm4, $0x1, v1;
	[tilespmem:$0x90] =	vst v7  }
0xb1: {  	s0 =	sadd.s32 @!p1 $0x8A7F, s28;
	[tilespmem:$0xA0] =	vst v4  }
0xb2: {  	[spmem:s14] =	stream.linear.scatter @!p1 [tilespmem:s0], [sflag:$0x1], $0x1, $0x38;
	[tilespmem:$0x9BD0] =	vst v63  }
0xb3: {  	s0 =	simm.s32 @!p1 $0x1  }
0xb4: {  	v4 =	vmctz.xlane @!p1 vm4;
	_ =	swait.ge @!p1 [sflag:s0], $0x1  }
0xb5: {  	(v2sf) =	vpush @!p1 v5, $0x0  }
0xb6: {  	(v2sf) =	vpush @!p1 v4, $0x0;
	_ =	sdelay $0xd  }
0xb7: {  	s2 =	spop @!p1 (v2sf)  }
0xb8: {  	s6 =	spop @!p1 (v2sf)  }
0xb9: {  	p2 =	sne.s32 @!p1 s26, s2;
	p3 =	slt.s32 @!p1 s6, $0xF  }
0xba: {  	[sflag:s0] =	ssyncset.done @!p1 $0x0;
	p2 =	por p2, p1;
	p3 =	por !p3, p1  }
0xbb: {  	[sflag:s0] =	ssyncadd.s32 @!p1 $0xFFFFFFFF;
	v4 =	vimm.s32 @!p2 $0xFFFFFFFF;
	s6 =	simm.s32 @p3 $0xF  }
0xbc: {  	[tilespmem:$0x80] =	vst @!p2 v4;
	s2 =	sadd.s32 @!p1 $0x90, s6  }
0xbd: {  	[spmem:s10] =	stream.linear.scatter @!p1 [tilespmem:s2], [sflag:$0x1], $0x1, $0x38;
	[tilespmem:$0x9BD0] =	vst v63  }
0xbe: {  	_ =	swait.ge @!p1 [sflag:s0], $0x1  }
0xbf: {  	[sflag:s0] =	ssyncset.done @!p1 $0x0  }
0xc0: {  	s2 =	simm.s32 @!p1 $0x80;
	[sflag:s0] =	ssyncadd.s32 @!p1 $0xFFFFFFFF  }
0xc1: {  	[spmem:s15] =	stream.linear.scatter @!p1 [tilespmem:s2], [sflag:$0x1], $0x1, $0x38;
	[tilespmem:$0x9BD0] =	vst v63  }
0xc2: {  	_ =	swait.ge @!p1 [sflag:s0], $0x1  }
0xc3: {  	[sflag:s0] =	ssyncset.done @!p1 $0x0  }
0xc4: {  	[sflag:s0] =	ssyncadd.s32 @!p1 $0xFFFFFFFF;
	(ifvalue) =	ssetifvalue $0xFFFFFFFF;
	v4 =	vld [tilespmem:s25+$0x10];
	_ =	sdelay $0x3  }
.Ltmp6:
0xc5: {  	_ = 	snop;
	(pc) =	sbr.rel .LBB2_9-.Ltmp6, $3  }
0xc6: {  	_ =	sdelay $0x1  }
0xc7: {  	(ifvalue) =	ssetifvalue $0xFFFFFFFF  }
0xc8: {  	[hbm4b:s1+s16] =	stream.indirect_vreg.scatter [tilespmem:s29], [sflag:$0x9], $0x1, v4, vm0, $0x4038;
	[tilespmem:$0x9BD0] =	vst v63  }
.LBB2_10:
0xc9: {  	_ =	sfence.sel $0x180000  }
0xca: {  	s0 =	simm.s32 $0x7;
	[bflag:$0x0] =	sbarrier.arrive $0xFFFF  }
0xcb: {  	s26 =	simm.s32 $0x8;
	[sflag:s0] =	ssyncpa.u1 $0x1  }
0xcc: {  	s28 =	simm.s32 $0x9;
	[sflag:s26] =	ssyncpa.u1 $0x1  }
0xcd: {  	[sflag:s28] =	ssyncpa.u1 $0x1  }
0xce: {  	_ =	sfence.stream.spmem  }
0xcf: {  	s29 =	simm.s32 $0x3;
	[bflag:$0x0] =	sbarrier.arrive $0xFFFF  }
0xd0: {  	s30 =	simm.s32 $0x4;
	[sflag:s29] =	ssyncpa.u1 $0x1  }
0xd1: {  	s31 =	simm.s32 $0x3C;
	s2 =	stileid.u32;
	[sflag:s30] =	ssyncpa.u1 $0x1  }
0xd2: {  	p0 =	sne.s32 s2, $0x0;
	[sflag:s31] =	ssyncpa.u1 $0x1  }
0xd3: {  	s0 =	simm.s32 @p0 $0x1;
	_ =	sfence @p0  }
0xd4: {  	[sflag:s0] =	ssyncpa.u1 @p0 $0x1;
	s0 =	simm.s32 @p0 $0x2  }
0xd5: {  	[sflag:s0] =	ssyncpa.u1 @p0 $0x1  }
0xd6: {  	_ =	strace @p0 $0x90000050  }
0xd7: {  	[bflag:$0x2] =	sbarrier.arrive @p0 $0xFFFF  }
0xd8: {  	_ =	shalt @p0  }
.LBB2_11:
0xd9: {  	_ =	sfence.stream.spmem;
	s0 =	simm.s32 $0x5  }
0xda: {  	s2 =	simm.s32 $0x80;
	s3 =	simm.s32 $0xC0;
	[sflag:s0] =	ssyncpa.u1 $0x0  }
0xdb: {  	[tilespmem:s3], [sflag:$0x5] =	stream.linear.gather [spmem:s2], $0x20, $0x38;
	[tilespmem:$0x9BD0] =	vst v63  }
0xdc: {  	s30 =	simm.s32 $0xE0;
	s2 =	simm.s32 $0x0  }
0xdd: {  	[tilespmem:s30], [sflag:$0x5] =	stream.linear.gather [spmem:s2], $0x20, $0x38;
	[tilespmem:$0x9BD0] =	vst v63  }
.Ltmp7:
0xde: {  	_ = 	snop;
	(pc) =	sbr.rel .LBB2_12-.Ltmp7, $4  }
0xdf: {  	_ =	swait.ge [sflag:s0], $0x40  }
0xe0: {  	[sflag:s0] =	ssyncset.done $0x0  }
0xe1: {  	s31 =	simm.s32 $0x6;
	[sflag:s0] =	ssyncadd.s32 $0xFFFFFFC0  }
0xe2: {  	s3 =	simm.s32 $0x0;
	[sflag:s31] =	ssyncpa.u1 $0x0  }
.LBB2_17:
0xe3: {  	p0 =	sgt.u32 s4, $0x27FF  }
0xe4: {  	s0 =	sshrl.u32 @!p0 s4, $0x3  }
0xe5: {  	s4 =	sand.u32 @!p0 $0x7, s4;
	s5 =	simm.s32 @!p0 $0xB0;
	s0 =	sadd.s32 @!p0 s1, s0  }
0xe6: {  	[tilespmem:s5], [sflag:$0x6] =	stream.linear.gather @!p0 [hbm4b:s0+s4], $0x1, $0x38;
	[tilespmem:$0x9BD0] =	vst v63  }
0xe7: {  	s0 =	simm.s32 @!p0 $0x6  }
0xe8: {  	_ =	swait.ge @!p0 [sflag:s0], $0x1  }
0xe9: {  	[sflag:s0] =	ssyncset.done @!p0 $0x0  }
0xea: {  	[sflag:s0] =	ssyncadd.s32 @!p0 $0xFFFFFFFF  }
0xeb: {  	v1 =	vld.msk @!p0 [tilespmem:$0xB0], $0x1  }
0xec: {  	v2 =	vld.msk @!p0 [tilespmem:s3+$0xE0], $0x1;
	_ =	sdelay $0x4  }
0xed: {  	v1 =	vmax.f32 @!p0 v2, v1  }
0xee: {  	[tilespmem:s3+$0xE0] =	vst.msk @!p0 $0x1, v1  }
0xef: {  	[tilespmem:s2+$0xC0] =	vst.msk $0x1, v0  }
0xf0: {  	v0 =	vld.msk [tilespmem:s3+$0xE0], $0x1;
	_ =	sdelay $0x4  }
0xf1: {  	[tilespmem:s2+$0xE0] =	vst.msk $0x1, v0;
	s2 =	sadd.s32 $0x1, s2  }
.LBB2_19:
0xf2: {  	s3 =	sadd.s32 $0x1, s3  }
0xf3: {  	p0 =	sne.s32 s3, $0x20  }
.Ltmp8:
0xf4: {  	_ = 	snop;
	(pc) =	sbr.rel @!p0 .LBB2_20-.Ltmp8, $1  }
0xf5: {  	_ =	sdelay $0x3  }
.LBB2_12:
0xf6: {  	v0 =	vld.msk [tilespmem:s3+$0xC0], $0x1;
	_ =	sdelay $0x4  }
0xf7: {  	(v2sf) =	vpush v0, $0x0;
	_ =	sdelay $0xe  }
0xf8: {  	s4 =	spop (v2sf)  }
0xf9: {  	p0 =	seq.s32 s4, $0xFFFFFFFF  }
.Ltmp9:
0xfa: {  	_ = 	snop;
	(pc) =	sbr.rel @p0 .LBB2_19-.Ltmp9, $1  }
0xfb: {  	_ =	sdelay $0x3  }
0xfc: {  	p0 =	slt.s32 s2, $0x1  }
.Ltmp10:
0xfd: {  	_ = 	snop;
	(pc) =	sbr.rel @p0 .LBB2_17-.Ltmp10, $1  }
0xfe: {  	_ =	sdelay $0x3  }
0xff: {  	s0 =	simm.s32 $0xC0;
	p0 =	por $0x0, $0x0  }
0x100: {  	v1 =	vld.msk @!p0 [tilespmem:s0+$0x0], $0x1;
	_ =	sdelay $0x4  }
0x101: {  	(v2sf) =	vpush @!p0 v1, $0x0;
	_ =	sdelay $0xd  }
0x102: {  	p2 =	sne.s32 s2, $0x1  }
.Ltmp11:
0x103: {  	s5 =	spop @!p0 (v2sf);
	(pc) =	sbr.rel @!p2 .LBB2_16-.Ltmp11, $4  }
0x104: {  	p1 =	seq.s32 @!p0 s4, s5  }
0x105: {  	s5 =	simm.s32 $0x0;
	p1 =	por !p1, p0  }
0x106: {  	s7 =	simm.s32 $0xFFFFFFFF;
	s5 =	simm.s32 @p1 $0xFFFFFFFF  }
0x107: {  	s6 =	simm.s32 $0x1;
	s5 =	smov.u32 @p0 s7  }
.LBB2_15:
0x108: {  	s7 =	smov.u32 s5;
	p0 =	sne.s32 s5, $0xFFFFFFFF  }
0x109: {  	s0 =	sadd.s32 $0x1, s0;
	s5 =	smov.u32 s6;
	s6 =	sadd.s32 $0x1, s6  }
0x10a: {  	p1 =	sne.s32 s2, s6;
	v1 =	vld.msk @!p0 [tilespmem:s0+$0x0], $0x1;
	_ =	sdelay $0x4  }
0x10b: {  	(v2sf) =	vpush @!p0 v1, $0x0;
	_ =	sdelay $0xe  }
.Ltmp12:
0x10c: {  	s8 =	spop @!p0 (v2sf);
	(pc) =	sbr.rel @p1 .LBB2_15-.Ltmp12, $4  }
0x10d: {  	p2 =	seq.s32 @!p0 s4, s8  }
0x10e: {  	p2 =	por !p2, p0  }
0x10f: {  	s5 =	simm.s32 @p2 $0xFFFFFFFF  }
0x110: {  	s5 =	smov.u32 @p0 s7  }
.LBB2_16:
0x111: {  	p0 =	sne.s32 s5, $0xFFFFFFFF  }
.Ltmp13:
0x112: {  	_ = 	snop;
	(pc) =	sbr.rel @!p0 .LBB2_17-.Ltmp13, $1  }
0x113: {  	_ =	sdelay $0x3  }
0x114: {  	v0 =	vld.msk [tilespmem:s3+$0xE0], $0x1  }
0x115: {  	v1 =	vld.msk [tilespmem:s5+$0xE0], $0x1;
	_ =	sdelay $0x1  }
.Ltmp14:
0x116: {  	_ = 	snop;
	(pc) =	sbr.rel .LBB2_19-.Ltmp14, $3  }
0x117: {  	_ =	sdelay $0x1  }
0x118: {  	v0 =	vmax.f32 v1, v0  }
0x119: {  	[tilespmem:s5+$0xE0] =	vst.msk $0x1, v0  }
.LBB2_20:
0x11a: {  	p0 =	slt.s32 s2, $0x1  }
.Ltmp15:
0x11b: {  	_ = 	snop;
	(pc) =	sbr.rel @p0 .LBB2_24-.Ltmp15, $3  }
0x11c: {  	_ =	sdelay $0x1  }
0x11d: {  	s0 =	simm.s32 $0x6  }
0x11e: {  	s3 =	simm.s32 $0x0;
	[sflag:s0] =	ssyncpa.u1 $0x1  }
0x11f: {  	s0 =	simm.s32 $0xC0  }
0x120: {  	v0 =	vld.msk [tilespmem:s0+$0x0], $0x1;
	_ =	sdelay $0x4  }
0x121: {  	(v2sf) =	vpush v0, $0x0;
	_ =	sdelay $0xe  }
0x122: {  	s2 =	sadd.s32 $0xFFFFFFFF, s2;
	s4 =	spop (v2sf)  }
0x123: {  	p1 =	sne.s32 s2, $0x0;
	p0 =	sgt.u32 s4, $0x27FF  }
.Ltmp16:
0x124: {  	s5 =	sshrl.u32 @!p0 s4, $0x3;
	(pc) =	sbr.rel @!p1 .LBB2_23-.Ltmp16, $4  }
0x125: {  	s0 =	simm.s32 $0xE0;
	s4 =	sand.u32 @!p0 $0x7, s4;
	s5 =	sadd.s32 @!p0 s1, s5  }
0x126: {  	[hbm4b:s5+s4] =	stream.linear.scatter @!p0 [tilespmem:s0], [sflag:$0x5], $0x1, $0x38;
	[tilespmem:$0x9BD0] =	vst v63  }
0x127: {  	s5 =	simm.s32 $0x0  }
0x128: {  	s4 =	simm.s32 $0xC1;
	s5 =	simm.s32 @!p0 $0x4  }
.LBB2_22:
0x129: {  	v0 =	vld.msk [tilespmem:s4+$0x0], $0x1;
	s2 =	sadd.s32 $0xFFFFFFFF, s2;
	s3 =	sadd.s32 s3, s5  }
0x12a: {  	p0 =	sne.s32 s2, $0x0;
	_ =	sdelay $0x3  }
0x12b: {  	(v2sf) =	vpush v0, $0x0;
	_ =	sdelay $0xe  }
.Ltmp17:
0x12c: {  	s6 =	spop (v2sf);
	(pc) =	sbr.rel @p0 .LBB2_22-.Ltmp17, $4  }
0x12d: {  	s5 =	simm.s32 $0x0;
	p1 =	sgt.u32 s6, $0x27FF  }
0x12e: {  	s0 =	sadd.s32 $0x1, s0;
	s5 =	simm.s32 @!p1 $0x4;
	s7 =	sshrl.u32 @!p1 s6, $0x3  }
0x12f: {  	s4 =	sadd.s32 $0x1, s4;
	s6 =	sand.u32 @!p1 $0x7, s6;
	s7 =	sadd.s32 @!p1 s1, s7  }
0x130: {  	[hbm4b:s7+s6] =	stream.linear.scatter @!p1 [tilespmem:s0], [sflag:$0x5], $0x1, $0x38;
	[tilespmem:$0x9BD0] =	vst v63  }
.LBB2_23:
0x131: {  	s0 =	sadd.s32 s3, s5  }
0x132: {  	s3 =	sshrl.u32 s0, $0x2  }
.LBB2_24:
0x133: {  	s0 =	simm.s32 $0x5  }
0x134: {  	_ =	swait.ge [sflag:s0], s3  }
0x135: {  	s1 =	ssub.s32 $0x0, s3;
	[sflag:s0] =	ssyncset.done $0x0  }
0x136: {  	[sflag:s0] =	ssyncadd.s32 s1  }
0x137: {  	[sflag:s0] =	ssyncpa.u1 $0x1  }
0x138: {  	s29 =	simm.s32 $0x1;
	_ =	sfence  }
0x139: {  	s30 =	simm.s32 $0x2;
	[sflag:s29] =	ssyncpa.u1 $0x1  }
0x13a: {  	[sflag:s30] =	ssyncpa.u1 $0x1  }
0x13b: {  	_ =	strace $0x90000050  }
0x13c: {  	[bflag:$0x2] =	sbarrier.arrive $0xFFFF  }
0x13d: {  	s31 =	rddreg [dreg:$0x1]  }
0x13e: {  	s0 =	sadd.s32 $0x100000, s31  }
0x13f: {  	[sflag:s0] =	ssyncadd.tile.s32 $0x1;
	_ =	shalt  }
.Lfunc_end2:
_tile_overlayer_lowered:
.L_overlay_start_2:
0x140: {  	(tag) =	ssettag $0x2  }
0x141: {  	s0 =	rddreg [dreg:$0x0];
	s2 =	stileid.u32  }
0x142: {  	s1 =	rddreg [dreg:$0x1];
	p0 =	sne.s32 s2, $0x0  }
0x143: {  	s3 =	rddreg [dreg:$0x2];
	[bflag:$0x3] =	sbarrier.arrive $0xFFFF;
	s2 =	simm.s32 @!p0 $0x1C01  }
0x144: {  	[timem:s3], [sflag:s2] =	dma.local @!p0 [hbm:s0], s1  }
0x145: {  	s0 =	simm.s32 @!p0 $0x1  }
0x146: {  	_ =	swait.ge @!p0 [sflag:s0], s1  }
0x147: {  	s1 =	ssub.s32 @!p0 $0x0, s1;
	[sflag:s0] =	ssyncset.done @!p0 $0x0  }
0x148: {  	[sflag:s0] =	ssyncadd.s32 @!p0 s1  }
0x149: {  	[bflag:$0x3] =	sbarrier.arrive $0xFFFF  }
0x14a: {  	_ =	shalt  }

// kernel: scatter_offload_async_start.5
scs
__scs_entry_jumppad:
0x0: {  	(pc) =	sbr.rel $0x88, $3  }
0x1: {  	(tag) =	ssettag $0x0;
	lr =	simm.s32 $0x1  }
0x2: {  	[smem:$0x3F9C] =	sst lr;
	_ =	strace $0xD0000000  }
0x3: {  	_ = 	snop  }
0x4: {  	_ = 	snop  }
0x5: {  	_ = 	snop  }
0x6: {  	_ = 	snop  }
0x7: {  	_ = 	snop  }
__scs_overlays_trampoline_lowered:
0x8: {  	[smem:$0x3FAB] =	sst s0  }
0x9: {  	[smem:$0x3FAC] =	sst s1  }
0xa: {  	[smem:$0x3FAD] =	sst s2  }
0xb: {  	[smem:$0x3FAE] =	sst s3  }
0xc: {  	[smem:$0x3FAF] =	sst s4  }
0xd: {  	[smem:$0x3FB0] =	sst s5  }
0xe: {  	[smem:$0x3FB1] =	sst s6  }
0xf: {  	[smem:$0x3FB2] =	sst s7  }
0x10: {  	[smem:$0x3FB3] =	sst s8  }
0x11: {  	[smem:$0x3FB4] =	sst s9;
	s0 =	simm.s32 @!p0 $0x0  }
0x12: {  	s1 =	sld [smem:$0x3F9A];
	s0 =	simm.s32 @p0 $0x1  }
0x13: {  	[smem:$0x3FB5] =	sst s0;
	s0 =	simm.s32 @!p1 $0x0  }
0x14: {  	s2 =	sld [smem:$0x3F99];
	s0 =	simm.s32 @p1 $0x1  }
0x15: {  	[smem:$0x3FB6] =	sst s0;
	s0 =	simm.s32 @!p2 $0x0  }
0x16: {  	s3 =	sld [smem:$0x3FDB];
	s0 =	simm.s32 @p2 $0x1  }
0x17: {  	s4 =	simm.s32 $0x1BF5;
	[smem:$0x3FB8] =	sst s0  }
0x18: {  	s0 =	sld [smem:$0x3F9B];
	_ =	swait.ge [sflag:s4], $0x0  }
0x19: {  	s7 =	sld [smem:$0x3F9C]  }
0x1a: {  	s8 =	sadd.s32 $0xFFFFE003, lr  }
0x1b: {  	s9 =	sadd.s32 $0xFFFFFEF7, lr;
	s5 =	simm.s32 $0xFFFFFFFF;
	p2 =	slt.u32 s8, $0xFFFFF086  }
0x1c: {  	p1 =	slt.u32 s9, $0xF7A;
	s5 =	simm.s32 @!p2 $0x0  }
0x1d: {  	s5 =	simm.s32 @p1 $0x1;
	p0 =	seq.s32 s7, s2  }
0x1e: {  	s7 =	smul.u32 @!p0 $0xF7A, s2;
	p2 =	seq.s32 @!p0 s5, $0x0  }
0x1f: {  	s9 =	smul.u32 $0xF7A, s1;
	s8 =	simm.s32 @!p0 $0x1BF5;
	p2 =	por !p2, p0  }
0x20: {  	[sflag:s8] =	ssyncset.s32 @!p0 $0xFFFFF086;
	s6 =	sadd.s32 @!p0 s3, s7;
	s7 =	simm.s32 @!p0 $0x108  }
0x21: {  	s3 =	sadd.s32 s3, s9;
	s6 =	sadd.s32 @!p0 $0x88, s6;
	s7 =	simm.s32 @p2 $0x1082  }
0x22: {  	[simem:s7], [sflag:s8] =	dma.local @!p0 [hbm:s6], $0xF7A  }
0x23: {  	s9 =	sor.u32 $0xD0000000, s2;
	s6 =	simm.s32 $0x108;
	_ =	swait.ge @!p0 [sflag:s8], $0x0  }
0x24: {  	s3 =	sadd.s32 $0x88, s3;
	s6 =	simm.s32 @!p1 $0x1082;
	[sflag:s4] =	ssyncset.s32 $0xFFFFF086  }
0x25: {  	[simem:s6], [sflag:s4] =	dma.local [hbm:s3], $0xF7A  }
0x26: {  	[smem:$0x3F9C] =	sst s1;
	(tag) =	ssettag s2;
	_ =	strace s9  }
0x27: {  	s1 =	sld [smem:$0x3FAC]  }
0x28: {  	s2 =	sld [smem:$0x3FAD]  }
0x29: {  	s4 =	sld [smem:$0x3FAF]  }
0x2a: {  	p0 =	seq.s32 s5, $0x0;
	s5 =	sld [smem:$0x3FB0]  }
0x2b: {  	s6 =	sld [smem:$0x3FB1]  }
0x2c: {  	s7 =	sld [smem:$0x3FB2]  }
0x2d: {  	s3 =	simm.s32 $0x108;
	s8 =	sld [smem:$0x3FB3]  }
0x2e: {  	s3 =	simm.s32 @!p0 $0x1082;
	s9 =	sld [smem:$0x3FB4]  }
0x2f: {  	lr =	sadd.s32 s0, s3;
	s0 =	sld [smem:$0x3FAB]  }
0x30: {  	s3 =	sld [smem:$0x3FAE]  }
0x31: {  	[smem:$0x3FB7] =	sst s10  }
0x32: {  	s10 =	sld [smem:$0x3FB5];
	_ =	sdelay $0x3  }
0x33: {  	p0 =	seq.s32 s10, $0x1;
	s10 =	sld [smem:$0x3FB7];
	_ =	sdelay $0x3  }
0x34: {  	[smem:$0x3FB7] =	sst s10  }
0x35: {  	s10 =	sld [smem:$0x3FB6];
	_ =	sdelay $0x3  }
0x36: {  	p1 =	seq.s32 s10, $0x1;
	s10 =	sld [smem:$0x3FB7];
	_ =	sdelay $0x3  }
0x37: {  	[smem:$0x3FB7] =	sst s10  }
0x38: {  	s10 =	sld [smem:$0x3FB8]  }
0x39: {  	_ = 	snop;
	(pc) =	sbr.ind lr, $3  }
0x3a: {  	_ = 	snop  }
0x3b: {  	_ = 	snop  }
0x3c: {  	p2 =	seq.s32 s10, $0x1;
	s10 =	sld [smem:$0x3FB7]  }
0x3d: {  	_ =	shalt  }
0x3e: {  	_ =	shalt  }
0x3f: {  	_ =	shalt  }
0x40: {  	_ =	shalt  }
0x41: {  	_ =	shalt  }
0x42: {  	_ =	shalt  }
0x43: {  	_ =	shalt  }
0x44: {  	_ =	shalt  }
0x45: {  	_ =	shalt  }
0x46: {  	_ =	shalt  }
0x47: {  	_ =	shalt  }
0x48: {  	_ =	shalt  }
0x49: {  	_ =	shalt  }
0x4a: {  	_ =	shalt  }
0x4b: {  	_ =	shalt  }
0x4c: {  	_ =	shalt  }
0x4d: {  	_ =	shalt  }
0x4e: {  	_ =	shalt  }
0x4f: {  	_ =	shalt  }
0x50: {  	_ =	shalt  }
0x51: {  	_ =	shalt  }
0x52: {  	_ =	shalt  }
0x53: {  	_ =	shalt  }
0x54: {  	_ =	shalt  }
0x55: {  	_ =	shalt  }
0x56: {  	_ =	shalt  }
0x57: {  	_ =	shalt  }
0x58: {  	_ =	shalt  }
0x59: {  	_ =	shalt  }
0x5a: {  	_ =	shalt  }
0x5b: {  	_ =	shalt  }
0x5c: {  	_ =	shalt  }
0x5d: {  	_ =	shalt  }
0x5e: {  	_ =	shalt  }
0x5f: {  	_ =	shalt  }
0x60: {  	_ =	shalt  }
0x61: {  	_ =	shalt  }
0x62: {  	_ =	shalt  }
0x63: {  	_ =	shalt  }
0x64: {  	_ =	shalt  }
0x65: {  	_ =	shalt  }
0x66: {  	_ =	shalt  }
0x67: {  	_ =	shalt  }
0x68: {  	_ =	shalt  }
0x69: {  	_ =	shalt  }
0x6a: {  	_ =	shalt  }
0x6b: {  	_ =	shalt  }
0x6c: {  	_ =	shalt  }
0x6d: {  	_ =	shalt  }
0x6e: {  	_ =	shalt  }
0x6f: {  	_ =	shalt  }
0x70: {  	_ =	shalt  }
0x71: {  	_ =	shalt  }
0x72: {  	_ =	shalt  }
0x73: {  	_ =	shalt  }
0x74: {  	_ =	shalt  }
0x75: {  	_ =	shalt  }
0x76: {  	_ =	shalt  }
0x77: {  	_ =	shalt  }
0x78: {  	_ =	shalt  }
0x79: {  	_ =	shalt  }
0x7a: {  	_ =	shalt  }
0x7b: {  	_ =	shalt  }
0x7c: {  	_ =	shalt  }
0x7d: {  	_ =	shalt  }
0x7e: {  	_ =	shalt  }
0x7f: {  	_ =	shalt  }
0x80: {  	_ =	shalt  }
0x81: {  	_ =	shalt  }
0x82: {  	_ =	shalt  }
0x83: {  	_ =	shalt  }
0x84: {  	_ =	shalt  }
0x85: {  	_ =	shalt  }
0x86: {  	_ =	shalt  }
0x87: {  	_ =	shalt  }
.Lfunc_end0:
.L_simem_size_0:
called_computation.5_lowered:
.L_overlay_start_0:
0x88: {  	s0 =	sld [smem:$0x3FD9]  }
0x89: {  	s1 =	sld [smem:$0x3FFE];
	_ =	sdelay $0x3  }
0x8a: {  	s0 =	sadd.s32 s1, s0  }
0x8b: {  	[smem:$0x3FC3] =	sst s0  }
0x8c: {  	_ = 	snop  }
0x8d: {  	(tm) =	ssettm $0x1  }
0x8e: {  	s14 =	sld [smem:$0x3FFB];
	_ =	sdelay $0x3  }
0x8f: {  	_ =	strace s14  }
0x90: {  	s0 =	sld [smem:$0x3FFC];
	_ =	sdelay $0x3  }
0x91: {  	_ =	strace s0  }
0x92: {  	s0 =	sld [smem:$0x3FFD];
	_ =	sdelay $0x3  }
0x93: {  	_ =	strace s0  }
0x94: {  	_ =	strace $0x8FFFFFFF  }
0x95: {  	s15 =	sld [smem:$0x3FDB];
	_ =	sdelay $0x1  }
0x96: {  	s16 =	simm.s32 $_scs_section_size  }
0x97: {  	s2 =	simm.s32 $_size__tile_overlayer_lowered;
	s3 =	simm.s32 $_tile_overlayer_lowered  }
0x98: {  	s4 =	simm.s32 $0x1BFF;
	s17 =	sshll.u32 s3, $0x1;
	s1 =	sadd.s32 s16, s15  }
0x99: {  	s18 =	simm.s32 $0x0;
	s2 =	sshll.u32 s2, $0x1;
	s3 =	sadd.s32 s17, s1  }
0x9a: {  	[timem:s18], [sflag:s4] =	dma.local [hbm:s3], s2  }
0x9b: {  	_ =	swait.ge [sflag:s4], s2  }
0x9c: {  	s2 =	ssub.s32 $0x0, s2;
	[sflag:s4] =	ssyncset.done $0x0  }
0x9d: {  	[sflag:s4] =	ssyncadd.s32 s2;
	_ =	sdelay $0x1  }
0x9e: {  	s19 =	simm.s32 $0x1B8B  }
0x9f: {  	_ =	swait.ge [sflag:s19], $0x1  }
0xa0: {  	[sflag:s19] =	ssyncset.done $0x0  }
0xa1: {  	s21 =	simm.s32 $0x1B8E;
	s20 =	sld [smem:$0x3FFE];
	[sflag:s19] =	ssyncadd.s32 $0xFFFFFFFF  }
0xa2: {  	s22 =	simm.s32 $execute0_lowered;
	[smem:$0x3FD2] =	sst s21  }
0xa3: {  	s3 =	sshll.u32 s22, $0x1;
	_ =	strace $0x80000058;
	[dreg:$0x1] =	wrdreg $0xFFFFFFFF  }
0xa4: {  	s23 =	simm.s32 $_size_execute0_lowered;
	s3 =	sadd.s32 s1, s3;
	[dreg:$0x0] =	wrdreg $0x0  }
0xa5: {  	s4 =	sshll.u32 s23, $0x1;
	[dreg:$0x2] =	wrdreg s3  }
0xa6: {  	[dreg:$0x3] =	wrdreg s4  }
0xa7: {  	[dreg:$0x4] =	wrdreg $0xC0  }
0xa8: {  	s24 =	simm.s32 $execute1_lowered;
	_ =	task [dreg:s18], $0x5FFFF  }
0xa9: {  	s3 =	sshll.u32 s24, $0x1;
	[dreg:$0x1] =	wrdreg $0xFFFFFFFF  }
0xaa: {  	s1 =	sadd.s32 s1, s3;
	[dreg:$0x0] =	wrdreg $0x60  }
0xab: {  	[dreg:$0x2] =	wrdreg s1  }
0xac: {  	[dreg:$0x3] =	wrdreg s20  }
0xad: {  	[dreg:$0x4] =	wrdreg $0xB  }
0xae: {  	_ =	task.clear_ibuf [dreg:s18], $0x5FFFF;
	_ =	strace $0x90000058  }
0xaf: {  	s25 =	simm.s32 $0xB;
	_ =	strace $0x8000005A  }
0xb0: {  	_ =	swait.ge [sflag:s25], $0x1  }
0xb1: {  	[sflag:s25] =	ssyncadd.s32 $0xFFFFFFFF  }
0xb2: {  	_ =	strace $0x9000005A  }
0xb3: {  	_ =	strace $0x8000005B;
	[dreg:$0x1] =	wrdreg $0xFFFFFFFF  }
0xb4: {  	[dreg:$0x0] =	wrdreg $0x2030  }
0xb5: {  	[dreg:$0x2] =	wrdreg s20  }
0xb6: {  	[dreg:$0x3] =	wrdreg $0xC  }
0xb7: {  	_ =	task.clear_ibuf [dreg:s18], $0x4FFFF;
	_ =	strace $0x9000005B  }
0xb8: {  	s26 =	simm.s32 $0xC;
	_ =	strace $0x8000005D  }
0xb9: {  	_ =	swait.ge [sflag:s26], $0x1  }
0xba: {  	[sflag:s26] =	ssyncadd.s32 $0xFFFFFFFF  }
0xbb: {  	_ =	strace $0x9000005D  }
0xbc: {  	_ =	sfence  }
0xbd: {  	s28 =	sld [smem:$0x0];
	_ =	sdelay $0x1  }
0xbe: {  	s29 =	srdreg.scid  }
0xbf: {  	s30 =	sshll.u32 s29, $0xD;
	s31 =	sshrl.u32 s29, $0x2  }
0xc0: {  	s2 =	sand.u32 $0x1, s29;
	s3 =	sand.u32 $0x4000, s30;
	s1 =	sadd.s32 s31, s28  }
0xc1: {  	s2 =	sor.u32 s3, s2;
	s1 =	sshll.u32 s1, $0x11  }
0xc2: {  	s1 =	sor.u32 s1, s2  }
0xc3: {  	s1 =	sadd.s32 $0x8F2B, s1  }
0xc4: {  	[sflag:s1] =	ssyncadd.remote.s32 $0x1  }
0xc5: {  	_ =	sfence.sel $0xFFFF  }
0xc6: {  	[dreg:$0x0] =	wrdreg $0xFFFFFFFF;
	(pc) =	sbr.abs _section_cstart, $3  }
0xc7: {  	[dreg:$0x1] =	wrdreg $0xFFFFFFFF  }
0xc8: {  	_ =	task.clear_ibuf [dreg:s18], $0x2FFFF;
	_ =	strace $0x9FFFFFFF  }
0xc9: {  	(tm) =	ssettm $0x7FFFFFFF  }
tec
execute0_lowered:
.L_overlay_start_1:
0x0: {  	(tag) =	ssettag $0x1  }
0x1: {  	s2 =	rddreg [dreg:$0x0]  }
0x2: {  	s4 =	rddreg [dreg:$0x1]  }
0x3: {  	s0 =	rddreg [dreg:$0x2];
	s3 =	stileid.u32  }
0x4: {  	[bflag:$0x3] =	sbarrier.arrive $0xFFFF;
	s1 =	simm.s32 $_size_execute1_lowered;
	p0 =	sne.s32 s3, $0x0  }
0x5: {  	s1 =	sshll.u32 s1, $0x1;
	s5 =	simm.s32 @!p0 $0x1C3F;
	s6 =	simm.s32 @!p0 $0x4060  }
0x6: {  	[timem:s6], [sflag:s5] =	dma.local @!p0 [hbm:s2], s1  }
0x7: {  	s2 =	smul.u32 $0x280, s3  }
.Ltmp0:
0x8: {  	s31 =	simm.s32 $0x2;
	s7 =	simm.s32 $0x280;
	(pc) =	sbr.rel .LBB2_1-.Ltmp0, $4  }
0x9: {  	s8 =	simm.s32 $0x780;
	s10 =	simm.s32 $0x0;
	s9 =	simm.s32 $0x0  }
0xa: {  	s3 =	simm.s32 $0x1;
	_ =	strace $0x80000059;
	s30 =	sshrl.u32 s2, $0x3  }
0xb: {  	s6 =	simm.s32 $0x0;
	[sflag:s3] =	ssyncpa.u1 $0x0;
	s5 =	sadd.s32 s30, s4  }
0xc: {  	s4 =	sadd.s32 $0x2800, s4;
	[sflag:s31] =	ssyncpa.u1 $0x0;
	s5 =	sadd.s32 $0x1C00, s5  }
.LBB2_8:
0xd: {  	p1 =	seq.s32 s9, $0x2  }
.Ltmp1:
0xe: {  	_ = 	snop;
	(pc) =	sbr.rel @p1 .LBB2_10-.Ltmp1, $1  }
0xf: {  	_ =	sdelay $0x3  }
.LBB2_9:
0x10: {  	s9 =	sadd.s32 $0x1, s9;
	s10 =	smov.u32 s2  }
.LBB2_1:
0x11: {  	p1 =	sne.s32 s9, $0x0  }
.Ltmp2:
0x12: {  	_ = 	snop;
	(pc) =	sbr.rel @!p1 .LBB2_2-.Ltmp2, $1  }
0x13: {  	_ =	sdelay $0x3  }
0x14: {  	s11 =	sand.u32 $0x1, s9  }
0x15: {  	p1 =	seq.s32 s11, $0x0  }
.Ltmp3:
0x16: {  	_ = 	snop;
	(pc) =	sbr.rel @p1 .LBB2_8-.Ltmp3, $1  }
0x17: {  	_ =	sdelay $0x3  }
0x18: {  	_ =	swait.ge [sflag:s3], $0x280  }
0x19: {  	[sflag:s3] =	ssyncset.done $0x0  }
0x1a: {  	s11 =	simm.s32 $0x0;
	p1 =	por $0x1, $0x1;
	[sflag:s3] =	ssyncadd.s32 $0xFFFFFD80  }
.LBB2_5:
0x1b: {  	v0 =	vld [tilespmem:s11+$0x280]  }
0x1c: {  	v1 =	vld [tilespmem:s11+$0x290]  }
0x1d: {  	v2 =	vld [tilespmem:s11+$0x2A0]  }
0x1e: {  	v3 =	vld [tilespmem:s11+$0x2B0]  }
0x1f: {  	v4 =	vld [tilespmem:s11+$0x2C0]  }
0x20: {  	v53 =	vld [tilespmem:s11+$0x2D0];
	[tilespmem:s11+$0x780] =	vst v0  }
0x21: {  	v54 =	vld [tilespmem:s11+$0x2E0];
	[tilespmem:s11+$0x790] =	vst v1  }
0x22: {  	v55 =	vld [tilespmem:s11+$0x2F0];
	[tilespmem:s11+$0x7A0] =	vst v2  }
0x23: {  	v56 =	vld [tilespmem:s11+$0x300];
	[tilespmem:s11+$0x7B0] =	vst v3  }
0x24: {  	v57 =	vld [tilespmem:s11+$0x310];
	[tilespmem:s11+$0x7C0] =	vst v4  }
0x25: {  	v58 =	vld [tilespmem:s11+$0x320];
	[tilespmem:s11+$0x7D0] =	vst v53  }
0x26: {  	v59 =	vld [tilespmem:s11+$0x330];
	[tilespmem:s11+$0x7E0] =	vst v54  }
0x27: {  	v60 =	vld [tilespmem:s11+$0x340];
	[tilespmem:s11+$0x7F0] =	vst v55  }
0x28: {  	v61 =	vld [tilespmem:s11+$0x350];
	[tilespmem:s11+$0x800] =	vst v56  }
0x29: {  	v62 =	vld [tilespmem:s11+$0x360];
	[tilespmem:s11+$0x810] =	vst v57  }
0x2a: {  	v63 =	vld [tilespmem:s11+$0x370];
	p2 =	por p1, p1;
	[tilespmem:s11+$0x820] =	vst v58  }
.Ltmp4:
0x2b: {  	[tilespmem:s11+$0x830] =	vst v59;
	(pc) =	sbr.rel @p2 .LBB2_5-.Ltmp4, $4  }
0x2c: {  	[tilespmem:s11+$0x840] =	vst v60  }
0x2d: {  	[tilespmem:s11+$0x850] =	vst v61  }
0x2e: {  	s12 =	simm.s32 $0x1F0;
	s13 =	simm.s32 $0x980;
	[tilespmem:s11+$0x860] =	vst v62  }
0x2f: {  	s14 =	simm.s32 $0x480;
	p1 =	por $0x0, $0x0;
	[tilespmem:s11+$0x870] =	vst v63;
	s11 =	simm.s32 $0x100  }
.LBB2_6:
0x30: {  	s12 =	sadd.s32 $0x10, s12  }
0x31: {  	v0 =	vld [tilespmem:s14+$0x0];
	p1 =	slt.u32 s12, $0x270  }
.Ltmp5:
0x32: {  	_ = 	snop;
	(pc) =	sbr.rel @p1 .LBB2_6-.Ltmp5, $2  }
0x33: {  	_ =	sdelay $0x2  }
0x34: {  	s14 =	sadd.s32 $0x10, s14;
	[tilespmem:s13+$0x0] =	vst v0;
	s13 =	sadd.s32 $0x10, s13  }
.Ltmp6:
0x35: {  	(pc) =	sbr.rel .LBB2_8-.Ltmp6, $4  }
0x36: {  	_ = 	snop  }
0x37: {  	s10 =	sshrl.u32 s10, $0x3  }
0x38: {  	s10 =	sadd.s32 s4, s10  }
0x39: {  	[hbm4b:s10+s6] =	stream.linear.scatter [tilespmem:s8], [sflag:$0x2], $0x280, $0x38;
	[tilespmem:$0xA00] =	vst v63  }
.LBB2_2:
.Ltmp7:
0x3a: {  	(pc) =	sbr.rel .LBB2_9-.Ltmp7, $2  }
0x3b: {  	_ =	sdelay $0x2  }
0x3c: {  	[tilespmem:s7], [sflag:$0x1] =	stream.linear.gather [hbm4b:s5+s6], $0x280, $0x38;
	[tilespmem:$0xA00] =	vst v63  }
.LBB2_10:
0x3d: {  	s2 =	simm.s32 $0x2  }
0x3e: {  	_ =	swait.ge [sflag:s2], $0x280  }
0x3f: {  	[sflag:s2] =	ssyncset.done $0x0  }
0x40: {  	[sflag:s2] =	ssyncadd.s32 $0xFFFFFD80  }
0x41: {  	_ =	sfence.sel $0x180000  }
0x42: {  	s3 =	simm.s32 $0x1;
	[bflag:$0x0] =	sbarrier.arrive $0xFFFF  }
0x43: {  	[sflag:s3] =	ssyncpa.u1 $0x1  }
0x44: {  	[sflag:s2] =	ssyncpa.u1 $0x1  }
0x45: {  	_ =	strace $0x90000059  }
0x46: {  	s0 =	sadd.s32 @!p0 $0x100000, s0;
	[bflag:$0x2] =	sbarrier.arrive $0xFFFF  }
0x47: {  	[sflag:s0] =	ssyncadd.tile.s32 @!p0 $0x1;
	s0 =	simm.s32 @!p0 $0x3F  }
0x48: {  	_ =	swait.ge @!p0 [sflag:s0], s1  }
0x49: {  	s1 =	ssub.s32 @!p0 $0x0, s1;
	[sflag:s0] =	ssyncset.done @!p0 $0x0  }
0x4a: {  	[sflag:s0] =	ssyncadd.s32 @!p0 s1  }
0x4b: {  	[bflag:$0x3] =	sbarrier.arrive $0xFFFF  }
0x4c: {  	_ =	shalt  }
.Lfunc_end2:
execute1_lowered:
.L_overlay_start_2:
0x4d: {  	(tag) =	ssettag $0x2  }
0x4e: {  	s0 =	rddreg [dreg:$0x0]  }
0x4f: {  	s11 =	stileid.u32;
	_ =	strace $0x8000005C;
	s2 =	simm.s32 $0x1  }
0x50: {  	v1 =	vimm.s32 $0xFFFFFFFF;
	s1 =	smul.u32 $0x3, s11;
	[sflag:s2] =	ssyncpa.u1 $0x0  }
0x51: {  	s3 =	smin.u32 s11, $0x2;
	[tilespmem:$0x10] =	vst v1  }
0x52: {  	v0 =	vimm.s32 $0x7FFFFFFF;
	[tilespmem:$0x20] =	vst v1;
	s1 =	sadd.s32 s3, s1  }
0x53: {  	p0 =	slt.u32 s11, $0x2;
	[tilespmem:$0x30] =	vst v0;
	s3 =	smul.u32 $0x1130, s1;
	s1 =	simm.s32 $0x44C0  }
0x54: {  	[tilespmem:$0x40] =	vst v0;
	s1 =	simm.s32 @!p0 $0x3390  }
0x55: {  	[tilespmem:$0x50] =	vst v0;
	s1 =	sadd.s32 s1, s3  }
0x56: {  	s7 =	simm.s32 $0x2;
	[tilespmem:$0x60] =	vst v1;
	s4 =	smin.u32 s1, $0x35B60  }
0x57: {  	s8 =	simm.s32 $0x8;
	s29 =	simm.s32 $0x9;
	[tilespmem:$0x70] =	vst v1;
	s6 =	ssub.s32 s4, s3  }
0x58: {  	s16 =	simm.s32 $0x0;
	s17 =	simm.s32 $0xF0;
	[tilespmem:$0x80] =	vst v1;
	p0 =	sgt.s32 s6, $0x0  }
0x59: {  	s18 =	simm.s32 $0xFFFFFFFF;
	s19 =	simm.s32 $0xFFFFDEA0;
	v1 =	vimm.s32 $0x0;
	[tilespmem:$0xB0] =	vst v0;
	s6 =	simm.s32 @!p0 $0x0  }
0x5a: {  	s20 =	simm.s32 $0xFFFFFFFE;
	s21 =	simm.s32 $0xF;
	[tilespmem:$0x90] =	vst v1;
	s5 =	smulhi.u32 $0x77280773, s6  }
0x5b: {  	s25 =	simm.s32 $0x0;
	[tilespmem:$0xA0] =	vst v1;
	[sflag:s7] =	ssyncpa.u1 $0x0;
	s7 =	simm.s32 $0x7  }
0x5c: {  	s24 =	simm.s32 $0x0;
	[sflag:s7] =	ssyncpa.u1 $0x0;
	s9 =	sshrl.u32 s5, $0xB  }
0x5d: {  	s14 =	sshllo.u32 s11, $0x1;
	[sflag:s8] =	ssyncpa.u1 $0x0;
	s10 =	smul.u32 $0x1130, s9  }
0x5e: {  	[sflag:s29] =	ssyncpa.u1 $0x0;
	s23 =	smov.u32 s3;
	s1 =	sadd.s32 $0x2800, s0  }
.Ltmp8:
0x5f: {  	s5 =	sadd.s32 $0xD000, s0;
	p0 =	sne.s32 s6, s10;
	(pc) =	sbr.rel .LBB3_1-.Ltmp8, $4  }
0x60: {  	s0 =	sadd.s32 $0x3BC00, s0;
	s10 =	sshll.u32 s11, $0x1;
	s2 =	simm.s32 @!p0 $0x0  }
0x61: {  	[dreg:$0x2] =	wrdreg s0;
	s31 =	sor.u32 $0x81, s10;
	s9 =	sadd.s32 s2, s9  }
0x62: {  	vm0 =	vmmov $0xffff;
	v2 =	vlaneseq.u32;
	s15 =	sor.u32 $0x80, s10;
	[dreg:$0x4] =	wrdreg s31;
	s30 =	sadd.s32 $0x1, s9  }
0x63: {  	vm1 =	vmxor vm1, vm1;
	vm2 =	vmmov $0x1;
	vm3 =	vcmask $0x3F3C;
	p0 =	por $0x0, $0x0;
	s12 =	sadd.s32 $0x2, s9;
	[dreg:$0x3] =	wrdreg s30  }
.LBB3_9:
0x64: {  	p1 =	slt.u32 s24, $0x3  }
0x65: {  	s0 =	simm.s32 @!p1 $0x2  }
0x66: {  	_ =	swait.ge @!p1 [sflag:s0], $0x1130  }
0x67: {  	[sflag:s0] =	ssyncset.done @!p1 $0x0  }
0x68: {  	[sflag:s0] =	ssyncadd.s32 @!p1 $0xFFFFEED0;
	s0 =	simm.s32 @!p1 $0x9  }
0x69: {  	_ =	swait.ge @!p1 [sflag:s0], $0x10  }
0x6a: {  	[sflag:s0] =	ssyncset.done @!p1 $0x0  }
0x6b: {  	[sflag:s0] =	ssyncadd.s32 @!p1 $0xFFFFFFF0;
	p1 =	sne.s32 s24, s12  }
.Ltmp9:
0x6c: {  	s2 =	sadd.s32 $0x1130, s23;
	(pc) =	sbr.rel @!p1 .LBB3_10-.Ltmp9, $4  }
0x6d: {  	s6 =	smov.u32 s3;
	s31 =	sadd.s32 $0x1, s24;
	s17 =	sadd.s32 $0x1130, s17  }
0x6e: {  	s18 =	sadd.s32 $0x1, s18;
	s25 =	smov.u32 s23;
	p2 =	slt.s32 s2, s4  }
0x6f: {  	p0 =	por !p0, !p0;
	s19 =	sadd.s32 $0x1130, s19;
	s6 =	smov.u32 @p2 s2  }
0x70: {  	s20 =	sadd.s32 $0x1, s20;
	s23 =	smov.u32 s6;
	s24 =	smov.u32 s31  }
.LBB3_1:
0x71: {  	p1 =	sge.u32 s24, s9  }
0x72: {  	s0 =	smulhi.u32 @!p1 $0xAAAAAAAB, s24;
	_ =	sdelay $0x1  }
0x73: {  	s0 =	sshrl.u32 @!p1 s0, $0x1  }
0x74: {  	s0 =	smul.u32 @!p1 $0x3, s0;
	_ =	sdelay $0x1  }
0x75: {  	s0 =	ssub.s32 @!p1 s24, s0  }
0x76: {  	s0 =	smul.u32 @!p1 $0x44C0, s0;
	_ =	sdelay $0x1  }
0x77: {  	s2 =	sshrl.u32 @!p1 s23, $0x3;
	s0 =	sshrl.u32 @!p1 s0, $0x2  }
0x78: {  	s6 =	sand.u32 @!p1 $0x7, s23;
	s2 =	sadd.s32 @!p1 s5, s2;
	s0 =	sadd.s32 @!p1 $0x100, s0  }
0x79: {  	[tilespmem:s0], [sflag:$0x7] =	stream.linear.gather @!p1 [hbm4b:s2+s6], $0x1130, $0x38;
	[tilespmem:$0x9BD0] =	vst v63  }
0x7a: {  	s0 =	sadd.s32 $0xFFFFFFFF, s24  }
0x7b: {  	p1 =	sge.u32 s0, s9  }
.Ltmp10:
0x7c: {  	_ = 	snop;
	(pc) =	sbr.rel @p1 .LBB3_5-.Ltmp10, $1  }
0x7d: {  	_ =	sdelay $0x3  }
0x7e: {  	s2 =	smulhi.u32 $0xAAAAAAAB, s0;
	_ =	sdelay $0x1  }
0x7f: {  	s2 =	sshrl.u32 s2, $0x1  }
0x80: {  	s2 =	smul.u32 $0x3, s2;
	_ =	sdelay $0x1  }
0x81: {  	s2 =	ssub.s32 s0, s2  }
0x82: {  	s2 =	smul.u32 $0x44C0, s2  }
0x83: {  	_ =	swait.ge [sflag:s7], $0x1130  }
0x84: {  	[sflag:s7] =	ssyncset.done $0x0;
	s2 =	sshrl.u32 s2, $0x2  }
0x85: {  	[sflag:s7] =	ssyncadd.s32 $0xFFFFEED0;
	(ifvalue) =	ssetifvalue $0xFFFFFFFF;
	v3 =	vld.msk [tilespmem:s2+$0x100 ss:$0x1], $0xffff;
	_ =	sdelay $0x2  }
0x86: {  	s30 =	smulhi.u32 $0xAAAAAAAB, s18;
	p1 =	sne.s32 s24, $0x1  }
0x87: {  	v4 =	vimm.s32 @!p1 $0x0  }
0x88: {  	s2 =	sshrl.u32 s30, $0x1;
	v4 =	vperm.xlane @!p1 v3, v4  }
0x89: {  	s6 =	sshll.u32 s24, $0x4;
	s2 =	smul.u32 $0xFFFF31C0, s2;
	vm4 =	vlt.u32 v3, $0x2800  }
0x8a: {  	s6 =	sand.u32 $0x10, s6;
	v3 =	vnsel vm4, $0xFFFFFFFE, v3;
	vm4 =	vlt.u32 @!p1 v4, $0x2800  }
0x8b: {  	s2 =	sshra.s32 s2, $0x2;
	[tilespmem:s6+$0x60] =	vst v3;
	v3 =	vnsel @!p1 vm4, $0xFFFFFFFE, v4  }
0x8c: {  	s26 =	sadd.s32 s2, s17;
	[tilespmem:$0x80] =	vst @!p1 v3  }
0x8d: {  	v3 =	vld.msk [tilespmem:s26+$0x0 ss:$0x1], $0xffff;
	_ =	sdelay $0x4  }
0x8e: {  	(xrf1) =	vunique.msk.u32 $0xffff, v3;
	_ =	sdelay $0xd  }
0x8f: {  	v4 =	vimm.s32 $0xFFFFFFFF;
	v5, _, _ =	vpop (xrf1)  }
0x90: {  	vm5 =	vne.s32 v3, v4;
	vm4 =	veq.s32 v5, v2  }
0x91: {  	vm6 =	vlt.u32 v3, $0x2800;
	vm4 =	vmand vm5, vm4  }
0x92: {  	vm4 =	vmand vm6, vm4  }
0x93: {  	v4 =	vnsel vm4, $0xFFFFFFFF, v3  }
0x94: {  	s31 =	sand.u32 $0x1, s0  }
0x95: {  	s0 =	simm.s32 $0x1130;
	p1 =	seq.s32 s31, $0x1  }
0x96: {  	s0 =	simm.s32 @!p1 $0x0  }
0x97: {  	s2 =	sadd.s32 $0x45B0, s0;
	(ifvalue) =	ssetifvalue $0xFFFFFFFF  }
0x98: {  	v3 =	vperm.xlane v3, v1;
	[tilespmem:s2], [sflag:$0x8] =	stream.indirect_vreg.gather [hbm4b:s1+s16], $0x1, v4, vm0, $0x4038;
	v4 =	vnsel vm6, $0xFFFFFFFE, v4;
	[tilespmem:$0x9BD0] =	vst v63  }
0x99: {  	s22 =	sadd.s32 $0xFFFFFFF0, s26;
	s6 =	simm.s32 $0x0;
	[tilespmem:s26+$0x0] =	vst v4  }
.LBB3_3:
0x9a: {  	v4 =	vld.msk [tilespmem:s22+$0x0 ss:$0x1], $0xffff;
	s6 =	sadd.s32 $0x10, s6;
	v5 =	vmov v3;
	s26 =	smov.u32 s22  }
0x9b: {  	p1 =	slt.u32 s6, $0x1120;
	_ =	sdelay $0x4  }
0x9c: {  	v3 =	vperm.xlane v4, v1;
	(xrf1) =	vunique.msk.u32 $0xffff, v4;
	_ =	sdelay $0xd  }
0x9d: {  	v6, _, _ =	vpop (xrf1)  }
0x9e: {  	vm5 =	vne.s32 v4, v5;
	vm4 =	veq.s32 v6, v2  }
0x9f: {  	vm6 =	vlt.u32 v4, $0x2800;
	vm4 =	vmand vm5, vm4  }
0xa0: {  	vm4 =	vmand vm6, vm4  }
0xa1: {  	v4 =	vnsel vm4, $0xFFFFFFFF, v4  }
.Ltmp11:
0xa2: {  	v5 =	vnsel vm6, $0xFFFFFFFE, v4;
	(pc) =	sbr.rel @p1 .LBB3_3-.Ltmp11, $3  }
0xa3: {  	_ =	sdelay $0x1  }
0xa4: {  	s22 =	sadd.s32 $0xFFFFFFF0, s22;
	s2 =	sadd.s32 $0xFFFFFFF0, s2;
	(ifvalue) =	ssetifvalue $0xFFFFFFFF  }
0xa5: {  	[tilespmem:s2], [sflag:$0x8] =	stream.indirect_vreg.gather [hbm4b:s1+s16], $0x1, v4, vm0, $0x4038;
	[tilespmem:s26+$0x0] =	vst v5  }
0xa6: {  	s2 =	sshrl.u32 s25, $0x3;
	s6 =	rddreg [dreg:$0x2]  }
0xa7: {  	s0 =	sadd.s32 $0x56F0, s0;
	s2 =	sadd.s32 s6, s2  }
0xa8: {  	[tilespmem:s0], [sflag:$0x8] =	stream.linear.gather [hbm:s2], $0x1130, $0x38;
	[tilespmem:$0x9BD0] =	vst v63  }
.LBB3_5:
0xa9: {  	p1 =	slt.u32 s24, $0x2  }
0xaa: {  	p2 =	sge.u32 @!p1 s24, s12  }
0xab: {  	p1 =	por p1, p2  }
.Ltmp12:
0xac: {  	_ = 	snop;
	(pc) =	sbr.rel @p1 .LBB3_9-.Ltmp12, $1  }
0xad: {  	_ =	sdelay $0x3  }
0xae: {  	s0 =	sadd.s32 $0xFFFFFFFE, s24  }
0xaf: {  	s2 =	smulhi.u32 $0xAAAAAAAB, s0;
	_ =	sdelay $0x1  }
0xb0: {  	s2 =	sshrl.u32 s2, $0x1  }
0xb1: {  	s2 =	smul.u32 $0x3, s2;
	_ =	sdelay $0x1  }
0xb2: {  	_ =	swait.ge [sflag:s8], $0x2260;
	s0 =	ssub.s32 s0, s2  }
0xb3: {  	s6 =	rddreg [dreg:$0x3];
	s0 =	smul.u32 $0x1130, s0  }
0xb4: {  	[sflag:s8] =	ssyncset.done $0x0;
	p1 =	sne.s32 s24, s6  }
0xb5: {  	[sflag:s8] =	ssyncadd.s32 $0xFFFFDDA0;
	s6 =	rddreg [dreg:$0x4];
	s2 =	sadd.s32 @!p1 $0x122F, s0  }
0xb6: {  	[spmem:s6] =	stream.linear.scatter @!p1 [tilespmem:s2], [sflag:$0x1], $0x1, $0x38;
	[tilespmem:$0x9BD0] =	vst v63  }
0xb7: {  	s2 =	simm.s32 @!p1 $0x1  }
0xb8: {  	_ =	swait.ge @!p1 [sflag:s2], $0x1  }
0xb9: {  	s11 =	sshll.u32 s24, $0x4;
	[sflag:s2] =	ssyncset.done @!p1 $0x0  }
0xba: {  	s25 =	sand.u32 $0x10, s11;
	[sflag:s2] =	ssyncadd.s32 @!p1 $0xFFFFFFFF  }
0xbb: {  	s2 =	sxor.u32 $0x10, s25;
	v4 =	vld [tilespmem:s25+$0x10]  }
0xbc: {  	v5 =	vld [tilespmem:s2+$0x60]  }
0xbd: {  	v3 =	vld [tilespmem:$0x80];
	_ =	sdelay $0x2  }
0xbe: {  	(v2sf) =	vpush v4, $0x0  }
0xbf: {  	(v2sf) =	vpush v5, $0x0  }
0xc0: {  	(v2sf) =	vpush v3, $0x0;
	_ =	sdelay $0xc  }
0xc1: {  	s13 =	spop (v2sf)  }
0xc2: {  	s22 =	spop (v2sf)  }
0xc3: {  	s26 =	spop (v2sf)  }
0xc4: {  	p2 =	seq.s32 s13, s22;
	p3 =	seq.s32 s26, s13  }
0xc5: {  	p3 =	por p2, p3  }
0xc6: {  	s22 =	sand.u32 $0x1, s24;
	v4 =	vpsel p3, $0xFFFFFFFF, v4  }
0xc7: {  	s28 =	smul.u32 $0x1130, s22;
	[tilespmem:s25+$0x10] =	vst.msk $0x1, v4  }
0xc8: {  	v4 =	vld [tilespmem:$0x30]  }
0xc9: {  	v5 =	vld [tilespmem:s28+$0x56F0]  }
0xca: {  	v6 =	vld [tilespmem:s25+$0x40];
	_ =	sdelay $0x3  }
0xcb: {  	vm4 =	vmmov vm1;
	vm6 =	vmmov vm2;
	vm5 =	vlt.s32 v4, v5  }
0xcc: {  	vm4 =	vmmov @p2 vm2;
	v5 =	vsel vm5, v4, v5;
	vm5 =	vlt.s32 v4, v6  }
0xcd: {  	s6 =	sshll.u32 s22, $0x4;
	vm6 =	vmmov @p3 vm1;
	v4 =	vsel vm5, v4, v6;
	[tilespmem:s28+$0x56F0] =	vst.msk vm4, v5  }
0xce: {  	[tilespmem:s6+$0x9BB0] =	vst.msk vm6, v4  }
0xcf: {  	v4 =	vld [tilespmem:s28+$0x45B0];
	_ =	sdelay $0x4  }
0xd0: {  	v4 =	vshift.insert v4, v1, s21  }
0xd1: {  	s11 =	sor.u32 $0x40, s2  }
0xd2: {  	v5 =	vimm.s32 $0x7FFFFFFF;
	[tilespmem:s11+$0x0] =	vst.msk $0x1, v4  }
0xd3: {  	[tilespmem:s28+$0x45BF] =	vst.msk $0x1, v5  }
0xd4: {  	v4 =	vld [tilespmem:s0+$0x1220];
	_ =	sdelay $0x1  }
0xd5: {  	s0 =	simm.s32 $0x1  }
0xd6: {  	s13 =	smulhi.u32 $0xAAAAAAAB, s20;
	s0 =	simm.s32 @!p0 $0x0  }
0xd7: {  	s0 =	smul.u32 $0x44C0, s0  }
0xd8: {  	s22 =	sshrl.u32 s13, $0x1;
	v4 =	vshift.insert v4, v1, s21  }
0xd9: {  	s22 =	smul.u32 $0xFFFF31C0, s22;
	s0 =	sshrl.u32 s0, $0x2  }
0xda: {  	s11 =	sadd.s32 $0x56F0, s0;
	[tilespmem:s2+$0x10] =	vst.msk $0x1, v4  }
0xdb: {  	s22 =	sshra.s32 s22, $0x2;
	v6 =	vld [tilespmem:s11+$0x0]  }
0xdc: {  	s2 =	sadd.s32 s22, s19  }
0xdd: {  	v7 =	vld [tilespmem:s2+$0x0];
	_ =	sdelay $0x2  }
0xde: {  	vm4 =	vlt.s32 v6, v5  }
0xdf: {  	v5 =	vsel vm4, v6, v5  }
0xe0: {  	vm4 =	vne.s32 v7, $0xFFFFFFFF;
	v5 =	vxor.u32 $0x80000000, v5  }
0xe1: {  	(xrf0) =	vmin.seg.scan.u32 vm4, v5  }
0xe2: {  	s13 =	sadd.s32 $0x3490, s0  }
0xe3: {  	v8 =	vld [tilespmem:s13+$0x0]  }
0xe4: {  	v6 =	vld [tilespmem:$0xA0];
	_ =	sdelay $0x2  }
0xe5: {  	v5 =	vperm.xlane v4, v1;
	v9, _, _ =	vpop (xrf0)  }
0xe6: {  	vm6 =	veq.s32 v7, v3;
	v9 =	vxor.u32 $0x80000000, v9  }
0xe7: {  	vm8 =	veq.s32 v7, v5;
	vm5 =	veq.s32 v6, $0x1;
	vm7 =	vlt.s32 v9, v8  }
0xe8: {  	vm8 =	vmor vm8, vm6;
	v6 =	vsel vm7, v9, v8;
	vm7 =	vgt.u32 v7, $0xFFFFFFFD  }
0xe9: {  	v10 =	vld [tilespmem:$0x90];
	vm9 =	vmand vm4, vm3;
	vm4 =	vmor vm5, vm6;
	vm5 =	vmor vm8, vm7  }
0xea: {  	v8 =	vsel vm5, $0xFFFFFFFF, v7;
	_ =	sdelay $0x1  }
0xeb: {  	s31 =	simm.s32 $0x0;
	s29 =	sadd.s32 $0x9BB0, s6  }
0xec: {  	s30 =	sadd.s32 $0x7950, s0;
	s0 =	sadd.s32 $0x10, s11;
	s6 =	sadd.s32 $0x10, s13;
	v11 =	vsel vm9, $0x7FFFFFFF, v9;
	v6 =	vsel vm6, v9, v6  }
0xed: {  	s22 =	sadd.s32 $0x10, s30;
	s2 =	sadd.s32 $0x10, s2;
	[tilespmem:s30+$0x0] =	vst v6;
	v6 =	vsel vm6, v9, v10;
	v7 =	vshift.insert v11, v0, s21;
	(ifvalue) =	ssetifvalue $0xFFFFFFFF  }
.LBB3_7:
0xee: {  	[hbm4b:s1+s16] =	stream.indirect_vreg.scatter [tilespmem:s30], [sflag:$0x2], $0x1, v8, vm0, $0x4038;
	[tilespmem:$0x9BD0] =	vst v63  }
0xef: {  	s31 =	sadd.s32 $0x10, s31;
	s30 =	smov.u32 s22;
	v8 =	vld [tilespmem:s0+$0x0]  }
0xf0: {  	p2 =	slt.u32 s31, $0x1120  }
0xf1: {  	v9 =	vld [tilespmem:s2+$0x0];
	_ =	sdelay $0x2  }
0xf2: {  	vm5 =	vlt.s32 v8, v7  }
0xf3: {  	v7 =	vsel vm5, v8, v7  }
0xf4: {  	vm5 =	vne.s32 v9, $0xFFFFFFFF;
	v7 =	vxor.u32 $0x80000000, v7  }
0xf5: {  	(xrf0) =	vmin.seg.scan.u32 vm5, v7;
	_ =	sdelay $0x2  }
0xf6: {  	v7 =	vld [tilespmem:s6+$0x0];
	_ =	sdelay $0x1  }
0xf7: {  	vm6 =	veq.s32 v9, v3;
	vm7 =	veq.s32 v9, v5  }
0xf8: {  	vm8 =	vgt.u32 v9, $0xFFFFFFFD;
	vm4 =	vmor vm4, vm6;
	vm7 =	vmor vm7, vm6;
	v8, _, _ =	vpop (xrf0)  }
0xf9: {  	vm5 =	vmand vm5, vm3;
	vm7 =	vmor vm7, vm8;
	v10 =	vxor.u32 $0x80000000, v8  }
.Ltmp13:
0xfa: {  	v8 =	vsel vm7, $0xFFFFFFFF, v9;
	vm7 =	vlt.s32 v10, v7;
	v9 =	vsel vm5, $0x7FFFFFFF, v10;
	(pc) =	sbr.rel @p2 .LBB3_7-.Ltmp13, $4  }
0xfb: {  	v6 =	vsel vm6, v10, v6;
	v11 =	vsel vm7, v10, v7;
	v7 =	vshift.insert v9, v0, s21  }
0xfc: {  	v9 =	vsel vm6, v10, v11  }
0xfd: {  	s0 =	sadd.s32 $0x10, s0;
	s2 =	sadd.s32 $0x10, s2;
	[tilespmem:s22+$0x0] =	vst v9  }
0xfe: {  	s6 =	sadd.s32 $0x10, s6;
	s22 =	sadd.s32 $0x10, s22;
	(ifvalue) =	ssetifvalue $0xFFFFFFFF  }
0xff: {  	_ =	sdelay $0x3  }
0x100: {  	[hbm4b:s1+s16] =	stream.indirect_vreg.scatter [tilespmem:s30], [sflag:$0x2], $0x1, v8, vm0, $0x4038;
	[tilespmem:$0x9BD0] =	vst v63  }
0x101: {  	v3 =	vld [tilespmem:s28+$0x8A70];
	_ =	sdelay $0x4  }
0x102: {  	v3 =	vshift.insert v3, v1, s21  }
0x103: {  	s0 =	simm.s32 $0x30  }
0x104: {  	[tilespmem:s0+$0x0] =	vst.msk $0x1, v3  }
0x105: {  	v3 =	vsel vm4, $0x1, v1;
	[tilespmem:$0x90] =	vst v6  }
0x106: {  	s0 =	sadd.s32 @!p1 $0x8A7F, s28;
	[tilespmem:$0xA0] =	vst v3  }
0x107: {  	[spmem:s14] =	stream.linear.scatter @!p1 [tilespmem:s0], [sflag:$0x1], $0x1, $0x38;
	[tilespmem:$0x9BD0] =	vst v63  }
0x108: {  	s0 =	simm.s32 @!p1 $0x1  }
0x109: {  	v3 =	vmctz.xlane @!p1 vm4;
	_ =	swait.ge @!p1 [sflag:s0], $0x1  }
0x10a: {  	(v2sf) =	vpush @!p1 v4, $0x0  }
0x10b: {  	(v2sf) =	vpush @!p1 v3, $0x0;
	_ =	sdelay $0xd  }
0x10c: {  	s2 =	spop @!p1 (v2sf)  }
0x10d: {  	s6 =	spop @!p1 (v2sf)  }
0x10e: {  	p2 =	sne.s32 @!p1 s26, s2;
	p3 =	slt.s32 @!p1 s6, $0xF  }
0x10f: {  	[sflag:s0] =	ssyncset.done @!p1 $0x0;
	p2 =	por p2, p1;
	p3 =	por !p3, p1  }
0x110: {  	[sflag:s0] =	ssyncadd.s32 @!p1 $0xFFFFFFFF;
	v3 =	vimm.s32 @!p2 $0xFFFFFFFF;
	s6 =	simm.s32 @p3 $0xF  }
0x111: {  	[tilespmem:$0x80] =	vst @!p2 v3;
	s2 =	sadd.s32 @!p1 $0x90, s6  }
0x112: {  	[spmem:s10] =	stream.linear.scatter @!p1 [tilespmem:s2], [sflag:$0x1], $0x1, $0x38;
	[tilespmem:$0x9BD0] =	vst v63  }
0x113: {  	_ =	swait.ge @!p1 [sflag:s0], $0x1  }
0x114: {  	[sflag:s0] =	ssyncset.done @!p1 $0x0  }
0x115: {  	s2 =	simm.s32 @!p1 $0x80;
	[sflag:s0] =	ssyncadd.s32 @!p1 $0xFFFFFFFF  }
0x116: {  	[spmem:s15] =	stream.linear.scatter @!p1 [tilespmem:s2], [sflag:$0x1], $0x1, $0x38;
	[tilespmem:$0x9BD0] =	vst v63  }
0x117: {  	_ =	swait.ge @!p1 [sflag:s0], $0x1  }
0x118: {  	[sflag:s0] =	ssyncset.done @!p1 $0x0  }
0x119: {  	[sflag:s0] =	ssyncadd.s32 @!p1 $0xFFFFFFFF;
	(ifvalue) =	ssetifvalue $0xFFFFFFFF;
	v3 =	vld [tilespmem:s25+$0x10];
	_ =	sdelay $0x3  }
.Ltmp14:
0x11a: {  	_ = 	snop;
	(pc) =	sbr.rel .LBB3_9-.Ltmp14, $3  }
0x11b: {  	_ =	sdelay $0x1  }
0x11c: {  	(ifvalue) =	ssetifvalue $0xFFFFFFFF  }
0x11d: {  	[hbm4b:s1+s16] =	stream.indirect_vreg.scatter [tilespmem:s29], [sflag:$0x9], $0x1, v3, vm0, $0x4038;
	[tilespmem:$0x9BD0] =	vst v63  }
.LBB3_10:
0x11e: {  	_ =	sfence.sel $0x180000  }
0x11f: {  	s0 =	simm.s32 $0x7;
	[bflag:$0x0] =	sbarrier.arrive $0xFFFF  }
0x120: {  	s26 =	simm.s32 $0x8;
	[sflag:s0] =	ssyncpa.u1 $0x1  }
0x121: {  	s28 =	simm.s32 $0x9;
	[sflag:s26] =	ssyncpa.u1 $0x1  }
0x122: {  	[sflag:s28] =	ssyncpa.u1 $0x1  }
0x123: {  	_ =	sfence.stream.spmem  }
0x124: {  	s29 =	simm.s32 $0x3;
	[bflag:$0x0] =	sbarrier.arrive $0xFFFF  }
0x125: {  	s30 =	simm.s32 $0x4;
	[sflag:s29] =	ssyncpa.u1 $0x1  }
0x126: {  	s31 =	simm.s32 $0x3C;
	s2 =	stileid.u32;
	[sflag:s30] =	ssyncpa.u1 $0x1  }
0x127: {  	p0 =	sne.s32 s2, $0x0;
	[sflag:s31] =	ssyncpa.u1 $0x1  }
0x128: {  	s0 =	simm.s32 @p0 $0x1;
	_ =	sfence @p0  }
0x129: {  	[sflag:s0] =	ssyncpa.u1 @p0 $0x1;
	s0 =	simm.s32 @p0 $0x2  }
0x12a: {  	[sflag:s0] =	ssyncpa.u1 @p0 $0x1  }
0x12b: {  	_ =	strace @p0 $0x9000005C  }
0x12c: {  	[bflag:$0x2] =	sbarrier.arrive @p0 $0xFFFF  }
0x12d: {  	_ =	shalt @p0  }
.LBB3_11:
0x12e: {  	_ =	sfence.stream.spmem;
	s0 =	simm.s32 $0x5  }
0x12f: {  	s2 =	simm.s32 $0x80;
	s3 =	simm.s32 $0xC0;
	[sflag:s0] =	ssyncpa.u1 $0x0  }
0x130: {  	[tilespmem:s3], [sflag:$0x5] =	stream.linear.gather [spmem:s2], $0x20, $0x38;
	[tilespmem:$0x9BD0] =	vst v63  }
0x131: {  	s30 =	simm.s32 $0xE0;
	s2 =	simm.s32 $0x0  }
0x132: {  	[tilespmem:s30], [sflag:$0x5] =	stream.linear.gather [spmem:s2], $0x20, $0x38;
	[tilespmem:$0x9BD0] =	vst v63  }
.Ltmp15:
0x133: {  	_ = 	snop;
	(pc) =	sbr.rel .LBB3_12-.Ltmp15, $4  }
0x134: {  	_ =	swait.ge [sflag:s0], $0x40  }
0x135: {  	[sflag:s0] =	ssyncset.done $0x0  }
0x136: {  	s31 =	simm.s32 $0x6;
	[sflag:s0] =	ssyncadd.s32 $0xFFFFFFC0  }
0x137: {  	s3 =	simm.s32 $0x0;
	[sflag:s31] =	ssyncpa.u1 $0x0  }
.LBB3_17:
0x138: {  	p0 =	sgt.u32 s4, $0x27FF  }
0x139: {  	s0 =	sshrl.u32 @!p0 s4, $0x3  }
0x13a: {  	s4 =	sand.u32 @!p0 $0x7, s4;
	s5 =	simm.s32 @!p0 $0xB0;
	s0 =	sadd.s32 @!p0 s1, s0  }
0x13b: {  	[tilespmem:s5], [sflag:$0x6] =	stream.linear.gather @!p0 [hbm4b:s0+s4], $0x1, $0x38;
	[tilespmem:$0x9BD0] =	vst v63  }
0x13c: {  	s0 =	simm.s32 @!p0 $0x6  }
0x13d: {  	_ =	swait.ge @!p0 [sflag:s0], $0x1  }
0x13e: {  	[sflag:s0] =	ssyncset.done @!p0 $0x0  }
0x13f: {  	[sflag:s0] =	ssyncadd.s32 @!p0 $0xFFFFFFFF  }
0x140: {  	v1 =	vld.msk @!p0 [tilespmem:$0xB0], $0x1  }
0x141: {  	v2 =	vld.msk @!p0 [tilespmem:s3+$0xE0], $0x1;
	_ =	sdelay $0x4  }
0x142: {  	vm0 =	vlt.s32 @!p0 v2, v1  }
0x143: {  	v1 =	vsel @!p0 vm0, v2, v1  }
0x144: {  	[tilespmem:s3+$0xE0] =	vst.msk @!p0 $0x1, v1  }
0x145: {  	[tilespmem:s2+$0xC0] =	vst.msk $0x1, v0  }
0x146: {  	v0 =	vld.msk [tilespmem:s3+$0xE0], $0x1;
	_ =	sdelay $0x4  }
0x147: {  	[tilespmem:s2+$0xE0] =	vst.msk $0x1, v0;
	s2 =	sadd.s32 $0x1, s2  }
.LBB3_19:
0x148: {  	s3 =	sadd.s32 $0x1, s3  }
0x149: {  	p0 =	sne.s32 s3, $0x20  }
.Ltmp16:
0x14a: {  	_ = 	snop;
	(pc) =	sbr.rel @!p0 .LBB3_20-.Ltmp16, $1  }
0x14b: {  	_ =	sdelay $0x3  }
.LBB3_12:
0x14c: {  	v0 =	vld.msk [tilespmem:s3+$0xC0], $0x1;
	_ =	sdelay $0x4  }
0x14d: {  	(v2sf) =	vpush v0, $0x0;
	_ =	sdelay $0xe  }
0x14e: {  	s4 =	spop (v2sf)  }
0x14f: {  	p0 =	seq.s32 s4, $0xFFFFFFFF  }
.Ltmp17:
0x150: {  	_ = 	snop;
	(pc) =	sbr.rel @p0 .LBB3_19-.Ltmp17, $1  }
0x151: {  	_ =	sdelay $0x3  }
0x152: {  	p0 =	slt.s32 s2, $0x1  }
.Ltmp18:
0x153: {  	_ = 	snop;
	(pc) =	sbr.rel @p0 .LBB3_17-.Ltmp18, $1  }
0x154: {  	_ =	sdelay $0x3  }
0x155: {  	s0 =	simm.s32 $0xC0;
	p0 =	por $0x0, $0x0  }
0x156: {  	v1 =	vld.msk @!p0 [tilespmem:s0+$0x0], $0x1;
	_ =	sdelay $0x4  }
0x157: {  	(v2sf) =	vpush @!p0 v1, $0x0;
	_ =	sdelay $0xd  }
0x158: {  	p2 =	sne.s32 s2, $0x1  }
.Ltmp19:
0x159: {  	s5 =	spop @!p0 (v2sf);
	(pc) =	sbr.rel @!p2 .LBB3_16-.Ltmp19, $4  }
0x15a: {  	p1 =	seq.s32 @!p0 s4, s5  }
0x15b: {  	s5 =	simm.s32 $0x0;
	p1 =	por !p1, p0  }
0x15c: {  	s7 =	simm.s32 $0xFFFFFFFF;
	s5 =	simm.s32 @p1 $0xFFFFFFFF  }
0x15d: {  	s6 =	simm.s32 $0x1;
	s5 =	smov.u32 @p0 s7  }
.LBB3_15:
0x15e: {  	s7 =	smov.u32 s5;
	p0 =	sne.s32 s5, $0xFFFFFFFF  }
0x15f: {  	s0 =	sadd.s32 $0x1, s0;
	s5 =	smov.u32 s6;
	s6 =	sadd.s32 $0x1, s6  }
0x160: {  	p1 =	sne.s32 s2, s6;
	v1 =	vld.msk @!p0 [tilespmem:s0+$0x0], $0x1;
	_ =	sdelay $0x4  }
0x161: {  	(v2sf) =	vpush @!p0 v1, $0x0;
	_ =	sdelay $0xe  }
.Ltmp20:
0x162: {  	s8 =	spop @!p0 (v2sf);
	(pc) =	sbr.rel @p1 .LBB3_15-.Ltmp20, $4  }
0x163: {  	p2 =	seq.s32 @!p0 s4, s8  }
0x164: {  	p2 =	por !p2, p0  }
0x165: {  	s5 =	simm.s32 @p2 $0xFFFFFFFF  }
0x166: {  	s5 =	smov.u32 @p0 s7  }
.LBB3_16:
0x167: {  	p0 =	sne.s32 s5, $0xFFFFFFFF  }
.Ltmp21:
0x168: {  	_ = 	snop;
	(pc) =	sbr.rel @!p0 .LBB3_17-.Ltmp21, $1  }
0x169: {  	_ =	sdelay $0x3  }
0x16a: {  	v0 =	vld.msk [tilespmem:s3+$0xE0], $0x1  }
0x16b: {  	v1 =	vld.msk [tilespmem:s5+$0xE0], $0x1;
	_ =	sdelay $0x2  }
.Ltmp22:
0x16c: {  	_ = 	snop;
	(pc) =	sbr.rel .LBB3_19-.Ltmp22, $4  }
0x16d: {  	_ = 	snop  }
0x16e: {  	vm0 =	vlt.s32 v1, v0  }
0x16f: {  	v0 =	vsel vm0, v1, v0  }
0x170: {  	[tilespmem:s5+$0xE0] =	vst.msk $0x1, v0  }
.LBB3_20:
0x171: {  	p0 =	slt.s32 s2, $0x1  }
.Ltmp23:
0x172: {  	_ = 	snop;
	(pc) =	sbr.rel @p0 .LBB3_24-.Ltmp23, $3  }
0x173: {  	_ =	sdelay $0x1  }
0x174: {  	s0 =	simm.s32 $0x6  }
0x175: {  	s3 =	simm.s32 $0x0;
	[sflag:s0] =	ssyncpa.u1 $0x1  }
0x176: {  	s0 =	simm.s32 $0xC0  }
0x177: {  	v0 =	vld.msk [tilespmem:s0+$0x0], $0x1;
	_ =	sdelay $0x4  }
0x178: {  	(v2sf) =	vpush v0, $0x0;
	_ =	sdelay $0xe  }
0x179: {  	s2 =	sadd.s32 $0xFFFFFFFF, s2;
	s4 =	spop (v2sf)  }
0x17a: {  	p1 =	sne.s32 s2, $0x0;
	p0 =	sgt.u32 s4, $0x27FF  }
.Ltmp24:
0x17b: {  	s5 =	sshrl.u32 @!p0 s4, $0x3;
	(pc) =	sbr.rel @!p1 .LBB3_23-.Ltmp24, $4  }
0x17c: {  	s0 =	simm.s32 $0xE0;
	s4 =	sand.u32 @!p0 $0x7, s4;
	s5 =	sadd.s32 @!p0 s1, s5  }
0x17d: {  	[hbm4b:s5+s4] =	stream.linear.scatter @!p0 [tilespmem:s0], [sflag:$0x5], $0x1, $0x38;
	[tilespmem:$0x9BD0] =	vst v63  }
0x17e: {  	s5 =	simm.s32 $0x0  }
0x17f: {  	s4 =	simm.s32 $0xC1;
	s5 =	simm.s32 @!p0 $0x4  }
.LBB3_22:
0x180: {  	v0 =	vld.msk [tilespmem:s4+$0x0], $0x1;
	s2 =	sadd.s32 $0xFFFFFFFF, s2;
	s3 =	sadd.s32 s3, s5  }
0x181: {  	p0 =	sne.s32 s2, $0x0;
	_ =	sdelay $0x3  }
0x182: {  	(v2sf) =	vpush v0, $0x0;
	_ =	sdelay $0xe  }
.Ltmp25:
0x183: {  	s6 =	spop (v2sf);
	(pc) =	sbr.rel @p0 .LBB3_22-.Ltmp25, $4  }
0x184: {  	s5 =	simm.s32 $0x0;
	p1 =	sgt.u32 s6, $0x27FF  }
0x185: {  	s0 =	sadd.s32 $0x1, s0;
	s5 =	simm.s32 @!p1 $0x4;
	s7 =	sshrl.u32 @!p1 s6, $0x3  }
0x186: {  	s4 =	sadd.s32 $0x1, s4;
	s6 =	sand.u32 @!p1 $0x7, s6;
	s7 =	sadd.s32 @!p1 s1, s7  }
0x187: {  	[hbm4b:s7+s6] =	stream.linear.scatter @!p1 [tilespmem:s0], [sflag:$0x5], $0x1, $0x38;
	[tilespmem:$0x9BD0] =	vst v63  }
.LBB3_23:
0x188: {  	s0 =	sadd.s32 s3, s5  }
0x189: {  	s3 =	sshrl.u32 s0, $0x2  }
.LBB3_24:
0x18a: {  	s0 =	simm.s32 $0x5  }
0x18b: {  	_ =	swait.ge [sflag:s0], s3  }
0x18c: {  	s1 =	ssub.s32 $0x0, s3;
	[sflag:s0] =	ssyncset.done $0x0  }
0x18d: {  	[sflag:s0] =	ssyncadd.s32 s1  }
0x18e: {  	[sflag:s0] =	ssyncpa.u1 $0x1  }
0x18f: {  	s29 =	simm.s32 $0x1;
	_ =	sfence  }
0x190: {  	s30 =	simm.s32 $0x2;
	[sflag:s29] =	ssyncpa.u1 $0x1  }
0x191: {  	[sflag:s30] =	ssyncpa.u1 $0x1  }
0x192: {  	_ =	strace $0x9000005C  }
0x193: {  	[bflag:$0x2] =	sbarrier.arrive $0xFFFF  }
0x194: {  	s31 =	rddreg [dreg:$0x1]  }
0x195: {  	s0 =	sadd.s32 $0x100000, s31  }
0x196: {  	[sflag:s0] =	ssyncadd.tile.s32 $0x1;
	_ =	shalt  }
.Lfunc_end3:
_tile_overlayer_lowered:
.L_overlay_start_3:
0x197: {  	(tag) =	ssettag $0x3  }
0x198: {  	s0 =	rddreg [dreg:$0x0];
	s2 =	stileid.u32  }
0x199: {  	s1 =	rddreg [dreg:$0x1];
	p0 =	sne.s32 s2, $0x0  }
0x19a: {  	s3 =	rddreg [dreg:$0x2];
	[bflag:$0x3] =	sbarrier.arrive $0xFFFF;
	s2 =	simm.s32 @!p0 $0x1C01  }
0x19b: {  	[timem:s3], [sflag:s2] =	dma.local @!p0 [hbm:s0], s1  }
0x19c: {  	s0 =	simm.s32 @!p0 $0x1  }
0x19d: {  	_ =	swait.ge @!p0 [sflag:s0], s1  }
0x19e: {  	s1 =	ssub.s32 @!p0 $0x0, s1;
	[sflag:s0] =	ssyncset.done @!p0 $0x0  }
0x19f: {  	[sflag:s0] =	ssyncadd.s32 @!p0 s1  }
0x1a0: {  	[bflag:$0x3] =	sbarrier.arrive $0xFFFF  }
0x1a1: {  	_ =	shalt  }

// kernel: scatter_offload_async_start.6
scs
__scs_entry_jumppad:
0x0: {  	(pc) =	sbr.rel $0x88, $3  }
0x1: {  	(tag) =	ssettag $0x0;
	lr =	simm.s32 $0x1  }
0x2: {  	[smem:$0x3F9C] =	sst lr;
	_ =	strace $0xD0000000  }
0x3: {  	_ = 	snop  }
0x4: {  	_ = 	snop  }
0x5: {  	_ = 	snop  }
0x6: {  	_ = 	snop  }
0x7: {  	_ = 	snop  }
__scs_overlays_trampoline_lowered:
0x8: {  	[smem:$0x3FAB] =	sst s0  }
0x9: {  	[smem:$0x3FAC] =	sst s1  }
0xa: {  	[smem:$0x3FAD] =	sst s2  }
0xb: {  	[smem:$0x3FAE] =	sst s3  }
0xc: {  	[smem:$0x3FAF] =	sst s4  }
0xd: {  	[smem:$0x3FB0] =	sst s5  }
0xe: {  	[smem:$0x3FB1] =	sst s6  }
0xf: {  	[smem:$0x3FB2] =	sst s7  }
0x10: {  	[smem:$0x3FB3] =	sst s8  }
0x11: {  	[smem:$0x3FB4] =	sst s9;
	s0 =	simm.s32 @!p0 $0x0  }
0x12: {  	s1 =	sld [smem:$0x3F9A];
	s0 =	simm.s32 @p0 $0x1  }
0x13: {  	[smem:$0x3FB5] =	sst s0;
	s0 =	simm.s32 @!p1 $0x0  }
0x14: {  	s2 =	sld [smem:$0x3F99];
	s0 =	simm.s32 @p1 $0x1  }
0x15: {  	[smem:$0x3FB6] =	sst s0;
	s0 =	simm.s32 @!p2 $0x0  }
0x16: {  	s3 =	sld [smem:$0x3FDB];
	s0 =	simm.s32 @p2 $0x1  }
0x17: {  	s4 =	simm.s32 $0x1BF5;
	[smem:$0x3FB8] =	sst s0  }
0x18: {  	s0 =	sld [smem:$0x3F9B];
	_ =	swait.ge [sflag:s4], $0x0  }
0x19: {  	s7 =	sld [smem:$0x3F9C]  }
0x1a: {  	s8 =	sadd.s32 $0xFFFFE003, lr  }
0x1b: {  	s9 =	sadd.s32 $0xFFFFFEF7, lr;
	s5 =	simm.s32 $0xFFFFFFFF;
	p2 =	slt.u32 s8, $0xFFFFF086  }
0x1c: {  	p1 =	slt.u32 s9, $0xF7A;
	s5 =	simm.s32 @!p2 $0x0  }
0x1d: {  	s5 =	simm.s32 @p1 $0x1;
	p0 =	seq.s32 s7, s2  }
0x1e: {  	s7 =	smul.u32 @!p0 $0xF7A, s2;
	p2 =	seq.s32 @!p0 s5, $0x0  }
0x1f: {  	s9 =	smul.u32 $0xF7A, s1;
	s8 =	simm.s32 @!p0 $0x1BF5;
	p2 =	por !p2, p0  }
0x20: {  	[sflag:s8] =	ssyncset.s32 @!p0 $0xFFFFF086;
	s6 =	sadd.s32 @!p0 s3, s7;
	s7 =	simm.s32 @!p0 $0x108  }
0x21: {  	s3 =	sadd.s32 s3, s9;
	s6 =	sadd.s32 @!p0 $0x88, s6;
	s7 =	simm.s32 @p2 $0x1082  }
0x22: {  	[simem:s7], [sflag:s8] =	dma.local @!p0 [hbm:s6], $0xF7A  }
0x23: {  	s9 =	sor.u32 $0xD0000000, s2;
	s6 =	simm.s32 $0x108;
	_ =	swait.ge @!p0 [sflag:s8], $0x0  }
0x24: {  	s3 =	sadd.s32 $0x88, s3;
	s6 =	simm.s32 @!p1 $0x1082;
	[sflag:s4] =	ssyncset.s32 $0xFFFFF086  }
0x25: {  	[simem:s6], [sflag:s4] =	dma.local [hbm:s3], $0xF7A  }
0x26: {  	[smem:$0x3F9C] =	sst s1;
	(tag) =	ssettag s2;
	_ =	strace s9  }
0x27: {  	s1 =	sld [smem:$0x3FAC]  }
0x28: {  	s2 =	sld [smem:$0x3FAD]  }
0x29: {  	s4 =	sld [smem:$0x3FAF]  }
0x2a: {  	p0 =	seq.s32 s5, $0x0;
	s5 =	sld [smem:$0x3FB0]  }
0x2b: {  	s6 =	sld [smem:$0x3FB1]  }
0x2c: {  	s7 =	sld [smem:$0x3FB2]  }
0x2d: {  	s3 =	simm.s32 $0x108;
	s8 =	sld [smem:$0x3FB3]  }
0x2e: {  	s3 =	simm.s32 @!p0 $0x1082;
	s9 =	sld [smem:$0x3FB4]  }
0x2f: {  	lr =	sadd.s32 s0, s3;
	s0 =	sld [smem:$0x3FAB]  }
0x30: {  	s3 =	sld [smem:$0x3FAE]  }
0x31: {  	[smem:$0x3FB7] =	sst s10  }
0x32: {  	s10 =	sld [smem:$0x3FB5];
	_ =	sdelay $0x3  }
0x33: {  	p0 =	seq.s32 s10, $0x1;
	s10 =	sld [smem:$0x3FB7];
	_ =	sdelay $0x3  }
0x34: {  	[smem:$0x3FB7] =	sst s10  }
0x35: {  	s10 =	sld [smem:$0x3FB6];
	_ =	sdelay $0x3  }
0x36: {  	p1 =	seq.s32 s10, $0x1;
	s10 =	sld [smem:$0x3FB7];
	_ =	sdelay $0x3  }
0x37: {  	[smem:$0x3FB7] =	sst s10  }
0x38: {  	s10 =	sld [smem:$0x3FB8]  }
0x39: {  	_ = 	snop;
	(pc) =	sbr.ind lr, $3  }
0x3a: {  	_ = 	snop  }
0x3b: {  	_ = 	snop  }
0x3c: {  	p2 =	seq.s32 s10, $0x1;
	s10 =	sld [smem:$0x3FB7]  }
0x3d: {  	_ =	shalt  }
0x3e: {  	_ =	shalt  }
0x3f: {  	_ =	shalt  }
0x40: {  	_ =	shalt  }
0x41: {  	_ =	shalt  }
0x42: {  	_ =	shalt  }
0x43: {  	_ =	shalt  }
0x44: {  	_ =	shalt  }
0x45: {  	_ =	shalt  }
0x46: {  	_ =	shalt  }
0x47: {  	_ =	shalt  }
0x48: {  	_ =	shalt  }
0x49: {  	_ =	shalt  }
0x4a: {  	_ =	shalt  }
0x4b: {  	_ =	shalt  }
0x4c: {  	_ =	shalt  }
0x4d: {  	_ =	shalt  }
0x4e: {  	_ =	shalt  }
0x4f: {  	_ =	shalt  }
0x50: {  	_ =	shalt  }
0x51: {  	_ =	shalt  }
0x52: {  	_ =	shalt  }
0x53: {  	_ =	shalt  }
0x54: {  	_ =	shalt  }
0x55: {  	_ =	shalt  }
0x56: {  	_ =	shalt  }
0x57: {  	_ =	shalt  }
0x58: {  	_ =	shalt  }
0x59: {  	_ =	shalt  }
0x5a: {  	_ =	shalt  }
0x5b: {  	_ =	shalt  }
0x5c: {  	_ =	shalt  }
0x5d: {  	_ =	shalt  }
0x5e: {  	_ =	shalt  }
0x5f: {  	_ =	shalt  }
0x60: {  	_ =	shalt  }
0x61: {  	_ =	shalt  }
0x62: {  	_ =	shalt  }
0x63: {  	_ =	shalt  }
0x64: {  	_ =	shalt  }
0x65: {  	_ =	shalt  }
0x66: {  	_ =	shalt  }
0x67: {  	_ =	shalt  }
0x68: {  	_ =	shalt  }
0x69: {  	_ =	shalt  }
0x6a: {  	_ =	shalt  }
0x6b: {  	_ =	shalt  }
0x6c: {  	_ =	shalt  }
0x6d: {  	_ =	shalt  }
0x6e: {  	_ =	shalt  }
0x6f: {  	_ =	shalt  }
0x70: {  	_ =	shalt  }
0x71: {  	_ =	shalt  }
0x72: {  	_ =	shalt  }
0x73: {  	_ =	shalt  }
0x74: {  	_ =	shalt  }
0x75: {  	_ =	shalt  }
0x76: {  	_ =	shalt  }
0x77: {  	_ =	shalt  }
0x78: {  	_ =	shalt  }
0x79: {  	_ =	shalt  }
0x7a: {  	_ =	shalt  }
0x7b: {  	_ =	shalt  }
0x7c: {  	_ =	shalt  }
0x7d: {  	_ =	shalt  }
0x7e: {  	_ =	shalt  }
0x7f: {  	_ =	shalt  }
0x80: {  	_ =	shalt  }
0x81: {  	_ =	shalt  }
0x82: {  	_ =	shalt  }
0x83: {  	_ =	shalt  }
0x84: {  	_ =	shalt  }
0x85: {  	_ =	shalt  }
0x86: {  	_ =	shalt  }
0x87: {  	_ =	shalt  }
.Lfunc_end0:
.L_simem_size_0:
called_computation.6_lowered:
.L_overlay_start_0:
0x88: {  	s0 =	sld [smem:$0x3FD9]  }
0x89: {  	s1 =	sld [smem:$0x3FFE];
	_ =	sdelay $0x3  }
0x8a: {  	s0 =	sadd.s32 s1, s0  }
0x8b: {  	[smem:$0x3FC3] =	sst s0  }
0x8c: {  	_ = 	snop  }
0x8d: {  	(tm) =	ssettm $0x1  }
0x8e: {  	s14 =	sld [smem:$0x3FFB];
	_ =	sdelay $0x3  }
0x8f: {  	_ =	strace s14  }
0x90: {  	s0 =	sld [smem:$0x3FFC];
	_ =	sdelay $0x3  }
0x91: {  	_ =	strace s0  }
0x92: {  	s0 =	sld [smem:$0x3FFD];
	_ =	sdelay $0x3  }
0x93: {  	_ =	strace s0  }
0x94: {  	_ =	strace $0x8FFFFFFF  }
0x95: {  	s15 =	sld [smem:$0x3FDB];
	_ =	sdelay $0x1  }
0x96: {  	s16 =	simm.s32 $_scs_section_size  }
0x97: {  	s2 =	simm.s32 $_size__tile_overlayer_lowered;
	s3 =	simm.s32 $_tile_overlayer_lowered  }
0x98: {  	s4 =	simm.s32 $0x1BFF;
	s17 =	sshll.u32 s3, $0x1;
	s1 =	sadd.s32 s16, s15  }
0x99: {  	s18 =	simm.s32 $0x0;
	s2 =	sshll.u32 s2, $0x1;
	s3 =	sadd.s32 s17, s1  }
0x9a: {  	[timem:s18], [sflag:s4] =	dma.local [hbm:s3], s2  }
0x9b: {  	_ =	swait.ge [sflag:s4], s2  }
0x9c: {  	s2 =	ssub.s32 $0x0, s2;
	[sflag:s4] =	ssyncset.done $0x0  }
0x9d: {  	[sflag:s4] =	ssyncadd.s32 s2;
	_ =	sdelay $0x1  }
0x9e: {  	s19 =	simm.s32 $0x1B8B  }
0x9f: {  	_ =	swait.ge [sflag:s19], $0x1  }
0xa0: {  	[sflag:s19] =	ssyncset.done $0x0  }
0xa1: {  	s21 =	simm.s32 $0x1B8E;
	s20 =	sld [smem:$0x3FFE];
	[sflag:s19] =	ssyncadd.s32 $0xFFFFFFFF  }
0xa2: {  	s22 =	simm.s32 $execute0_lowered;
	[smem:$0x3FD2] =	sst s21  }
0xa3: {  	s3 =	sshll.u32 s22, $0x1;
	_ =	strace $0x8000005E;
	[dreg:$0x1] =	wrdreg $0xFFFFFFFF  }
0xa4: {  	s23 =	simm.s32 $_size_execute0_lowered;
	s3 =	sadd.s32 s1, s3;
	[dreg:$0x0] =	wrdreg $0x0  }
0xa5: {  	s4 =	sshll.u32 s23, $0x1;
	[dreg:$0x2] =	wrdreg s3  }
0xa6: {  	[dreg:$0x3] =	wrdreg s4  }
0xa7: {  	[dreg:$0x4] =	wrdreg $0xC0  }
0xa8: {  	s24 =	simm.s32 $execute1_lowered;
	_ =	task [dreg:s18], $0x5FFFF  }
0xa9: {  	s3 =	sshll.u32 s24, $0x1;
	[dreg:$0x1] =	wrdreg $0xFFFFFFFF  }
0xaa: {  	s1 =	sadd.s32 s1, s3;
	[dreg:$0x0] =	wrdreg $0x60  }
0xab: {  	[dreg:$0x2] =	wrdreg s1  }
0xac: {  	[dreg:$0x3] =	wrdreg s20  }
0xad: {  	[dreg:$0x4] =	wrdreg $0xB  }
0xae: {  	_ =	task.clear_ibuf [dreg:s18], $0x5FFFF;
	_ =	strace $0x9000005E  }
0xaf: {  	s25 =	simm.s32 $0xB;
	_ =	strace $0x80000060  }
0xb0: {  	_ =	swait.ge [sflag:s25], $0x1  }
0xb1: {  	[sflag:s25] =	ssyncadd.s32 $0xFFFFFFFF  }
0xb2: {  	_ =	strace $0x90000060  }
0xb3: {  	_ =	strace $0x80000061;
	[dreg:$0x1] =	wrdreg $0xFFFFFFFF  }
0xb4: {  	[dreg:$0x0] =	wrdreg $0x2030  }
0xb5: {  	[dreg:$0x2] =	wrdreg s20  }
0xb6: {  	[dreg:$0x3] =	wrdreg $0xC  }
0xb7: {  	_ =	task.clear_ibuf [dreg:s18], $0x4FFFF;
	_ =	strace $0x90000061  }
0xb8: {  	s26 =	simm.s32 $0xC;
	_ =	strace $0x80000063  }
0xb9: {  	_ =	swait.ge [sflag:s26], $0x1  }
0xba: {  	[sflag:s26] =	ssyncadd.s32 $0xFFFFFFFF  }
0xbb: {  	_ =	strace $0x90000063  }
0xbc: {  	_ =	sfence  }
0xbd: {  	s28 =	sld [smem:$0x0];
	_ =	sdelay $0x1  }
0xbe: {  	s29 =	srdreg.scid  }
0xbf: {  	s30 =	sshll.u32 s29, $0xD;
	s31 =	sshrl.u32 s29, $0x2  }
0xc0: {  	s2 =	sand.u32 $0x1, s29;
	s3 =	sand.u32 $0x4000, s30;
	s1 =	sadd.s32 s31, s28  }
0xc1: {  	s2 =	sor.u32 s3, s2;
	s1 =	sshll.u32 s1, $0x11  }
0xc2: {  	s1 =	sor.u32 s1, s2  }
0xc3: {  	s1 =	sadd.s32 $0x8F2B, s1  }
0xc4: {  	[sflag:s1] =	ssyncadd.remote.s32 $0x1  }
0xc5: {  	_ =	sfence.sel $0xFFFF  }
0xc6: {  	[dreg:$0x0] =	wrdreg $0xFFFFFFFF;
	(pc) =	sbr.abs _section_cstart, $3  }
0xc7: {  	[dreg:$0x1] =	wrdreg $0xFFFFFFFF  }
0xc8: {  	_ =	task.clear_ibuf [dreg:s18], $0x2FFFF;
	_ =	strace $0x9FFFFFFF  }
0xc9: {  	(tm) =	ssettm $0x7FFFFFFF  }
tec
execute0_lowered:
.L_overlay_start_1:
0x0: {  	(tag) =	ssettag $0x1  }
0x1: {  	s2 =	rddreg [dreg:$0x0]  }
0x2: {  	s4 =	rddreg [dreg:$0x1]  }
0x3: {  	s0 =	rddreg [dreg:$0x2];
	s3 =	stileid.u32  }
0x4: {  	[bflag:$0x3] =	sbarrier.arrive $0xFFFF;
	s1 =	simm.s32 $_size_execute1_lowered;
	p0 =	sne.s32 s3, $0x0  }
0x5: {  	s1 =	sshll.u32 s1, $0x1;
	s5 =	simm.s32 @!p0 $0x1C3F;
	s6 =	simm.s32 @!p0 $0x4060  }
0x6: {  	[timem:s6], [sflag:s5] =	dma.local @!p0 [hbm:s2], s1  }
0x7: {  	s2 =	smul.u32 $0x280, s3  }
.Ltmp0:
0x8: {  	s31 =	simm.s32 $0x2;
	s7 =	simm.s32 $0x280;
	(pc) =	sbr.rel .LBB2_1-.Ltmp0, $4  }
0x9: {  	s8 =	simm.s32 $0x780;
	s10 =	simm.s32 $0x0;
	s9 =	simm.s32 $0x0  }
0xa: {  	s3 =	simm.s32 $0x1;
	_ =	strace $0x8000005F;
	s30 =	sshrl.u32 s2, $0x3  }
0xb: {  	s6 =	simm.s32 $0x0;
	[sflag:s3] =	ssyncpa.u1 $0x0;
	s5 =	sadd.s32 s30, s4  }
0xc: {  	s4 =	sadd.s32 $0x1C00, s4;
	[sflag:s31] =	ssyncpa.u1 $0x0;
	s5 =	sadd.s32 $0x20A00, s5  }
.LBB2_8:
0xd: {  	p1 =	seq.s32 s9, $0x2  }
.Ltmp1:
0xe: {  	_ = 	snop;
	(pc) =	sbr.rel @p1 .LBB2_10-.Ltmp1, $1  }
0xf: {  	_ =	sdelay $0x3  }
.LBB2_9:
0x10: {  	s9 =	sadd.s32 $0x1, s9;
	s10 =	smov.u32 s2  }
.LBB2_1:
0x11: {  	p1 =	sne.s32 s9, $0x0  }
.Ltmp2:
0x12: {  	_ = 	snop;
	(pc) =	sbr.rel @!p1 .LBB2_2-.Ltmp2, $1  }
0x13: {  	_ =	sdelay $0x3  }
0x14: {  	s11 =	sand.u32 $0x1, s9  }
0x15: {  	p1 =	seq.s32 s11, $0x0  }
.Ltmp3:
0x16: {  	_ = 	snop;
	(pc) =	sbr.rel @p1 .LBB2_8-.Ltmp3, $1  }
0x17: {  	_ =	sdelay $0x3  }
0x18: {  	_ =	swait.ge [sflag:s3], $0x280  }
0x19: {  	[sflag:s3] =	ssyncset.done $0x0  }
0x1a: {  	s11 =	simm.s32 $0x0;
	p1 =	por $0x1, $0x1;
	[sflag:s3] =	ssyncadd.s32 $0xFFFFFD80  }
.LBB2_5:
0x1b: {  	v0 =	vld [tilespmem:s11+$0x280]  }
0x1c: {  	v1 =	vld [tilespmem:s11+$0x290]  }
0x1d: {  	v2 =	vld [tilespmem:s11+$0x2A0]  }
0x1e: {  	v3 =	vld [tilespmem:s11+$0x2B0]  }
0x1f: {  	v4 =	vld [tilespmem:s11+$0x2C0]  }
0x20: {  	v53 =	vld [tilespmem:s11+$0x2D0];
	[tilespmem:s11+$0x780] =	vst v0  }
0x21: {  	v54 =	vld [tilespmem:s11+$0x2E0];
	[tilespmem:s11+$0x790] =	vst v1  }
0x22: {  	v55 =	vld [tilespmem:s11+$0x2F0];
	[tilespmem:s11+$0x7A0] =	vst v2  }
0x23: {  	v56 =	vld [tilespmem:s11+$0x300];
	[tilespmem:s11+$0x7B0] =	vst v3  }
0x24: {  	v57 =	vld [tilespmem:s11+$0x310];
	[tilespmem:s11+$0x7C0] =	vst v4  }
0x25: {  	v58 =	vld [tilespmem:s11+$0x320];
	[tilespmem:s11+$0x7D0] =	vst v53  }
0x26: {  	v59 =	vld [tilespmem:s11+$0x330];
	[tilespmem:s11+$0x7E0] =	vst v54  }
0x27: {  	v60 =	vld [tilespmem:s11+$0x340];
	[tilespmem:s11+$0x7F0] =	vst v55  }
0x28: {  	v61 =	vld [tilespmem:s11+$0x350];
	[tilespmem:s11+$0x800] =	vst v56  }
0x29: {  	v62 =	vld [tilespmem:s11+$0x360];
	[tilespmem:s11+$0x810] =	vst v57  }
0x2a: {  	v63 =	vld [tilespmem:s11+$0x370];
	p2 =	por p1, p1;
	[tilespmem:s11+$0x820] =	vst v58  }
.Ltmp4:
0x2b: {  	[tilespmem:s11+$0x830] =	vst v59;
	(pc) =	sbr.rel @p2 .LBB2_5-.Ltmp4, $4  }
0x2c: {  	[tilespmem:s11+$0x840] =	vst v60  }
0x2d: {  	[tilespmem:s11+$0x850] =	vst v61  }
0x2e: {  	s12 =	simm.s32 $0x1F0;
	s13 =	simm.s32 $0x980;
	[tilespmem:s11+$0x860] =	vst v62  }
0x2f: {  	s14 =	simm.s32 $0x480;
	p1 =	por $0x0, $0x0;
	[tilespmem:s11+$0x870] =	vst v63;
	s11 =	simm.s32 $0x100  }
.LBB2_6:
0x30: {  	s12 =	sadd.s32 $0x10, s12  }
0x31: {  	v0 =	vld [tilespmem:s14+$0x0];
	p1 =	slt.u32 s12, $0x270  }
.Ltmp5:
0x32: {  	_ = 	snop;
	(pc) =	sbr.rel @p1 .LBB2_6-.Ltmp5, $2  }
0x33: {  	_ =	sdelay $0x2  }
0x34: {  	s14 =	sadd.s32 $0x10, s14;
	[tilespmem:s13+$0x0] =	vst v0;
	s13 =	sadd.s32 $0x10, s13  }
.Ltmp6:
0x35: {  	(pc) =	sbr.rel .LBB2_8-.Ltmp6, $4  }
0x36: {  	_ = 	snop  }
0x37: {  	s10 =	sshrl.u32 s10, $0x3  }
0x38: {  	s10 =	sadd.s32 s4, s10  }
0x39: {  	[hbm4b:s10+s6] =	stream.linear.scatter [tilespmem:s8], [sflag:$0x2], $0x280, $0x38;
	[tilespmem:$0xA00] =	vst v63  }
.LBB2_2:
.Ltmp7:
0x3a: {  	(pc) =	sbr.rel .LBB2_9-.Ltmp7, $2  }
0x3b: {  	_ =	sdelay $0x2  }
0x3c: {  	[tilespmem:s7], [sflag:$0x1] =	stream.linear.gather [hbm4b:s5+s6], $0x280, $0x38;
	[tilespmem:$0xA00] =	vst v63  }
.LBB2_10:
0x3d: {  	s2 =	simm.s32 $0x2  }
0x3e: {  	_ =	swait.ge [sflag:s2], $0x280  }
0x3f: {  	[sflag:s2] =	ssyncset.done $0x0  }
0x40: {  	[sflag:s2] =	ssyncadd.s32 $0xFFFFFD80  }
0x41: {  	_ =	sfence.sel $0x180000  }
0x42: {  	s3 =	simm.s32 $0x1;
	[bflag:$0x0] =	sbarrier.arrive $0xFFFF  }
0x43: {  	[sflag:s3] =	ssyncpa.u1 $0x1  }
0x44: {  	[sflag:s2] =	ssyncpa.u1 $0x1  }
0x45: {  	_ =	strace $0x9000005F  }
0x46: {  	s0 =	sadd.s32 @!p0 $0x100000, s0;
	[bflag:$0x2] =	sbarrier.arrive $0xFFFF  }
0x47: {  	[sflag:s0] =	ssyncadd.tile.s32 @!p0 $0x1;
	s0 =	simm.s32 @!p0 $0x3F  }
0x48: {  	_ =	swait.ge @!p0 [sflag:s0], s1  }
0x49: {  	s1 =	ssub.s32 @!p0 $0x0, s1;
	[sflag:s0] =	ssyncset.done @!p0 $0x0  }
0x4a: {  	[sflag:s0] =	ssyncadd.s32 @!p0 s1  }
0x4b: {  	[bflag:$0x3] =	sbarrier.arrive $0xFFFF  }
0x4c: {  	_ =	shalt  }
.Lfunc_end2:
execute1_lowered:
.L_overlay_start_2:
0x4d: {  	(tag) =	ssettag $0x2  }
0x4e: {  	s7 =	rddreg [dreg:$0x0]  }
0x4f: {  	s0 =	rddreg [dreg:$0x1];
	_ =	strace $0x80000062  }
0x50: {  	s3 =	stileid.u32;
	s4 =	simm.s32 $0x3E;
	s1 =	sadd.s32 $0x1C00, s7  }
0x51: {  	p0 =	sne.s32 s3, $0x0;
	[sflag:s4] =	ssyncpa.u1 $0x0;
	s29 =	smul.u32 $0x3, s3  }
0x52: {  	s30 =	smin.u32 s3, $0x2;
	s2 =	simm.s32 @!p0 $0x1C3E;
	s5 =	simm.s32 @!p0 $0x0  }
0x53: {  	[spmem:s5], [sflag:s2] =	dma.local @!p0 [hbm:s1], $0x500  }
0x54: {  	s2 =	sadd.s32 s30, s29  }
0x55: {  	p1 =	slt.u32 s3, $0x2;
	s3 =	simm.s32 $0x44C0;
	s2 =	smul.u32 $0x1130, s2  }
0x56: {  	s3 =	simm.s32 @!p1 $0x3390  }
0x57: {  	s3 =	sadd.s32 s3, s2  }
0x58: {  	s3 =	smin.u32 s3, $0x35B60  }
0x59: {  	s8 =	ssub.s32 s3, s2  }
0x5a: {  	p1 =	sgt.s32 s8, $0x0  }
0x5b: {  	s8 =	simm.s32 @!p1 $0x0  }
0x5c: {  	s5 =	simm.s32 @!p0 $0x3E;
	s31 =	smulhi.u32 $0x77280773, s8  }
0x5d: {  	_ =	swait.ge @!p0 [sflag:s5], $0x500  }
0x5e: {  	s6 =	simm.s32 $0x2;
	[sflag:s5] =	ssyncset.done @!p0 $0x0;
	s9 =	sshrl.u32 s31, $0xB  }
0x5f: {  	s11 =	simm.s32 $0x0;
	[sflag:s5] =	ssyncadd.s32 @!p0 $0xFFFFFB00;
	s10 =	smul.u32 $0x1130, s9  }
.Ltmp8:
0x60: {  	s5 =	sadd.s32 $0x27800, s7;
	[bflag:$0x0] =	sbarrier.arrive $0xFFFF;
	(pc) =	sbr.rel .LBB3_1-.Ltmp8, $4  }
0x61: {  	s7 =	sadd.s32 $0x35000, s7;
	[sflag:s4] =	ssyncpa.u1 $0x1;
	s4 =	simm.s32 $0x1  }
0x62: {  	[sflag:s4] =	ssyncpa.u1 $0x0;
	p1 =	sne.s32 s8, s10;
	s8 =	simm.s32 $0x1  }
0x63: {  	(ifvalue) =	ssetifvalue $0x2800;
	[sflag:s6] =	ssyncpa.u1 $0x0;
	s8 =	simm.s32 @!p1 $0x0  }
0x64: {  	vm0 =	vmmov $0xffff;
	s10 =	smov.u32 s2;
	s8 =	sadd.s32 s8, s9;
	s9 =	simm.s32 $0x0  }
.LBB3_5:
0x65: {  	p2 =	sne.s32 s11, s8  }
.Ltmp9:
0x66: {  	_ = 	snop;
	(pc) =	sbr.rel @!p2 .LBB3_6-.Ltmp9, $4  }
0x67: {  	_ = 	snop  }
0x68: {  	s12 =	sadd.s32 $0x1130, s10  }
0x69: {  	s10 =	smov.u32 s2;
	s13 =	sadd.s32 $0x1, s11;
	p1 =	slt.s32 s12, s3  }
0x6a: {  	s11 =	smov.u32 s13;
	s10 =	smov.u32 @p1 s12  }
.LBB3_1:
0x6b: {  	p1 =	sge.u32 s11, s8  }
0x6c: {  	s12 =	sxor.u32 @!p1 $0xFFFFFFFF, s11  }
0x6d: {  	s12 =	sand.u32 @!p1 $0x1, s12  }
0x6e: {  	s12 =	smul.u32 @!p1 $0x1130, s12  }
0x6f: {  	s13 =	sshrl.u32 @!p1 s10, $0x3  }
0x70: {  	s16 =	sand.u32 @!p1 $0x7, s10;
	s14 =	sadd.s32 @!p1 s5, s13;
	s15 =	sadd.s32 @!p1 $0x280, s12  }
0x71: {  	[tilespmem:s15], [sflag:$0x2] =	stream.linear.gather @!p1 [hbm4b:s14+s16], $0x1130, $0x38;
	[tilespmem:$0x4740] =	vst v63  }
0x72: {  	s13 =	sadd.s32 @!p1 s7, s13;
	s12 =	sadd.s32 @!p1 $0x24E0, s12  }
0x73: {  	[tilespmem:s12], [sflag:$0x2] =	stream.linear.gather @!p1 [hbm4b:s13+s16], $0x1130, $0x38;
	[tilespmem:$0x4740] =	vst v63  }
0x74: {  	p1 =	seq.s32 s11, $0x0  }
.Ltmp10:
0x75: {  	_ = 	snop;
	(pc) =	sbr.rel @p1 .LBB3_5-.Ltmp10, $1  }
0x76: {  	_ =	sdelay $0x3  }
0x77: {  	s12 =	sand.u32 $0x1, s11  }
0x78: {  	_ =	swait.ge [sflag:s6], $0x2260;
	p1 =	seq.s32 s12, $0x1;
	s12 =	simm.s32 $0x1130  }
0x79: {  	[sflag:s6] =	ssyncset.done $0x0;
	s12 =	simm.s32 @!p1 $0x0  }
0x7a: {  	[sflag:s6] =	ssyncadd.s32 $0xFFFFDDA0;
	s14 =	sor.u32 $0x280, s12  }
0x7b: {  	v0 =	vld.msk [tilespmem:s14+$0x0 ss:$0x1], $0xffff;
	_ =	sdelay $0x4  }
0x7c: {  	v0 =	vmin.u32 v0, $0x2800;
	_ =	sdelay $0x3  }
0x7d: {  	s13 =	simm.s32 $0x0;
	s12 =	sadd.s32 $0x24E0, s12;
	s14 =	sadd.s32 $0x10, s14  }
0x7e: {  	[spmem:s9] =	stream.indirect_vreg.scatter.add.s32 [tilespmem:s12], [sflag:$0x1], $0x1, v0, vm0, $0x4038;
	[tilespmem:$0x4740] =	vst v63  }
.LBB3_3:
0x7f: {  	v0 =	vld.msk [tilespmem:s14+$0x0 ss:$0x1], $0xffff;
	s13 =	sadd.s32 $0x10, s13  }
0x80: {  	p1 =	slt.u32 s13, $0x1120;
	_ =	sdelay $0x4  }
0x81: {  	v0 =	vmin.u32 v0, $0x2800  }
.Ltmp11:
0x82: {  	(pc) =	sbr.rel @p1 .LBB3_3-.Ltmp11, $3  }
0x83: {  	_ =	sdelay $0x1  }
0x84: {  	s14 =	sadd.s32 $0x10, s14;
	s12 =	sadd.s32 $0x10, s12  }
0x85: {  	[spmem:s9] =	stream.indirect_vreg.scatter.add.s32 [tilespmem:s12], [sflag:$0x1], $0x1, v0, vm0, $0x4038;
	[tilespmem:$0x4740] =	vst v63  }
.Ltmp12:
0x86: {  	(pc) =	sbr.rel .LBB3_5-.Ltmp12, $4  }
0x87: {  	_ = 	snop  }
0x88: {  	_ =	swait.ge [sflag:s4], $0x1130  }
0x89: {  	[sflag:s4] =	ssyncset.done $0x0  }
0x8a: {  	[sflag:s4] =	ssyncadd.s32 $0xFFFFEED0  }
.LBB3_6:
0x8b: {  	_ =	sfence.sel $0x180000  }
0x8c: {  	s2 =	simm.s32 $0x2;
	[bflag:$0x0] =	sbarrier.arrive $0xFFFF  }
0x8d: {  	s30 =	simm.s32 $0x1;
	[sflag:s2] =	ssyncpa.u1 $0x1  }
0x8e: {  	[sflag:s30] =	ssyncpa.u1 $0x1  }
0x8f: {  	_ =	sfence.stream.spmem  }
0x90: {  	s31 =	simm.s32 $0x3D;
	[bflag:$0x0] =	sbarrier.arrive $0xFFFF  }
0x91: {  	s2 =	simm.s32 @p0 $0x3D;
	[sflag:s31] =	ssyncpa.u1 $0x0  }
0x92: {  	[sflag:s2] =	ssyncpa.u1 @p0 $0x1  }
0x93: {  	[bflag:$0x0] =	sbarrier.arrive @p0 $0xFFFF  }
0x94: {  	_ =	strace @p0 $0x90000062  }
0x95: {  	s3 =	simm.s32 @!p0 $0x1C3D;
	s2 =	simm.s32 @!p0 $0x0;
	[bflag:$0x2] =	sbarrier.arrive @p0 $0xFFFF  }
0x96: {  	[hbm:s1], [sflag:s3] =	dma.local @!p0 [spmem:s2], $0x500  }
0x97: {  	s1 =	simm.s32 @!p0 $0x3D  }
0x98: {  	_ =	swait.ge @!p0 [sflag:s1], $0x500  }
0x99: {  	[sflag:s1] =	ssyncset.done @!p0 $0x0  }
0x9a: {  	[sflag:s1] =	ssyncadd.s32 @!p0 $0xFFFFFB00  }
0x9b: {  	[sflag:s1] =	ssyncpa.u1 @!p0 $0x1  }
0x9c: {  	[bflag:$0x0] =	sbarrier.arrive @!p0 $0xFFFF  }
0x9d: {  	_ =	strace @!p0 $0x90000062  }
0x9e: {  	s0 =	sadd.s32 @!p0 $0x100000, s0;
	[bflag:$0x2] =	sbarrier.arrive @!p0 $0xFFFF  }
0x9f: {  	[sflag:s0] =	ssyncadd.tile.s32 @!p0 $0x1;
	_ =	shalt  }
.Lfunc_end3:
_tile_overlayer_lowered:
.L_overlay_start_3:
0xa0: {  	(tag) =	ssettag $0x3  }
0xa1: {  	s0 =	rddreg [dreg:$0x0];
	s2 =	stileid.u32  }
0xa2: {  	s1 =	rddreg [dreg:$0x1];
	p0 =	sne.s32 s2, $0x0  }
0xa3: {  	s3 =	rddreg [dreg:$0x2];
	[bflag:$0x3] =	sbarrier.arrive $0xFFFF;
	s2 =	simm.s32 @!p0 $0x1C01  }
0xa4: {  	[timem:s3], [sflag:s2] =	dma.local @!p0 [hbm:s0], s1  }
0xa5: {  	s0 =	simm.s32 @!p0 $0x1  }
0xa6: {  	_ =	swait.ge @!p0 [sflag:s0], s1  }
0xa7: {  	s1 =	ssub.s32 @!p0 $0x0, s1;
	[sflag:s0] =	ssyncset.done @!p0 $0x0  }
0xa8: {  	[sflag:s0] =	ssyncadd.s32 @!p0 s1  }
0xa9: {  	[bflag:$0x3] =	sbarrier.arrive $0xFFFF  }
0xaa: {  	_ =	shalt  }

// kernel: scatter_offload_async_start.7
scs
__scs_entry_jumppad:
0x0: {  	(pc) =	sbr.rel $0x88, $3  }
0x1: {  	(tag) =	ssettag $0x0;
	lr =	simm.s32 $0x1  }
0x2: {  	[smem:$0x3F9C] =	sst lr;
	_ =	strace $0xD0000000  }
0x3: {  	_ = 	snop  }
0x4: {  	_ = 	snop  }
0x5: {  	_ = 	snop  }
0x6: {  	_ = 	snop  }
0x7: {  	_ = 	snop  }
__scs_overlays_trampoline_lowered:
0x8: {  	[smem:$0x3FAB] =	sst s0  }
0x9: {  	[smem:$0x3FAC] =	sst s1  }
0xa: {  	[smem:$0x3FAD] =	sst s2  }
0xb: {  	[smem:$0x3FAE] =	sst s3  }
0xc: {  	[smem:$0x3FAF] =	sst s4  }
0xd: {  	[smem:$0x3FB0] =	sst s5  }
0xe: {  	[smem:$0x3FB1] =	sst s6  }
0xf: {  	[smem:$0x3FB2] =	sst s7  }
0x10: {  	[smem:$0x3FB3] =	sst s8  }
0x11: {  	[smem:$0x3FB4] =	sst s9;
	s0 =	simm.s32 @!p0 $0x0  }
0x12: {  	s1 =	sld [smem:$0x3F9A];
	s0 =	simm.s32 @p0 $0x1  }
0x13: {  	[smem:$0x3FB5] =	sst s0;
	s0 =	simm.s32 @!p1 $0x0  }
0x14: {  	s2 =	sld [smem:$0x3F99];
	s0 =	simm.s32 @p1 $0x1  }
0x15: {  	[smem:$0x3FB6] =	sst s0;
	s0 =	simm.s32 @!p2 $0x0  }
0x16: {  	s3 =	sld [smem:$0x3FDB];
	s0 =	simm.s32 @p2 $0x1  }
0x17: {  	s4 =	simm.s32 $0x1BF5;
	[smem:$0x3FB8] =	sst s0  }
0x18: {  	s0 =	sld [smem:$0x3F9B];
	_ =	swait.ge [sflag:s4], $0x0  }
0x19: {  	s7 =	sld [smem:$0x3F9C]  }
0x1a: {  	s8 =	sadd.s32 $0xFFFFE003, lr  }
0x1b: {  	s9 =	sadd.s32 $0xFFFFFEF7, lr;
	s5 =	simm.s32 $0xFFFFFFFF;
	p2 =	slt.u32 s8, $0xFFFFF086  }
0x1c: {  	p1 =	slt.u32 s9, $0xF7A;
	s5 =	simm.s32 @!p2 $0x0  }
0x1d: {  	s5 =	simm.s32 @p1 $0x1;
	p0 =	seq.s32 s7, s2  }
0x1e: {  	s7 =	smul.u32 @!p0 $0xF7A, s2;
	p2 =	seq.s32 @!p0 s5, $0x0  }
0x1f: {  	s9 =	smul.u32 $0xF7A, s1;
	s8 =	simm.s32 @!p0 $0x1BF5;
	p2 =	por !p2, p0  }
0x20: {  	[sflag:s8] =	ssyncset.s32 @!p0 $0xFFFFF086;
	s6 =	sadd.s32 @!p0 s3, s7;
	s7 =	simm.s32 @!p0 $0x108  }
0x21: {  	s3 =	sadd.s32 s3, s9;
	s6 =	sadd.s32 @!p0 $0x88, s6;
	s7 =	simm.s32 @p2 $0x1082  }
0x22: {  	[simem:s7], [sflag:s8] =	dma.local @!p0 [hbm:s6], $0xF7A  }
0x23: {  	s9 =	sor.u32 $0xD0000000, s2;
	s6 =	simm.s32 $0x108;
	_ =	swait.ge @!p0 [sflag:s8], $0x0  }
0x24: {  	s3 =	sadd.s32 $0x88, s3;
	s6 =	simm.s32 @!p1 $0x1082;
	[sflag:s4] =	ssyncset.s32 $0xFFFFF086  }
0x25: {  	[simem:s6], [sflag:s4] =	dma.local [hbm:s3], $0xF7A  }
0x26: {  	[smem:$0x3F9C] =	sst s1;
	(tag) =	ssettag s2;
	_ =	strace s9  }
0x27: {  	s1 =	sld [smem:$0x3FAC]  }
0x28: {  	s2 =	sld [smem:$0x3FAD]  }
0x29: {  	s4 =	sld [smem:$0x3FAF]  }
0x2a: {  	p0 =	seq.s32 s5, $0x0;
	s5 =	sld [smem:$0x3FB0]  }
0x2b: {  	s6 =	sld [smem:$0x3FB1]  }
0x2c: {  	s7 =	sld [smem:$0x3FB2]  }
0x2d: {  	s3 =	simm.s32 $0x108;
	s8 =	sld [smem:$0x3FB3]  }
0x2e: {  	s3 =	simm.s32 @!p0 $0x1082;
	s9 =	sld [smem:$0x3FB4]  }
0x2f: {  	lr =	sadd.s32 s0, s3;
	s0 =	sld [smem:$0x3FAB]  }
0x30: {  	s3 =	sld [smem:$0x3FAE]  }
0x31: {  	[smem:$0x3FB7] =	sst s10  }
0x32: {  	s10 =	sld [smem:$0x3FB5];
	_ =	sdelay $0x3  }
0x33: {  	p0 =	seq.s32 s10, $0x1;
	s10 =	sld [smem:$0x3FB7];
	_ =	sdelay $0x3  }
0x34: {  	[smem:$0x3FB7] =	sst s10  }
0x35: {  	s10 =	sld [smem:$0x3FB6];
	_ =	sdelay $0x3  }
0x36: {  	p1 =	seq.s32 s10, $0x1;
	s10 =	sld [smem:$0x3FB7];
	_ =	sdelay $0x3  }
0x37: {  	[smem:$0x3FB7] =	sst s10  }
0x38: {  	s10 =	sld [smem:$0x3FB8]  }
0x39: {  	_ = 	snop;
	(pc) =	sbr.ind lr, $3  }
0x3a: {  	_ = 	snop  }
0x3b: {  	_ = 	snop  }
0x3c: {  	p2 =	seq.s32 s10, $0x1;
	s10 =	sld [smem:$0x3FB7]  }
0x3d: {  	_ =	shalt  }
0x3e: {  	_ =	shalt  }
0x3f: {  	_ =	shalt  }
0x40: {  	_ =	shalt  }
0x41: {  	_ =	shalt  }
0x42: {  	_ =	shalt  }
0x43: {  	_ =	shalt  }
0x44: {  	_ =	shalt  }
0x45: {  	_ =	shalt  }
0x46: {  	_ =	shalt  }
0x47: {  	_ =	shalt  }
0x48: {  	_ =	shalt  }
0x49: {  	_ =	shalt  }
0x4a: {  	_ =	shalt  }
0x4b: {  	_ =	shalt  }
0x4c: {  	_ =	shalt  }
0x4d: {  	_ =	shalt  }
0x4e: {  	_ =	shalt  }
0x4f: {  	_ =	shalt  }
0x50: {  	_ =	shalt  }
0x51: {  	_ =	shalt  }
0x52: {  	_ =	shalt  }
0x53: {  	_ =	shalt  }
0x54: {  	_ =	shalt  }
0x55: {  	_ =	shalt  }
0x56: {  	_ =	shalt  }
0x57: {  	_ =	shalt  }
0x58: {  	_ =	shalt  }
0x59: {  	_ =	shalt  }
0x5a: {  	_ =	shalt  }
0x5b: {  	_ =	shalt  }
0x5c: {  	_ =	shalt  }
0x5d: {  	_ =	shalt  }
0x5e: {  	_ =	shalt  }
0x5f: {  	_ =	shalt  }
0x60: {  	_ =	shalt  }
0x61: {  	_ =	shalt  }
0x62: {  	_ =	shalt  }
0x63: {  	_ =	shalt  }
0x64: {  	_ =	shalt  }
0x65: {  	_ =	shalt  }
0x66: {  	_ =	shalt  }
0x67: {  	_ =	shalt  }
0x68: {  	_ =	shalt  }
0x69: {  	_ =	shalt  }
0x6a: {  	_ =	shalt  }
0x6b: {  	_ =	shalt  }
0x6c: {  	_ =	shalt  }
0x6d: {  	_ =	shalt  }
0x6e: {  	_ =	shalt  }
0x6f: {  	_ =	shalt  }
0x70: {  	_ =	shalt  }
0x71: {  	_ =	shalt  }
0x72: {  	_ =	shalt  }
0x73: {  	_ =	shalt  }
0x74: {  	_ =	shalt  }
0x75: {  	_ =	shalt  }
0x76: {  	_ =	shalt  }
0x77: {  	_ =	shalt  }
0x78: {  	_ =	shalt  }
0x79: {  	_ =	shalt  }
0x7a: {  	_ =	shalt  }
0x7b: {  	_ =	shalt  }
0x7c: {  	_ =	shalt  }
0x7d: {  	_ =	shalt  }
0x7e: {  	_ =	shalt  }
0x7f: {  	_ =	shalt  }
0x80: {  	_ =	shalt  }
0x81: {  	_ =	shalt  }
0x82: {  	_ =	shalt  }
0x83: {  	_ =	shalt  }
0x84: {  	_ =	shalt  }
0x85: {  	_ =	shalt  }
0x86: {  	_ =	shalt  }
0x87: {  	_ =	shalt  }
.Lfunc_end0:
.L_simem_size_0:
called_computation.7_lowered:
.L_overlay_start_0:
0x88: {  	s0 =	sld [smem:$0x3FD9]  }
0x89: {  	s1 =	sld [smem:$0x3FFE];
	_ =	sdelay $0x3  }
0x8a: {  	s0 =	sadd.s32 s1, s0  }
0x8b: {  	[smem:$0x3FC3] =	sst s0  }
0x8c: {  	_ = 	snop  }
0x8d: {  	(tm) =	ssettm $0x1  }
0x8e: {  	s15 =	sld [smem:$0x3FFB];
	_ =	sdelay $0x3  }
0x8f: {  	_ =	strace s15  }
0x90: {  	s0 =	sld [smem:$0x3FFC];
	_ =	sdelay $0x3  }
0x91: {  	_ =	strace s0  }
0x92: {  	s0 =	sld [smem:$0x3FFD];
	_ =	sdelay $0x3  }
0x93: {  	_ =	strace s0  }
0x94: {  	_ =	strace $0x8FFFFFFF  }
0x95: {  	s16 =	sld [smem:$0x3FDB];
	_ =	sdelay $0x1  }
0x96: {  	s17 =	simm.s32 $_scs_section_size  }
0x97: {  	s2 =	simm.s32 $_size__tile_overlayer_lowered;
	s3 =	simm.s32 $_tile_overlayer_lowered  }
0x98: {  	s20 =	simm.s32 $0x1BFF;
	s19 =	sshll.u32 s3, $0x1;
	s0 =	sadd.s32 s17, s16  }
0x99: {  	s4 =	simm.s32 $0x0;
	s18 =	sshll.u32 s2, $0x1;
	s2 =	sadd.s32 s19, s0  }
0x9a: {  	[timem:s4], [sflag:s20] =	dma.local [hbm:s2], s18  }
0x9b: {  	_ =	swait.ge [sflag:s20], s18  }
0x9c: {  	s1 =	ssub.s32 $0x0, s18;
	[sflag:s20] =	ssyncset.done $0x0  }
0x9d: {  	[sflag:s20] =	ssyncadd.s32 s1;
	_ =	sdelay $0x1  }
0x9e: {  	s21 =	simm.s32 $0x1B8B  }
0x9f: {  	_ =	swait.ge [sflag:s21], $0x1  }
0xa0: {  	[sflag:s21] =	ssyncset.done $0x0  }
0xa1: {  	s23 =	simm.s32 $0x1B8E;
	s22 =	sld [smem:$0x3FFE];
	[sflag:s21] =	ssyncadd.s32 $0xFFFFFFFF  }
0xa2: {  	s24 =	simm.s32 $execute0_lowered;
	[smem:$0x3FD2] =	sst s23  }
0xa3: {  	s2 =	sshll.u32 s24, $0x1;
	_ =	strace $0x8000006A;
	[dreg:$0x1] =	wrdreg $0xFFFFFFFF  }
0xa4: {  	s25 =	simm.s32 $_size_execute0_lowered;
	s0 =	sadd.s32 s0, s2;
	[dreg:$0x0] =	wrdreg $0x0  }
0xa5: {  	s2 =	sshll.u32 s25, $0x1;
	[dreg:$0x2] =	wrdreg s0  }
0xa6: {  	[dreg:$0x3] =	wrdreg s2  }
0xa7: {  	[dreg:$0x4] =	wrdreg $0xC0  }
0xa8: {  	_ =	task [dreg:s4], $0x5FFFF  }
0xa9: {  	[dreg:$0x1] =	wrdreg $0xFFFFFFFF  }
0xaa: {  	[dreg:$0x0] =	wrdreg $0x60  }
0xab: {  	[dreg:$0x2] =	wrdreg s22  }
0xac: {  	[dreg:$0x3] =	wrdreg $0x9  }
0xad: {  	_ =	task.clear_ibuf [dreg:s4], $0x4FFFF;
	_ =	strace $0x9000006A  }
0xae: {  	s26 =	simm.s32 $0x9;
	_ =	strace $0x8000006C  }
0xaf: {  	_ =	swait.ge [sflag:s26], $0x1  }
0xb0: {  	[sflag:s26] =	ssyncadd.s32 $0xFFFFFFFF  }
0xb1: {  	_ =	strace $0x9000006C  }
0xb2: {  	_ =	sfence  }
0xb3: {  	s28 =	sld [smem:$0x0];
	_ =	sdelay $0x1  }
0xb4: {  	s29 =	srdreg.scid  }
0xb5: {  	s30 =	sshll.u32 s29, $0xD;
	s31 =	sshrl.u32 s29, $0x2  }
0xb6: {  	s1 =	sand.u32 $0x1, s29;
	s2 =	sand.u32 $0x4000, s30;
	s0 =	sadd.s32 s31, s28  }
0xb7: {  	s1 =	sor.u32 s2, s1;
	s0 =	sshll.u32 s0, $0x11  }
0xb8: {  	s0 =	sor.u32 s0, s1  }
0xb9: {  	s0 =	sadd.s32 $0x8F2B, s0  }
0xba: {  	[sflag:s0] =	ssyncadd.remote.s32 $0x1  }
0xbb: {  	_ =	sfence.sel $0xFFFF  }
0xbc: {  	[dreg:$0x0] =	wrdreg $0xFFFFFFFF;
	(pc) =	sbr.abs _section_cstart, $3  }
0xbd: {  	[dreg:$0x1] =	wrdreg $0xFFFFFFFF  }
0xbe: {  	_ =	task.clear_ibuf [dreg:s4], $0x2FFFF;
	_ =	strace $0x9FFFFFFF  }
0xbf: {  	(tm) =	ssettm $0x7FFFFFFF  }
tec
execute0_lowered:
.L_overlay_start_1:
0x0: {  	(tag) =	ssettag $0x1  }
0x1: {  	s1 =	rddreg [dreg:$0x0]  }
0x2: {  	_ =	strace $0x8000006B;
	s6 =	stileid.u32;
	s0 =	simm.s32 $0x1  }
0x3: {  	v1 =	vimm.s32 $0xFFFFFFFF;
	s2 =	smin.u32 s6, $0xB;
	s3 =	sshll.u32 s6, $0x2;
	[sflag:s0] =	ssyncpa.u1 $0x0  }
0x4: {  	s2 =	sadd.s32 s2, s3;
	[tilespmem:$0x10] =	vst v1  }
0x5: {  	v0 =	vimm.f32 $0.0e+00;
	p0 =	slt.u32 s6, $0xB;
	[tilespmem:$0x20] =	vst v1;
	s3 =	smul.u32 $0x1770, s2;
	s2 =	simm.s32 $0x7530  }
0x6: {  	[tilespmem:$0x30] =	vst v0;
	s2 =	simm.s32 @!p0 $0x5DC0  }
0x7: {  	[tilespmem:$0x40] =	vst v0;
	s2 =	sadd.s32 s2, s3  }
0x8: {  	s7 =	simm.s32 $0x2;
	[tilespmem:$0x50] =	vst v0;
	s4 =	smin.u32 s2, $0x6DDD0  }
0x9: {  	s31 =	simm.s32 $0x9;
	s16 =	simm.s32 $0x0;
	[tilespmem:$0x60] =	vst v1;
	s2 =	ssub.s32 s4, s3  }
0xa: {  	s17 =	simm.s32 $0xF0;
	s18 =	simm.s32 $0xFFFFFFFF;
	[tilespmem:$0x70] =	vst v1;
	p0 =	sgt.s32 s2, $0x0  }
0xb: {  	s19 =	simm.s32 $0xFFFFD220;
	s20 =	simm.s32 $0xFFFFFFFE;
	[tilespmem:$0x80] =	vst v1;
	s2 =	simm.s32 @!p0 $0x0  }
0xc: {  	s21 =	simm.s32 $0xF;
	s8 =	sadd.s32 $0x39E00, s1;
	v1 =	vimm.s32 $0x0;
	[tilespmem:$0xB0] =	vst v0;
	s5 =	smulhi.u32 $0x57619F1, s2  }
0xd: {  	s25 =	simm.s32 $0x0;
	s24 =	simm.s32 $0x0;
	[dreg:$0x2] =	wrdreg s8;
	[tilespmem:$0x90] =	vst v1  }
0xe: {  	[tilespmem:$0xA0] =	vst v1;
	[sflag:s7] =	ssyncpa.u1 $0x0;
	s7 =	simm.s32 $0x7;
	s9 =	sshrl.u32 s5, $0x7  }
0xf: {  	s8 =	simm.s32 $0x8;
	[sflag:s7] =	ssyncpa.u1 $0x0;
	s10 =	smul.u32 $0x1770, s9  }
.Ltmp0:
0x10: {  	s14 =	sshllo.u32 s6, $0x1;
	[sflag:s8] =	ssyncpa.u1 $0x0;
	(pc) =	sbr.rel .LBB2_1-.Ltmp0, $4  }
0x11: {  	s23 =	smov.u32 s3;
	[sflag:s31] =	ssyncpa.u1 $0x0;
	p0 =	sne.s32 s2, s10  }
0x12: {  	s5 =	sadd.s32 $0x2C200, s1;
	s10 =	sshll.u32 s6, $0x1;
	s0 =	simm.s32 @!p0 $0x0  }
0x13: {  	vm0 =	vmmov $0xffff;
	v2 =	vlaneseq.u32;
	s13 =	sor.u32 $0x81, s10;
	s15 =	sor.u32 $0x80, s10;
	s9 =	sadd.s32 s0, s9  }
0x14: {  	vm1 =	vmxor vm1, vm1;
	vm2 =	vmmov $0x1;
	vm3 =	vcmask $0x3F3C;
	p0 =	por $0x0, $0x0;
	s11 =	sadd.s32 $0x1, s9;
	s12 =	sadd.s32 $0x2, s9  }
.LBB2_9:
0x15: {  	p1 =	slt.u32 s24, $0x3  }
0x16: {  	s0 =	simm.s32 @!p1 $0x2  }
0x17: {  	_ =	swait.ge @!p1 [sflag:s0], $0x1770  }
0x18: {  	[sflag:s0] =	ssyncset.done @!p1 $0x0  }
0x19: {  	[sflag:s0] =	ssyncadd.s32 @!p1 $0xFFFFE890;
	s0 =	simm.s32 @!p1 $0x9  }
0x1a: {  	_ =	swait.ge @!p1 [sflag:s0], $0x10  }
0x1b: {  	[sflag:s0] =	ssyncset.done @!p1 $0x0  }
0x1c: {  	[sflag:s0] =	ssyncadd.s32 @!p1 $0xFFFFFFF0;
	p1 =	sne.s32 s24, s12  }
.Ltmp1:
0x1d: {  	s2 =	sadd.s32 $0x1770, s23;
	(pc) =	sbr.rel @!p1 .LBB2_10-.Ltmp1, $4  }
0x1e: {  	s6 =	smov.u32 s3;
	s31 =	sadd.s32 $0x1, s24;
	s17 =	sadd.s32 $0x1770, s17  }
0x1f: {  	s18 =	sadd.s32 $0x1, s18;
	s25 =	smov.u32 s23;
	p2 =	slt.s32 s2, s4  }
0x20: {  	p0 =	por !p0, !p0;
	s19 =	sadd.s32 $0x1770, s19;
	s6 =	smov.u32 @p2 s2  }
0x21: {  	s20 =	sadd.s32 $0x1, s20;
	s23 =	smov.u32 s6;
	s24 =	smov.u32 s31  }
.LBB2_1:
0x22: {  	p1 =	sge.u32 s24, s9  }
0x23: {  	s0 =	smulhi.u32 @!p1 $0xAAAAAAAB, s24;
	_ =	sdelay $0x1  }
0x24: {  	s0 =	sshrl.u32 @!p1 s0, $0x1  }
0x25: {  	s0 =	smul.u32 @!p1 $0x3, s0;
	_ =	sdelay $0x1  }
0x26: {  	s0 =	ssub.s32 @!p1 s24, s0  }
0x27: {  	s0 =	smul.u32 @!p1 $0x5DC0, s0;
	_ =	sdelay $0x1  }
0x28: {  	s2 =	sshrl.u32 @!p1 s23, $0x3;
	s0 =	sshrl.u32 @!p1 s0, $0x2  }
0x29: {  	s22 =	sand.u32 @!p1 $0x7, s23;
	s2 =	sadd.s32 @!p1 s5, s2;
	s0 =	sadd.s32 @!p1 $0x100, s0  }
0x2a: {  	[tilespmem:s0], [sflag:$0x7] =	stream.linear.gather @!p1 [hbm4b:s2+s22], $0x1770, $0x38;
	[tilespmem:$0xD410] =	vst v63  }
0x2b: {  	s0 =	sadd.s32 $0xFFFFFFFF, s24  }
0x2c: {  	p1 =	sge.u32 s0, s9  }
.Ltmp2:
0x2d: {  	_ = 	snop;
	(pc) =	sbr.rel @p1 .LBB2_5-.Ltmp2, $1  }
0x2e: {  	_ =	sdelay $0x3  }
0x2f: {  	s2 =	smulhi.u32 $0xAAAAAAAB, s0;
	_ =	sdelay $0x1  }
0x30: {  	s2 =	sshrl.u32 s2, $0x1  }
0x31: {  	s2 =	smul.u32 $0x3, s2;
	_ =	sdelay $0x1  }
0x32: {  	s2 =	ssub.s32 s0, s2  }
0x33: {  	s2 =	smul.u32 $0x5DC0, s2  }
0x34: {  	_ =	swait.ge [sflag:s7], $0x1770  }
0x35: {  	[sflag:s7] =	ssyncset.done $0x0;
	s2 =	sshrl.u32 s2, $0x2  }
0x36: {  	[sflag:s7] =	ssyncadd.s32 $0xFFFFE890;
	(ifvalue) =	ssetifvalue $0xFFFFFFFF;
	v3 =	vld.msk [tilespmem:s2+$0x100 ss:$0x1], $0xffff;
	_ =	sdelay $0x2  }
0x37: {  	s30 =	smulhi.u32 $0xAAAAAAAB, s18;
	p1 =	sne.s32 s24, $0x1  }
0x38: {  	v4 =	vimm.s32 @!p1 $0x0  }
0x39: {  	s2 =	sshrl.u32 s30, $0x1;
	v4 =	vperm.xlane @!p1 v3, v4  }
0x3a: {  	s22 =	sshll.u32 s24, $0x4;
	s2 =	smul.u32 $0xFFFEE6C0, s2;
	vm4 =	vlt.u32 v3, $0xC400  }
0x3b: {  	s22 =	sand.u32 $0x10, s22;
	v3 =	vnsel vm4, $0xFFFFFFFE, v3;
	vm4 =	vlt.u32 @!p1 v4, $0xC400  }
0x3c: {  	s2 =	sshra.s32 s2, $0x2;
	[tilespmem:s22+$0x60] =	vst v3;
	v3 =	vnsel @!p1 vm4, $0xFFFFFFFE, v4  }
0x3d: {  	s28 =	sadd.s32 s2, s17;
	[tilespmem:$0x80] =	vst @!p1 v3  }
0x3e: {  	v3 =	vld.msk [tilespmem:s28+$0x0 ss:$0x1], $0xffff;
	_ =	sdelay $0x4  }
0x3f: {  	(xrf1) =	vunique.msk.u32 $0xffff, v3;
	_ =	sdelay $0xd  }
0x40: {  	v4 =	vimm.s32 $0xFFFFFFFF;
	v5, _, _ =	vpop (xrf1)  }
0x41: {  	vm5 =	vne.s32 v3, v4;
	vm4 =	veq.s32 v5, v2  }
0x42: {  	vm6 =	vlt.u32 v3, $0xC400;
	vm4 =	vmand vm5, vm4  }
0x43: {  	vm4 =	vmand vm6, vm4  }
0x44: {  	v4 =	vnsel vm4, $0xFFFFFFFF, v3  }
0x45: {  	s31 =	sand.u32 $0x1, s0  }
0x46: {  	s0 =	simm.s32 $0x1770;
	p1 =	seq.s32 s31, $0x1  }
0x47: {  	s0 =	simm.s32 @!p1 $0x0  }
0x48: {  	s26 =	sadd.s32 $0x5EB0, s0;
	(ifvalue) =	ssetifvalue $0xFFFFFFFF  }
0x49: {  	v3 =	vperm.xlane v3, v1;
	[tilespmem:s26], [sflag:$0x8] =	stream.indirect_vreg.gather [hbm4b:s1+s16], $0x1, v4, vm0, $0x4038;
	v4 =	vnsel vm6, $0xFFFFFFFE, v4;
	[tilespmem:$0xD410] =	vst v63  }
0x4a: {  	s2 =	simm.s32 $0x0;
	s22 =	sadd.s32 $0xFFFFFFF0, s28;
	[tilespmem:s28+$0x0] =	vst v4  }
.LBB2_3:
0x4b: {  	v4 =	vld.msk [tilespmem:s22+$0x0 ss:$0x1], $0xffff;
	s2 =	sadd.s32 $0x10, s2;
	v5 =	vmov v3;
	s28 =	smov.u32 s22  }
0x4c: {  	p1 =	slt.u32 s2, $0x1760;
	_ =	sdelay $0x4  }
0x4d: {  	v3 =	vperm.xlane v4, v1;
	(xrf1) =	vunique.msk.u32 $0xffff, v4;
	_ =	sdelay $0xd  }
0x4e: {  	v6, _, _ =	vpop (xrf1)  }
0x4f: {  	vm5 =	vne.s32 v4, v5;
	vm4 =	veq.s32 v6, v2  }
0x50: {  	vm6 =	vlt.u32 v4, $0xC400;
	vm4 =	vmand vm5, vm4  }
0x51: {  	vm4 =	vmand vm6, vm4  }
0x52: {  	v4 =	vnsel vm4, $0xFFFFFFFF, v4  }
.Ltmp3:
0x53: {  	v5 =	vnsel vm6, $0xFFFFFFFE, v4;
	(pc) =	sbr.rel @p1 .LBB2_3-.Ltmp3, $3  }
0x54: {  	_ =	sdelay $0x1  }
0x55: {  	s22 =	sadd.s32 $0xFFFFFFF0, s22;
	s26 =	sadd.s32 $0xFFFFFFF0, s26;
	(ifvalue) =	ssetifvalue $0xFFFFFFFF  }
0x56: {  	[tilespmem:s26], [sflag:$0x8] =	stream.indirect_vreg.gather [hbm4b:s1+s16], $0x1, v4, vm0, $0x4038;
	[tilespmem:s28+$0x0] =	vst v5  }
0x57: {  	s2 =	sshrl.u32 s25, $0x3;
	s6 =	rddreg [dreg:$0x2]  }
0x58: {  	s0 =	sadd.s32 $0x7630, s0;
	s2 =	sadd.s32 s6, s2  }
0x59: {  	[tilespmem:s0], [sflag:$0x8] =	stream.linear.gather [hbm:s2], $0x1770, $0x38;
	[tilespmem:$0xD410] =	vst v63  }
.LBB2_5:
0x5a: {  	p1 =	slt.u32 s24, $0x2  }
0x5b: {  	p2 =	sge.u32 @!p1 s24, s12  }
0x5c: {  	p1 =	por p1, p2  }
.Ltmp4:
0x5d: {  	_ = 	snop;
	(pc) =	sbr.rel @p1 .LBB2_9-.Ltmp4, $1  }
0x5e: {  	_ =	sdelay $0x3  }
0x5f: {  	s0 =	sadd.s32 $0xFFFFFFFE, s24  }
0x60: {  	s2 =	smulhi.u32 $0xAAAAAAAB, s0;
	_ =	sdelay $0x1  }
0x61: {  	s2 =	sshrl.u32 s2, $0x1  }
0x62: {  	s2 =	smul.u32 $0x3, s2;
	_ =	sdelay $0x1  }
0x63: {  	s0 =	ssub.s32 s0, s2  }
0x64: {  	_ =	swait.ge [sflag:s8], $0x2EE0;
	s0 =	smul.u32 $0x1770, s0  }
0x65: {  	p1 =	sne.s32 s24, s11;
	[sflag:s8] =	ssyncset.done $0x0  }
0x66: {  	[sflag:s8] =	ssyncadd.s32 $0xFFFFD120;
	s2 =	sadd.s32 @!p1 $0x186F, s0  }
0x67: {  	[spmem:s13] =	stream.linear.scatter @!p1 [tilespmem:s2], [sflag:$0x1], $0x1, $0x38;
	[tilespmem:$0xD410] =	vst v63  }
0x68: {  	s2 =	simm.s32 @!p1 $0x1  }
0x69: {  	_ =	swait.ge @!p1 [sflag:s2], $0x1  }
0x6a: {  	s22 =	sshll.u32 s24, $0x4;
	[sflag:s2] =	ssyncset.done @!p1 $0x0  }
0x6b: {  	s25 =	sand.u32 $0x10, s22;
	[sflag:s2] =	ssyncadd.s32 @!p1 $0xFFFFFFFF  }
0x6c: {  	s2 =	sxor.u32 $0x10, s25;
	v4 =	vld [tilespmem:s25+$0x10]  }
0x6d: {  	v5 =	vld [tilespmem:s2+$0x60]  }
0x6e: {  	v3 =	vld [tilespmem:$0x80];
	_ =	sdelay $0x2  }
0x6f: {  	(v2sf) =	vpush v4, $0x0  }
0x70: {  	(v2sf) =	vpush v5, $0x0  }
0x71: {  	(v2sf) =	vpush v3, $0x0;
	_ =	sdelay $0xc  }
0x72: {  	s6 =	spop (v2sf)  }
0x73: {  	s28 =	spop (v2sf)  }
0x74: {  	s26 =	spop (v2sf)  }
0x75: {  	p2 =	seq.s32 s6, s28;
	p3 =	seq.s32 s26, s6  }
0x76: {  	p3 =	por p2, p3  }
0x77: {  	s6 =	sand.u32 $0x1, s24;
	v4 =	vpsel p3, $0xFFFFFFFF, v4  }
0x78: {  	s28 =	smul.u32 $0x1770, s6;
	[tilespmem:s25+$0x10] =	vst.msk $0x1, v4  }
0x79: {  	v4 =	vld [tilespmem:$0x30]  }
0x7a: {  	v5 =	vld [tilespmem:s28+$0x7630]  }
0x7b: {  	v6 =	vld [tilespmem:s25+$0x40];
	_ =	sdelay $0x3  }
0x7c: {  	vm4 =	vmmov vm1;
	v5 =	vadd.f32 v5, v4  }
0x7d: {  	vm5 =	vmmov vm2;
	vm4 =	vmmov @p2 vm2;
	v4 =	vadd.f32 v6, v4  }
0x7e: {  	s22 =	sshll.u32 s6, $0x4;
	vm5 =	vmmov @p3 vm1;
	[tilespmem:s28+$0x7630] =	vst.msk vm4, v5  }
0x7f: {  	[tilespmem:s22+$0xD3F0] =	vst.msk vm5, v4  }
0x80: {  	v4 =	vld [tilespmem:s28+$0x5EB0];
	_ =	sdelay $0x3  }
0x81: {  	v5 =	vimm.f32 $0.0e+00  }
0x82: {  	v4 =	vshift.insert v4, v5, s21  }
0x83: {  	s29 =	sor.u32 $0x40, s2  }
0x84: {  	[tilespmem:s29+$0x0] =	vst.msk $0x1, v4  }
0x85: {  	[tilespmem:s28+$0x5EBF] =	vst.msk $0x1, v5  }
0x86: {  	v4 =	vld [tilespmem:s0+$0x1860];
	_ =	sdelay $0x1  }
0x87: {  	s29 =	smulhi.u32 $0xAAAAAAAB, s20;
	s0 =	simm.s32 $0x1  }
0x88: {  	s0 =	simm.s32 @!p0 $0x0  }
0x89: {  	s29 =	sshrl.u32 s29, $0x1;
	s0 =	smul.u32 $0x5DC0, s0  }
0x8a: {  	s29 =	smul.u32 $0xFFFEE6C0, s29;
	v4 =	vshift.insert v4, v1, s21  }
0x8b: {  	s0 =	sshrl.u32 s0, $0x2  }
0x8c: {  	s29 =	sshra.s32 s29, $0x2;
	s30 =	sadd.s32 $0x7630, s0;
	[tilespmem:s2+$0x10] =	vst.msk $0x1, v4  }
0x8d: {  	s6 =	sadd.s32 s29, s19;
	v6 =	vld [tilespmem:s30+$0x0]  }
0x8e: {  	v7 =	vld [tilespmem:s6+$0x0];
	_ =	sdelay $0x3  }
0x8f: {  	v5 =	vadd.f32 v6, v5  }
0x90: {  	vm4 =	vne.s32 v7, $0xFFFFFFFF  }
0x91: {  	(xrf2) =	vadd.seg.scan.f32 vm4, v5;
	_ =	sdelay $0x3  }
0x92: {  	s31 =	sadd.s32 $0x4750, s0;
	v5 =	vperm.xlane v4, v1  }
0x93: {  	v6 =	vld [tilespmem:s31+$0x0]  }
0x94: {  	vm5 =	veq.s32 v7, v3;
	vm6 =	veq.s32 v7, v5  }
0x95: {  	vm7 =	vgt.u32 v7, $0xFFFFFFFD;
	vm6 =	vmor vm6, vm5  }
0x96: {  	vm6 =	vmor vm6, vm7  }
0x97: {  	v9 =	vld [tilespmem:$0xA0];
	v7 =	vsel vm6, $0xFFFFFFFF, v7  }
0x98: {  	v10 =	vld [tilespmem:$0x90];
	v6 =	vsel vm5, $0x0, v6;
	v8, _, _ =	vpop (xrf2)  }
0x99: {  	v6 =	vadd.f32 v8, v6  }
0x9a: {  	s0 =	sadd.s32 $0xA510, s0  }
0x9b: {  	vm4 =	vmand vm4, vm3;
	[tilespmem:s0+$0x0] =	vst v6;
	(ifvalue) =	ssetifvalue $0xFFFFFFFF  }
0x9c: {  	vm6 =	veq.s32 v9, $0x1;
	[hbm4b:s1+s16] =	stream.indirect_vreg.scatter [tilespmem:s0], [sflag:$0x2], $0x1, v7, vm0, $0x4038;
	v7 =	vsel vm4, $0x0, v8;
	[tilespmem:$0xD410] =	vst v63  }
0x9d: {  	s29 =	sadd.s32 $0xD3F0, s22;
	s22 =	sadd.s32 $0x10, s6;
	s2 =	simm.s32 $0x0;
	vm4 =	vmor vm6, vm5;
	v6 =	vsel vm5, v8, v10;
	v7 =	vshift.insert v7, v0, s21  }
.LBB2_7:
0x9e: {  	v8 =	vld [tilespmem:s22+$0x0];
	s30 =	sadd.s32 $0x10, s30  }
0x9f: {  	s31 =	sadd.s32 $0x10, s31;
	v9 =	vld [tilespmem:s30+$0x0]  }
0xa0: {  	s2 =	sadd.s32 $0x10, s2;
	v10 =	vld [tilespmem:s31+$0x0]  }
0xa1: {  	p2 =	slt.u32 s2, $0x1760;
	_ =	sdelay $0x2  }
0xa2: {  	v7 =	vadd.f32 v9, v7  }
0xa3: {  	vm5 =	vne.s32 v8, $0xFFFFFFFF  }
0xa4: {  	vm6 =	vmand vm5, vm3;
	(xrf2) =	vadd.seg.scan.f32 vm5, v7;
	_ =	sdelay $0x5  }
0xa5: {  	vm7 =	veq.s32 v8, v5;
	vm5 =	veq.s32 v8, v3  }
0xa6: {  	vm8 =	vgt.u32 v8, $0xFFFFFFFD;
	vm4 =	vmor vm4, vm5;
	vm7 =	vmor vm7, vm5  }
0xa7: {  	vm7 =	vmor vm7, vm8  }
0xa8: {  	v8 =	vsel vm7, $0xFFFFFFFF, v8  }
.Ltmp5:
0xa9: {  	v7 =	vsel vm5, $0x0, v10;
	v9, _, _ =	vpop (xrf2);
	(pc) =	sbr.rel @p2 .LBB2_7-.Ltmp5, $4  }
0xaa: {  	v6 =	vsel vm5, v9, v6;
	v10 =	vadd.f32 v9, v7;
	v7 =	vsel vm6, $0x0, v9  }
0xab: {  	s0 =	sadd.s32 $0x10, s0;
	v7 =	vshift.insert v7, v0, s21  }
0xac: {  	s22 =	sadd.s32 $0x10, s22;
	[tilespmem:s0+$0x0] =	vst v10;
	(ifvalue) =	ssetifvalue $0xFFFFFFFF  }
0xad: {  	[hbm4b:s1+s16] =	stream.indirect_vreg.scatter [tilespmem:s0], [sflag:$0x2], $0x1, v8, vm0, $0x4038;
	[tilespmem:$0xD410] =	vst v63  }
0xae: {  	v3 =	vld [tilespmem:s28+$0xBC70];
	_ =	sdelay $0x4  }
0xaf: {  	v3 =	vshift.insert v3, v0, s21  }
0xb0: {  	s0 =	simm.s32 $0x30  }
0xb1: {  	[tilespmem:s0+$0x0] =	vst.msk $0x1, v3  }
0xb2: {  	v3 =	vsel vm4, $0x1, v1;
	[tilespmem:$0x90] =	vst v6  }
0xb3: {  	s0 =	sadd.s32 @!p1 $0xBC7F, s28;
	[tilespmem:$0xA0] =	vst v3  }
0xb4: {  	[spmem:s14] =	stream.linear.scatter @!p1 [tilespmem:s0], [sflag:$0x1], $0x1, $0x38;
	[tilespmem:$0xD410] =	vst v63  }
0xb5: {  	s0 =	simm.s32 @!p1 $0x1  }
0xb6: {  	v3 =	vmctz.xlane @!p1 vm4;
	_ =	swait.ge @!p1 [sflag:s0], $0x1  }
0xb7: {  	(v2sf) =	vpush @!p1 v4, $0x0  }
0xb8: {  	(v2sf) =	vpush @!p1 v3, $0x0;
	_ =	sdelay $0xd  }
0xb9: {  	s2 =	spop @!p1 (v2sf)  }
0xba: {  	s6 =	spop @!p1 (v2sf)  }
0xbb: {  	p2 =	sne.s32 @!p1 s26, s2;
	p3 =	slt.s32 @!p1 s6, $0xF  }
0xbc: {  	[sflag:s0] =	ssyncset.done @!p1 $0x0;
	p2 =	por p2, p1;
	p3 =	por !p3, p1  }
0xbd: {  	[sflag:s0] =	ssyncadd.s32 @!p1 $0xFFFFFFFF;
	v3 =	vimm.s32 @!p2 $0xFFFFFFFF;
	s6 =	simm.s32 @p3 $0xF  }
0xbe: {  	[tilespmem:$0x80] =	vst @!p2 v3;
	s2 =	sadd.s32 @!p1 $0x90, s6  }
0xbf: {  	[spmem:s10] =	stream.linear.scatter @!p1 [tilespmem:s2], [sflag:$0x1], $0x1, $0x38;
	[tilespmem:$0xD410] =	vst v63  }
0xc0: {  	_ =	swait.ge @!p1 [sflag:s0], $0x1  }
0xc1: {  	[sflag:s0] =	ssyncset.done @!p1 $0x0  }
0xc2: {  	s2 =	simm.s32 @!p1 $0x80;
	[sflag:s0] =	ssyncadd.s32 @!p1 $0xFFFFFFFF  }
0xc3: {  	[spmem:s15] =	stream.linear.scatter @!p1 [tilespmem:s2], [sflag:$0x1], $0x1, $0x38;
	[tilespmem:$0xD410] =	vst v63  }
0xc4: {  	_ =	swait.ge @!p1 [sflag:s0], $0x1  }
0xc5: {  	[sflag:s0] =	ssyncset.done @!p1 $0x0  }
0xc6: {  	[sflag:s0] =	ssyncadd.s32 @!p1 $0xFFFFFFFF;
	(ifvalue) =	ssetifvalue $0xFFFFFFFF;
	v3 =	vld [tilespmem:s25+$0x10];
	_ =	sdelay $0x3  }
.Ltmp6:
0xc7: {  	_ = 	snop;
	(pc) =	sbr.rel .LBB2_9-.Ltmp6, $3  }
0xc8: {  	_ =	sdelay $0x1  }
0xc9: {  	(ifvalue) =	ssetifvalue $0xFFFFFFFF  }
0xca: {  	[hbm4b:s1+s16] =	stream.indirect_vreg.scatter [tilespmem:s29], [sflag:$0x9], $0x1, v3, vm0, $0x4038;
	[tilespmem:$0xD410] =	vst v63  }
.LBB2_10:
0xcb: {  	_ =	sfence.sel $0x180000  }
0xcc: {  	s0 =	simm.s32 $0x7;
	[bflag:$0x0] =	sbarrier.arrive $0xFFFF  }
0xcd: {  	s26 =	simm.s32 $0x8;
	[sflag:s0] =	ssyncpa.u1 $0x1  }
0xce: {  	s28 =	simm.s32 $0x9;
	[sflag:s26] =	ssyncpa.u1 $0x1  }
0xcf: {  	[sflag:s28] =	ssyncpa.u1 $0x1  }
0xd0: {  	_ =	sfence.stream.spmem  }
0xd1: {  	s29 =	simm.s32 $0x3;
	[bflag:$0x0] =	sbarrier.arrive $0xFFFF  }
0xd2: {  	s30 =	simm.s32 $0x4;
	[sflag:s29] =	ssyncpa.u1 $0x1  }
0xd3: {  	s31 =	simm.s32 $0x3C;
	s2 =	stileid.u32;
	[sflag:s30] =	ssyncpa.u1 $0x1  }
0xd4: {  	p0 =	sne.s32 s2, $0x0;
	[sflag:s31] =	ssyncpa.u1 $0x1  }
0xd5: {  	s0 =	simm.s32 @p0 $0x1;
	_ =	sfence @p0  }
0xd6: {  	[sflag:s0] =	ssyncpa.u1 @p0 $0x1;
	s0 =	simm.s32 @p0 $0x2  }
0xd7: {  	[sflag:s0] =	ssyncpa.u1 @p0 $0x1  }
0xd8: {  	_ =	strace @p0 $0x9000006B  }
0xd9: {  	[bflag:$0x2] =	sbarrier.arrive @p0 $0xFFFF  }
0xda: {  	_ =	shalt @p0  }
.LBB2_11:
0xdb: {  	_ =	sfence.stream.spmem;
	s0 =	simm.s32 $0x5  }
0xdc: {  	s2 =	simm.s32 $0x80;
	s3 =	simm.s32 $0xC0;
	[sflag:s0] =	ssyncpa.u1 $0x0  }
0xdd: {  	[tilespmem:s3], [sflag:$0x5] =	stream.linear.gather [spmem:s2], $0x20, $0x38;
	[tilespmem:$0xD410] =	vst v63  }
0xde: {  	s2 =	simm.s32 $0x0;
	s3 =	simm.s32 $0xE0  }
0xdf: {  	[tilespmem:s3], [sflag:$0x5] =	stream.linear.gather [spmem:s2], $0x20, $0x38;
	[tilespmem:$0xD410] =	vst v63  }
.Ltmp7:
0xe0: {  	_ = 	snop;
	(pc) =	sbr.rel .LBB2_12-.Ltmp7, $4  }
0xe1: {  	_ =	swait.ge [sflag:s0], $0x40  }
0xe2: {  	[sflag:s0] =	ssyncset.done $0x0  }
0xe3: {  	s31 =	simm.s32 $0x6;
	[sflag:s0] =	ssyncadd.s32 $0xFFFFFFC0  }
0xe4: {  	s4 =	simm.s32 $0x0;
	[sflag:s31] =	ssyncpa.u1 $0x0  }
.LBB2_17:
0xe5: {  	p0 =	sgt.u32 s5, $0xC3FF  }
0xe6: {  	s0 =	sshrl.u32 @!p0 s5, $0x3  }
0xe7: {  	s5 =	sand.u32 @!p0 $0x7, s5;
	s6 =	simm.s32 @!p0 $0xB0;
	s0 =	sadd.s32 @!p0 s1, s0  }
0xe8: {  	[tilespmem:s6], [sflag:$0x6] =	stream.linear.gather @!p0 [hbm4b:s0+s5], $0x1, $0x38;
	[tilespmem:$0xD410] =	vst v63  }
0xe9: {  	s0 =	simm.s32 @!p0 $0x6  }
0xea: {  	_ =	swait.ge @!p0 [sflag:s0], $0x1  }
0xeb: {  	[sflag:s0] =	ssyncset.done @!p0 $0x0  }
0xec: {  	[sflag:s0] =	ssyncadd.s32 @!p0 $0xFFFFFFFF  }
0xed: {  	v2 =	vmov @!p0 s4;
	v1 =	vld.msk @!p0 [tilespmem:$0xB0], $0x1;
	_ =	sdelay $0x3  }
0xee: {  	s0 =	simm.s32 @!p0 $0xE0  }
0xef: {  	[tilespmem:v2+s0+$0x0], v1 =	vst.idx.ret.add.f32.msk @!p0 $0x1, v1  }
0xf0: {  	[tilespmem:s2+$0xC0] =	vst.msk $0x1, v0  }
0xf1: {  	v0 =	vld.msk [tilespmem:s4+$0xE0], $0x1;
	_ =	sdelay $0x4  }
0xf2: {  	[tilespmem:s2+$0xE0] =	vst.msk $0x1, v0;
	s2 =	sadd.s32 $0x1, s2  }
.LBB2_19:
0xf3: {  	s4 =	sadd.s32 $0x1, s4  }
0xf4: {  	p0 =	sne.s32 s4, $0x20  }
.Ltmp8:
0xf5: {  	_ = 	snop;
	(pc) =	sbr.rel @!p0 .LBB2_20-.Ltmp8, $1  }
0xf6: {  	_ =	sdelay $0x3  }
.LBB2_12:
0xf7: {  	v0 =	vld.msk [tilespmem:s4+$0xC0], $0x1;
	_ =	sdelay $0x4  }
0xf8: {  	(v2sf) =	vpush v0, $0x0;
	_ =	sdelay $0xe  }
0xf9: {  	s5 =	spop (v2sf)  }
0xfa: {  	p0 =	seq.s32 s5, $0xFFFFFFFF  }
.Ltmp9:
0xfb: {  	_ = 	snop;
	(pc) =	sbr.rel @p0 .LBB2_19-.Ltmp9, $1  }
0xfc: {  	_ =	sdelay $0x3  }
0xfd: {  	p0 =	slt.s32 s2, $0x1  }
.Ltmp10:
0xfe: {  	_ = 	snop;
	(pc) =	sbr.rel @p0 .LBB2_17-.Ltmp10, $1  }
0xff: {  	_ =	sdelay $0x3  }
0x100: {  	s0 =	simm.s32 $0xC0;
	p0 =	por $0x0, $0x0  }
0x101: {  	v1 =	vld.msk @!p0 [tilespmem:s0+$0x0], $0x1;
	_ =	sdelay $0x4  }
0x102: {  	(v2sf) =	vpush @!p0 v1, $0x0;
	_ =	sdelay $0xd  }
0x103: {  	p2 =	sne.s32 s2, $0x1  }
.Ltmp11:
0x104: {  	s6 =	spop @!p0 (v2sf);
	(pc) =	sbr.rel @!p2 .LBB2_16-.Ltmp11, $4  }
0x105: {  	p1 =	seq.s32 @!p0 s5, s6  }
0x106: {  	s6 =	simm.s32 $0x0;
	p1 =	por !p1, p0  }
0x107: {  	s8 =	simm.s32 $0xFFFFFFFF;
	s6 =	simm.s32 @p1 $0xFFFFFFFF  }
0x108: {  	s7 =	simm.s32 $0x1;
	s6 =	smov.u32 @p0 s8  }
.LBB2_15:
0x109: {  	s8 =	smov.u32 s6;
	p0 =	sne.s32 s6, $0xFFFFFFFF  }
0x10a: {  	s0 =	sadd.s32 $0x1, s0;
	s6 =	smov.u32 s7;
	s7 =	sadd.s32 $0x1, s7  }
0x10b: {  	p1 =	sne.s32 s2, s7;
	v1 =	vld.msk @!p0 [tilespmem:s0+$0x0], $0x1;
	_ =	sdelay $0x4  }
0x10c: {  	(v2sf) =	vpush @!p0 v1, $0x0;
	_ =	sdelay $0xe  }
.Ltmp12:
0x10d: {  	s9 =	spop @!p0 (v2sf);
	(pc) =	sbr.rel @p1 .LBB2_15-.Ltmp12, $4  }
0x10e: {  	p2 =	seq.s32 @!p0 s5, s9  }
0x10f: {  	p2 =	por !p2, p0  }
0x110: {  	s6 =	simm.s32 @p2 $0xFFFFFFFF  }
0x111: {  	s6 =	smov.u32 @p0 s8  }
.LBB2_16:
0x112: {  	p0 =	sne.s32 s6, $0xFFFFFFFF  }
.Ltmp13:
0x113: {  	_ = 	snop;
	(pc) =	sbr.rel @!p0 .LBB2_17-.Ltmp13, $1  }
0x114: {  	_ =	sdelay $0x3  }
0x115: {  	v0 =	vld.msk [tilespmem:s4+$0xE0], $0x1;
	v1 =	vmov s6  }
.Ltmp14:
0x116: {  	_ = 	snop;
	(pc) =	sbr.rel .LBB2_19-.Ltmp14, $2  }
0x117: {  	_ =	sdelay $0x2  }
0x118: {  	[tilespmem:v1+s3+$0x0], v0 =	vst.idx.ret.add.f32.msk $0x1, v0  }
.LBB2_20:
0x119: {  	p0 =	slt.s32 s2, $0x1  }
.Ltmp15:
0x11a: {  	_ = 	snop;
	(pc) =	sbr.rel @p0 .LBB2_24-.Ltmp15, $3  }
0x11b: {  	_ =	sdelay $0x1  }
0x11c: {  	s0 =	simm.s32 $0x6  }
0x11d: {  	s3 =	simm.s32 $0x0;
	[sflag:s0] =	ssyncpa.u1 $0x1  }
0x11e: {  	s0 =	simm.s32 $0xC0  }
0x11f: {  	v0 =	vld.msk [tilespmem:s0+$0x0], $0x1;
	_ =	sdelay $0x4  }
0x120: {  	(v2sf) =	vpush v0, $0x0;
	_ =	sdelay $0xe  }
0x121: {  	s2 =	sadd.s32 $0xFFFFFFFF, s2;
	s4 =	spop (v2sf)  }
0x122: {  	p1 =	sne.s32 s2, $0x0;
	p0 =	sgt.u32 s4, $0xC3FF  }
.Ltmp16:
0x123: {  	s5 =	sshrl.u32 @!p0 s4, $0x3;
	(pc) =	sbr.rel @!p1 .LBB2_23-.Ltmp16, $4  }
0x124: {  	s0 =	simm.s32 $0xE0;
	s4 =	sand.u32 @!p0 $0x7, s4;
	s5 =	sadd.s32 @!p0 s1, s5  }
0x125: {  	[hbm4b:s5+s4] =	stream.linear.scatter @!p0 [tilespmem:s0], [sflag:$0x5], $0x1, $0x38;
	[tilespmem:$0xD410] =	vst v63  }
0x126: {  	s5 =	simm.s32 $0x0  }
0x127: {  	s4 =	simm.s32 $0xC1;
	s5 =	simm.s32 @!p0 $0x4  }
.LBB2_22:
0x128: {  	v0 =	vld.msk [tilespmem:s4+$0x0], $0x1;
	s2 =	sadd.s32 $0xFFFFFFFF, s2;
	s3 =	sadd.s32 s3, s5  }
0x129: {  	p0 =	sne.s32 s2, $0x0;
	_ =	sdelay $0x3  }
0x12a: {  	(v2sf) =	vpush v0, $0x0;
	_ =	sdelay $0xe  }
.Ltmp17:
0x12b: {  	s6 =	spop (v2sf);
	(pc) =	sbr.rel @p0 .LBB2_22-.Ltmp17, $4  }
0x12c: {  	s5 =	simm.s32 $0x0;
	p1 =	sgt.u32 s6, $0xC3FF  }
0x12d: {  	s0 =	sadd.s32 $0x1, s0;
	s5 =	simm.s32 @!p1 $0x4;
	s7 =	sshrl.u32 @!p1 s6, $0x3  }
0x12e: {  	s4 =	sadd.s32 $0x1, s4;
	s6 =	sand.u32 @!p1 $0x7, s6;
	s7 =	sadd.s32 @!p1 s1, s7  }
0x12f: {  	[hbm4b:s7+s6] =	stream.linear.scatter @!p1 [tilespmem:s0], [sflag:$0x5], $0x1, $0x38;
	[tilespmem:$0xD410] =	vst v63  }
.LBB2_23:
0x130: {  	s0 =	sadd.s32 s3, s5  }
0x131: {  	s3 =	sshrl.u32 s0, $0x2  }
.LBB2_24:
0x132: {  	s0 =	simm.s32 $0x5  }
0x133: {  	_ =	swait.ge [sflag:s0], s3  }
0x134: {  	s1 =	ssub.s32 $0x0, s3;
	[sflag:s0] =	ssyncset.done $0x0  }
0x135: {  	[sflag:s0] =	ssyncadd.s32 s1  }
0x136: {  	[sflag:s0] =	ssyncpa.u1 $0x1  }
0x137: {  	s29 =	simm.s32 $0x1;
	_ =	sfence  }
0x138: {  	s30 =	simm.s32 $0x2;
	[sflag:s29] =	ssyncpa.u1 $0x1  }
0x139: {  	[sflag:s30] =	ssyncpa.u1 $0x1  }
0x13a: {  	_ =	strace $0x9000006B  }
0x13b: {  	[bflag:$0x2] =	sbarrier.arrive $0xFFFF  }
0x13c: {  	s31 =	rddreg [dreg:$0x1]  }
0x13d: {  	s0 =	sadd.s32 $0x100000, s31  }
0x13e: {  	[sflag:s0] =	ssyncadd.tile.s32 $0x1;
	_ =	shalt  }
.Lfunc_end2:
_tile_overlayer_lowered:
.L_overlay_start_2:
0x13f: {  	(tag) =	ssettag $0x2  }
0x140: {  	s0 =	rddreg [dreg:$0x0];
	s2 =	stileid.u32  }
0x141: {  	s1 =	rddreg [dreg:$0x1];
	p0 =	sne.s32 s2, $0x0  }
0x142: {  	s3 =	rddreg [dreg:$0x2];
	[bflag:$0x3] =	sbarrier.arrive $0xFFFF;
	s2 =	simm.s32 @!p0 $0x1C01  }
0x143: {  	[timem:s3], [sflag:s2] =	dma.local @!p0 [hbm:s0], s1  }
0x144: {  	s0 =	simm.s32 @!p0 $0x1  }
0x145: {  	_ =	swait.ge @!p0 [sflag:s0], s1  }
0x146: {  	s1 =	ssub.s32 @!p0 $0x0, s1;
	[sflag:s0] =	ssyncset.done @!p0 $0x0  }
0x147: {  	[sflag:s0] =	ssyncadd.s32 @!p0 s1  }
0x148: {  	[bflag:$0x3] =	sbarrier.arrive $0xFFFF  }
0x149: {  	_ =	shalt  }

// kernel: scatter_offload_async_start.8
scs
__scs_entry_jumppad:
0x0: {  	(pc) =	sbr.rel $0x88, $3  }
0x1: {  	(tag) =	ssettag $0x0;
	lr =	simm.s32 $0x1  }
0x2: {  	[smem:$0x3F9C] =	sst lr;
	_ =	strace $0xD0000000  }
0x3: {  	_ = 	snop  }
0x4: {  	_ = 	snop  }
0x5: {  	_ = 	snop  }
0x6: {  	_ = 	snop  }
0x7: {  	_ = 	snop  }
__scs_overlays_trampoline_lowered:
0x8: {  	[smem:$0x3FAB] =	sst s0  }
0x9: {  	[smem:$0x3FAC] =	sst s1  }
0xa: {  	[smem:$0x3FAD] =	sst s2  }
0xb: {  	[smem:$0x3FAE] =	sst s3  }
0xc: {  	[smem:$0x3FAF] =	sst s4  }
0xd: {  	[smem:$0x3FB0] =	sst s5  }
0xe: {  	[smem:$0x3FB1] =	sst s6  }
0xf: {  	[smem:$0x3FB2] =	sst s7  }
0x10: {  	[smem:$0x3FB3] =	sst s8  }
0x11: {  	[smem:$0x3FB4] =	sst s9;
	s0 =	simm.s32 @!p0 $0x0  }
0x12: {  	s1 =	sld [smem:$0x3F9A];
	s0 =	simm.s32 @p0 $0x1  }
0x13: {  	[smem:$0x3FB5] =	sst s0;
	s0 =	simm.s32 @!p1 $0x0  }
0x14: {  	s2 =	sld [smem:$0x3F99];
	s0 =	simm.s32 @p1 $0x1  }
0x15: {  	[smem:$0x3FB6] =	sst s0;
	s0 =	simm.s32 @!p2 $0x0  }
0x16: {  	s3 =	sld [smem:$0x3FDB];
	s0 =	simm.s32 @p2 $0x1  }
0x17: {  	s4 =	simm.s32 $0x1BF5;
	[smem:$0x3FB8] =	sst s0  }
0x18: {  	s0 =	sld [smem:$0x3F9B];
	_ =	swait.ge [sflag:s4], $0x0  }
0x19: {  	s7 =	sld [smem:$0x3F9C]  }
0x1a: {  	s8 =	sadd.s32 $0xFFFFE003, lr  }
0x1b: {  	s9 =	sadd.s32 $0xFFFFFEF7, lr;
	s5 =	simm.s32 $0xFFFFFFFF;
	p2 =	slt.u32 s8, $0xFFFFF086  }
0x1c: {  	p1 =	slt.u32 s9, $0xF7A;
	s5 =	simm.s32 @!p2 $0x0  }
0x1d: {  	s5 =	simm.s32 @p1 $0x1;
	p0 =	seq.s32 s7, s2  }
0x1e: {  	s7 =	smul.u32 @!p0 $0xF7A, s2;
	p2 =	seq.s32 @!p0 s5, $0x0  }
0x1f: {  	s9 =	smul.u32 $0xF7A, s1;
	s8 =	simm.s32 @!p0 $0x1BF5;
	p2 =	por !p2, p0  }
0x20: {  	[sflag:s8] =	ssyncset.s32 @!p0 $0xFFFFF086;
	s6 =	sadd.s32 @!p0 s3, s7;
	s7 =	simm.s32 @!p0 $0x108  }
0x21: {  	s3 =	sadd.s32 s3, s9;
	s6 =	sadd.s32 @!p0 $0x88, s6;
	s7 =	simm.s32 @p2 $0x1082  }
0x22: {  	[simem:s7], [sflag:s8] =	dma.local @!p0 [hbm:s6], $0xF7A  }
0x23: {  	s9 =	sor.u32 $0xD0000000, s2;
	s6 =	simm.s32 $0x108;
	_ =	swait.ge @!p0 [sflag:s8], $0x0  }
0x24: {  	s3 =	sadd.s32 $0x88, s3;
	s6 =	simm.s32 @!p1 $0x1082;
	[sflag:s4] =	ssyncset.s32 $0xFFFFF086  }
0x25: {  	[simem:s6], [sflag:s4] =	dma.local [hbm:s3], $0xF7A  }
0x26: {  	[smem:$0x3F9C] =	sst s1;
	(tag) =	ssettag s2;
	_ =	strace s9  }
0x27: {  	s1 =	sld [smem:$0x3FAC]  }
0x28: {  	s2 =	sld [smem:$0x3FAD]  }
0x29: {  	s4 =	sld [smem:$0x3FAF]  }
0x2a: {  	p0 =	seq.s32 s5, $0x0;
	s5 =	sld [smem:$0x3FB0]  }
0x2b: {  	s6 =	sld [smem:$0x3FB1]  }
0x2c: {  	s7 =	sld [smem:$0x3FB2]  }
0x2d: {  	s3 =	simm.s32 $0x108;
	s8 =	sld [smem:$0x3FB3]  }
0x2e: {  	s3 =	simm.s32 @!p0 $0x1082;
	s9 =	sld [smem:$0x3FB4]  }
0x2f: {  	lr =	sadd.s32 s0, s3;
	s0 =	sld [smem:$0x3FAB]  }
0x30: {  	s3 =	sld [smem:$0x3FAE]  }
0x31: {  	[smem:$0x3FB7] =	sst s10  }
0x32: {  	s10 =	sld [smem:$0x3FB5];
	_ =	sdelay $0x3  }
0x33: {  	p0 =	seq.s32 s10, $0x1;
	s10 =	sld [smem:$0x3FB7];
	_ =	sdelay $0x3  }
0x34: {  	[smem:$0x3FB7] =	sst s10  }
0x35: {  	s10 =	sld [smem:$0x3FB6];
	_ =	sdelay $0x3  }
0x36: {  	p1 =	seq.s32 s10, $0x1;
	s10 =	sld [smem:$0x3FB7];
	_ =	sdelay $0x3  }
0x37: {  	[smem:$0x3FB7] =	sst s10  }
0x38: {  	s10 =	sld [smem:$0x3FB8]  }
0x39: {  	_ = 	snop;
	(pc) =	sbr.ind lr, $3  }
0x3a: {  	_ = 	snop  }
0x3b: {  	_ = 	snop  }
0x3c: {  	p2 =	seq.s32 s10, $0x1;
	s10 =	sld [smem:$0x3FB7]  }
0x3d: {  	_ =	shalt  }
0x3e: {  	_ =	shalt  }
0x3f: {  	_ =	shalt  }
0x40: {  	_ =	shalt  }
0x41: {  	_ =	shalt  }
0x42: {  	_ =	shalt  }
0x43: {  	_ =	shalt  }
0x44: {  	_ =	shalt  }
0x45: {  	_ =	shalt  }
0x46: {  	_ =	shalt  }
0x47: {  	_ =	shalt  }
0x48: {  	_ =	shalt  }
0x49: {  	_ =	shalt  }
0x4a: {  	_ =	shalt  }
0x4b: {  	_ =	shalt  }
0x4c: {  	_ =	shalt  }
0x4d: {  	_ =	shalt  }
0x4e: {  	_ =	shalt  }
0x4f: {  	_ =	shalt  }
0x50: {  	_ =	shalt  }
0x51: {  	_ =	shalt  }
0x52: {  	_ =	shalt  }
0x53: {  	_ =	shalt  }
0x54: {  	_ =	shalt  }
0x55: {  	_ =	shalt  }
0x56: {  	_ =	shalt  }
0x57: {  	_ =	shalt  }
0x58: {  	_ =	shalt  }
0x59: {  	_ =	shalt  }
0x5a: {  	_ =	shalt  }
0x5b: {  	_ =	shalt  }
0x5c: {  	_ =	shalt  }
0x5d: {  	_ =	shalt  }
0x5e: {  	_ =	shalt  }
0x5f: {  	_ =	shalt  }
0x60: {  	_ =	shalt  }
0x61: {  	_ =	shalt  }
0x62: {  	_ =	shalt  }
0x63: {  	_ =	shalt  }
0x64: {  	_ =	shalt  }
0x65: {  	_ =	shalt  }
0x66: {  	_ =	shalt  }
0x67: {  	_ =	shalt  }
0x68: {  	_ =	shalt  }
0x69: {  	_ =	shalt  }
0x6a: {  	_ =	shalt  }
0x6b: {  	_ =	shalt  }
0x6c: {  	_ =	shalt  }
0x6d: {  	_ =	shalt  }
0x6e: {  	_ =	shalt  }
0x6f: {  	_ =	shalt  }
0x70: {  	_ =	shalt  }
0x71: {  	_ =	shalt  }
0x72: {  	_ =	shalt  }
0x73: {  	_ =	shalt  }
0x74: {  	_ =	shalt  }
0x75: {  	_ =	shalt  }
0x76: {  	_ =	shalt  }
0x77: {  	_ =	shalt  }
0x78: {  	_ =	shalt  }
0x79: {  	_ =	shalt  }
0x7a: {  	_ =	shalt  }
0x7b: {  	_ =	shalt  }
0x7c: {  	_ =	shalt  }
0x7d: {  	_ =	shalt  }
0x7e: {  	_ =	shalt  }
0x7f: {  	_ =	shalt  }
0x80: {  	_ =	shalt  }
0x81: {  	_ =	shalt  }
0x82: {  	_ =	shalt  }
0x83: {  	_ =	shalt  }
0x84: {  	_ =	shalt  }
0x85: {  	_ =	shalt  }
0x86: {  	_ =	shalt  }
0x87: {  	_ =	shalt  }
.Lfunc_end0:
.L_simem_size_0:
called_computation.8_lowered:
.L_overlay_start_0:
0x88: {  	s0 =	sld [smem:$0x3FD9]  }
0x89: {  	s1 =	sld [smem:$0x3FFE];
	_ =	sdelay $0x3  }
0x8a: {  	s0 =	sadd.s32 s1, s0  }
0x8b: {  	[smem:$0x3FC3] =	sst s0  }
0x8c: {  	_ = 	snop  }
0x8d: {  	(tm) =	ssettm $0x1  }
0x8e: {  	s15 =	sld [smem:$0x3FFB];
	_ =	sdelay $0x3  }
0x8f: {  	_ =	strace s15  }
0x90: {  	s0 =	sld [smem:$0x3FFC];
	_ =	sdelay $0x3  }
0x91: {  	_ =	strace s0  }
0x92: {  	s0 =	sld [smem:$0x3FFD];
	_ =	sdelay $0x3  }
0x93: {  	_ =	strace s0  }
0x94: {  	_ =	strace $0x8FFFFFFF  }
0x95: {  	s16 =	sld [smem:$0x3FDB];
	_ =	sdelay $0x1  }
0x96: {  	s17 =	simm.s32 $_scs_section_size  }
0x97: {  	s2 =	simm.s32 $_size__tile_overlayer_lowered;
	s3 =	simm.s32 $_tile_overlayer_lowered  }
0x98: {  	s20 =	simm.s32 $0x1BFF;
	s19 =	sshll.u32 s3, $0x1;
	s0 =	sadd.s32 s17, s16  }
0x99: {  	s4 =	simm.s32 $0x0;
	s18 =	sshll.u32 s2, $0x1;
	s2 =	sadd.s32 s19, s0  }
0x9a: {  	[timem:s4], [sflag:s20] =	dma.local [hbm:s2], s18  }
0x9b: {  	_ =	swait.ge [sflag:s20], s18  }
0x9c: {  	s1 =	ssub.s32 $0x0, s18;
	[sflag:s20] =	ssyncset.done $0x0  }
0x9d: {  	[sflag:s20] =	ssyncadd.s32 s1;
	_ =	sdelay $0x1  }
0x9e: {  	s21 =	simm.s32 $0x1B8B  }
0x9f: {  	_ =	swait.ge [sflag:s21], $0x1  }
0xa0: {  	[sflag:s21] =	ssyncset.done $0x0  }
0xa1: {  	s23 =	simm.s32 $0x1B8E;
	s22 =	sld [smem:$0x3FFE];
	[sflag:s21] =	ssyncadd.s32 $0xFFFFFFFF  }
0xa2: {  	s24 =	simm.s32 $execute0_lowered;
	[smem:$0x3FD2] =	sst s23  }
0xa3: {  	s2 =	sshll.u32 s24, $0x1;
	_ =	strace $0x8000006D;
	[dreg:$0x1] =	wrdreg $0xFFFFFFFF  }
0xa4: {  	s25 =	simm.s32 $_size_execute0_lowered;
	s0 =	sadd.s32 s0, s2;
	[dreg:$0x0] =	wrdreg $0x0  }
0xa5: {  	s2 =	sshll.u32 s25, $0x1;
	[dreg:$0x2] =	wrdreg s0  }
0xa6: {  	[dreg:$0x3] =	wrdreg s2  }
0xa7: {  	[dreg:$0x4] =	wrdreg $0xC0  }
0xa8: {  	_ =	task [dreg:s4], $0x5FFFF  }
0xa9: {  	[dreg:$0x1] =	wrdreg $0xFFFFFFFF  }
0xaa: {  	[dreg:$0x0] =	wrdreg $0x60  }
0xab: {  	[dreg:$0x2] =	wrdreg s22  }
0xac: {  	[dreg:$0x3] =	wrdreg $0x9  }
0xad: {  	_ =	task.clear_ibuf [dreg:s4], $0x4FFFF;
	_ =	strace $0x9000006D  }
0xae: {  	s26 =	simm.s32 $0x9;
	_ =	strace $0x8000006F  }
0xaf: {  	_ =	swait.ge [sflag:s26], $0x1  }
0xb0: {  	[sflag:s26] =	ssyncadd.s32 $0xFFFFFFFF  }
0xb1: {  	_ =	strace $0x9000006F  }
0xb2: {  	_ =	sfence  }
0xb3: {  	s28 =	sld [smem:$0x0];
	_ =	sdelay $0x1  }
0xb4: {  	s29 =	srdreg.scid  }
0xb5: {  	s30 =	sshll.u32 s29, $0xD;
	s31 =	sshrl.u32 s29, $0x2  }
0xb6: {  	s1 =	sand.u32 $0x1, s29;
	s2 =	sand.u32 $0x4000, s30;
	s0 =	sadd.s32 s31, s28  }
0xb7: {  	s1 =	sor.u32 s2, s1;
	s0 =	sshll.u32 s0, $0x11  }
0xb8: {  	s0 =	sor.u32 s0, s1  }
0xb9: {  	s0 =	sadd.s32 $0x8F2B, s0  }
0xba: {  	[sflag:s0] =	ssyncadd.remote.s32 $0x1  }
0xbb: {  	_ =	sfence.sel $0xFFFF  }
0xbc: {  	[dreg:$0x0] =	wrdreg $0xFFFFFFFF;
	(pc) =	sbr.abs _section_cstart, $3  }
0xbd: {  	[dreg:$0x1] =	wrdreg $0xFFFFFFFF  }
0xbe: {  	_ =	task.clear_ibuf [dreg:s4], $0x2FFFF;
	_ =	strace $0x9FFFFFFF  }
0xbf: {  	(tm) =	ssettm $0x7FFFFFFF  }
tec
execute0_lowered:
.L_overlay_start_1:
0x0: {  	(tag) =	ssettag $0x1  }
0x1: {  	s1 =	rddreg [dreg:$0x0]  }
0x2: {  	_ =	strace $0x8000006E;
	s6 =	stileid.u32;
	s0 =	simm.s32 $0x1  }
0x3: {  	v1 =	vimm.s32 $0xFFFFFFFF;
	s2 =	smin.u32 s6, $0xB;
	s3 =	sshll.u32 s6, $0x2;
	[sflag:s0] =	ssyncpa.u1 $0x0  }
0x4: {  	s2 =	sadd.s32 s2, s3;
	[tilespmem:$0x10] =	vst v1  }
0x5: {  	v0 =	vimm.f32 $0.0e+00;
	p0 =	slt.u32 s6, $0xB;
	[tilespmem:$0x20] =	vst v1;
	s3 =	smul.u32 $0x1770, s2;
	s2 =	simm.s32 $0x7530  }
0x6: {  	[tilespmem:$0x30] =	vst v0;
	s2 =	simm.s32 @!p0 $0x5DC0  }
0x7: {  	[tilespmem:$0x40] =	vst v0;
	s2 =	sadd.s32 s2, s3  }
0x8: {  	s7 =	simm.s32 $0x2;
	[tilespmem:$0x50] =	vst v0;
	s4 =	smin.u32 s2, $0x6DDD0  }
0x9: {  	s31 =	simm.s32 $0x9;
	s16 =	simm.s32 $0x0;
	[tilespmem:$0x60] =	vst v1;
	s2 =	ssub.s32 s4, s3  }
0xa: {  	s17 =	simm.s32 $0xF0;
	s18 =	simm.s32 $0xFFFFFFFF;
	[tilespmem:$0x70] =	vst v1;
	p0 =	sgt.s32 s2, $0x0  }
0xb: {  	s19 =	simm.s32 $0xFFFFD220;
	s20 =	simm.s32 $0xFFFFFFFE;
	[tilespmem:$0x80] =	vst v1;
	s2 =	simm.s32 @!p0 $0x0  }
0xc: {  	s21 =	simm.s32 $0xF;
	s8 =	sadd.s32 $0x55600, s1;
	v1 =	vimm.s32 $0x0;
	[tilespmem:$0xB0] =	vst v0;
	s5 =	smulhi.u32 $0x57619F1, s2  }
0xd: {  	s25 =	simm.s32 $0x0;
	s24 =	simm.s32 $0x0;
	[dreg:$0x2] =	wrdreg s8;
	[tilespmem:$0x90] =	vst v1  }
0xe: {  	[tilespmem:$0xA0] =	vst v1;
	[sflag:s7] =	ssyncpa.u1 $0x0;
	s7 =	simm.s32 $0x7;
	s9 =	sshrl.u32 s5, $0x7  }
0xf: {  	s8 =	simm.s32 $0x8;
	[sflag:s7] =	ssyncpa.u1 $0x0;
	s10 =	smul.u32 $0x1770, s9  }
.Ltmp0:
0x10: {  	s14 =	sshllo.u32 s6, $0x1;
	[sflag:s8] =	ssyncpa.u1 $0x0;
	(pc) =	sbr.rel .LBB2_1-.Ltmp0, $4  }
0x11: {  	s23 =	smov.u32 s3;
	[sflag:s31] =	ssyncpa.u1 $0x0;
	p0 =	sne.s32 s2, s10  }
0x12: {  	s5 =	sadd.s32 $0x47A00, s1;
	s10 =	sshll.u32 s6, $0x1;
	s0 =	simm.s32 @!p0 $0x0  }
0x13: {  	vm0 =	vmmov $0xffff;
	v2 =	vlaneseq.u32;
	s13 =	sor.u32 $0x81, s10;
	s15 =	sor.u32 $0x80, s10;
	s9 =	sadd.s32 s0, s9  }
0x14: {  	vm1 =	vmxor vm1, vm1;
	vm2 =	vmmov $0x1;
	vm3 =	vcmask $0x3F3C;
	p0 =	por $0x0, $0x0;
	s11 =	sadd.s32 $0x1, s9;
	s12 =	sadd.s32 $0x2, s9  }
.LBB2_9:
0x15: {  	p1 =	slt.u32 s24, $0x3  }
0x16: {  	s0 =	simm.s32 @!p1 $0x2  }
0x17: {  	_ =	swait.ge @!p1 [sflag:s0], $0x1770  }
0x18: {  	[sflag:s0] =	ssyncset.done @!p1 $0x0  }
0x19: {  	[sflag:s0] =	ssyncadd.s32 @!p1 $0xFFFFE890;
	s0 =	simm.s32 @!p1 $0x9  }
0x1a: {  	_ =	swait.ge @!p1 [sflag:s0], $0x10  }
0x1b: {  	[sflag:s0] =	ssyncset.done @!p1 $0x0  }
0x1c: {  	[sflag:s0] =	ssyncadd.s32 @!p1 $0xFFFFFFF0;
	p1 =	sne.s32 s24, s12  }
.Ltmp1:
0x1d: {  	s2 =	sadd.s32 $0x1770, s23;
	(pc) =	sbr.rel @!p1 .LBB2_10-.Ltmp1, $4  }
0x1e: {  	s6 =	smov.u32 s3;
	s31 =	sadd.s32 $0x1, s24;
	s17 =	sadd.s32 $0x1770, s17  }
0x1f: {  	s18 =	sadd.s32 $0x1, s18;
	s25 =	smov.u32 s23;
	p2 =	slt.s32 s2, s4  }
0x20: {  	p0 =	por !p0, !p0;
	s19 =	sadd.s32 $0x1770, s19;
	s6 =	smov.u32 @p2 s2  }
0x21: {  	s20 =	sadd.s32 $0x1, s20;
	s23 =	smov.u32 s6;
	s24 =	smov.u32 s31  }
.LBB2_1:
0x22: {  	p1 =	sge.u32 s24, s9  }
0x23: {  	s0 =	smulhi.u32 @!p1 $0xAAAAAAAB, s24;
	_ =	sdelay $0x1  }
0x24: {  	s0 =	sshrl.u32 @!p1 s0, $0x1  }
0x25: {  	s0 =	smul.u32 @!p1 $0x3, s0;
	_ =	sdelay $0x1  }
0x26: {  	s0 =	ssub.s32 @!p1 s24, s0  }
0x27: {  	s0 =	smul.u32 @!p1 $0x5DC0, s0;
	_ =	sdelay $0x1  }
0x28: {  	s2 =	sshrl.u32 @!p1 s23, $0x3;
	s0 =	sshrl.u32 @!p1 s0, $0x2  }
0x29: {  	s22 =	sand.u32 @!p1 $0x7, s23;
	s2 =	sadd.s32 @!p1 s5, s2;
	s0 =	sadd.s32 @!p1 $0x100, s0  }
0x2a: {  	[tilespmem:s0], [sflag:$0x7] =	stream.linear.gather @!p1 [hbm4b:s2+s22], $0x1770, $0x38;
	[tilespmem:$0xD410] =	vst v63  }
0x2b: {  	s0 =	sadd.s32 $0xFFFFFFFF, s24  }
0x2c: {  	p1 =	sge.u32 s0, s9  }
.Ltmp2:
0x2d: {  	_ = 	snop;
	(pc) =	sbr.rel @p1 .LBB2_5-.Ltmp2, $1  }
0x2e: {  	_ =	sdelay $0x3  }
0x2f: {  	s2 =	smulhi.u32 $0xAAAAAAAB, s0;
	_ =	sdelay $0x1  }
0x30: {  	s2 =	sshrl.u32 s2, $0x1  }
0x31: {  	s2 =	smul.u32 $0x3, s2;
	_ =	sdelay $0x1  }
0x32: {  	s2 =	ssub.s32 s0, s2  }
0x33: {  	s2 =	smul.u32 $0x5DC0, s2  }
0x34: {  	_ =	swait.ge [sflag:s7], $0x1770  }
0x35: {  	[sflag:s7] =	ssyncset.done $0x0;
	s2 =	sshrl.u32 s2, $0x2  }
0x36: {  	[sflag:s7] =	ssyncadd.s32 $0xFFFFE890;
	(ifvalue) =	ssetifvalue $0xFFFFFFFF;
	v3 =	vld.msk [tilespmem:s2+$0x100 ss:$0x1], $0xffff;
	_ =	sdelay $0x2  }
0x37: {  	s30 =	smulhi.u32 $0xAAAAAAAB, s18;
	p1 =	sne.s32 s24, $0x1  }
0x38: {  	v4 =	vimm.s32 @!p1 $0x0  }
0x39: {  	s2 =	sshrl.u32 s30, $0x1;
	v4 =	vperm.xlane @!p1 v3, v4  }
0x3a: {  	s22 =	sshll.u32 s24, $0x4;
	s2 =	smul.u32 $0xFFFEE6C0, s2;
	vm4 =	vlt.u32 v3, $0xC400  }
0x3b: {  	s22 =	sand.u32 $0x10, s22;
	v3 =	vnsel vm4, $0xFFFFFFFE, v3;
	vm4 =	vlt.u32 @!p1 v4, $0xC400  }
0x3c: {  	s2 =	sshra.s32 s2, $0x2;
	[tilespmem:s22+$0x60] =	vst v3;
	v3 =	vnsel @!p1 vm4, $0xFFFFFFFE, v4  }
0x3d: {  	s28 =	sadd.s32 s2, s17;
	[tilespmem:$0x80] =	vst @!p1 v3  }
0x3e: {  	v3 =	vld.msk [tilespmem:s28+$0x0 ss:$0x1], $0xffff;
	_ =	sdelay $0x4  }
0x3f: {  	(xrf1) =	vunique.msk.u32 $0xffff, v3;
	_ =	sdelay $0xd  }
0x40: {  	v4 =	vimm.s32 $0xFFFFFFFF;
	v5, _, _ =	vpop (xrf1)  }
0x41: {  	vm5 =	vne.s32 v3, v4;
	vm4 =	veq.s32 v5, v2  }
0x42: {  	vm6 =	vlt.u32 v3, $0xC400;
	vm4 =	vmand vm5, vm4  }
0x43: {  	vm4 =	vmand vm6, vm4  }
0x44: {  	v4 =	vnsel vm4, $0xFFFFFFFF, v3  }
0x45: {  	s31 =	sand.u32 $0x1, s0  }
0x46: {  	s0 =	simm.s32 $0x1770;
	p1 =	seq.s32 s31, $0x1  }
0x47: {  	s0 =	simm.s32 @!p1 $0x0  }
0x48: {  	s26 =	sadd.s32 $0x5EB0, s0;
	(ifvalue) =	ssetifvalue $0xFFFFFFFF  }
0x49: {  	v3 =	vperm.xlane v3, v1;
	[tilespmem:s26], [sflag:$0x8] =	stream.indirect_vreg.gather [hbm4b:s1+s16], $0x1, v4, vm0, $0x4038;
	v4 =	vnsel vm6, $0xFFFFFFFE, v4;
	[tilespmem:$0xD410] =	vst v63  }
0x4a: {  	s2 =	simm.s32 $0x0;
	s22 =	sadd.s32 $0xFFFFFFF0, s28;
	[tilespmem:s28+$0x0] =	vst v4  }
.LBB2_3:
0x4b: {  	v4 =	vld.msk [tilespmem:s22+$0x0 ss:$0x1], $0xffff;
	s2 =	sadd.s32 $0x10, s2;
	v5 =	vmov v3;
	s28 =	smov.u32 s22  }
0x4c: {  	p1 =	slt.u32 s2, $0x1760;
	_ =	sdelay $0x4  }
0x4d: {  	v3 =	vperm.xlane v4, v1;
	(xrf1) =	vunique.msk.u32 $0xffff, v4;
	_ =	sdelay $0xd  }
0x4e: {  	v6, _, _ =	vpop (xrf1)  }
0x4f: {  	vm5 =	vne.s32 v4, v5;
	vm4 =	veq.s32 v6, v2  }
0x50: {  	vm6 =	vlt.u32 v4, $0xC400;
	vm4 =	vmand vm5, vm4  }
0x51: {  	vm4 =	vmand vm6, vm4  }
0x52: {  	v4 =	vnsel vm4, $0xFFFFFFFF, v4  }
.Ltmp3:
0x53: {  	v5 =	vnsel vm6, $0xFFFFFFFE, v4;
	(pc) =	sbr.rel @p1 .LBB2_3-.Ltmp3, $3  }
0x54: {  	_ =	sdelay $0x1  }
0x55: {  	s22 =	sadd.s32 $0xFFFFFFF0, s22;
	s26 =	sadd.s32 $0xFFFFFFF0, s26;
	(ifvalue) =	ssetifvalue $0xFFFFFFFF  }
0x56: {  	[tilespmem:s26], [sflag:$0x8] =	stream.indirect_vreg.gather [hbm4b:s1+s16], $0x1, v4, vm0, $0x4038;
	[tilespmem:s28+$0x0] =	vst v5  }
0x57: {  	s2 =	sshrl.u32 s25, $0x3;
	s6 =	rddreg [dreg:$0x2]  }
0x58: {  	s0 =	sadd.s32 $0x7630, s0;
	s2 =	sadd.s32 s6, s2  }
0x59: {  	[tilespmem:s0], [sflag:$0x8] =	stream.linear.gather [hbm:s2], $0x1770, $0x38;
	[tilespmem:$0xD410] =	vst v63  }
.LBB2_5:
0x5a: {  	p1 =	slt.u32 s24, $0x2  }
0x5b: {  	p2 =	sge.u32 @!p1 s24, s12  }
0x5c: {  	p1 =	por p1, p2  }
.Ltmp4:
0x5d: {  	_ = 	snop;
	(pc) =	sbr.rel @p1 .LBB2_9-.Ltmp4, $1  }
0x5e: {  	_ =	sdelay $0x3  }
0x5f: {  	s0 =	sadd.s32 $0xFFFFFFFE, s24  }
0x60: {  	s2 =	smulhi.u32 $0xAAAAAAAB, s0;
	_ =	sdelay $0x1  }
0x61: {  	s2 =	sshrl.u32 s2, $0x1  }
0x62: {  	s2 =	smul.u32 $0x3, s2;
	_ =	sdelay $0x1  }
0x63: {  	s0 =	ssub.s32 s0, s2  }
0x64: {  	_ =	swait.ge [sflag:s8], $0x2EE0;
	s0 =	smul.u32 $0x1770, s0  }
0x65: {  	p1 =	sne.s32 s24, s11;
	[sflag:s8] =	ssyncset.done $0x0  }
0x66: {  	[sflag:s8] =	ssyncadd.s32 $0xFFFFD120;
	s2 =	sadd.s32 @!p1 $0x186F, s0  }
0x67: {  	[spmem:s13] =	stream.linear.scatter @!p1 [tilespmem:s2], [sflag:$0x1], $0x1, $0x38;
	[tilespmem:$0xD410] =	vst v63  }
0x68: {  	s2 =	simm.s32 @!p1 $0x1  }
0x69: {  	_ =	swait.ge @!p1 [sflag:s2], $0x1  }
0x6a: {  	s22 =	sshll.u32 s24, $0x4;
	[sflag:s2] =	ssyncset.done @!p1 $0x0  }
0x6b: {  	s25 =	sand.u32 $0x10, s22;
	[sflag:s2] =	ssyncadd.s32 @!p1 $0xFFFFFFFF  }
0x6c: {  	s2 =	sxor.u32 $0x10, s25;
	v4 =	vld [tilespmem:s25+$0x10]  }
0x6d: {  	v5 =	vld [tilespmem:s2+$0x60]  }
0x6e: {  	v3 =	vld [tilespmem:$0x80];
	_ =	sdelay $0x2  }
0x6f: {  	(v2sf) =	vpush v4, $0x0  }
0x70: {  	(v2sf) =	vpush v5, $0x0  }
0x71: {  	(v2sf) =	vpush v3, $0x0;
	_ =	sdelay $0xc  }
0x72: {  	s6 =	spop (v2sf)  }
0x73: {  	s28 =	spop (v2sf)  }
0x74: {  	s26 =	spop (v2sf)  }
0x75: {  	p2 =	seq.s32 s6, s28;
	p3 =	seq.s32 s26, s6  }
0x76: {  	p3 =	por p2, p3  }
0x77: {  	s6 =	sand.u32 $0x1, s24;
	v4 =	vpsel p3, $0xFFFFFFFF, v4  }
0x78: {  	s28 =	smul.u32 $0x1770, s6;
	[tilespmem:s25+$0x10] =	vst.msk $0x1, v4  }
0x79: {  	v4 =	vld [tilespmem:$0x30]  }
0x7a: {  	v5 =	vld [tilespmem:s28+$0x7630]  }
0x7b: {  	v6 =	vld [tilespmem:s25+$0x40];
	_ =	sdelay $0x3  }
0x7c: {  	vm4 =	vmmov vm1;
	v5 =	vadd.f32 v5, v4  }
0x7d: {  	vm5 =	vmmov vm2;
	vm4 =	vmmov @p2 vm2;
	v4 =	vadd.f32 v6, v4  }
0x7e: {  	s22 =	sshll.u32 s6, $0x4;
	vm5 =	vmmov @p3 vm1;
	[tilespmem:s28+$0x7630] =	vst.msk vm4, v5  }
0x7f: {  	[tilespmem:s22+$0xD3F0] =	vst.msk vm5, v4  }
0x80: {  	v4 =	vld [tilespmem:s28+$0x5EB0];
	_ =	sdelay $0x3  }
0x81: {  	v5 =	vimm.f32 $0.0e+00  }
0x82: {  	v4 =	vshift.insert v4, v5, s21  }
0x83: {  	s29 =	sor.u32 $0x40, s2  }
0x84: {  	[tilespmem:s29+$0x0] =	vst.msk $0x1, v4  }
0x85: {  	[tilespmem:s28+$0x5EBF] =	vst.msk $0x1, v5  }
0x86: {  	v4 =	vld [tilespmem:s0+$0x1860];
	_ =	sdelay $0x1  }
0x87: {  	s29 =	smulhi.u32 $0xAAAAAAAB, s20;
	s0 =	simm.s32 $0x1  }
0x88: {  	s0 =	simm.s32 @!p0 $0x0  }
0x89: {  	s29 =	sshrl.u32 s29, $0x1;
	s0 =	smul.u32 $0x5DC0, s0  }
0x8a: {  	s29 =	smul.u32 $0xFFFEE6C0, s29;
	v4 =	vshift.insert v4, v1, s21  }
0x8b: {  	s0 =	sshrl.u32 s0, $0x2  }
0x8c: {  	s29 =	sshra.s32 s29, $0x2;
	s30 =	sadd.s32 $0x7630, s0;
	[tilespmem:s2+$0x10] =	vst.msk $0x1, v4  }
0x8d: {  	s6 =	sadd.s32 s29, s19;
	v6 =	vld [tilespmem:s30+$0x0]  }
0x8e: {  	v7 =	vld [tilespmem:s6+$0x0];
	_ =	sdelay $0x3  }
0x8f: {  	v5 =	vadd.f32 v6, v5  }
0x90: {  	vm4 =	vne.s32 v7, $0xFFFFFFFF  }
0x91: {  	(xrf2) =	vadd.seg.scan.f32 vm4, v5;
	_ =	sdelay $0x3  }
0x92: {  	s31 =	sadd.s32 $0x4750, s0;
	v5 =	vperm.xlane v4, v1  }
0x93: {  	v6 =	vld [tilespmem:s31+$0x0]  }
0x94: {  	vm5 =	veq.s32 v7, v3;
	vm6 =	veq.s32 v7, v5  }
0x95: {  	vm7 =	vgt.u32 v7, $0xFFFFFFFD;
	vm6 =	vmor vm6, vm5  }
0x96: {  	vm6 =	vmor vm6, vm7  }
0x97: {  	v9 =	vld [tilespmem:$0xA0];
	v7 =	vsel vm6, $0xFFFFFFFF, v7  }
0x98: {  	v10 =	vld [tilespmem:$0x90];
	v6 =	vsel vm5, $0x0, v6;
	v8, _, _ =	vpop (xrf2)  }
0x99: {  	v6 =	vadd.f32 v8, v6  }
0x9a: {  	s0 =	sadd.s32 $0xA510, s0  }
0x9b: {  	vm4 =	vmand vm4, vm3;
	[tilespmem:s0+$0x0] =	vst v6;
	(ifvalue) =	ssetifvalue $0xFFFFFFFF  }
0x9c: {  	vm6 =	veq.s32 v9, $0x1;
	[hbm4b:s1+s16] =	stream.indirect_vreg.scatter [tilespmem:s0], [sflag:$0x2], $0x1, v7, vm0, $0x4038;
	v7 =	vsel vm4, $0x0, v8;
	[tilespmem:$0xD410] =	vst v63  }
0x9d: {  	s29 =	sadd.s32 $0xD3F0, s22;
	s22 =	sadd.s32 $0x10, s6;
	s2 =	simm.s32 $0x0;
	vm4 =	vmor vm6, vm5;
	v6 =	vsel vm5, v8, v10;
	v7 =	vshift.insert v7, v0, s21  }
.LBB2_7:
0x9e: {  	v8 =	vld [tilespmem:s22+$0x0];
	s30 =	sadd.s32 $0x10, s30  }
0x9f: {  	s31 =	sadd.s32 $0x10, s31;
	v9 =	vld [tilespmem:s30+$0x0]  }
0xa0: {  	s2 =	sadd.s32 $0x10, s2;
	v10 =	vld [tilespmem:s31+$0x0]  }
0xa1: {  	p2 =	slt.u32 s2, $0x1760;
	_ =	sdelay $0x2  }
0xa2: {  	v7 =	vadd.f32 v9, v7  }
0xa3: {  	vm5 =	vne.s32 v8, $0xFFFFFFFF  }
0xa4: {  	vm6 =	vmand vm5, vm3;
	(xrf2) =	vadd.seg.scan.f32 vm5, v7;
	_ =	sdelay $0x5  }
0xa5: {  	vm7 =	veq.s32 v8, v5;
	vm5 =	veq.s32 v8, v3  }
0xa6: {  	vm8 =	vgt.u32 v8, $0xFFFFFFFD;
	vm4 =	vmor vm4, vm5;
	vm7 =	vmor vm7, vm5  }
0xa7: {  	vm7 =	vmor vm7, vm8  }
0xa8: {  	v8 =	vsel vm7, $0xFFFFFFFF, v8  }
.Ltmp5:
0xa9: {  	v7 =	vsel vm5, $0x0, v10;
	v9, _, _ =	vpop (xrf2);
	(pc) =	sbr.rel @p2 .LBB2_7-.Ltmp5, $4  }
0xaa: {  	v6 =	vsel vm5, v9, v6;
	v10 =	vadd.f32 v9, v7;
	v7 =	vsel vm6, $0x0, v9  }
0xab: {  	s0 =	sadd.s32 $0x10, s0;
	v7 =	vshift.insert v7, v0, s21  }
0xac: {  	s22 =	sadd.s32 $0x10, s22;
	[tilespmem:s0+$0x0] =	vst v10;
	(ifvalue) =	ssetifvalue $0xFFFFFFFF  }
0xad: {  	[hbm4b:s1+s16] =	stream.indirect_vreg.scatter [tilespmem:s0], [sflag:$0x2], $0x1, v8, vm0, $0x4038;
	[tilespmem:$0xD410] =	vst v63  }
0xae: {  	v3 =	vld [tilespmem:s28+$0xBC70];
	_ =	sdelay $0x4  }
0xaf: {  	v3 =	vshift.insert v3, v0, s21  }
0xb0: {  	s0 =	simm.s32 $0x30  }
0xb1: {  	[tilespmem:s0+$0x0] =	vst.msk $0x1, v3  }
0xb2: {  	v3 =	vsel vm4, $0x1, v1;
	[tilespmem:$0x90] =	vst v6  }
0xb3: {  	s0 =	sadd.s32 @!p1 $0xBC7F, s28;
	[tilespmem:$0xA0] =	vst v3  }
0xb4: {  	[spmem:s14] =	stream.linear.scatter @!p1 [tilespmem:s0], [sflag:$0x1], $0x1, $0x38;
	[tilespmem:$0xD410] =	vst v63  }
0xb5: {  	s0 =	simm.s32 @!p1 $0x1  }
0xb6: {  	v3 =	vmctz.xlane @!p1 vm4;
	_ =	swait.ge @!p1 [sflag:s0], $0x1  }
0xb7: {  	(v2sf) =	vpush @!p1 v4, $0x0  }
0xb8: {  	(v2sf) =	vpush @!p1 v3, $0x0;
	_ =	sdelay $0xd  }
0xb9: {  	s2 =	spop @!p1 (v2sf)  }
0xba: {  	s6 =	spop @!p1 (v2sf)  }
0xbb: {  	p2 =	sne.s32 @!p1 s26, s2;
	p3 =	slt.s32 @!p1 s6, $0xF  }
0xbc: {  	[sflag:s0] =	ssyncset.done @!p1 $0x0;
	p2 =	por p2, p1;
	p3 =	por !p3, p1  }
0xbd: {  	[sflag:s0] =	ssyncadd.s32 @!p1 $0xFFFFFFFF;
	v3 =	vimm.s32 @!p2 $0xFFFFFFFF;
	s6 =	simm.s32 @p3 $0xF  }
0xbe: {  	[tilespmem:$0x80] =	vst @!p2 v3;
	s2 =	sadd.s32 @!p1 $0x90, s6  }
0xbf: {  	[spmem:s10] =	stream.linear.scatter @!p1 [tilespmem:s2], [sflag:$0x1], $0x1, $0x38;
	[tilespmem:$0xD410] =	vst v63  }
0xc0: {  	_ =	swait.ge @!p1 [sflag:s0], $0x1  }
0xc1: {  	[sflag:s0] =	ssyncset.done @!p1 $0x0  }
0xc2: {  	s2 =	simm.s32 @!p1 $0x80;
	[sflag:s0] =	ssyncadd.s32 @!p1 $0xFFFFFFFF  }
0xc3: {  	[spmem:s15] =	stream.linear.scatter @!p1 [tilespmem:s2], [sflag:$0x1], $0x1, $0x38;
	[tilespmem:$0xD410] =	vst v63  }
0xc4: {  	_ =	swait.ge @!p1 [sflag:s0], $0x1  }
0xc5: {  	[sflag:s0] =	ssyncset.done @!p1 $0x0  }
0xc6: {  	[sflag:s0] =	ssyncadd.s32 @!p1 $0xFFFFFFFF;
	(ifvalue) =	ssetifvalue $0xFFFFFFFF;
	v3 =	vld [tilespmem:s25+$0x10];
	_ =	sdelay $0x3  }
.Ltmp6:
0xc7: {  	_ = 	snop;
	(pc) =	sbr.rel .LBB2_9-.Ltmp6, $3  }
0xc8: {  	_ =	sdelay $0x1  }
0xc9: {  	(ifvalue) =	ssetifvalue $0xFFFFFFFF  }
0xca: {  	[hbm4b:s1+s16] =	stream.indirect_vreg.scatter [tilespmem:s29], [sflag:$0x9], $0x1, v3, vm0, $0x4038;
	[tilespmem:$0xD410] =	vst v63  }
.LBB2_10:
0xcb: {  	_ =	sfence.sel $0x180000  }
0xcc: {  	s0 =	simm.s32 $0x7;
	[bflag:$0x0] =	sbarrier.arrive $0xFFFF  }
0xcd: {  	s26 =	simm.s32 $0x8;
	[sflag:s0] =	ssyncpa.u1 $0x1  }
0xce: {  	s28 =	simm.s32 $0x9;
	[sflag:s26] =	ssyncpa.u1 $0x1  }
0xcf: {  	[sflag:s28] =	ssyncpa.u1 $0x1  }
0xd0: {  	_ =	sfence.stream.spmem  }
0xd1: {  	s29 =	simm.s32 $0x3;
	[bflag:$0x0] =	sbarrier.arrive $0xFFFF  }
0xd2: {  	s30 =	simm.s32 $0x4;
	[sflag:s29] =	ssyncpa.u1 $0x1  }
0xd3: {  	s31 =	simm.s32 $0x3C;
	s2 =	stileid.u32;
	[sflag:s30] =	ssyncpa.u1 $0x1  }
0xd4: {  	p0 =	sne.s32 s2, $0x0;
	[sflag:s31] =	ssyncpa.u1 $0x1  }
0xd5: {  	s0 =	simm.s32 @p0 $0x1;
	_ =	sfence @p0  }
0xd6: {  	[sflag:s0] =	ssyncpa.u1 @p0 $0x1;
	s0 =	simm.s32 @p0 $0x2  }
0xd7: {  	[sflag:s0] =	ssyncpa.u1 @p0 $0x1  }
0xd8: {  	_ =	strace @p0 $0x9000006E  }
0xd9: {  	[bflag:$0x2] =	sbarrier.arrive @p0 $0xFFFF  }
0xda: {  	_ =	shalt @p0  }
.LBB2_11:
0xdb: {  	_ =	sfence.stream.spmem;
	s0 =	simm.s32 $0x5  }
0xdc: {  	s2 =	simm.s32 $0x80;
	s3 =	simm.s32 $0xC0;
	[sflag:s0] =	ssyncpa.u1 $0x0  }
0xdd: {  	[tilespmem:s3], [sflag:$0x5] =	stream.linear.gather [spmem:s2], $0x20, $0x38;
	[tilespmem:$0xD410] =	vst v63  }
0xde: {  	s2 =	simm.s32 $0x0;
	s3 =	simm.s32 $0xE0  }
0xdf: {  	[tilespmem:s3], [sflag:$0x5] =	stream.linear.gather [spmem:s2], $0x20, $0x38;
	[tilespmem:$0xD410] =	vst v63  }
.Ltmp7:
0xe0: {  	_ = 	snop;
	(pc) =	sbr.rel .LBB2_12-.Ltmp7, $4  }
0xe1: {  	_ =	swait.ge [sflag:s0], $0x40  }
0xe2: {  	[sflag:s0] =	ssyncset.done $0x0  }
0xe3: {  	s31 =	simm.s32 $0x6;
	[sflag:s0] =	ssyncadd.s32 $0xFFFFFFC0  }
0xe4: {  	s4 =	simm.s32 $0x0;
	[sflag:s31] =	ssyncpa.u1 $0x0  }
.LBB2_17:
0xe5: {  	p0 =	sgt.u32 s5, $0xC3FF  }
0xe6: {  	s0 =	sshrl.u32 @!p0 s5, $0x3  }
0xe7: {  	s5 =	sand.u32 @!p0 $0x7, s5;
	s6 =	simm.s32 @!p0 $0xB0;
	s0 =	sadd.s32 @!p0 s1, s0  }
0xe8: {  	[tilespmem:s6], [sflag:$0x6] =	stream.linear.gather @!p0 [hbm4b:s0+s5], $0x1, $0x38;
	[tilespmem:$0xD410] =	vst v63  }
0xe9: {  	s0 =	simm.s32 @!p0 $0x6  }
0xea: {  	_ =	swait.ge @!p0 [sflag:s0], $0x1  }
0xeb: {  	[sflag:s0] =	ssyncset.done @!p0 $0x0  }
0xec: {  	[sflag:s0] =	ssyncadd.s32 @!p0 $0xFFFFFFFF  }
0xed: {  	v2 =	vmov @!p0 s4;
	v1 =	vld.msk @!p0 [tilespmem:$0xB0], $0x1;
	_ =	sdelay $0x3  }
0xee: {  	s0 =	simm.s32 @!p0 $0xE0  }
0xef: {  	[tilespmem:v2+s0+$0x0], v1 =	vst.idx.ret.add.f32.msk @!p0 $0x1, v1  }
0xf0: {  	[tilespmem:s2+$0xC0] =	vst.msk $0x1, v0  }
0xf1: {  	v0 =	vld.msk [tilespmem:s4+$0xE0], $0x1;
	_ =	sdelay $0x4  }
0xf2: {  	[tilespmem:s2+$0xE0] =	vst.msk $0x1, v0;
	s2 =	sadd.s32 $0x1, s2  }
.LBB2_19:
0xf3: {  	s4 =	sadd.s32 $0x1, s4  }
0xf4: {  	p0 =	sne.s32 s4, $0x20  }
.Ltmp8:
0xf5: {  	_ = 	snop;
	(pc) =	sbr.rel @!p0 .LBB2_20-.Ltmp8, $1  }
0xf6: {  	_ =	sdelay $0x3  }
.LBB2_12:
0xf7: {  	v0 =	vld.msk [tilespmem:s4+$0xC0], $0x1;
	_ =	sdelay $0x4  }
0xf8: {  	(v2sf) =	vpush v0, $0x0;
	_ =	sdelay $0xe  }
0xf9: {  	s5 =	spop (v2sf)  }
0xfa: {  	p0 =	seq.s32 s5, $0xFFFFFFFF  }
.Ltmp9:
0xfb: {  	_ = 	snop;
	(pc) =	sbr.rel @p0 .LBB2_19-.Ltmp9, $1  }
0xfc: {  	_ =	sdelay $0x3  }
0xfd: {  	p0 =	slt.s32 s2, $0x1  }
.Ltmp10:
0xfe: {  	_ = 	snop;
	(pc) =	sbr.rel @p0 .LBB2_17-.Ltmp10, $1  }
0xff: {  	_ =	sdelay $0x3  }
0x100: {  	s0 =	simm.s32 $0xC0;
	p0 =	por $0x0, $0x0  }
0x101: {  	v1 =	vld.msk @!p0 [tilespmem:s0+$0x0], $0x1;
	_ =	sdelay $0x4  }
0x102: {  	(v2sf) =	vpush @!p0 v1, $0x0;
	_ =	sdelay $0xd  }
0x103: {  	p2 =	sne.s32 s2, $0x1  }
.Ltmp11:
0x104: {  	s6 =	spop @!p0 (v2sf);
	(pc) =	sbr.rel @!p2 .LBB2_16-.Ltmp11, $4  }
0x105: {  	p1 =	seq.s32 @!p0 s5, s6  }
0x106: {  	s6 =	simm.s32 $0x0;
	p1 =	por !p1, p0  }
0x107: {  	s8 =	simm.s32 $0xFFFFFFFF;
	s6 =	simm.s32 @p1 $0xFFFFFFFF  }
0x108: {  	s7 =	simm.s32 $0x1;
	s6 =	smov.u32 @p0 s8  }
.LBB2_15:
0x109: {  	s8 =	smov.u32 s6;
	p0 =	sne.s32 s6, $0xFFFFFFFF  }
0x10a: {  	s0 =	sadd.s32 $0x1, s0;
	s6 =	smov.u32 s7;
	s7 =	sadd.s32 $0x1, s7  }
0x10b: {  	p1 =	sne.s32 s2, s7;
	v1 =	vld.msk @!p0 [tilespmem:s0+$0x0], $0x1;
	_ =	sdelay $0x4  }
0x10c: {  	(v2sf) =	vpush @!p0 v1, $0x0;
	_ =	sdelay $0xe  }
.Ltmp12:
0x10d: {  	s9 =	spop @!p0 (v2sf);
	(pc) =	sbr.rel @p1 .LBB2_15-.Ltmp12, $4  }
0x10e: {  	p2 =	seq.s32 @!p0 s5, s9  }
0x10f: {  	p2 =	por !p2, p0  }
0x110: {  	s6 =	simm.s32 @p2 $0xFFFFFFFF  }
0x111: {  	s6 =	smov.u32 @p0 s8  }
.LBB2_16:
0x112: {  	p0 =	sne.s32 s6, $0xFFFFFFFF  }
.Ltmp13:
0x113: {  	_ = 	snop;
	(pc) =	sbr.rel @!p0 .LBB2_17-.Ltmp13, $1  }
0x114: {  	_ =	sdelay $0x3  }
0x115: {  	v0 =	vld.msk [tilespmem:s4+$0xE0], $0x1;
	v1 =	vmov s6  }
.Ltmp14:
0x116: {  	_ = 	snop;
	(pc) =	sbr.rel .LBB2_19-.Ltmp14, $2  }
0x117: {  	_ =	sdelay $0x2  }
0x118: {  	[tilespmem:v1+s3+$0x0], v0 =	vst.idx.ret.add.f32.msk $0x1, v0  }
.LBB2_20:
0x119: {  	p0 =	slt.s32 s2, $0x1  }
.Ltmp15:
0x11a: {  	_ = 	snop;
	(pc) =	sbr.rel @p0 .LBB2_24-.Ltmp15, $3  }
0x11b: {  	_ =	sdelay $0x1  }
0x11c: {  	s0 =	simm.s32 $0x6  }
0x11d: {  	s3 =	simm.s32 $0x0;
	[sflag:s0] =	ssyncpa.u1 $0x1  }
0x11e: {  	s0 =	simm.s32 $0xC0  }
0x11f: {  	v0 =	vld.msk [tilespmem:s0+$0x0], $0x1;
	_ =	sdelay $0x4  }
0x120: {  	(v2sf) =	vpush v0, $0x0;
	_ =	sdelay $0xe  }
0x121: {  	s2 =	sadd.s32 $0xFFFFFFFF, s2;
	s4 =	spop (v2sf)  }
0x122: {  	p1 =	sne.s32 s2, $0x0;
	p0 =	sgt.u32 s4, $0xC3FF  }
.Ltmp16:
0x123: {  	s5 =	sshrl.u32 @!p0 s4, $0x3;
	(pc) =	sbr.rel @!p1 .LBB2_23-.Ltmp16, $4  }
0x124: {  	s0 =	simm.s32 $0xE0;
	s4 =	sand.u32 @!p0 $0x7, s4;
	s5 =	sadd.s32 @!p0 s1, s5  }
0x125: {  	[hbm4b:s5+s4] =	stream.linear.scatter @!p0 [tilespmem:s0], [sflag:$0x5], $0x1, $0x38;
	[tilespmem:$0xD410] =	vst v63  }
0x126: {  	s5 =	simm.s32 $0x0  }
0x127: {  	s4 =	simm.s32 $0xC1;
	s5 =	simm.s32 @!p0 $0x4  }
.LBB2_22:
0x128: {  	v0 =	vld.msk [tilespmem:s4+$0x0], $0x1;
	s2 =	sadd.s32 $0xFFFFFFFF, s2;
	s3 =	sadd.s32 s3, s5  }
0x129: {  	p0 =	sne.s32 s2, $0x0;
	_ =	sdelay $0x3  }
0x12a: {  	(v2sf) =	vpush v0, $0x0;
	_ =	sdelay $0xe  }
.Ltmp17:
0x12b: {  	s6 =	spop (v2sf);
	(pc) =	sbr.rel @p0 .LBB2_22-.Ltmp17, $4  }
0x12c: {  	s5 =	simm.s32 $0x0;
	p1 =	sgt.u32 s6, $0xC3FF  }
0x12d: {  	s0 =	sadd.s32 $0x1, s0;
	s5 =	simm.s32 @!p1 $0x4;
	s7 =	sshrl.u32 @!p1 s6, $0x3  }
0x12e: {  	s4 =	sadd.s32 $0x1, s4;
	s6 =	sand.u32 @!p1 $0x7, s6;
	s7 =	sadd.s32 @!p1 s1, s7  }
0x12f: {  	[hbm4b:s7+s6] =	stream.linear.scatter @!p1 [tilespmem:s0], [sflag:$0x5], $0x1, $0x38;
	[tilespmem:$0xD410] =	vst v63  }
.LBB2_23:
0x130: {  	s0 =	sadd.s32 s3, s5  }
0x131: {  	s3 =	sshrl.u32 s0, $0x2  }
.LBB2_24:
0x132: {  	s0 =	simm.s32 $0x5  }
0x133: {  	_ =	swait.ge [sflag:s0], s3  }
0x134: {  	s1 =	ssub.s32 $0x0, s3;
	[sflag:s0] =	ssyncset.done $0x0  }
0x135: {  	[sflag:s0] =	ssyncadd.s32 s1  }
0x136: {  	[sflag:s0] =	ssyncpa.u1 $0x1  }
0x137: {  	s29 =	simm.s32 $0x1;
	_ =	sfence  }
0x138: {  	s30 =	simm.s32 $0x2;
	[sflag:s29] =	ssyncpa.u1 $0x1  }
0x139: {  	[sflag:s30] =	ssyncpa.u1 $0x1  }
0x13a: {  	_ =	strace $0x9000006E  }
0x13b: {  	[bflag:$0x2] =	sbarrier.arrive $0xFFFF  }
0x13c: {  	s31 =	rddreg [dreg:$0x1]  }
0x13d: {  	s0 =	sadd.s32 $0x100000, s31  }
0x13e: {  	[sflag:s0] =	ssyncadd.tile.s32 $0x1;
	_ =	shalt  }
.Lfunc_end2:
_tile_overlayer_lowered:
.L_overlay_start_2:
0x13f: {  	(tag) =	ssettag $0x2  }
0x140: {  	s0 =	rddreg [dreg:$0x0];
	s2 =	stileid.u32  }
0x141: {  	s1 =	rddreg [dreg:$0x1];
	p0 =	sne.s32 s2, $0x0  }
0x142: {  	s3 =	rddreg [dreg:$0x2];
	[bflag:$0x3] =	sbarrier.arrive $0xFFFF;
	s2 =	simm.s32 @!p0 $0x1C01  }
0x143: {  	[timem:s3], [sflag:s2] =	dma.local @!p0 [hbm:s0], s1  }
0x144: {  	s0 =	simm.s32 @!p0 $0x1  }
0x145: {  	_ =	swait.ge @!p0 [sflag:s0], s1  }
0x146: {  	s1 =	ssub.s32 @!p0 $0x0, s1;
	[sflag:s0] =	ssyncset.done @!p0 $0x0  }
0x147: {  	[sflag:s0] =	ssyncadd.s32 @!p0 s1  }
0x148: {  	[bflag:$0x3] =	sbarrier.arrive $0xFFFF  }
0x149: {  	_ =	shalt  }

// kernel: scatter_offload_async_start.9
scs
__scs_entry_jumppad:
0x0: {  	(pc) =	sbr.rel $0x88, $3  }
0x1: {  	(tag) =	ssettag $0x0;
	lr =	simm.s32 $0x1  }
0x2: {  	[smem:$0x3F9C] =	sst lr;
	_ =	strace $0xD0000000  }
0x3: {  	_ = 	snop  }
0x4: {  	_ = 	snop  }
0x5: {  	_ = 	snop  }
0x6: {  	_ = 	snop  }
0x7: {  	_ = 	snop  }
__scs_overlays_trampoline_lowered:
0x8: {  	[smem:$0x3FAB] =	sst s0  }
0x9: {  	[smem:$0x3FAC] =	sst s1  }
0xa: {  	[smem:$0x3FAD] =	sst s2  }
0xb: {  	[smem:$0x3FAE] =	sst s3  }
0xc: {  	[smem:$0x3FAF] =	sst s4  }
0xd: {  	[smem:$0x3FB0] =	sst s5  }
0xe: {  	[smem:$0x3FB1] =	sst s6  }
0xf: {  	[smem:$0x3FB2] =	sst s7  }
0x10: {  	[smem:$0x3FB3] =	sst s8  }
0x11: {  	[smem:$0x3FB4] =	sst s9;
	s0 =	simm.s32 @!p0 $0x0  }
0x12: {  	s1 =	sld [smem:$0x3F9A];
	s0 =	simm.s32 @p0 $0x1  }
0x13: {  	[smem:$0x3FB5] =	sst s0;
	s0 =	simm.s32 @!p1 $0x0  }
0x14: {  	s2 =	sld [smem:$0x3F99];
	s0 =	simm.s32 @p1 $0x1  }
0x15: {  	[smem:$0x3FB6] =	sst s0;
	s0 =	simm.s32 @!p2 $0x0  }
0x16: {  	s3 =	sld [smem:$0x3FDB];
	s0 =	simm.s32 @p2 $0x1  }
0x17: {  	s4 =	simm.s32 $0x1BF5;
	[smem:$0x3FB8] =	sst s0  }
0x18: {  	s0 =	sld [smem:$0x3F9B];
	_ =	swait.ge [sflag:s4], $0x0  }
0x19: {  	s7 =	sld [smem:$0x3F9C]  }
0x1a: {  	s8 =	sadd.s32 $0xFFFFE003, lr  }
0x1b: {  	s9 =	sadd.s32 $0xFFFFFEF7, lr;
	s5 =	simm.s32 $0xFFFFFFFF;
	p2 =	slt.u32 s8, $0xFFFFF086  }
0x1c: {  	p1 =	slt.u32 s9, $0xF7A;
	s5 =	simm.s32 @!p2 $0x0  }
0x1d: {  	s5 =	simm.s32 @p1 $0x1;
	p0 =	seq.s32 s7, s2  }
0x1e: {  	s7 =	smul.u32 @!p0 $0xF7A, s2;
	p2 =	seq.s32 @!p0 s5, $0x0  }
0x1f: {  	s9 =	smul.u32 $0xF7A, s1;
	s8 =	simm.s32 @!p0 $0x1BF5;
	p2 =	por !p2, p0  }
0x20: {  	[sflag:s8] =	ssyncset.s32 @!p0 $0xFFFFF086;
	s6 =	sadd.s32 @!p0 s3, s7;
	s7 =	simm.s32 @!p0 $0x108  }
0x21: {  	s3 =	sadd.s32 s3, s9;
	s6 =	sadd.s32 @!p0 $0x88, s6;
	s7 =	simm.s32 @p2 $0x1082  }
0x22: {  	[simem:s7], [sflag:s8] =	dma.local @!p0 [hbm:s6], $0xF7A  }
0x23: {  	s9 =	sor.u32 $0xD0000000, s2;
	s6 =	simm.s32 $0x108;
	_ =	swait.ge @!p0 [sflag:s8], $0x0  }
0x24: {  	s3 =	sadd.s32 $0x88, s3;
	s6 =	simm.s32 @!p1 $0x1082;
	[sflag:s4] =	ssyncset.s32 $0xFFFFF086  }
0x25: {  	[simem:s6], [sflag:s4] =	dma.local [hbm:s3], $0xF7A  }
0x26: {  	[smem:$0x3F9C] =	sst s1;
	(tag) =	ssettag s2;
	_ =	strace s9  }
0x27: {  	s1 =	sld [smem:$0x3FAC]  }
0x28: {  	s2 =	sld [smem:$0x3FAD]  }
0x29: {  	s4 =	sld [smem:$0x3FAF]  }
0x2a: {  	p0 =	seq.s32 s5, $0x0;
	s5 =	sld [smem:$0x3FB0]  }
0x2b: {  	s6 =	sld [smem:$0x3FB1]  }
0x2c: {  	s7 =	sld [smem:$0x3FB2]  }
0x2d: {  	s3 =	simm.s32 $0x108;
	s8 =	sld [smem:$0x3FB3]  }
0x2e: {  	s3 =	simm.s32 @!p0 $0x1082;
	s9 =	sld [smem:$0x3FB4]  }
0x2f: {  	lr =	sadd.s32 s0, s3;
	s0 =	sld [smem:$0x3FAB]  }
0x30: {  	s3 =	sld [smem:$0x3FAE]  }
0x31: {  	[smem:$0x3FB7] =	sst s10  }
0x32: {  	s10 =	sld [smem:$0x3FB5];
	_ =	sdelay $0x3  }
0x33: {  	p0 =	seq.s32 s10, $0x1;
	s10 =	sld [smem:$0x3FB7];
	_ =	sdelay $0x3  }
0x34: {  	[smem:$0x3FB7] =	sst s10  }
0x35: {  	s10 =	sld [smem:$0x3FB6];
	_ =	sdelay $0x3  }
0x36: {  	p1 =	seq.s32 s10, $0x1;
	s10 =	sld [smem:$0x3FB7];
	_ =	sdelay $0x3  }
0x37: {  	[smem:$0x3FB7] =	sst s10  }
0x38: {  	s10 =	sld [smem:$0x3FB8]  }
0x39: {  	_ = 	snop;
	(pc) =	sbr.ind lr, $3  }
0x3a: {  	_ = 	snop  }
0x3b: {  	_ = 	snop  }
0x3c: {  	p2 =	seq.s32 s10, $0x1;
	s10 =	sld [smem:$0x3FB7]  }
0x3d: {  	_ =	shalt  }
0x3e: {  	_ =	shalt  }
0x3f: {  	_ =	shalt  }
0x40: {  	_ =	shalt  }
0x41: {  	_ =	shalt  }
0x42: {  	_ =	shalt  }
0x43: {  	_ =	shalt  }
0x44: {  	_ =	shalt  }
0x45: {  	_ =	shalt  }
0x46: {  	_ =	shalt  }
0x47: {  	_ =	shalt  }
0x48: {  	_ =	shalt  }
0x49: {  	_ =	shalt  }
0x4a: {  	_ =	shalt  }
0x4b: {  	_ =	shalt  }
0x4c: {  	_ =	shalt  }
0x4d: {  	_ =	shalt  }
0x4e: {  	_ =	shalt  }
0x4f: {  	_ =	shalt  }
0x50: {  	_ =	shalt  }
0x51: {  	_ =	shalt  }
0x52: {  	_ =	shalt  }
0x53: {  	_ =	shalt  }
0x54: {  	_ =	shalt  }
0x55: {  	_ =	shalt  }
0x56: {  	_ =	shalt  }
0x57: {  	_ =	shalt  }
0x58: {  	_ =	shalt  }
0x59: {  	_ =	shalt  }
0x5a: {  	_ =	shalt  }
0x5b: {  	_ =	shalt  }
0x5c: {  	_ =	shalt  }
0x5d: {  	_ =	shalt  }
0x5e: {  	_ =	shalt  }
0x5f: {  	_ =	shalt  }
0x60: {  	_ =	shalt  }
0x61: {  	_ =	shalt  }
0x62: {  	_ =	shalt  }
0x63: {  	_ =	shalt  }
0x64: {  	_ =	shalt  }
0x65: {  	_ =	shalt  }
0x66: {  	_ =	shalt  }
0x67: {  	_ =	shalt  }
0x68: {  	_ =	shalt  }
0x69: {  	_ =	shalt  }
0x6a: {  	_ =	shalt  }
0x6b: {  	_ =	shalt  }
0x6c: {  	_ =	shalt  }
0x6d: {  	_ =	shalt  }
0x6e: {  	_ =	shalt  }
0x6f: {  	_ =	shalt  }
0x70: {  	_ =	shalt  }
0x71: {  	_ =	shalt  }
0x72: {  	_ =	shalt  }
0x73: {  	_ =	shalt  }
0x74: {  	_ =	shalt  }
0x75: {  	_ =	shalt  }
0x76: {  	_ =	shalt  }
0x77: {  	_ =	shalt  }
0x78: {  	_ =	shalt  }
0x79: {  	_ =	shalt  }
0x7a: {  	_ =	shalt  }
0x7b: {  	_ =	shalt  }
0x7c: {  	_ =	shalt  }
0x7d: {  	_ =	shalt  }
0x7e: {  	_ =	shalt  }
0x7f: {  	_ =	shalt  }
0x80: {  	_ =	shalt  }
0x81: {  	_ =	shalt  }
0x82: {  	_ =	shalt  }
0x83: {  	_ =	shalt  }
0x84: {  	_ =	shalt  }
0x85: {  	_ =	shalt  }
0x86: {  	_ =	shalt  }
0x87: {  	_ =	shalt  }
.Lfunc_end0:
.L_simem_size_0:
called_computation.9_lowered:
.L_overlay_start_0:
0x88: {  	s0 =	sld [smem:$0x3FD9]  }
0x89: {  	s1 =	sld [smem:$0x3FFE];
	_ =	sdelay $0x3  }
0x8a: {  	s0 =	sadd.s32 s1, s0  }
0x8b: {  	[smem:$0x3FC3] =	sst s0  }
0x8c: {  	_ = 	snop  }
0x8d: {  	(tm) =	ssettm $0x1  }
0x8e: {  	s15 =	sld [smem:$0x3FFB];
	_ =	sdelay $0x3  }
0x8f: {  	_ =	strace s15  }
0x90: {  	s0 =	sld [smem:$0x3FFC];
	_ =	sdelay $0x3  }
0x91: {  	_ =	strace s0  }
0x92: {  	s0 =	sld [smem:$0x3FFD];
	_ =	sdelay $0x3  }
0x93: {  	_ =	strace s0  }
0x94: {  	_ =	strace $0x8FFFFFFF  }
0x95: {  	s16 =	sld [smem:$0x3FDB];
	_ =	sdelay $0x1  }
0x96: {  	s17 =	simm.s32 $_scs_section_size  }
0x97: {  	s2 =	simm.s32 $_size__tile_overlayer_lowered;
	s3 =	simm.s32 $_tile_overlayer_lowered  }
0x98: {  	s20 =	simm.s32 $0x1BFF;
	s19 =	sshll.u32 s3, $0x1;
	s0 =	sadd.s32 s17, s16  }
0x99: {  	s4 =	simm.s32 $0x0;
	s18 =	sshll.u32 s2, $0x1;
	s2 =	sadd.s32 s19, s0  }
0x9a: {  	[timem:s4], [sflag:s20] =	dma.local [hbm:s2], s18  }
0x9b: {  	_ =	swait.ge [sflag:s20], s18  }
0x9c: {  	s1 =	ssub.s32 $0x0, s18;
	[sflag:s20] =	ssyncset.done $0x0  }
0x9d: {  	[sflag:s20] =	ssyncadd.s32 s1;
	_ =	sdelay $0x1  }
0x9e: {  	s21 =	simm.s32 $0x1B8B  }
0x9f: {  	_ =	swait.ge [sflag:s21], $0x1  }
0xa0: {  	[sflag:s21] =	ssyncset.done $0x0  }
0xa1: {  	s23 =	simm.s32 $0x1B8E;
	s22 =	sld [smem:$0x3FFE];
	[sflag:s21] =	ssyncadd.s32 $0xFFFFFFFF  }
0xa2: {  	s24 =	simm.s32 $execute0_lowered;
	[smem:$0x3FD2] =	sst s23  }
0xa3: {  	s2 =	sshll.u32 s24, $0x1;
	_ =	strace $0x80000070;
	[dreg:$0x1] =	wrdreg $0xFFFFFFFF  }
0xa4: {  	s25 =	simm.s32 $_size_execute0_lowered;
	s0 =	sadd.s32 s0, s2;
	[dreg:$0x0] =	wrdreg $0x0  }
0xa5: {  	s2 =	sshll.u32 s25, $0x1;
	[dreg:$0x2] =	wrdreg s0  }
0xa6: {  	[dreg:$0x3] =	wrdreg s2  }
0xa7: {  	[dreg:$0x4] =	wrdreg $0xC0  }
0xa8: {  	_ =	task [dreg:s4], $0x5FFFF  }
0xa9: {  	[dreg:$0x1] =	wrdreg $0xFFFFFFFF  }
0xaa: {  	[dreg:$0x0] =	wrdreg $0x60  }
0xab: {  	[dreg:$0x2] =	wrdreg s22  }
0xac: {  	[dreg:$0x3] =	wrdreg $0x9  }
0xad: {  	_ =	task.clear_ibuf [dreg:s4], $0x4FFFF;
	_ =	strace $0x90000070  }
0xae: {  	s26 =	simm.s32 $0x9;
	_ =	strace $0x80000072  }
0xaf: {  	_ =	swait.ge [sflag:s26], $0x1  }
0xb0: {  	[sflag:s26] =	ssyncadd.s32 $0xFFFFFFFF  }
0xb1: {  	_ =	strace $0x90000072  }
0xb2: {  	_ =	sfence  }
0xb3: {  	s28 =	sld [smem:$0x0];
	_ =	sdelay $0x1  }
0xb4: {  	s29 =	srdreg.scid  }
0xb5: {  	s30 =	sshll.u32 s29, $0xD;
	s31 =	sshrl.u32 s29, $0x2  }
0xb6: {  	s1 =	sand.u32 $0x1, s29;
	s2 =	sand.u32 $0x4000, s30;
	s0 =	sadd.s32 s31, s28  }
0xb7: {  	s1 =	sor.u32 s2, s1;
	s0 =	sshll.u32 s0, $0x11  }
0xb8: {  	s0 =	sor.u32 s0, s1  }
0xb9: {  	s0 =	sadd.s32 $0x8F2B, s0  }
0xba: {  	[sflag:s0] =	ssyncadd.remote.s32 $0x1  }
0xbb: {  	_ =	sfence.sel $0xFFFF  }
0xbc: {  	[dreg:$0x0] =	wrdreg $0xFFFFFFFF;
	(pc) =	sbr.abs _section_cstart, $3  }
0xbd: {  	[dreg:$0x1] =	wrdreg $0xFFFFFFFF  }
0xbe: {  	_ =	task.clear_ibuf [dreg:s4], $0x2FFFF;
	_ =	strace $0x9FFFFFFF  }
0xbf: {  	(tm) =	ssettm $0x7FFFFFFF  }
tec
execute0_lowered:
.L_overlay_start_1:
0x0: {  	(tag) =	ssettag $0x1  }
0x1: {  	s0 =	rddreg [dreg:$0x0];
	_ =	strace $0x80000071;
	s1 =	simm.s32 $0x1  }
0x2: {  	s8 =	simm.s32 $0x108;
	v0 =	vimm.s32 $0x0;
	[sflag:s1] =	ssyncpa.u1 $0x0  }
0x3: {  	[tilespmem:s8+$0x70] =	vst v0  }
0x4: {  	[tilespmem:s8+$0x60] =	vst v0  }
0x5: {  	[tilespmem:s8+$0x50] =	vst v0  }
0x6: {  	[tilespmem:s8+$0x40] =	vst v0  }
0x7: {  	[tilespmem:s8+$0x30] =	vst v0  }
0x8: {  	s2 =	simm.s32 $0x40;
	s1 =	sadd.s32 $0xF0B800, s0;
	[tilespmem:s8+$0x20] =	vst v0  }
0x9: {  	s3 =	sadd.s32 $0x70E00, s0;
	s4 =	sadd.s32 $0x82DA00, s0;
	s5 =	sadd.s32 $0x7EA00, s0;
	[tilespmem:s8+$0x10] =	vst v0  }
.LBB2_1:
0xa: {  	s2 =	sadd.s32 $0x40, s2;
	[tilespmem:s8+$0x0] =	vst v0;
	s8 =	sadd.s32 $0x80, s8  }
0xb: {  	p0 =	slt.u32 s2, $0x3C40;
	[tilespmem:s8+$0x70] =	vst v0  }
0xc: {  	[tilespmem:s8+$0x60] =	vst v0  }
.Ltmp0:
0xd: {  	[tilespmem:s8+$0x50] =	vst v0;
	(pc) =	sbr.rel @p0 .LBB2_1-.Ltmp0, $4  }
0xe: {  	[tilespmem:s8+$0x40] =	vst v0  }
0xf: {  	[tilespmem:s8+$0x30] =	vst v0  }
0x10: {  	[tilespmem:s8+$0x20] =	vst v0  }
0x11: {  	[tilespmem:s8+$0x10] =	vst v0  }
0x12: {  	s13 =	stileid.u32  }
0x13: {  	s0 =	smul.u32 $0x75, s13  }
0x14: {  	s2 =	smin.u32 s13, $0x3  }
0x15: {  	s0 =	sadd.s32 s2, s0  }
0x16: {  	p0 =	slt.u32 s13, $0x3;
	s6 =	smul.u32 $0xF0, s0;
	s0 =	simm.s32 $0x6EA0  }
0x17: {  	s0 =	simm.s32 @!p0 $0x6DB0  }
0x18: {  	s0 =	sadd.s32 s0, s6  }
0x19: {  	s7 =	smin.u32 s0, $0x6DDD0  }
0x1a: {  	s0 =	ssub.s32 s7, s6  }
0x1b: {  	p0 =	sgt.s32 s0, $0x0  }
0x1c: {  	s0 =	simm.s32 @!p0 $0x0  }
0x1d: {  	s31 =	smulhi.u32 $0x88888889, s0  }
0x1e: {  	s30 =	simm.s32 $0x2;
	s9 =	simm.s32 $0x7;
	s10 =	simm.s32 $0x8  }
0x1f: {  	s19 =	simm.s32 $0x0;
	s15 =	simm.s32 $0xA;
	s2 =	sshrl.u32 s31, $0x7  }
0x20: {  	s17 =	simm.s32 $0x0;
	s18 =	simm.s32 $0x0;
	s11 =	smul.u32 $0xF0, s2  }
.Ltmp1:
0x21: {  	[tilespmem:s8+$0x0] =	vst v0;
	v0 =	vimm.s32 $0xFFFFFFFF;
	[sflag:s30] =	ssyncpa.u1 $0x0;
	s13 =	sshll.u32 s13, $0x8;
	(pc) =	sbr.rel .LBB2_3-.Ltmp1, $4  }
0x22: {  	[tilespmem:$0xF208] =	vst v0;
	[sflag:s9] =	ssyncpa.u1 $0x0;
	p0 =	sne.s32 s0, s11;
	s0 =	simm.s32 $0x1  }
0x23: {  	[sflag:s10] =	ssyncpa.u1 $0x0;
	s10 =	simm.s32 $0x9;
	s0 =	simm.s32 @!p0 $0x0  }
0x24: {  	[sflag:s10] =	ssyncpa.u1 $0x0;
	s16 =	smov.u32 s6;
	s12 =	sadd.s32 s0, s2  }
0x25: {  	v0 =	vlaneseq.u32;
	s11 =	simm.s32 $0x1;
	p0 =	por $0x0, $0x0;
	s14 =	sadd.s32 $0x1, s12  }
.LBB2_18:
0x26: {  	s0 =	sshrl.u32 s28, $0x2  }
.LBB2_20:
0x27: {  	_ =	swait.ge [sflag:s15], s0  }
0x28: {  	s31 =	ssub.s32 $0x0, s0;
	v1 =	vmov s21;
	vm0 =	veq.s32 v0, $0x0;
	[sflag:s15] =	ssyncset.done $0x0  }
0x29: {  	vm15 =	veq.s32 v0, $0x2;
	v1 =	vsel vm0, s26, v1;
	[sflag:s15] =	ssyncadd.s32 s31  }
0x2a: {  	v1 =	vsel vm15, s19, v1;
	[sflag:s15] =	ssyncpa.u1 $0x1  }
0x2b: {  	[tilespmem:$0xF208] =	vst v1  }
.LBB2_21:
0x2c: {  	s0 =	sadd.s32 $0xF0, s16  }
0x2d: {  	s2 =	smov.u32 s6;
	p1 =	slt.s32 s0, s7  }
0x2e: {  	s2 =	smov.u32 @p1 s0;
	p1 =	sne.s32 s18, s14  }
.Ltmp2:
0x2f: {  	_ = 	snop;
	(pc) =	sbr.rel @!p1 .LBB2_22-.Ltmp2, $3  }
0x30: {  	_ =	sdelay $0x1  }
0x31: {  	s19 =	smov.u32 s17;
	s31 =	sadd.s32 $0x1, s18;
	s17 =	smov.u32 s16  }
0x32: {  	p0 =	por !p0, !p0;
	s18 =	smov.u32 s31;
	s16 =	smov.u32 s2  }
.LBB2_3:
0x33: {  	p1 =	sge.u32 s18, s12  }
0x34: {  	s0 =	smulhi.u32 @!p1 $0xAAAAAAAB, s18  }
0x35: {  	s2 =	smov.u32 s16;
	p2 =	sgt.s32 @!p1 s16, $0x6DCE0  }
0x36: {  	s20 =	sshra.s32 @!p1 s16, $0x1F;
	p2 =	por !p2, p1;
	s0 =	sshrl.u32 @!p1 s0, $0x1  }
0x37: {  	s20 =	sand.u32 @!p1 s20, s16;
	s2 =	simm.s32 @p2 $0x6DCE0;
	s0 =	smul.u32 @!p1 $0x3, s0  }
0x38: {  	s2 =	ssub.s32 @!p1 s2, s20  }
0x39: {  	s2 =	sadd.s32 @!p1 $0xFFF92320, s2;
	s0 =	ssub.s32 @!p1 s18, s0  }
0x3a: {  	s20 =	sshll.u32 @!p1 s2, $0x2;
	p2 =	sgt.s32 @!p1 s2, $0xEF;
	s0 =	smul.u32 @!p1 $0x3C0, s0  }
0x3b: {  	s21 =	sand.u32 @!p1 $0x7, s16;
	s2 =	ssub.s32 @!p1 $0x3C0, s20;
	p2 =	por !p2, p1  }
0x3c: {  	s20 =	sshrl.u32 @!p1 s16, $0x3;
	s2 =	sshrl.u32 @!p1 s2, $0x2;
	s0 =	sshrl.u32 @!p1 s0, $0x2  }
0x3d: {  	s20 =	sadd.s32 @!p1 s5, s20;
	s2 =	simm.s32 @!p2 $0x0;
	s0 =	sadd.s32 @!p1 $0x10238, s0  }
0x3e: {  	[tilespmem:s0], [sflag:$0x8] =	stream.linear.gather @!p1 [hbm4b:s20+s21], s2, $0x38;
	[tilespmem:$0x1F6E8] =	vst v63  }
0x3f: {  	s0 =	sadd.s32 $0xFFFFFFFF, s18  }
0x40: {  	p1 =	sge.u32 s0, s12  }
0x41: {  	p2 =	sgt.s32 @!p1 s17, $0x6DCE0  }
0x42: {  	s2 =	smov.u32 s17;
	s20 =	sshra.s32 @!p1 s17, $0x1F;
	p2 =	por !p2, p1  }
0x43: {  	s20 =	sand.u32 @!p1 s20, s17;
	s2 =	simm.s32 @p2 $0x6DCE0  }
0x44: {  	s2 =	ssub.s32 @!p1 s2, s20  }
0x45: {  	s2 =	sadd.s32 @!p1 $0xFFF92320, s2  }
0x46: {  	s21 =	smulhi.u32 @!p1 $0xAAAAAAAB, s0;
	s22 =	sand.u32 @!p1 $0x1, s0;
	s20 =	sshll.u32 @!p1 s2, $0x2  }
0x47: {  	s24 =	smul.u32 @!p1 $0x3C0, s22;
	p2 =	sgt.s32 @!p1 s2, $0xEF;
	s2 =	ssub.s32 @!p1 $0x3C0, s20  }
0x48: {  	p2 =	por !p2, p1;
	s20 =	sshrl.u32 @!p1 s21, $0x1;
	s2 =	sshrl.u32 @!p1 s2, $0x2  }
0x49: {  	s21 =	simm.s32 @!p1 $0x8;
	s20 =	smul.u32 @!p1 $0x3, s20;
	s2 =	simm.s32 @!p2 $0x0  }
0x4a: {  	s22 =	smul.u32 @!p1 $0x1E000, s22;
	_ =	swait.ge @!p1 [sflag:s21], s2;
	s23 =	ssub.s32 @!p1 $0x0, s2  }
0x4b: {  	s0 =	ssub.s32 @!p1 s0, s20;
	s20 =	sshrl.u32 @!p1 s17, $0x3;
	[sflag:s21] =	ssyncset.done @!p1 $0x0  }
0x4c: {  	s20 =	sadd.s32 @!p1 s3, s20;
	[sflag:s21] =	ssyncadd.s32 @!p1 s23;
	s21 =	sshrl.u32 @!p1 s24, $0x2  }
0x4d: {  	s0 =	smul.u32 @!p1 $0x3C0, s0;
	s23 =	sand.u32 @!p1 $0x7, s17;
	s21 =	sor.u32 @!p1 $0x10508, s21  }
0x4e: {  	[tilespmem:s21], [sflag:$0x9] =	stream.linear.gather @!p1 [hbm4b:s20+s23], s2, $0x38;
	[tilespmem:$0x1F6E8] =	vst v63  }
0x4f: {  	s0 =	sshrl.u32 @!p1 s0, $0x2;
	s2 =	sshrl.u32 @!p1 s22, $0x2  }
0x50: {  	s0 =	sadd.s32 @!p1 $0x10238, s0;
	s20 =	simm.s32 @!p1 $0xF0;
	s2 =	sor.u32 @!p1 $0x106E8, s2  }
0x51: {  	[tilespmem:s2], [sflag:$0x7] =	stream.indirect.gather @!p1 [hbm4b:s4+s20], $0x80, s0, s20, $0xb8;
	[tilespmem:$0x1F6E8] =	vst v63  }
0x52: {  	p1 =	slt.u32 s18, $0x2  }
.Ltmp3:
0x53: {  	_ = 	snop;
	(pc) =	sbr.rel @p1 .LBB2_21-.Ltmp3, $1  }
0x54: {  	_ =	sdelay $0x3  }
0x55: {  	p1 =	sgt.s32 s19, $0x6DCE0;
	s0 =	smov.u32 s19;
	s2 =	sshra.s32 s19, $0x1F  }
0x56: {  	s0 =	simm.s32 @!p1 $0x6DCE0;
	s2 =	sand.u32 s2, s19  }
0x57: {  	s0 =	ssub.s32 s0, s2  }
0x58: {  	s0 =	sadd.s32 $0xFFF92320, s0  }
0x59: {  	s30 =	sshll.u32 s0, $0x2  }
0x5a: {  	_ =	swait.ge [sflag:s9], $0x7800;
	s2 =	ssub.s32 $0x3C0, s30  }
0x5b: {  	[sflag:s9] =	ssyncset.done $0x0;
	p1 =	sgt.s32 s0, $0xEF;
	s0 =	sshrl.u32 s2, $0x2  }
0x5c: {  	[sflag:s9] =	ssyncadd.s32 $0xFFFF8800;
	s0 =	simm.s32 @p1 $0x0  }
0x5d: {  	_ =	swait.ge [sflag:s10], s0  }
0x5e: {  	s0 =	ssub.s32 $0x0, s0;
	[sflag:s10] =	ssyncset.done $0x0  }
0x5f: {  	[sflag:s10] =	ssyncadd.s32 s0  }
0x60: {  	v1 =	vld [tilespmem:$0xF208];
	_ =	sdelay $0x4  }
0x61: {  	(v2sf) =	vpush v1, $0x0  }
0x62: {  	(v2sf) =	vpush v1, $0x1  }
0x63: {  	(v2sf) =	vpush v1, $0x2;
	_ =	sdelay $0x3  }
0x64: {  	s0 =	sadd.s32 $0xF0, s19  }
0x65: {  	s2 =	ssub.s32 $0x6DDD0, s19;
	p1 =	slt.s32 s7, s0  }
0x66: {  	s0 =	smov.u32 @p1 s7;
	p1 =	sgt.s32 s2, $0x0  }
0x67: {  	s23 =	ssub.s32 s0, s19;
	s2 =	simm.s32 @!p1 $0x0  }
0x68: {  	p1 =	slt.s32 s2, s23  }
0x69: {  	s23 =	smov.u32 @p1 s2  }
0x6a: {  	s22 =	simm.s32 $0x1;
	p1 =	slt.s32 s23, $0x1  }
.Ltmp4:
0x6b: {  	s22 =	simm.s32 @!p0 $0x0;
	(pc) =	sbr.rel @p1 .LBB2_8-.Ltmp4, $4  }
0x6c: {  	s31 =	smul.u32 $0x3C0, s22  }
0x6d: {  	s24 =	spop (v2sf)  }
0x6e: {  	s0 =	sshrl.u32 s31, $0x2;
	s26 =	spop (v2sf)  }
0x6f: {  	s20 =	sor.u32 $0x10508, s0;
	s19 =	spop (v2sf)  }
0x70: {  	s0 =	smin.u32 s23, $0x10  }
0x71: {  	v1 =	vmov s0  }
0x72: {  	p2 =	sgt.s32 s23, $0x10;
	vm1 =	vgt.u32 v1, v0  }
.Ltmp5:
0x73: {  	_ = 	snop;
	(pc) =	sbr.rel @!p2 .LBB2_7-.Ltmp5, $2  }
0x74: {  	_ =	sdelay $0x2  }
0x75: {  	s25 =	simm.s32 $0x10;
	s28 =	sadd.s32 $0xFFFFFFF0, s23;
	s21 =	smov.u32 s20;
	vm0 =	vmmov vm1  }
.LBB2_6:
0x76: {  	s0 =	smin.u32 s28, $0x10;
	s25 =	sadd.s32 $0x10, s25;
	v1 =	vld.msk [tilespmem:s21+$0x0 ss:$0x1], vm1  }
0x77: {  	v2 =	vmov s0;
	p2 =	slt.s32 s25, s23  }
0x78: {  	vm1 =	vgt.u32 v2, v0  }
.Ltmp6:
0x79: {  	(pc) =	sbr.rel @p2 .LBB2_6-.Ltmp6, $3  }
0x7a: {  	_ =	sdelay $0x1  }
0x7b: {  	v1 =	vshll.u32 v1, $0x4  }
0x7c: {  	s28 =	sadd.s32 $0xFFFFFFF0, s28;
	[tilespmem:s21+$0x0] =	vst.msk vm0, v1;
	s21 =	sadd.s32 $0x10, s21;
	vm0 =	vmmov vm1  }
.LBB2_7:
0x7d: {  	_ =	sdelay $0x4  }
0x7e: {  	v1 =	vld.msk [tilespmem:s21+$0x0 ss:$0x1], vm1;
	_ =	sdelay $0x4  }
0x7f: {  	v1 =	vshll.u32 v1, $0x4  }
0x80: {  	[tilespmem:s21+$0x0] =	vst.msk vm0, v1  }
.LBB2_8:
0x81: {  	s0 =	sand.u32 $0x1, s18  }
0x82: {  	s0 =	smul.u32 $0xF0, s0  }
0x83: {  	p2 =	sne.s32 s26, $0xFFFFFFFF  }
0x84: {  	v1 =	vld.msk @!p2 [tilespmem:s0+$0x10508], $0x1;
	_ =	sdelay $0x4  }
0x85: {  	(v2sf) =	vpush @!p2 v1, $0x0;
	_ =	sdelay $0xc  }
.Ltmp7:
0x86: {  	_ = 	snop;
	(pc) =	sbr.rel @p1 .LBB2_19-.Ltmp7, $4  }
0x87: {  	_ = 	snop  }
0x88: {  	s25 =	spop @!p2 (v2sf)  }
0x89: {  	s19 =	simm.s32 @!p2 $0x0;
	s21 =	smov.u32 s25  }
0x8a: {  	[sflag:s15] =	ssyncpa.u1 $0x0;
	s25 =	smov.u32 @p2 s24;
	s21 =	smov.u32 @p2 s26  }
0x8b: {  	v1 =	vld.msk [tilespmem:s20+$0x0], $0x1;
	_ =	sdelay $0x4  }
0x8c: {  	(v2sf) =	vpush v1, $0x0;
	_ =	sdelay $0xe  }
0x8d: {  	s0 =	smul.u32 $0x1E000, s22;
	s29 =	spop (v2sf)  }
0x8e: {  	s23 =	ssub.s32 $0x0, s23;
	p1 =	seq.s32 s25, s29  }
0x8f: {  	s26 =	sadd.s32 $0x1, s23;
	s0 =	sshrl.u32 s0, $0x2;
	p2 =	sgt.s32 @!p1 s25, $0x0  }
0x90: {  	s22 =	sor.u32 $0x10728, s0;
	s0 =	smov.u32 s25;
	p2 =	por !p2, p1  }
0x91: {  	s0 =	simm.s32 @p2 $0x0;
	p2 =	seq.s32 s26, $0x0  }
.Ltmp8:
0x92: {  	_ = 	snop;
	(pc) =	sbr.rel @p2 .LBB2_11-.Ltmp8, $4  }
0x93: {  	_ = 	snop  }
0x94: {  	s24 =	simm.s32 $0x0;
	s28 =	sadd.s32 $0x1, s20;
	s0 =	smin.u32 @!p1 s0, $0xC34F0  }
0x95: {  	s30 =	simm.s32 @!p1 $0x1;
	s31 =	simm.s32 @!p1 $0x7988;
	s2 =	sand.u32 @!p1 $0xFFFF8, s0  }
0x96: {  	s30 =	smov.u32 @p1 s24;
	s0 =	sand.u32 @!p1 $0x7, s0;
	s2 =	sadd.s32 @!p1 s1, s2  }
.LBB2_10:
0x97: {  	s8 =	smov.u32 s30  }
0x98: {  	[tilespmem:s31], [sflag:$0x2] =	stream.linear.gather @!p1 [hbm4b:s2+s0], $0x80, $0x38;
	[tilespmem:$0x1F6E8] =	vst v63  }
0x99: {  	s26 =	sadd.s32 $0x1, s26;
	s0 =	smov.u32 s29;
	v1 =	vld.msk [tilespmem:s28+$0x0], $0x1  }
0x9a: {  	p2 =	seq.s32 s26, $0x0;
	_ =	sdelay $0x3  }
0x9b: {  	(v2sf) =	vpush v1, $0x0;
	_ =	sdelay $0xe  }
0x9c: {  	s29 =	spop (v2sf)  }
0x9d: {  	p1 =	seq.s32 s0, s29  }
0x9e: {  	p3 =	sgt.s32 @!p1 s0, $0x0;
	s2 =	sshll.u32 @!p1 s30, $0x9;
	s30 =	sadd.s32 @!p1 $0x1, s30  }
.Ltmp9:
0x9f: {  	p3 =	por !p3, p1;
	s2 =	sshra.s32 @!p1 s2, $0x2;
	(pc) =	sbr.rel @!p2 .LBB2_10-.Ltmp9, $4  }
0xa0: {  	s30 =	smov.u32 @p1 s8;
	s0 =	simm.s32 @p3 $0x0;
	s31 =	sadd.s32 @!p1 $0x7988, s2  }
0xa1: {  	s0 =	smin.u32 @!p1 s0, $0xC34F0  }
0xa2: {  	s2 =	sand.u32 @!p1 $0xFFFF8, s0;
	s0 =	sand.u32 @!p1 $0x7, s0  }
0xa3: {  	s28 =	sadd.s32 $0x1, s28;
	s2 =	sadd.s32 @!p1 s1, s2  }
.LBB2_11:
0xa4: {  	[tilespmem:s31], [sflag:$0x2] =	stream.linear.gather @!p1 [hbm4b:s2+s0], $0x80, $0x38;
	[tilespmem:$0x1F6E8] =	vst v63  }
.Ltmp10:
0xa5: {  	s30 =	sshll.u32 s30, $0x7;
	(pc) =	sbr.rel .LBB2_12-.Ltmp10, $4  }
0xa6: {  	s31 =	simm.s32 $0x2;
	s0 =	sand.u32 $0x3FFFFF80, s30  }
0xa7: {  	_ =	swait.ge [sflag:s31], s0  }
0xa8: {  	s0 =	ssub.s32 $0x0, s0;
	[sflag:s31] =	ssyncset.done $0x0  }
0xa9: {  	s28 =	simm.s32 $0x0;
	[sflag:s31] =	ssyncadd.s32 s0  }
.LBB2_13:
0xaa: {  	v1 =	vld [tilespmem:s22+$0xFFFFFFC0];
	_ =	sdelay $0x3  }
0xab: {  	s0 =	sshra.s32 s0, $0x2  }
0xac: {  	[tilespmem:s0+$0x108] =	vst.add.f32.msk $0xffff, v1  }
0xad: {  	v1 =	vld [tilespmem:s22+$0xFFFFFFD0];
	_ =	sdelay $0x4  }
0xae: {  	[tilespmem:s0+$0x118] =	vst.add.f32.msk $0xffff, v1  }
0xaf: {  	v1 =	vld [tilespmem:s22+$0xFFFFFFE0];
	_ =	sdelay $0x4  }
0xb0: {  	[tilespmem:s0+$0x128] =	vst.add.f32.msk $0xffff, v1  }
0xb1: {  	v1 =	vld [tilespmem:s22+$0xFFFFFFF0];
	_ =	sdelay $0x4  }
0xb2: {  	[tilespmem:s0+$0x138] =	vst.add.f32.msk $0xffff, v1  }
0xb3: {  	v1 =	vld [tilespmem:s22+$0x0];
	_ =	sdelay $0x4  }
0xb4: {  	[tilespmem:s0+$0x148] =	vst.add.f32.msk $0xffff, v1  }
0xb5: {  	v1 =	vld [tilespmem:s22+$0x10];
	_ =	sdelay $0x4  }
0xb6: {  	[tilespmem:s0+$0x158] =	vst.add.f32.msk $0xffff, v1  }
0xb7: {  	v1 =	vld [tilespmem:s22+$0x20];
	_ =	sdelay $0x4  }
0xb8: {  	[tilespmem:s0+$0x168] =	vst.add.f32.msk $0xffff, v1  }
0xb9: {  	v1 =	vld [tilespmem:s22+$0x30];
	_ =	sdelay $0x4  }
0xba: {  	[tilespmem:s0+$0x178] =	vst.add.f32.msk $0xffff, v1  }
.LBB2_17:
0xbb: {  	s23 =	sadd.s32 $0x1, s23  }
0xbc: {  	p1 =	seq.s32 s23, $0x0  }
.Ltmp11:
0xbd: {  	_ = 	snop;
	(pc) =	sbr.rel @p1 .LBB2_18-.Ltmp11, $2  }
0xbe: {  	_ =	sdelay $0x2  }
0xbf: {  	s20 =	sadd.s32 $0x1, s20;
	s22 =	sadd.s32 $0x80, s22;
	s25 =	smov.u32 s26  }
.LBB2_12:
0xc0: {  	v1 =	vld.msk [tilespmem:s20+$0x0], $0x1;
	_ =	sdelay $0x4  }
0xc1: {  	(v2sf) =	vpush v1, $0x0;
	_ =	sdelay $0xe  }
0xc2: {  	s26 =	spop (v2sf)  }
0xc3: {  	p1 =	sne.s32 s25, s26  }
.Ltmp12:
0xc4: {  	_ = 	snop;
	(pc) =	sbr.rel @!p1 .LBB2_13-.Ltmp12, $2  }
0xc5: {  	_ =	sdelay $0x2  }
0xc6: {  	s0 =	sshll.u32 s19, $0x9  }
0xc7: {  	p1 =	seq.s32 s25, s21  }
.Ltmp13:
0xc8: {  	_ = 	snop;
	(pc) =	sbr.rel @!p1 .LBB2_15-.Ltmp13, $1  }
0xc9: {  	_ =	sdelay $0x3  }
0xca: {  	s0 =	sshra.s32 s0, $0x2  }
.Ltmp14:
0xcb: {  	s0 =	sadd.s32 $0x108, s0;
	(pc) =	sbr.rel .LBB2_16-.Ltmp14, $4  }
0xcc: {  	[spmem:s13] =	stream.linear.scatter [tilespmem:s0], [sflag:$0x1], $0x80, $0x38;
	[tilespmem:$0x1F6E8] =	vst v63  }
0xcd: {  	_ =	swait.ge [sflag:s11], $0x80  }
0xce: {  	[sflag:s11] =	ssyncset.done $0x0  }
0xcf: {  	[sflag:s11] =	ssyncadd.s32 $0xFFFFFF80  }
.LBB2_15:
0xd0: {  	s2 =	sshll.u32 s24, $0x9  }
0xd1: {  	s2 =	sshra.s32 s2, $0x2  }
0xd2: {  	v1 =	vld [tilespmem:s2+$0x7988];
	_ =	sdelay $0x3  }
0xd3: {  	s0 =	sshra.s32 s0, $0x2  }
0xd4: {  	[tilespmem:s0+$0x108] =	vst.add.f32.msk $0xffff, v1  }
0xd5: {  	v1 =	vld [tilespmem:s2+$0x7998];
	_ =	sdelay $0x4  }
0xd6: {  	[tilespmem:s0+$0x118] =	vst.add.f32.msk $0xffff, v1  }
0xd7: {  	v1 =	vld [tilespmem:s2+$0x79A8];
	_ =	sdelay $0x4  }
0xd8: {  	[tilespmem:s0+$0x128] =	vst.add.f32.msk $0xffff, v1  }
0xd9: {  	v1 =	vld [tilespmem:s2+$0x79B8];
	_ =	sdelay $0x4  }
0xda: {  	[tilespmem:s0+$0x138] =	vst.add.f32.msk $0xffff, v1  }
0xdb: {  	v1 =	vld [tilespmem:s2+$0x79C8];
	_ =	sdelay $0x4  }
0xdc: {  	[tilespmem:s0+$0x148] =	vst.add.f32.msk $0xffff, v1  }
0xdd: {  	v1 =	vld [tilespmem:s2+$0x79D8];
	_ =	sdelay $0x4  }
0xde: {  	[tilespmem:s0+$0x158] =	vst.add.f32.msk $0xffff, v1  }
0xdf: {  	v1 =	vld [tilespmem:s2+$0x79E8];
	_ =	sdelay $0x4  }
0xe0: {  	[tilespmem:s0+$0x168] =	vst.add.f32.msk $0xffff, v1  }
0xe1: {  	v1 =	vld [tilespmem:s2+$0x79F8];
	_ =	sdelay $0x2  }
0xe2: {  	p1 =	sgt.u32 s25, $0xC34F0  }
0xe3: {  	s2 =	sand.u32 @!p1 $0xFFFF8, s25  }
0xe4: {  	s8 =	sadd.s32 $0x108, s0;
	[tilespmem:s0+$0x178] =	vst.add.f32.msk $0xffff, v1;
	s0 =	sadd.s32 @!p1 s1, s2;
	s2 =	sand.u32 @!p1 $0x7, s25  }
0xe5: {  	[hbm4b:s0+s2] =	stream.linear.scatter @!p1 [tilespmem:s8], [sflag:$0xA], $0x80, $0x38;
	[tilespmem:$0x1F6E8] =	vst v63  }
0xe6: {  	s0 =	simm.s32 $0x0  }
0xe7: {  	s0 =	simm.s32 @!p1 $0x200  }
0xe8: {  	s28 =	sadd.s32 s0, s28  }
.LBB2_16:
0xe9: {  	s0 =	sadd.s32 $0x1, s19  }
0xea: {  	s2 =	smulhi.u32 $0x88888889, s0;
	_ =	sdelay $0x1  }
0xeb: {  	v1 =	vld [tilespmem:s22+$0xFFFFFFC0];
	s2 =	sshrl.u32 s2, $0x7  }
0xec: {  	s2 =	smul.u32 $0xF0, s2;
	_ =	sdelay $0x1  }
0xed: {  	s19 =	ssub.s32 s0, s2  }
0xee: {  	s0 =	sshll.u32 s19, $0x7  }
0xef: {  	[tilespmem:s0+$0x108] =	vst v1  }
0xf0: {  	v1 =	vld [tilespmem:s22+$0xFFFFFFD0];
	_ =	sdelay $0x4  }
0xf1: {  	[tilespmem:s0+$0x118] =	vst v1  }
0xf2: {  	v1 =	vld [tilespmem:s22+$0xFFFFFFE0];
	_ =	sdelay $0x4  }
0xf3: {  	[tilespmem:s0+$0x128] =	vst v1  }
0xf4: {  	v1 =	vld [tilespmem:s22+$0xFFFFFFF0];
	_ =	sdelay $0x4  }
0xf5: {  	[tilespmem:s0+$0x138] =	vst v1  }
0xf6: {  	v1 =	vld [tilespmem:s22+$0x0];
	_ =	sdelay $0x4  }
0xf7: {  	[tilespmem:s0+$0x148] =	vst v1  }
0xf8: {  	v1 =	vld [tilespmem:s22+$0x10];
	_ =	sdelay $0x4  }
0xf9: {  	[tilespmem:s0+$0x158] =	vst v1  }
0xfa: {  	v1 =	vld [tilespmem:s22+$0x20];
	_ =	sdelay $0x4  }
0xfb: {  	[tilespmem:s0+$0x168] =	vst v1  }
0xfc: {  	v1 =	vld [tilespmem:s22+$0x30]  }
.Ltmp15:
0xfd: {  	_ = 	snop;
	(pc) =	sbr.rel .LBB2_17-.Ltmp15, $2  }
0xfe: {  	_ =	sdelay $0x2  }
0xff: {  	s24 =	sadd.s32 $0x1, s24;
	[tilespmem:s0+$0x178] =	vst v1  }
.LBB2_19:
.Ltmp16:
0x100: {  	(pc) =	sbr.rel .LBB2_20-.Ltmp16, $4  }
0x101: {  	_ = 	snop  }
0x102: {  	s0 =	simm.s32 $0x2  }
0x103: {  	_ =	swait.ge [sflag:s0], $0x0  }
0x104: {  	s26 =	smov.u32 s25;
	[sflag:s0] =	ssyncset.done $0x0;
	s0 =	simm.s32 $0x0  }
.LBB2_22:
0x105: {  	_ =	sfence.sel $0x180000  }
0x106: {  	s0 =	simm.s32 $0x7;
	[bflag:$0x0] =	sbarrier.arrive $0xFFFF  }
0x107: {  	s25 =	simm.s32 $0x8;
	[sflag:s0] =	ssyncpa.u1 $0x1  }
0x108: {  	s26 =	simm.s32 $0x9;
	[sflag:s25] =	ssyncpa.u1 $0x1  }
0x109: {  	s28 =	simm.s32 $0x2;
	[sflag:s26] =	ssyncpa.u1 $0x1  }
0x10a: {  	[sflag:s28] =	ssyncpa.u1 $0x1  }
0x10b: {  	v0 =	vld [tilespmem:$0xF208];
	_ =	sdelay $0x4  }
0x10c: {  	(v2sf) =	vpush v0, $0x0  }
0x10d: {  	(v2sf) =	vpush v0, $0x1;
	_ =	sdelay $0x1  }
0x10e: {  	(v2sf) =	vpush v0, $0x2;
	_ =	sdelay $0xb  }
0x10f: {  	s0 =	spop (v2sf)  }
0x110: {  	s2 =	spop (v2sf)  }
0x111: {  	s3 =	smov.u32 s0;
	p0 =	sne.s32 s0, s2  }
0x112: {  	s4 =	spop (v2sf);
	s3 =	simm.s32 @!p0 $0xFFFFFFFF  }
0x113: {  	v2 =	vimm.s32 $0x1;
	v3 =	vlaneseq.u32;
	p0 =	seq.s32 s4, $0xFFFFFFFF;
	v1 =	vmov s3  }
0x114: {  	s7 =	stileid.u32;
	v0 =	vperm.xlane v0, v2;
	p1 =	sne.s32 @!p0 s0, s2;
	v1 =	vperm.xlane v1, v3  }
0x115: {  	vm0 =	vcmask $0x3F04;
	s6 =	simm.s32 $0xF208;
	s0 =	simm.s32 @!p0 $0x1;
	p1 =	por !p1, p0  }
0x116: {  	s3 =	sshll.u32 s7, $0x1;
	s2 =	sshll.u32 @!p0 s4, $0x9;
	s0 =	simm.s32 @p1 $0x0;
	v0 =	vsel vm0, v1, v0  }
0x117: {  	s5 =	sor.u32 $0x1000, s3;
	s2 =	sshra.s32 @!p0 s2, $0x2;
	s0 =	sor.u32 @!p0 s0, s3;
	[tilespmem:$0xF208] =	vst v0  }
0x118: {  	[spmem:s5] =	stream.linear.scatter [tilespmem:s6], [sflag:$0x1], $0x2, $0x38;
	[tilespmem:$0x1F6E8] =	vst v63  }
0x119: {  	s2 =	sadd.s32 @!p0 $0x108, s2;
	s0 =	sshll.u32 @!p0 s0, $0x7  }
0x11a: {  	[spmem:s0] =	stream.linear.scatter @!p0 [tilespmem:s2], [sflag:$0x1], $0x80, $0x38;
	[tilespmem:$0x1F6E8] =	vst v63  }
0x11b: {  	s0 =	simm.s32 @!p0 $0x82  }
0x11c: {  	s3 =	simm.s32 $0x1;
	s0 =	simm.s32 @p0 $0x2  }
0x11d: {  	_ =	swait.ge [sflag:s3], s0  }
0x11e: {  	s0 =	ssub.s32 $0x0, s0;
	[sflag:s3] =	ssyncset.done $0x0  }
0x11f: {  	[sflag:s3] =	ssyncadd.s32 s0  }
0x120: {  	_ =	sfence.stream.spmem  }
0x121: {  	s29 =	simm.s32 $0x3;
	[bflag:$0x0] =	sbarrier.arrive $0xFFFF  }
0x122: {  	s30 =	simm.s32 $0x4;
	[sflag:s29] =	ssyncpa.u1 $0x1  }
0x123: {  	s31 =	simm.s32 $0x3C;
	[sflag:s30] =	ssyncpa.u1 $0x1  }
0x124: {  	p0 =	sne.s32 s7, $0x0;
	[sflag:s31] =	ssyncpa.u1 $0x1  }
0x125: {  	_ =	sfence @p0  }
0x126: {  	[sflag:s3] =	ssyncpa.u1 @p0 $0x1  }
0x127: {  	_ =	strace @p0 $0x90000071  }
0x128: {  	[bflag:$0x2] =	sbarrier.arrive @p0 $0xFFFF  }
0x129: {  	_ =	shalt @p0  }
.LBB2_23:
0x12a: {  	_ =	sfence.stream.spmem;
	s0 =	simm.s32 $0x5  }
0x12b: {  	s2 =	simm.s32 $0x1000;
	s3 =	simm.s32 $0xF218;
	[sflag:s0] =	ssyncpa.u1 $0x0  }
0x12c: {  	[tilespmem:s3], [sflag:$0x5] =	stream.linear.gather [spmem:s2], $0x20, $0x38;
	[tilespmem:$0x1F6E8] =	vst v63  }
0x12d: {  	s30 =	simm.s32 $0xF238;
	s2 =	simm.s32 $0x0  }
0x12e: {  	[tilespmem:s30], [sflag:$0x5] =	stream.linear.gather [spmem:s2], $0x1000, $0x38;
	[tilespmem:$0x1F6E8] =	vst v63  }
.Ltmp17:
0x12f: {  	_ = 	snop;
	(pc) =	sbr.rel .LBB2_24-.Ltmp17, $4  }
0x130: {  	_ =	swait.ge [sflag:s0], $0x1020  }
0x131: {  	[sflag:s0] =	ssyncset.done $0x0  }
0x132: {  	s31 =	simm.s32 $0x6;
	[sflag:s0] =	ssyncadd.s32 $0xFFFFEFE0  }
0x133: {  	s3 =	simm.s32 $0x0;
	[sflag:s31] =	ssyncpa.u1 $0x0  }
.LBB2_30:
0x134: {  	p0 =	slt.u32 s4, $0xC34F1  }
0x135: {  	s0 =	sand.u32 @p0 $0xFFFF8, s4  }
0x136: {  	s4 =	sand.u32 @p0 $0x7, s4;
	s5 =	simm.s32 @p0 $0xF188;
	s0 =	sadd.s32 @p0 s1, s0  }
0x137: {  	[tilespmem:s5], [sflag:$0x6] =	stream.linear.gather @p0 [hbm4b:s0+s4], $0x80, $0x38;
	[tilespmem:$0x1F6E8] =	vst v63  }
0x138: {  	s0 =	simm.s32 @p0 $0x6  }
0x139: {  	_ =	swait.ge @p0 [sflag:s0], $0x80  }
0x13a: {  	[sflag:s0] =	ssyncset.done @p0 $0x0  }
0x13b: {  	[sflag:s0] =	ssyncadd.s32 @p0 $0xFFFFFF80  }
0x13c: {  	v1 =	vld @p0 [tilespmem:$0xF188];
	_ =	sdelay $0x2  }
0x13d: {  	s0 =	sshll.u32 @p0 s3, $0x9  }
0x13e: {  	s4 =	sshrl.u32 @p0 s0, $0x2  }
0x13f: {  	[tilespmem:s4+$0xF238] =	vst.add.f32.msk @p0 $0xffff, v1  }
0x140: {  	v1 =	vld @p0 [tilespmem:$0xF198];
	_ =	sdelay $0x4  }
0x141: {  	[tilespmem:s4+$0xF248] =	vst.add.f32.msk @p0 $0xffff, v1  }
0x142: {  	v1 =	vld @p0 [tilespmem:$0xF1A8];
	_ =	sdelay $0x4  }
0x143: {  	[tilespmem:s4+$0xF258] =	vst.add.f32.msk @p0 $0xffff, v1  }
0x144: {  	v1 =	vld @p0 [tilespmem:$0xF1B8];
	_ =	sdelay $0x4  }
0x145: {  	[tilespmem:s4+$0xF268] =	vst.add.f32.msk @p0 $0xffff, v1  }
0x146: {  	v1 =	vld @p0 [tilespmem:$0xF1C8];
	_ =	sdelay $0x4  }
0x147: {  	[tilespmem:s4+$0xF278] =	vst.add.f32.msk @p0 $0xffff, v1  }
0x148: {  	v1 =	vld @p0 [tilespmem:$0xF1D8];
	_ =	sdelay $0x4  }
0x149: {  	[tilespmem:s4+$0xF288] =	vst.add.f32.msk @p0 $0xffff, v1  }
0x14a: {  	v1 =	vld @p0 [tilespmem:$0xF1E8];
	_ =	sdelay $0x4  }
0x14b: {  	[tilespmem:s4+$0xF298] =	vst.add.f32.msk @p0 $0xffff, v1  }
0x14c: {  	v1 =	vld @p0 [tilespmem:$0xF1F8];
	_ =	sdelay $0x3  }
0x14d: {  	s5 =	sshll.u32 @!p0 s3, $0x9  }
0x14e: {  	s5 =	smov.u32 @p0 s0;
	[tilespmem:s4+$0xF2A8] =	vst.add.f32.msk @p0 $0xffff, v1  }
0x14f: {  	s0 =	sshrl.u32 s5, $0x2;
	[tilespmem:s2+$0xF218] =	vst.msk $0x1, v0  }
0x150: {  	v0 =	vld [tilespmem:s0+$0xF238];
	_ =	sdelay $0x2  }
0x151: {  	s31 =	sshll.u32 s2, $0x9  }
0x152: {  	s4 =	sshra.s32 s31, $0x2  }
0x153: {  	[tilespmem:s4+$0xF238] =	vst v0  }
0x154: {  	v0 =	vld [tilespmem:s0+$0xF248];
	_ =	sdelay $0x4  }
0x155: {  	[tilespmem:s4+$0xF248] =	vst v0  }
0x156: {  	v0 =	vld [tilespmem:s0+$0xF258];
	_ =	sdelay $0x4  }
0x157: {  	[tilespmem:s4+$0xF258] =	vst v0  }
0x158: {  	v0 =	vld [tilespmem:s0+$0xF268];
	_ =	sdelay $0x4  }
0x159: {  	[tilespmem:s4+$0xF268] =	vst v0  }
0x15a: {  	v0 =	vld [tilespmem:s0+$0xF278];
	_ =	sdelay $0x4  }
0x15b: {  	[tilespmem:s4+$0xF278] =	vst v0  }
0x15c: {  	v0 =	vld [tilespmem:s0+$0xF288];
	_ =	sdelay $0x4  }
0x15d: {  	[tilespmem:s4+$0xF288] =	vst v0  }
0x15e: {  	v0 =	vld [tilespmem:s0+$0xF298];
	_ =	sdelay $0x4  }
0x15f: {  	[tilespmem:s4+$0xF298] =	vst v0  }
0x160: {  	v0 =	vld [tilespmem:s0+$0xF2A8];
	_ =	sdelay $0x4  }
0x161: {  	s2 =	sadd.s32 $0x1, s2;
	[tilespmem:s4+$0xF2A8] =	vst v0  }
.LBB2_31:
0x162: {  	s3 =	sadd.s32 $0x1, s3  }
0x163: {  	p0 =	sne.s32 s3, $0x20  }
.Ltmp18:
0x164: {  	_ = 	snop;
	(pc) =	sbr.rel @!p0 .LBB2_32-.Ltmp18, $1  }
0x165: {  	_ =	sdelay $0x3  }
.LBB2_24:
0x166: {  	v0 =	vld.msk [tilespmem:s3+$0xF218], $0x1;
	_ =	sdelay $0x4  }
0x167: {  	(v2sf) =	vpush v0, $0x0;
	_ =	sdelay $0xe  }
0x168: {  	s4 =	spop (v2sf)  }
0x169: {  	p0 =	seq.s32 s4, $0xFFFFFFFF  }
.Ltmp19:
0x16a: {  	_ = 	snop;
	(pc) =	sbr.rel @p0 .LBB2_31-.Ltmp19, $1  }
0x16b: {  	_ =	sdelay $0x3  }
0x16c: {  	p0 =	slt.s32 s2, $0x1  }
.Ltmp20:
0x16d: {  	_ = 	snop;
	(pc) =	sbr.rel @p0 .LBB2_30-.Ltmp20, $1  }
0x16e: {  	_ =	sdelay $0x3  }
0x16f: {  	s5 =	simm.s32 $0xF218;
	p0 =	por $0x0, $0x0  }
0x170: {  	v1 =	vld.msk @!p0 [tilespmem:s5+$0x0], $0x1;
	_ =	sdelay $0x4  }
0x171: {  	(v2sf) =	vpush @!p0 v1, $0x0;
	_ =	sdelay $0xd  }
0x172: {  	p2 =	sne.s32 s2, $0x1  }
.Ltmp21:
0x173: {  	s0 =	spop @!p0 (v2sf);
	(pc) =	sbr.rel @!p2 .LBB2_28-.Ltmp21, $4  }
0x174: {  	p1 =	seq.s32 @!p0 s4, s0  }
0x175: {  	s6 =	simm.s32 $0x0;
	p1 =	por !p1, p0  }
0x176: {  	s0 =	simm.s32 $0xFFFFFFFF;
	s6 =	simm.s32 @p1 $0xFFFFFFFF  }
0x177: {  	s7 =	simm.s32 $0x1;
	s6 =	smov.u32 @p0 s0  }
.LBB2_27:
0x178: {  	s0 =	smov.u32 s6;
	p0 =	sne.s32 s6, $0xFFFFFFFF  }
0x179: {  	s5 =	sadd.s32 $0x1, s5;
	s6 =	smov.u32 s7;
	s7 =	sadd.s32 $0x1, s7  }
0x17a: {  	p1 =	sne.s32 s2, s7;
	v1 =	vld.msk @!p0 [tilespmem:s5+$0x0], $0x1;
	_ =	sdelay $0x4  }
0x17b: {  	(v2sf) =	vpush @!p0 v1, $0x0;
	_ =	sdelay $0xe  }
.Ltmp22:
0x17c: {  	s8 =	spop @!p0 (v2sf);
	(pc) =	sbr.rel @p1 .LBB2_27-.Ltmp22, $4  }
0x17d: {  	p2 =	seq.s32 @!p0 s4, s8  }
0x17e: {  	p2 =	por !p2, p0  }
0x17f: {  	s6 =	simm.s32 @p2 $0xFFFFFFFF  }
0x180: {  	s6 =	smov.u32 @p0 s0  }
.LBB2_28:
0x181: {  	p0 =	seq.s32 s6, $0xFFFFFFFF  }
.Ltmp23:
0x182: {  	_ = 	snop;
	(pc) =	sbr.rel @p0 .LBB2_30-.Ltmp23, $1  }
0x183: {  	_ =	sdelay $0x3  }
0x184: {  	s0 =	sshll.u32 s3, $0x7  }
0x185: {  	s0 =	sand.u32 $0x3FFFFF80, s0  }
0x186: {  	v0 =	vld [tilespmem:s0+$0xF238];
	_ =	sdelay $0x2  }
0x187: {  	s4 =	sshll.u32 s6, $0x9  }
0x188: {  	s4 =	sshra.s32 s4, $0x2  }
0x189: {  	[tilespmem:s4+$0xF238] =	vst.add.f32.msk $0xffff, v0  }
0x18a: {  	v0 =	vld [tilespmem:s0+$0xF248];
	_ =	sdelay $0x4  }
0x18b: {  	[tilespmem:s4+$0xF248] =	vst.add.f32.msk $0xffff, v0  }
0x18c: {  	v0 =	vld [tilespmem:s0+$0xF258];
	_ =	sdelay $0x4  }
0x18d: {  	[tilespmem:s4+$0xF258] =	vst.add.f32.msk $0xffff, v0  }
0x18e: {  	v0 =	vld [tilespmem:s0+$0xF268];
	_ =	sdelay $0x4  }
0x18f: {  	[tilespmem:s4+$0xF268] =	vst.add.f32.msk $0xffff, v0  }
0x190: {  	v0 =	vld [tilespmem:s0+$0xF278];
	_ =	sdelay $0x4  }
0x191: {  	[tilespmem:s4+$0xF278] =	vst.add.f32.msk $0xffff, v0  }
0x192: {  	v0 =	vld [tilespmem:s0+$0xF288];
	_ =	sdelay $0x4  }
0x193: {  	[tilespmem:s4+$0xF288] =	vst.add.f32.msk $0xffff, v0  }
0x194: {  	v0 =	vld [tilespmem:s0+$0xF298];
	_ =	sdelay $0x4  }
0x195: {  	[tilespmem:s4+$0xF298] =	vst.add.f32.msk $0xffff, v0  }
0x196: {  	v0 =	vld [tilespmem:s0+$0xF2A8]  }
.Ltmp24:
0x197: {  	_ = 	snop;
	(pc) =	sbr.rel .LBB2_31-.Ltmp24, $2  }
0x198: {  	_ =	sdelay $0x2  }
0x199: {  	[tilespmem:s4+$0xF2A8] =	vst.add.f32.msk $0xffff, v0  }
.LBB2_32:
0x19a: {  	p0 =	slt.s32 s2, $0x1  }
.Ltmp25:
0x19b: {  	_ = 	snop;
	(pc) =	sbr.rel @p0 .LBB2_36-.Ltmp25, $3  }
0x19c: {  	_ =	sdelay $0x1  }
0x19d: {  	s0 =	simm.s32 $0x6  }
0x19e: {  	s3 =	simm.s32 $0x0;
	[sflag:s0] =	ssyncpa.u1 $0x1  }
0x19f: {  	s0 =	simm.s32 $0xF218  }
0x1a0: {  	v0 =	vld.msk [tilespmem:s0+$0x0], $0x1;
	_ =	sdelay $0x4  }
0x1a1: {  	(v2sf) =	vpush v0, $0x0;
	_ =	sdelay $0xd  }
0x1a2: {  	s2 =	sadd.s32 $0xFFFFFFFF, s2  }
0x1a3: {  	p1 =	sne.s32 s2, $0x0;
	s0 =	spop (v2sf)  }
.Ltmp26:
0x1a4: {  	p0 =	sgt.u32 s0, $0xC34F0;
	(pc) =	sbr.rel @!p1 .LBB2_35-.Ltmp26, $4  }
0x1a5: {  	s4 =	simm.s32 $0xF238;
	s5 =	sand.u32 @!p0 $0xFFFF8, s0  }
0x1a6: {  	s6 =	simm.s32 $0x0;
	s0 =	sand.u32 @!p0 $0x7, s0;
	s5 =	sadd.s32 @!p0 s1, s5  }
0x1a7: {  	[hbm4b:s5+s0] =	stream.linear.scatter @!p0 [tilespmem:s4], [sflag:$0x5], $0x80, $0x38;
	[tilespmem:$0x1F6E8] =	vst v63  }
0x1a8: {  	s6 =	simm.s32 @!p0 $0x200;
	s5 =	simm.s32 $0xF219  }
.LBB2_34:
0x1a9: {  	v0 =	vld.msk [tilespmem:s5+$0x0], $0x1;
	s2 =	sadd.s32 $0xFFFFFFFF, s2;
	s3 =	sadd.s32 s3, s6  }
0x1aa: {  	p0 =	sne.s32 s2, $0x0;
	_ =	sdelay $0x3  }
0x1ab: {  	(v2sf) =	vpush v0, $0x0;
	_ =	sdelay $0xe  }
.Ltmp27:
0x1ac: {  	s0 =	spop (v2sf);
	(pc) =	sbr.rel @p0 .LBB2_34-.Ltmp27, $4  }
0x1ad: {  	s6 =	simm.s32 $0x0;
	p1 =	sgt.u32 s0, $0xC34F0  }
0x1ae: {  	s4 =	sadd.s32 $0x80, s4;
	s6 =	simm.s32 @!p1 $0x200;
	s7 =	sand.u32 @!p1 $0xFFFF8, s0  }
0x1af: {  	s5 =	sadd.s32 $0x1, s5;
	s0 =	sand.u32 @!p1 $0x7, s0;
	s7 =	sadd.s32 @!p1 s1, s7  }
0x1b0: {  	[hbm4b:s7+s0] =	stream.linear.scatter @!p1 [tilespmem:s4], [sflag:$0x5], $0x80, $0x38;
	[tilespmem:$0x1F6E8] =	vst v63  }
.LBB2_35:
0x1b1: {  	s0 =	sadd.s32 s3, s6  }
0x1b2: {  	s3 =	sshrl.u32 s0, $0x2  }
.LBB2_36:
0x1b3: {  	s0 =	simm.s32 $0x5  }
0x1b4: {  	_ =	swait.ge [sflag:s0], s3  }
0x1b5: {  	s1 =	ssub.s32 $0x0, s3;
	[sflag:s0] =	ssyncset.done $0x0  }
0x1b6: {  	[sflag:s0] =	ssyncadd.s32 s1  }
0x1b7: {  	[sflag:s0] =	ssyncpa.u1 $0x1  }
0x1b8: {  	s30 =	simm.s32 $0x1;
	_ =	sfence  }
0x1b9: {  	[sflag:s30] =	ssyncpa.u1 $0x1  }
0x1ba: {  	_ =	strace $0x90000071  }
0x1bb: {  	[bflag:$0x2] =	sbarrier.arrive $0xFFFF  }
0x1bc: {  	s31 =	rddreg [dreg:$0x1]  }
0x1bd: {  	s0 =	sadd.s32 $0x100000, s31  }
0x1be: {  	[sflag:s0] =	ssyncadd.tile.s32 $0x1;
	_ =	shalt  }
.Lfunc_end2:
_tile_overlayer_lowered:
.L_overlay_start_2:
0x1bf: {  	(tag) =	ssettag $0x2  }
0x1c0: {  	s0 =	rddreg [dreg:$0x0];
	s2 =	stileid.u32  }
0x1c1: {  	s1 =	rddreg [dreg:$0x1];
	p0 =	sne.s32 s2, $0x0  }
0x1c2: {  	s3 =	rddreg [dreg:$0x2];
	[bflag:$0x3] =	sbarrier.arrive $0xFFFF;
	s2 =	simm.s32 @!p0 $0x1C01  }
0x1c3: {  	[timem:s3], [sflag:s2] =	dma.local @!p0 [hbm:s0], s1  }
0x1c4: {  	s0 =	simm.s32 @!p0 $0x1  }
0x1c5: {  	_ =	swait.ge @!p0 [sflag:s0], s1  }
0x1c6: {  	s1 =	ssub.s32 @!p0 $0x0, s1;
	[sflag:s0] =	ssyncset.done @!p0 $0x0  }
0x1c7: {  	[sflag:s0] =	ssyncadd.s32 @!p0 s1  }
0x1c8: {  	[bflag:$0x3] =	sbarrier.arrive $0xFFFF  }
0x1c9: {  	_ =	shalt  }

// kernel: scatter_offload_async_start
scs
__scs_entry_jumppad:
0x0: {  	(pc) =	sbr.rel $0x88, $3  }
0x1: {  	(tag) =	ssettag $0x0;
	lr =	simm.s32 $0x1  }
0x2: {  	[smem:$0x3F9C] =	sst lr;
	_ =	strace $0xD0000000  }
0x3: {  	_ = 	snop  }
0x4: {  	_ = 	snop  }
0x5: {  	_ = 	snop  }
0x6: {  	_ = 	snop  }
0x7: {  	_ = 	snop  }
__scs_overlays_trampoline_lowered:
0x8: {  	[smem:$0x3FAB] =	sst s0  }
0x9: {  	[smem:$0x3FAC] =	sst s1  }
0xa: {  	[smem:$0x3FAD] =	sst s2  }
0xb: {  	[smem:$0x3FAE] =	sst s3  }
0xc: {  	[smem:$0x3FAF] =	sst s4  }
0xd: {  	[smem:$0x3FB0] =	sst s5  }
0xe: {  	[smem:$0x3FB1] =	sst s6  }
0xf: {  	[smem:$0x3FB2] =	sst s7  }
0x10: {  	[smem:$0x3FB3] =	sst s8  }
0x11: {  	[smem:$0x3FB4] =	sst s9;
	s0 =	simm.s32 @!p0 $0x0  }
0x12: {  	s1 =	sld [smem:$0x3F9A];
	s0 =	simm.s32 @p0 $0x1  }
0x13: {  	[smem:$0x3FB5] =	sst s0;
	s0 =	simm.s32 @!p1 $0x0  }
0x14: {  	s2 =	sld [smem:$0x3F99];
	s0 =	simm.s32 @p1 $0x1  }
0x15: {  	[smem:$0x3FB6] =	sst s0;
	s0 =	simm.s32 @!p2 $0x0  }
0x16: {  	s3 =	sld [smem:$0x3FDB];
	s0 =	simm.s32 @p2 $0x1  }
0x17: {  	s4 =	simm.s32 $0x1BF5;
	[smem:$0x3FB8] =	sst s0  }
0x18: {  	s0 =	sld [smem:$0x3F9B];
	_ =	swait.ge [sflag:s4], $0x0  }
0x19: {  	s7 =	sld [smem:$0x3F9C]  }
0x1a: {  	s8 =	sadd.s32 $0xFFFFE003, lr  }
0x1b: {  	s9 =	sadd.s32 $0xFFFFFEF7, lr;
	s5 =	simm.s32 $0xFFFFFFFF;
	p2 =	slt.u32 s8, $0xFFFFF086  }
0x1c: {  	p1 =	slt.u32 s9, $0xF7A;
	s5 =	simm.s32 @!p2 $0x0  }
0x1d: {  	s5 =	simm.s32 @p1 $0x1;
	p0 =	seq.s32 s7, s2  }
0x1e: {  	s7 =	smul.u32 @!p0 $0xF7A, s2;
	p2 =	seq.s32 @!p0 s5, $0x0  }
0x1f: {  	s9 =	smul.u32 $0xF7A, s1;
	s8 =	simm.s32 @!p0 $0x1BF5;
	p2 =	por !p2, p0  }
0x20: {  	[sflag:s8] =	ssyncset.s32 @!p0 $0xFFFFF086;
	s6 =	sadd.s32 @!p0 s3, s7;
	s7 =	simm.s32 @!p0 $0x108  }
0x21: {  	s3 =	sadd.s32 s3, s9;
	s6 =	sadd.s32 @!p0 $0x88, s6;
	s7 =	simm.s32 @p2 $0x1082  }
0x22: {  	[simem:s7], [sflag:s8] =	dma.local @!p0 [hbm:s6], $0xF7A  }
0x23: {  	s9 =	sor.u32 $0xD0000000, s2;
	s6 =	simm.s32 $0x108;
	_ =	swait.ge @!p0 [sflag:s8], $0x0  }
0x24: {  	s3 =	sadd.s32 $0x88, s3;
	s6 =	simm.s32 @!p1 $0x1082;
	[sflag:s4] =	ssyncset.s32 $0xFFFFF086  }
0x25: {  	[simem:s6], [sflag:s4] =	dma.local [hbm:s3], $0xF7A  }
0x26: {  	[smem:$0x3F9C] =	sst s1;
	(tag) =	ssettag s2;
	_ =	strace s9  }
0x27: {  	s1 =	sld [smem:$0x3FAC]  }
0x28: {  	s2 =	sld [smem:$0x3FAD]  }
0x29: {  	s4 =	sld [smem:$0x3FAF]  }
0x2a: {  	p0 =	seq.s32 s5, $0x0;
	s5 =	sld [smem:$0x3FB0]  }
0x2b: {  	s6 =	sld [smem:$0x3FB1]  }
0x2c: {  	s7 =	sld [smem:$0x3FB2]  }
0x2d: {  	s3 =	simm.s32 $0x108;
	s8 =	sld [smem:$0x3FB3]  }
0x2e: {  	s3 =	simm.s32 @!p0 $0x1082;
	s9 =	sld [smem:$0x3FB4]  }
0x2f: {  	lr =	sadd.s32 s0, s3;
	s0 =	sld [smem:$0x3FAB]  }
0x30: {  	s3 =	sld [smem:$0x3FAE]  }
0x31: {  	[smem:$0x3FB7] =	sst s10  }
0x32: {  	s10 =	sld [smem:$0x3FB5];
	_ =	sdelay $0x3  }
0x33: {  	p0 =	seq.s32 s10, $0x1;
	s10 =	sld [smem:$0x3FB7];
	_ =	sdelay $0x3  }
0x34: {  	[smem:$0x3FB7] =	sst s10  }
0x35: {  	s10 =	sld [smem:$0x3FB6];
	_ =	sdelay $0x3  }
0x36: {  	p1 =	seq.s32 s10, $0x1;
	s10 =	sld [smem:$0x3FB7];
	_ =	sdelay $0x3  }
0x37: {  	[smem:$0x3FB7] =	sst s10  }
0x38: {  	s10 =	sld [smem:$0x3FB8]  }
0x39: {  	_ = 	snop;
	(pc) =	sbr.ind lr, $3  }
0x3a: {  	_ = 	snop  }
0x3b: {  	_ = 	snop  }
0x3c: {  	p2 =	seq.s32 s10, $0x1;
	s10 =	sld [smem:$0x3FB7]  }
0x3d: {  	_ =	shalt  }
0x3e: {  	_ =	shalt  }
0x3f: {  	_ =	shalt  }
0x40: {  	_ =	shalt  }
0x41: {  	_ =	shalt  }
0x42: {  	_ =	shalt  }
0x43: {  	_ =	shalt  }
0x44: {  	_ =	shalt  }
0x45: {  	_ =	shalt  }
0x46: {  	_ =	shalt  }
0x47: {  	_ =	shalt  }
0x48: {  	_ =	shalt  }
0x49: {  	_ =	shalt  }
0x4a: {  	_ =	shalt  }
0x4b: {  	_ =	shalt  }
0x4c: {  	_ =	shalt  }
0x4d: {  	_ =	shalt  }
0x4e: {  	_ =	shalt  }
0x4f: {  	_ =	shalt  }
0x50: {  	_ =	shalt  }
0x51: {  	_ =	shalt  }
0x52: {  	_ =	shalt  }
0x53: {  	_ =	shalt  }
0x54: {  	_ =	shalt  }
0x55: {  	_ =	shalt  }
0x56: {  	_ =	shalt  }
0x57: {  	_ =	shalt  }
0x58: {  	_ =	shalt  }
0x59: {  	_ =	shalt  }
0x5a: {  	_ =	shalt  }
0x5b: {  	_ =	shalt  }
0x5c: {  	_ =	shalt  }
0x5d: {  	_ =	shalt  }
0x5e: {  	_ =	shalt  }
0x5f: {  	_ =	shalt  }
0x60: {  	_ =	shalt  }
0x61: {  	_ =	shalt  }
0x62: {  	_ =	shalt  }
0x63: {  	_ =	shalt  }
0x64: {  	_ =	shalt  }
0x65: {  	_ =	shalt  }
0x66: {  	_ =	shalt  }
0x67: {  	_ =	shalt  }
0x68: {  	_ =	shalt  }
0x69: {  	_ =	shalt  }
0x6a: {  	_ =	shalt  }
0x6b: {  	_ =	shalt  }
0x6c: {  	_ =	shalt  }
0x6d: {  	_ =	shalt  }
0x6e: {  	_ =	shalt  }
0x6f: {  	_ =	shalt  }
0x70: {  	_ =	shalt  }
0x71: {  	_ =	shalt  }
0x72: {  	_ =	shalt  }
0x73: {  	_ =	shalt  }
0x74: {  	_ =	shalt  }
0x75: {  	_ =	shalt  }
0x76: {  	_ =	shalt  }
0x77: {  	_ =	shalt  }
0x78: {  	_ =	shalt  }
0x79: {  	_ =	shalt  }
0x7a: {  	_ =	shalt  }
0x7b: {  	_ =	shalt  }
0x7c: {  	_ =	shalt  }
0x7d: {  	_ =	shalt  }
0x7e: {  	_ =	shalt  }
0x7f: {  	_ =	shalt  }
0x80: {  	_ =	shalt  }
0x81: {  	_ =	shalt  }
0x82: {  	_ =	shalt  }
0x83: {  	_ =	shalt  }
0x84: {  	_ =	shalt  }
0x85: {  	_ =	shalt  }
0x86: {  	_ =	shalt  }
0x87: {  	_ =	shalt  }
.Lfunc_end0:
.L_simem_size_0:
called_computation_lowered:
.L_overlay_start_0:
0x88: {  	s0 =	sld [smem:$0x3FD9]  }
0x89: {  	s1 =	sld [smem:$0x3FFE];
	_ =	sdelay $0x3  }
0x8a: {  	s0 =	sadd.s32 s1, s0  }
0x8b: {  	[smem:$0x3FC3] =	sst s0  }
0x8c: {  	_ = 	snop  }
0x8d: {  	(tm) =	ssettm $0x1  }
0x8e: {  	s14 =	sld [smem:$0x3FFB];
	_ =	sdelay $0x3  }
0x8f: {  	_ =	strace s14  }
0x90: {  	s0 =	sld [smem:$0x3FFC];
	_ =	sdelay $0x3  }
0x91: {  	_ =	strace s0  }
0x92: {  	s0 =	sld [smem:$0x3FFD];
	_ =	sdelay $0x3  }
0x93: {  	_ =	strace s0  }
0x94: {  	_ =	strace $0x8FFFFFFF  }
0x95: {  	s15 =	sld [smem:$0x3FDB];
	_ =	sdelay $0x1  }
0x96: {  	s16 =	simm.s32 $_scs_section_size  }
0x97: {  	s2 =	simm.s32 $_size__tile_overlayer_lowered;
	s3 =	simm.s32 $_tile_overlayer_lowered  }
0x98: {  	s4 =	simm.s32 $0x1BFF;
	s17 =	sshll.u32 s3, $0x1;
	s1 =	sadd.s32 s16, s15  }
0x99: {  	s18 =	simm.s32 $0x0;
	s2 =	sshll.u32 s2, $0x1;
	s3 =	sadd.s32 s17, s1  }
0x9a: {  	[timem:s18], [sflag:s4] =	dma.local [hbm:s3], s2  }
0x9b: {  	_ =	swait.ge [sflag:s4], s2  }
0x9c: {  	s2 =	ssub.s32 $0x0, s2;
	[sflag:s4] =	ssyncset.done $0x0  }
0x9d: {  	[sflag:s4] =	ssyncadd.s32 s2;
	_ =	sdelay $0x1  }
0x9e: {  	s19 =	simm.s32 $0x1B8B  }
0x9f: {  	_ =	swait.ge [sflag:s19], $0x1  }
0xa0: {  	[sflag:s19] =	ssyncset.done $0x0  }
0xa1: {  	s21 =	simm.s32 $0x1B8E;
	s20 =	sld [smem:$0x3FFE];
	[sflag:s19] =	ssyncadd.s32 $0xFFFFFFFF  }
0xa2: {  	s22 =	simm.s32 $execute0_lowered;
	[smem:$0x3FD2] =	sst s21  }
0xa3: {  	s3 =	sshll.u32 s22, $0x1;
	_ =	strace $0x80000046;
	[dreg:$0x1] =	wrdreg $0xFFFFFFFF  }
0xa4: {  	s23 =	simm.s32 $_size_execute0_lowered;
	s3 =	sadd.s32 s1, s3;
	[dreg:$0x0] =	wrdreg $0x0  }
0xa5: {  	s4 =	sshll.u32 s23, $0x1;
	[dreg:$0x2] =	wrdreg s3  }
0xa6: {  	[dreg:$0x3] =	wrdreg s4  }
0xa7: {  	[dreg:$0x4] =	wrdreg $0xC0  }
0xa8: {  	s24 =	simm.s32 $execute1_lowered;
	_ =	task [dreg:s18], $0x5FFFF  }
0xa9: {  	s3 =	sshll.u32 s24, $0x1;
	[dreg:$0x1] =	wrdreg $0xFFFFFFFF  }
0xaa: {  	s1 =	sadd.s32 s1, s3;
	[dreg:$0x0] =	wrdreg $0x60  }
0xab: {  	[dreg:$0x2] =	wrdreg s1  }
0xac: {  	[dreg:$0x3] =	wrdreg s20  }
0xad: {  	[dreg:$0x4] =	wrdreg $0x9  }
0xae: {  	_ =	task.clear_ibuf [dreg:s18], $0x5FFFF;
	_ =	strace $0x90000046  }
0xaf: {  	s25 =	simm.s32 $0x9;
	_ =	strace $0x80000048  }
0xb0: {  	_ =	swait.ge [sflag:s25], $0x1  }
0xb1: {  	[sflag:s25] =	ssyncadd.s32 $0xFFFFFFFF  }
0xb2: {  	_ =	strace $0x90000048  }
0xb3: {  	_ =	strace $0x80000049;
	[dreg:$0x1] =	wrdreg $0xFFFFFFFF  }
0xb4: {  	[dreg:$0x0] =	wrdreg $0x2030  }
0xb5: {  	[dreg:$0x2] =	wrdreg s20  }
0xb6: {  	[dreg:$0x3] =	wrdreg $0xA  }
0xb7: {  	_ =	task.clear_ibuf [dreg:s18], $0x4FFFF;
	_ =	strace $0x90000049  }
0xb8: {  	s26 =	simm.s32 $0xA;
	_ =	strace $0x8000004B  }
0xb9: {  	_ =	swait.ge [sflag:s26], $0x1  }
0xba: {  	[sflag:s26] =	ssyncadd.s32 $0xFFFFFFFF  }
0xbb: {  	_ =	strace $0x9000004B  }
0xbc: {  	_ =	sfence  }
0xbd: {  	s28 =	sld [smem:$0x0];
	_ =	sdelay $0x1  }
0xbe: {  	s29 =	srdreg.scid  }
0xbf: {  	s30 =	sshll.u32 s29, $0xD;
	s31 =	sshrl.u32 s29, $0x2  }
0xc0: {  	s2 =	sand.u32 $0x1, s29;
	s3 =	sand.u32 $0x4000, s30;
	s1 =	sadd.s32 s31, s28  }
0xc1: {  	s2 =	sor.u32 s3, s2;
	s1 =	sshll.u32 s1, $0x11  }
0xc2: {  	s1 =	sor.u32 s1, s2  }
0xc3: {  	s1 =	sadd.s32 $0x8F2B, s1  }
0xc4: {  	[sflag:s1] =	ssyncadd.remote.s32 $0x1  }
0xc5: {  	_ =	sfence.sel $0xFFFF  }
0xc6: {  	[dreg:$0x0] =	wrdreg $0xFFFFFFFF;
	(pc) =	sbr.abs _section_cstart, $3  }
0xc7: {  	[dreg:$0x1] =	wrdreg $0xFFFFFFFF  }
0xc8: {  	_ =	task.clear_ibuf [dreg:s18], $0x2FFFF;
	_ =	strace $0x9FFFFFFF  }
0xc9: {  	(tm) =	ssettm $0x7FFFFFFF  }
tec
execute0_lowered:
.L_overlay_start_1:
0x0: {  	(tag) =	ssettag $0x1  }
0x1: {  	s2 =	rddreg [dreg:$0x0]  }
0x2: {  	s4 =	rddreg [dreg:$0x1]  }
0x3: {  	s0 =	rddreg [dreg:$0x2];
	s3 =	stileid.u32  }
0x4: {  	[bflag:$0x3] =	sbarrier.arrive $0xFFFF;
	s1 =	simm.s32 $_size_execute1_lowered;
	p0 =	sne.s32 s3, $0x0  }
0x5: {  	s1 =	sshll.u32 s1, $0x1;
	s5 =	simm.s32 @!p0 $0x1C3F;
	s6 =	simm.s32 @!p0 $0x4060  }
0x6: {  	[timem:s6], [sflag:s5] =	dma.local @!p0 [hbm:s2], s1  }
0x7: {  	s2 =	smul.u32 $0x280, s3  }
.Ltmp0:
0x8: {  	s31 =	simm.s32 $0x2;
	s7 =	simm.s32 $0x280;
	(pc) =	sbr.rel .LBB2_1-.Ltmp0, $4  }
0x9: {  	s8 =	simm.s32 $0x780;
	s10 =	simm.s32 $0x0;
	s9 =	simm.s32 $0x0  }
0xa: {  	s3 =	simm.s32 $0x1;
	_ =	strace $0x80000047;
	s30 =	sshrl.u32 s2, $0x3  }
0xb: {  	s6 =	simm.s32 $0x0;
	[sflag:s3] =	ssyncpa.u1 $0x0;
	s5 =	sadd.s32 s30, s4  }
0xc: {  	s4 =	sadd.s32 $0x27200, s4;
	[sflag:s31] =	ssyncpa.u1 $0x0;
	s5 =	sadd.s32 $0x20A00, s5  }
.LBB2_8:
0xd: {  	p1 =	seq.s32 s9, $0x2  }
.Ltmp1:
0xe: {  	_ = 	snop;
	(pc) =	sbr.rel @p1 .LBB2_10-.Ltmp1, $1  }
0xf: {  	_ =	sdelay $0x3  }
.LBB2_9:
0x10: {  	s9 =	sadd.s32 $0x1, s9;
	s10 =	smov.u32 s2  }
.LBB2_1:
0x11: {  	p1 =	sne.s32 s9, $0x0  }
.Ltmp2:
0x12: {  	_ = 	snop;
	(pc) =	sbr.rel @!p1 .LBB2_2-.Ltmp2, $1  }
0x13: {  	_ =	sdelay $0x3  }
0x14: {  	s11 =	sand.u32 $0x1, s9  }
0x15: {  	p1 =	seq.s32 s11, $0x0  }
.Ltmp3:
0x16: {  	_ = 	snop;
	(pc) =	sbr.rel @p1 .LBB2_8-.Ltmp3, $1  }
0x17: {  	_ =	sdelay $0x3  }
0x18: {  	_ =	swait.ge [sflag:s3], $0x280  }
0x19: {  	[sflag:s3] =	ssyncset.done $0x0  }
0x1a: {  	s11 =	simm.s32 $0x0;
	p1 =	por $0x1, $0x1;
	[sflag:s3] =	ssyncadd.s32 $0xFFFFFD80  }
.LBB2_5:
0x1b: {  	v0 =	vld [tilespmem:s11+$0x280]  }
0x1c: {  	v1 =	vld [tilespmem:s11+$0x290]  }
0x1d: {  	v2 =	vld [tilespmem:s11+$0x2A0]  }
0x1e: {  	v3 =	vld [tilespmem:s11+$0x2B0]  }
0x1f: {  	v4 =	vld [tilespmem:s11+$0x2C0]  }
0x20: {  	v53 =	vld [tilespmem:s11+$0x2D0];
	[tilespmem:s11+$0x780] =	vst v0  }
0x21: {  	v54 =	vld [tilespmem:s11+$0x2E0];
	[tilespmem:s11+$0x790] =	vst v1  }
0x22: {  	v55 =	vld [tilespmem:s11+$0x2F0];
	[tilespmem:s11+$0x7A0] =	vst v2  }
0x23: {  	v56 =	vld [tilespmem:s11+$0x300];
	[tilespmem:s11+$0x7B0] =	vst v3  }
0x24: {  	v57 =	vld [tilespmem:s11+$0x310];
	[tilespmem:s11+$0x7C0] =	vst v4  }
0x25: {  	v58 =	vld [tilespmem:s11+$0x320];
	[tilespmem:s11+$0x7D0] =	vst v53  }
0x26: {  	v59 =	vld [tilespmem:s11+$0x330];
	[tilespmem:s11+$0x7E0] =	vst v54  }
0x27: {  	v60 =	vld [tilespmem:s11+$0x340];
	[tilespmem:s11+$0x7F0] =	vst v55  }
0x28: {  	v61 =	vld [tilespmem:s11+$0x350];
	[tilespmem:s11+$0x800] =	vst v56  }
0x29: {  	v62 =	vld [tilespmem:s11+$0x360];
	[tilespmem:s11+$0x810] =	vst v57  }
0x2a: {  	v63 =	vld [tilespmem:s11+$0x370];
	p2 =	por p1, p1;
	[tilespmem:s11+$0x820] =	vst v58  }
.Ltmp4:
0x2b: {  	[tilespmem:s11+$0x830] =	vst v59;
	(pc) =	sbr.rel @p2 .LBB2_5-.Ltmp4, $4  }
0x2c: {  	[tilespmem:s11+$0x840] =	vst v60  }
0x2d: {  	[tilespmem:s11+$0x850] =	vst v61  }
0x2e: {  	s12 =	simm.s32 $0x1F0;
	s13 =	simm.s32 $0x980;
	[tilespmem:s11+$0x860] =	vst v62  }
0x2f: {  	s14 =	simm.s32 $0x480;
	p1 =	por $0x0, $0x0;
	[tilespmem:s11+$0x870] =	vst v63;
	s11 =	simm.s32 $0x100  }
.LBB2_6:
0x30: {  	s12 =	sadd.s32 $0x10, s12  }
0x31: {  	v0 =	vld [tilespmem:s14+$0x0];
	p1 =	slt.u32 s12, $0x270  }
.Ltmp5:
0x32: {  	_ = 	snop;
	(pc) =	sbr.rel @p1 .LBB2_6-.Ltmp5, $2  }
0x33: {  	_ =	sdelay $0x2  }
0x34: {  	s14 =	sadd.s32 $0x10, s14;
	[tilespmem:s13+$0x0] =	vst v0;
	s13 =	sadd.s32 $0x10, s13  }
.Ltmp6:
0x35: {  	(pc) =	sbr.rel .LBB2_8-.Ltmp6, $4  }
0x36: {  	_ = 	snop  }
0x37: {  	s10 =	sshrl.u32 s10, $0x3  }
0x38: {  	s10 =	sadd.s32 s4, s10  }
0x39: {  	[hbm4b:s10+s6] =	stream.linear.scatter [tilespmem:s8], [sflag:$0x2], $0x280, $0x38;
	[tilespmem:$0xA00] =	vst v63  }
.LBB2_2:
.Ltmp7:
0x3a: {  	(pc) =	sbr.rel .LBB2_9-.Ltmp7, $2  }
0x3b: {  	_ =	sdelay $0x2  }
0x3c: {  	[tilespmem:s7], [sflag:$0x1] =	stream.linear.gather [hbm4b:s5+s6], $0x280, $0x38;
	[tilespmem:$0xA00] =	vst v63  }
.LBB2_10:
0x3d: {  	s2 =	simm.s32 $0x2  }
0x3e: {  	_ =	swait.ge [sflag:s2], $0x280  }
0x3f: {  	[sflag:s2] =	ssyncset.done $0x0  }
0x40: {  	[sflag:s2] =	ssyncadd.s32 $0xFFFFFD80  }
0x41: {  	_ =	sfence.sel $0x180000  }
0x42: {  	s3 =	simm.s32 $0x1;
	[bflag:$0x0] =	sbarrier.arrive $0xFFFF  }
0x43: {  	[sflag:s3] =	ssyncpa.u1 $0x1  }
0x44: {  	[sflag:s2] =	ssyncpa.u1 $0x1  }
0x45: {  	_ =	strace $0x90000047  }
0x46: {  	s0 =	sadd.s32 @!p0 $0x100000, s0;
	[bflag:$0x2] =	sbarrier.arrive $0xFFFF  }
0x47: {  	[sflag:s0] =	ssyncadd.tile.s32 @!p0 $0x1;
	s0 =	simm.s32 @!p0 $0x3F  }
0x48: {  	_ =	swait.ge @!p0 [sflag:s0], s1  }
0x49: {  	s1 =	ssub.s32 @!p0 $0x0, s1;
	[sflag:s0] =	ssyncset.done @!p0 $0x0  }
0x4a: {  	[sflag:s0] =	ssyncadd.s32 @!p0 s1  }
0x4b: {  	[bflag:$0x3] =	sbarrier.arrive $0xFFFF  }
0x4c: {  	_ =	shalt  }
.Lfunc_end2:
execute1_lowered:
.L_overlay_start_2:
0x4d: {  	(tag) =	ssettag $0x2  }
0x4e: {  	s2 =	rddreg [dreg:$0x0]  }
0x4f: {  	s0 =	rddreg [dreg:$0x1]  }
0x50: {  	_ =	strace $0x8000004A;
	s4 =	stileid.u32;
	s5 =	simm.s32 $0x3E  }
0x51: {  	s1 =	sadd.s32 $0x27200, s2;
	p0 =	sne.s32 s4, $0x0;
	[sflag:s5] =	ssyncpa.u1 $0x0  }
0x52: {  	s30 =	smin.u32 s4, $0x9;
	s3 =	simm.s32 @!p0 $0x1C3E;
	s6 =	simm.s32 @!p0 $0x0  }
0x53: {  	[spmem:s6], [sflag:s3] =	dma.local @!p0 [hbm:s1], $0x500  }
0x54: {  	s3 =	sadd.s32 s4, s30  }
0x55: {  	p1 =	slt.u32 s4, $0x9;
	s4 =	simm.s32 $0x3E80;
	s3 =	smul.u32 $0x1F40, s3  }
0x56: {  	s4 =	simm.s32 @!p1 $0x1F40  }
0x57: {  	s4 =	sadd.s32 s4, s3  }
0x58: {  	s4 =	smin.u32 s4, $0x30D40  }
0x59: {  	s7 =	ssub.s32 s4, s3  }
0x5a: {  	p1 =	sgt.s32 s7, $0x0  }
0x5b: {  	s7 =	simm.s32 @!p1 $0x0  }
0x5c: {  	s6 =	simm.s32 @!p0 $0x3E;
	s31 =	smulhi.u32 $0x10624DD3, s7  }
0x5d: {  	_ =	swait.ge @!p0 [sflag:s6], $0x500  }
0x5e: {  	[sflag:s6] =	ssyncset.done @!p0 $0x0;
	s8 =	sshrl.u32 s31, $0x9  }
0x5f: {  	s11 =	simm.s32 $0x0;
	[sflag:s6] =	ssyncadd.s32 @!p0 $0xFFFFFB00;
	s9 =	smul.u32 $0x1F40, s8  }
.Ltmp8:
0x60: {  	s6 =	simm.s32 $0x2;
	[bflag:$0x0] =	sbarrier.arrive $0xFFFF;
	(pc) =	sbr.rel .LBB3_1-.Ltmp8, $4  }
0x61: {  	s10 =	smov.u32 s3;
	[sflag:s5] =	ssyncpa.u1 $0x1;
	s5 =	simm.s32 $0x1  }
0x62: {  	[sflag:s5] =	ssyncpa.u1 $0x0;
	p1 =	sne.s32 s7, s9;
	s9 =	simm.s32 $0x1  }
0x63: {  	(ifvalue) =	ssetifvalue $0x2800;
	[sflag:s6] =	ssyncpa.u1 $0x0;
	s9 =	simm.s32 @!p1 $0x0  }
0x64: {  	vm0 =	vmmov $0xffff;
	s7 =	sadd.s32 $0x21000, s2;
	s8 =	sadd.s32 s9, s8;
	s9 =	simm.s32 $0x0  }
.LBB3_5:
0x65: {  	p2 =	sne.s32 s11, s8  }
.Ltmp9:
0x66: {  	_ = 	snop;
	(pc) =	sbr.rel @!p2 .LBB3_6-.Ltmp9, $4  }
0x67: {  	_ = 	snop  }
0x68: {  	s12 =	sadd.s32 $0x1F40, s10  }
0x69: {  	s10 =	smov.u32 s3;
	s13 =	sadd.s32 $0x1, s11;
	p1 =	slt.s32 s12, s4  }
0x6a: {  	s11 =	smov.u32 s13;
	s10 =	smov.u32 @p1 s12  }
.LBB3_1:
0x6b: {  	p1 =	sge.u32 s11, s8  }
0x6c: {  	s12 =	sxor.u32 @!p1 $0xFFFFFFFF, s11  }
0x6d: {  	s12 =	sand.u32 @!p1 $0x1, s12  }
0x6e: {  	s12 =	smul.u32 @!p1 $0x1F40, s12  }
0x6f: {  	s13 =	sshrl.u32 @!p1 s10, $0x3  }
0x70: {  	s16 =	sand.u32 @!p1 $0x7, s10;
	s14 =	sadd.s32 @!p1 s2, s13;
	s15 =	sadd.s32 @!p1 $0x280, s12  }
0x71: {  	[tilespmem:s15], [sflag:$0x2] =	stream.linear.gather @!p1 [hbm4b:s14+s16], $0x1F40, $0x38;
	[tilespmem:$0x7F80] =	vst v63  }
0x72: {  	s13 =	sadd.s32 @!p1 s7, s13;
	s12 =	sadd.s32 @!p1 $0x4100, s12  }
0x73: {  	[tilespmem:s12], [sflag:$0x2] =	stream.linear.gather @!p1 [hbm4b:s13+s16], $0x1F40, $0x38;
	[tilespmem:$0x7F80] =	vst v63  }
0x74: {  	p1 =	seq.s32 s11, $0x0  }
.Ltmp10:
0x75: {  	_ = 	snop;
	(pc) =	sbr.rel @p1 .LBB3_5-.Ltmp10, $1  }
0x76: {  	_ =	sdelay $0x3  }
0x77: {  	s12 =	sand.u32 $0x1, s11  }
0x78: {  	_ =	swait.ge [sflag:s6], $0x3E80;
	p1 =	seq.s32 s12, $0x1;
	s12 =	simm.s32 $0x1F40  }
0x79: {  	[sflag:s6] =	ssyncset.done $0x0;
	s12 =	simm.s32 @!p1 $0x0  }
0x7a: {  	[sflag:s6] =	ssyncadd.s32 $0xFFFFC180;
	s14 =	sadd.s32 $0x280, s12  }
0x7b: {  	v0 =	vld.msk [tilespmem:s14+$0x0 ss:$0x1], $0xffff;
	_ =	sdelay $0x4  }
0x7c: {  	v0 =	vmin.u32 v0, $0x2800;
	_ =	sdelay $0x3  }
0x7d: {  	s13 =	simm.s32 $0x0;
	s12 =	sadd.s32 $0x4100, s12;
	s14 =	sadd.s32 $0x10, s14  }
0x7e: {  	[spmem:s9] =	stream.indirect_vreg.scatter.add.s32 [tilespmem:s12], [sflag:$0x1], $0x1, v0, vm0, $0x4038;
	[tilespmem:$0x7F80] =	vst v63  }
.LBB3_3:
0x7f: {  	v0 =	vld.msk [tilespmem:s14+$0x0 ss:$0x1], $0xffff;
	s13 =	sadd.s32 $0x10, s13  }
0x80: {  	p1 =	slt.u32 s13, $0x1F30;
	_ =	sdelay $0x4  }
0x81: {  	v0 =	vmin.u32 v0, $0x2800  }
.Ltmp11:
0x82: {  	(pc) =	sbr.rel @p1 .LBB3_3-.Ltmp11, $3  }
0x83: {  	_ =	sdelay $0x1  }
0x84: {  	s14 =	sadd.s32 $0x10, s14;
	s12 =	sadd.s32 $0x10, s12  }
0x85: {  	[spmem:s9] =	stream.indirect_vreg.scatter.add.s32 [tilespmem:s12], [sflag:$0x1], $0x1, v0, vm0, $0x4038;
	[tilespmem:$0x7F80] =	vst v63  }
.Ltmp12:
0x86: {  	(pc) =	sbr.rel .LBB3_5-.Ltmp12, $4  }
0x87: {  	_ = 	snop  }
0x88: {  	_ =	swait.ge [sflag:s5], $0x1F40  }
0x89: {  	[sflag:s5] =	ssyncset.done $0x0  }
0x8a: {  	[sflag:s5] =	ssyncadd.s32 $0xFFFFE0C0  }
.LBB3_6:
0x8b: {  	_ =	sfence.sel $0x180000  }
0x8c: {  	s2 =	simm.s32 $0x2;
	[bflag:$0x0] =	sbarrier.arrive $0xFFFF  }
0x8d: {  	s30 =	simm.s32 $0x1;
	[sflag:s2] =	ssyncpa.u1 $0x1  }
0x8e: {  	[sflag:s30] =	ssyncpa.u1 $0x1  }
0x8f: {  	_ =	sfence.stream.spmem  }
0x90: {  	s31 =	simm.s32 $0x3D;
	[bflag:$0x0] =	sbarrier.arrive $0xFFFF  }
0x91: {  	s2 =	simm.s32 @p0 $0x3D;
	[sflag:s31] =	ssyncpa.u1 $0x0  }
0x92: {  	[sflag:s2] =	ssyncpa.u1 @p0 $0x1  }
0x93: {  	[bflag:$0x0] =	sbarrier.arrive @p0 $0xFFFF  }
0x94: {  	_ =	strace @p0 $0x9000004A  }
0x95: {  	s3 =	simm.s32 @!p0 $0x1C3D;
	s2 =	simm.s32 @!p0 $0x0;
	[bflag:$0x2] =	sbarrier.arrive @p0 $0xFFFF  }
0x96: {  	[hbm:s1], [sflag:s3] =	dma.local @!p0 [spmem:s2], $0x500  }
0x97: {  	s1 =	simm.s32 @!p0 $0x3D  }
0x98: {  	_ =	swait.ge @!p0 [sflag:s1], $0x500  }
0x99: {  	[sflag:s1] =	ssyncset.done @!p0 $0x0  }
0x9a: {  	[sflag:s1] =	ssyncadd.s32 @!p0 $0xFFFFFB00  }
0x9b: {  	[sflag:s1] =	ssyncpa.u1 @!p0 $0x1  }
0x9c: {  	[bflag:$0x0] =	sbarrier.arrive @!p0 $0xFFFF  }
0x9d: {  	_ =	strace @!p0 $0x9000004A  }
0x9e: {  	s0 =	sadd.s32 @!p0 $0x100000, s0;
	[bflag:$0x2] =	sbarrier.arrive @!p0 $0xFFFF  }
0x9f: {  	[sflag:s0] =	ssyncadd.tile.s32 @!p0 $0x1;
	_ =	shalt  }
.Lfunc_end3:
_tile_overlayer_lowered:
.L_overlay_start_3:
0xa0: {  	(tag) =	ssettag $0x3  }
0xa1: {  	s0 =	rddreg [dreg:$0x0];
	s2 =	stileid.u32  }
0xa2: {  	s1 =	rddreg [dreg:$0x1];
	p0 =	sne.s32 s2, $0x0  }
0xa3: {  	s3 =	rddreg [dreg:$0x2];
	[bflag:$0x3] =	sbarrier.arrive $0xFFFF;
	s2 =	simm.s32 @!p0 $0x1C01  }
0xa4: {  	[timem:s3], [sflag:s2] =	dma.local @!p0 [hbm:s0], s1  }
0xa5: {  	s0 =	simm.s32 @!p0 $0x1  }
0xa6: {  	_ =	swait.ge @!p0 [sflag:s0], s1  }
0xa7: {  	s1 =	ssub.s32 @!p0 $0x0, s1;
	[sflag:s0] =	ssyncset.done @!p0 $0x0  }
0xa8: {  	[sflag:s0] =	ssyncadd.s32 @!p0 s1  }
0xa9: {  	[bflag:$0x3] =	sbarrier.arrive $0xFFFF  }
0xaa: {  	_ =	shalt  }

</sc_bundles>
